<compile_context>
chip_gen: v7x
topology: tpu7x:2x2x1
jax: 0.10.2.dev20260603
libtpu: 0.0.44.dev20260713+nightly
codegen_flags: <defaults>
</compile_context>

<pallas_src>
import jax
import jax.numpy as jnp
from jax import lax
from jax.experimental import pallas as pl
from jax.experimental.pallas import tpu as pltpu
from jax.experimental.pallas import tpu_sc as plsc

N = 10000
N_EDGES = 320000
HDIM = 32

NC = 2
NS = 16
LANES = 16

GROUPS = 4
GSZ = 4
ESUBS = NS // GROUPS
E_PER_TILE = N_EDGES // ESUBS
CHUNK = 4000
NCHUNKS = E_PER_TILE // CHUNK
TOTAL_CHUNKS = N_EDGES // CHUNK
CROW = 3 * CHUNK


def _zero(ref, size):
    zero16 = jnp.zeros((LANES,), jnp.float32)

    @plsc.parallel_loop(0, size // LANES, unroll=8)
    def _(i):
        ref[pl.ds(i * LANES, LANES)] = zero16


def _edge_pass(ed, cols, acc, ebuf, sems, cbase, stage):
    pltpu.async_copy(ed.at[pl.ds(cbase * CROW, CROW)],
                     ebuf.at[pl.ds(0, CROW)], sems[0])

    stage()
    _zero(acc, GSZ * N)

    def outer(p, _):
        for b in range(2):
            k = p * 2 + b
            boff = b * CROW
            pltpu.make_async_copy(ed.at[pl.ds((cbase + k) * CROW, CROW)],
                                  ebuf.at[pl.ds(boff, CROW)], sems[b]).wait()

            @pl.when(k + 1 < NCHUNKS)
            def _():
                nb = 1 - b
                pltpu.async_copy(
                    ed.at[pl.ds((cbase + k + 1) * CROW, CROW)],
                    ebuf.at[pl.ds(nb * CROW, CROW)], sems[nb])

            @plsc.parallel_loop(0, CHUNK // LANES, unroll=8)
            def _(i):
                off = boff + i * LANES
                s16 = ebuf[pl.ds(off, LANES)]
                d16 = ebuf[pl.ds(off + CHUNK, LANES)]
                w16 = plsc.bitcast(ebuf[pl.ds(off + 2 * CHUNK, LANES)],
                                   jnp.float32)
                for j in range(GSZ):
                    v = plsc.load_gather(cols, [s16 + (j * N)])
                    plsc.addupdate_scatter(acc, [d16 + (j * N)], v * w16)
        return 0

    lax.fori_loop(0, NCHUNKS // 2, outer, 0)


def _net_body(yin, ed, out3, part, cols, acc, ebuf, arow_sh, sem0, sem1):
    c = lax.axis_index("c")
    s = lax.axis_index("s")
    group = s // ESUBS
    esub = s % ESUBS
    sems = (sem0, sem1)
    cbase = esub * NCHUNKS
    f_glob = c * NS + s
    fb_glob = c * NS + group * GSZ
    fb_loc = group * GSZ
    pbase = esub * (HDIM * N) + fb_glob * N

    def pass_from_hbm(table_base):
        def stage():
            pltpu.sync_copy(yin.at[pl.ds(table_base + fb_loc * N, GSZ * N)],
                            cols)
        _edge_pass(ed, cols, acc, ebuf, sems, cbase, stage)
        pltpu.sync_copy(acc, part.at[pl.ds(pbase, GSZ * N)])
        plsc.subcore_barrier()

    def pass_from_spmem():
        def stage():
            pltpu.sync_copy(arow_sh.at[pl.ds(fb_loc * N, GSZ * N)], cols)
        _edge_pass(ed, cols, acc, ebuf, sems, cbase, stage)
        pltpu.sync_copy(acc, part.at[pl.ds(pbase, GSZ * N)])
        plsc.subcore_barrier()

    def reduce_to(dst_off):
        for e in range(ESUBS):
            pltpu.sync_copy(part.at[pl.ds(e * (HDIM * N) + f_glob * N, N)],
                            cols.at[pl.ds(e * N, N)])

        def _red(i, _):
            o = i * LANES
            acc[pl.ds(dst_off + o, LANES)] = (
                (cols[pl.ds(o, LANES)] + cols[pl.ds(N + o, LANES)])
                + (cols[pl.ds(2 * N + o, LANES)]
                   + cols[pl.ds(3 * N + o, LANES)]))
            return 0
        lax.fori_loop(0, N // LANES, _red, 0)

    pass_from_hbm((HDIM + c * NS) * N)

    reduce_to(0)
    pltpu.sync_copy(yin.at[pl.ds(f_glob * N, N)], acc.at[pl.ds(N, N)])

    def _acomb(i, _):
        o = i * LANES
        acc[pl.ds(2 * N + o, LANES)] = (
            acc[pl.ds(N + o, LANES)] + 2.0 * acc[pl.ds(o, LANES)])
        return 0
    lax.fori_loop(0, N // LANES, _acomb, 0)
    pltpu.sync_copy(acc.at[pl.ds(2 * N, N)], arow_sh.at[pl.ds(s * N, N)])
    plsc.subcore_barrier()

    pass_from_spmem()
    reduce_to(0)
    pltpu.sync_copy(yin.at[pl.ds((2 * HDIM + f_glob) * N, N)],
                    acc.at[pl.ds(N, N)])
    zero16 = jnp.zeros((LANES,), jnp.float32)

    def _hcomb(i, _):
        o = i * LANES
        acc[pl.ds(2 * N + o, LANES)] = jnp.maximum(
            acc[pl.ds(o, LANES)] + acc[pl.ds(N + o, LANES)], zero16)
        return 0
    lax.fori_loop(0, N // LANES, _hcomb, 0)
    pltpu.sync_copy(acc.at[pl.ds(2 * N, N)], out3.at[pl.ds(f_glob * N, N)])
    pltpu.sync_copy(acc.at[pl.ds(2 * N, N)], arow_sh.at[pl.ds(s * N, N)])
    plsc.subcore_barrier()

    pass_from_spmem()
    reduce_to(0)
    pltpu.sync_copy(acc.at[pl.ds(0, N)],
                    out3.at[pl.ds((HDIM + f_glob) * N, N)])
    pltpu.sync_copy(acc.at[pl.ds(0, N)], arow_sh.at[pl.ds(s * N, N)])
    plsc.subcore_barrier()

    pass_from_spmem()
    reduce_to(0)
    pltpu.sync_copy(acc.at[pl.ds(0, N)],
                    out3.at[pl.ds((2 * HDIM + f_glob) * N, N)])


@jax.jit
def _net_core(y1, y2, c1, ed):
    mesh = plsc.VectorSubcoreMesh(core_axis_name="c", subcore_axis_name="s")
    f = pl.kernel(
        _net_body,
        out_type=(
            jax.ShapeDtypeStruct((3 * HDIM * N,), jnp.float32),
            jax.ShapeDtypeStruct((ESUBS * HDIM * N,), jnp.float32),
        ),
        mesh=mesh,
        scratch_types=[
            pltpu.VMEM((GSZ * N,), jnp.float32),
            pltpu.VMEM((GSZ * N,), jnp.float32),
            pltpu.VMEM((2 * CROW,), jnp.int32),
            pltpu.VMEM_SHARED((NS * N,), jnp.float32),
            pltpu.SemaphoreType.DMA,
            pltpu.SemaphoreType.DMA,
        ],
        compiler_params=pltpu.CompilerParams(needs_layout_passes=False),
    )
    yin = jnp.concatenate([y1, y2, c1]).reshape(-1)
    out3, _ = f(yin, ed)
    return out3.reshape(3 * HDIM, N)


def _pack_edges(src, dst, w):
    wb = lax.bitcast_convert_type(w, jnp.int32)
    ed = jnp.stack([src.reshape(TOTAL_CHUNKS, CHUNK),
                    dst.reshape(TOTAL_CHUNKS, CHUNK),
                    wb.reshape(TOTAL_CHUNKS, CHUNK)], axis=1)
    return ed.reshape(-1)


def kernel(x, edge_index, edge_weight, W1, b1, W2, b2, Wf1, bf1, Wf2, bf2):
    ed = _pack_edges(edge_index[0], edge_index[1], edge_weight)

    W1r = jnp.transpose(W1, (0, 2, 1)).reshape(3 * HDIM, -1)
    Yall = lax.dot_general(W1r, x, (((1,), (1,)), ((), ())))
    C1 = Yall[:HDIM] - Yall[2 * HDIM:] + b1[:, None]

    hpp = _net_core(Yall[HDIM:2 * HDIM], Yall[2 * HDIM:], C1, ed)

    W2r = jnp.transpose(W2, (0, 2, 1)).reshape(3 * HDIM, HDIM)
    Wcat = jnp.concatenate(
        [W2r[:HDIM] - W2r[2 * HDIM:], W2r[HDIM:2 * HDIM],
         2.0 * W2r[2 * HDIM:]], axis=1)
    h2t = jax.nn.relu(
        lax.dot_general(Wcat, hpp, (((1,), (0,)), ((), ()))) + b2[:, None])

    pooled = jnp.sum(h2t, axis=1)[None, :]
    z = jax.nn.relu(pooled @ Wf1 + bf1)
    return z @ Wf2 + bf2

# --- scband reference (transcript-rebuilt; emitter-appended) ---
"""Pipeline reference for scband-net-30434138259673 (READ-ONLY COPY).

The authoritative reference and input builder live on the scoring server;
editing this copy changes nothing except your own understanding.
"""

import jax, jax.numpy as jnp
import numpy as np

N = 10000
E = 320000
F_IN = 128
H = 32
K = 3

def setup_inputs(seed: int = 0):
    key = jax.random.key(seed)
    ks = jax.random.split(key, 12)
    x = jax.random.normal(ks[0], (N, F_IN), dtype=jnp.float32)
    edge_index = jax.random.randint(ks[1], (2, E), 0, N, dtype=jnp.int32)
    edge_weight = jax.random.uniform(ks[2], (E,), dtype=jnp.float32)
    W1 = jax.random.normal(ks[3], (K, F_IN, H), dtype=jnp.float32) * 0.05
    b1 = jnp.zeros((H,), dtype=jnp.float32)
    W2 = jax.random.normal(ks[4], (K, H, H), dtype=jnp.float32) * 0.05
    b2 = jnp.zeros((H,), dtype=jnp.float32)
    Wf1 = jax.random.normal(ks[5], (H, 512), dtype=jnp.float32) * 0.05
    bf1 = jnp.zeros((512,), dtype=jnp.float32)
    Wf2 = jax.random.normal(ks[6], (512, 1), dtype=jnp.float32) * 0.05
    bf2 = jnp.zeros((1,), dtype=jnp.float32)
    return {"x": x, "edge_index": edge_index, "edge_weight": edge_weight,
            "W1": W1, "b1": b1, "W2": W2, "b2": b2,
            "Wf1": Wf1, "bf1": bf1, "Wf2": Wf2, "bf2": bf2}

def _cheb_conv(h, edge_index, edge_weight, W, b):
    src = edge_index[0]
    dst = edge_index[1]
    def spmm(t):
        msgs = jnp.take(t, src, axis=0) * edge_weight[:, None]
        return jax.ops.segment_sum(msgs, dst, num_segments=N)
    Kdeg = W.shape[0]
    T0 = h
    out = T0 @ W[0]
    if Kdeg > 1:
        T1 = spmm(h)
        out = out + T1 @ W[1]
        Tkm2, Tkm1 = T0, T1
        for k in range(2, Kdeg):
            Tk = 2.0 * spmm(Tkm1) - Tkm2
            out = out + Tk @ W[k]
            Tkm2, Tkm1 = Tkm1, Tk
    out = out + b
    return jax.nn.relu(out)

def reference(x, edge_index, edge_weight, W1, b1, W2, b2, Wf1, bf1, Wf2, bf2):
    h = _cheb_conv(x, edge_index, edge_weight, W1, b1)
    h = _cheb_conv(h, edge_index, edge_weight, W2, b2)
    pooled = jnp.sum(h, axis=0, keepdims=True)
    z = jax.nn.relu(pooled @ Wf1 + bf1)
    out = z @ Wf2 + bf2
    return out

if __name__ == "__main__":
    import jax
    _d = setup_inputs()
    print(jax.jit(kernel)(*tuple(_d.values())))

</pallas_src>

<mosaic_0001>
#map = affine_map<(d0, d1) -> (0)>
module attributes {stable_mosaic.version = 14 : i64} {
  func.func @_net_body(%arg0: i32, %arg1: i32, %arg2: memref<960000xf32, #tpu.memory_space<hbm>>, %arg3: memref<960000xi32, #tpu.memory_space<hbm>>, %arg4: memref<960000xf32, #tpu.memory_space<hbm>>, %arg5: memref<1280000xf32, #tpu.memory_space<hbm>>, %arg6: memref<40000xf32, #tpu.memory_space<vmem>>, %arg7: memref<40000xf32, #tpu.memory_space<vmem>>, %arg8: memref<24000xi32, #tpu.memory_space<vmem>>, %arg9: memref<160000xf32, #tpu.memory_space<vmem_shared>>, %arg10: memref<!tpu.dma_semaphore, #tpu.memory_space<semaphore_mem>>, %arg11: memref<!tpu.dma_semaphore, #tpu.memory_space<semaphore_mem>>) attributes {dimension_semantics = [#tpu.dimension_semantics<core_parallel>, #tpu.dimension_semantics<subcore_parallel>], iteration_bounds = array<i64: 2, 16>, scalar_prefetch = 0 : i64, scratch_operands = 6 : i64, tpu.core_type = #tpu.core_type<sc_vector_subcore>, window_params = [{transform_indices = #map}, {transform_indices = #map}, {transform_indices = #map}, {transform_indices = #map}]} {
    %jit3A = arith.constant 4 : i32
    %div3A = arith.divsi %arg1, %jit3A : i32
    %sign3A = arith.constant 0 : i32
    %sign3A_0 = arith.cmpi sgt, %arg1, %sign3A : i32
    %sign3A_1 = arith.extui %sign3A_0 : i1 to i32
    %sign3A_2 = arith.constant 0 : i32
    %sign3A_3 = arith.cmpi slt, %arg1, %sign3A_2 : i32
    %sign3A_4 = arith.extui %sign3A_3 : i1 to i32
    %sign3A_5 = arith.subi %sign3A_1, %sign3A_4 : i32
    %sign3A_6 = arith.constant 0 : i32
    %sign3A_7 = arith.cmpi sgt, %jit3A, %sign3A_6 : i32
    %sign3A_8 = arith.extui %sign3A_7 : i1 to i32
    %sign3A_9 = arith.constant 0 : i32
    %sign3A_10 = arith.cmpi slt, %jit3A, %sign3A_9 : i32
    %sign3A_11 = arith.extui %sign3A_10 : i1 to i32
    %sign3A_12 = arith.subi %sign3A_8, %sign3A_11 : i32
    %ne3A = arith.cmpi ne, %sign3A_5, %sign3A_12 : i32
    %rem3A = arith.remsi %arg1, %jit3A : i32
    %ne3A_13 = arith.constant 0 : i32
    %ne3A_14 = arith.cmpi ne, %rem3A, %ne3A_13 : i32
    %and3A = arith.andi %ne3A, %ne3A_14 : i1
    %sub3A = arith.constant 1 : i32
    %sub3A_15 = arith.subi %div3A, %sub3A : i32
    %select_n3A = arith.select %and3A, %sub3A_15, %div3A : i32
    %jit3A_16 = arith.constant 4 : i32
    %eq3A = arith.constant 0 : i32
    %eq3A_17 = arith.cmpi eq, %jit3A_16, %eq3A : i32
    %jit3A_18 = arith.constant 1 : i32
    %select_n3A_19 = arith.select %eq3A_17, %jit3A_18, %jit3A_16 : i32
    %rem3A_20 = arith.remsi %arg1, %select_n3A_19 : i32
    %ne3A_21 = arith.constant 0 : i32
    %ne3A_22 = arith.cmpi ne, %rem3A_20, %ne3A_21 : i32
    %lt3A = arith.constant 0 : i32
    %lt3A_23 = arith.cmpi slt, %rem3A_20, %lt3A : i32
    %lt3A_24 = arith.constant 0 : i32
    %lt3A_25 = arith.cmpi slt, %select_n3A_19, %lt3A_24 : i32
    %ne3A_26 = arith.xori %lt3A_23, %lt3A_25 : i1
    %and3A_27 = arith.andi %ne3A_26, %ne3A_22 : i1
    %add3A = arith.addi %rem3A_20, %select_n3A_19 : i32
    %select_n3A_28 = arith.select %and3A_27, %add3A, %rem3A_20 : i32
    %mul3A = arith.constant 20 : i32
    %mul3A_29 = arith.muli %select_n3A_28, %mul3A : i32
    %mul3A_30 = arith.constant 16 : i32
    %mul3A_31 = arith.muli %arg0, %mul3A_30 : i32
    %add3A_32 = arith.addi %mul3A_31, %arg1 : i32
    %mul3A_33 = arith.constant 16 : i32
    %mul3A_34 = arith.muli %arg0, %mul3A_33 : i32
    %mul3A_35 = arith.constant 4 : i32
    %mul3A_36 = arith.muli %select_n3A, %mul3A_35 : i32
    %add3A_37 = arith.addi %mul3A_34, %mul3A_36 : i32
    %mul3A_38 = arith.constant 4 : i32
    %mul3A_39 = arith.muli %select_n3A, %mul3A_38 : i32
    %mul3A_40 = arith.constant 320000 : i32
    %mul3A_41 = arith.muli %select_n3A_28, %mul3A_40 : i32
    %mul3A_42 = arith.constant 10000 : i32
    %mul3A_43 = arith.muli %add3A_37, %mul3A_42 : i32
    %add3A_44 = arith.addi %mul3A_41, %mul3A_43 : i32
    %mul3A_45 = arith.constant 16 : i32
    %mul3A_46 = arith.muli %arg0, %mul3A_45 : i32
    %add3A_47 = arith.constant 32 : i32
    %add3A_48 = arith.addi %add3A_47, %mul3A_46 : i32
    %mul3A_49 = arith.constant 10000 : i32
    %mul3A_50 = arith.muli %add3A_48, %mul3A_49 : i32
    %mul3A_51 = arith.constant 12000 : i32
    %mul3A_52 = arith.muli %mul3A_29, %mul3A_51 : i32
    %dma_start3A = arith.constant 0 : i32
    %dma_start3A_53 = tpu.memref_slice %arg8[%dma_start3A] : memref<24000xi32, #tpu.memory_space<vmem>> -> memref<12000xi32, #tpu.memory_space<vmem>>
    %dma_start3A_54 = tpu.memref_slice %arg3[%mul3A_52] : memref<960000xi32, #tpu.memory_space<hbm>> -> memref<12000xi32, #tpu.memory_space<hbm>>
    %dma_start3A_55 = arith.constant 0 : i32
    %dma_start3A_56 = tpu.memref_slice %arg8[%dma_start3A_55] : memref<24000xi32, #tpu.memory_space<vmem>> -> memref<12000xi32, #tpu.memory_space<vmem>>
    %dma_start3A_57 = tpu.memref_slice %arg3[%mul3A_52] : memref<960000xi32, #tpu.memory_space<hbm>> -> memref<12000xi32, #tpu.memory_space<hbm>>
    tpu.enqueue_dma source(%dma_start3A_57 : memref<12000xi32, #tpu.memory_space<hbm>>) target(%dma_start3A_56 : memref<12000xi32, #tpu.memory_space<vmem>>) target_semaphore(%arg10 : memref<!tpu.dma_semaphore, #tpu.memory_space<semaphore_mem>>)
    %mul3A_58 = arith.constant 10000 : i32
    %mul3A_59 = arith.muli %mul3A_39, %mul3A_58 : i32
    %add3A_60 = arith.addi %mul3A_50, %mul3A_59 : i32
    "tpu.region"() ({
      %run_scoped3A = tpu.sem_alloc : memref<!tpu.dma_semaphore, #tpu.memory_space<semaphore_mem>>
      %dma_start3A_272 = tpu.memref_slice %arg2[%add3A_60] : memref<960000xf32, #tpu.memory_space<hbm>> -> memref<40000xf32, #tpu.memory_space<hbm>>
      %dma_start3A_273 = tpu.memref_slice %arg2[%add3A_60] : memref<960000xf32, #tpu.memory_space<hbm>> -> memref<40000xf32, #tpu.memory_space<hbm>>
      tpu.enqueue_dma source(%dma_start3A_273 : memref<40000xf32, #tpu.memory_space<hbm>>) target(%arg6 : memref<40000xf32, #tpu.memory_space<vmem>>) target_semaphore(%run_scoped3A : memref<!tpu.dma_semaphore, #tpu.memory_space<semaphore_mem>>)
      %dma_wait3A = tpu.memref_slice %arg2[%add3A_60] : memref<960000xf32, #tpu.memory_space<hbm>> -> memref<40000xf32, #tpu.memory_space<hbm>>
      %dma_wait3A_274 = tpu.memref_slice %arg2[%add3A_60] : memref<960000xf32, #tpu.memory_space<hbm>> -> memref<40000xf32, #tpu.memory_space<hbm>>
      tpu.wait_dma2 semaphore(%run_scoped3A : memref<!tpu.dma_semaphore, #tpu.memory_space<semaphore_mem>>) src(%dma_wait3A_274 : memref<40000xf32, #tpu.memory_space<hbm>>) dst(%arg6 : memref<40000xf32, #tpu.memory_space<vmem>>)
      tpu.yield
    }) : () -> ()
    %broadcast_in_dim3A = arith.constant 0.000000e+00 : f32
    %broadcast_in_dim3A_61 = vector.broadcast %broadcast_in_dim3A : f32 to vector<16xf32>
    %parallel_loop3A = arith.constant 0 : i32
    %parallel_loop3A_62 = arith.constant 2500 : i32
    %parallel_loop3A_63 = arith.constant 1 : i32
    scf.for %parallel_loop3A_272 = %parallel_loop3A to %parallel_loop3A_62 step %parallel_loop3A_63  : i32 {
      %parallel_loop3A_273 = arith.constant 16 : i32
      %parallel_loop3A_274 = arith.muli %parallel_loop3A_272, %parallel_loop3A_273 : i32
      %parallel_loop3A_275 = arith.index_cast %parallel_loop3A_274 : i32 to index
      %parallel_loop3A_276 = tpu.vector_load %arg7[%parallel_loop3A_275] {strides = array<i32>} : memref<40000xf32, #tpu.memory_space<vmem>>, vector<16xf32>,
      tpu.vector_store %arg7[%parallel_loop3A_275], %broadcast_in_dim3A_61 {strides = array<i32>} : memref<40000xf32, #tpu.memory_space<vmem>>, vector<16xf32>,
    } {sc.loop_unroll_factor = 8 : i64, sc.parallel_access}
    %scan3A = arith.constant 0 : i32
    %scan3A_64 = arith.constant 0 : i32
    %scan3A_65 = arith.constant 10 : i32
    %scan3A_66 = arith.addi %scan3A_64, %scan3A_65 : i32
    %scan3A_67 = arith.constant 1 : i32
    %scan3A_68 = scf.for %scan3A_272 = %scan3A_64 to %scan3A_66 step %scan3A_67 iter_args(%scan3A_273 = %scan3A) -> (i32)  : i32 {
      %mul3A_274 = arith.constant 2 : i32
      %mul3A_275 = arith.muli %scan3A_272, %mul3A_274 : i32
      %add3A_276 = arith.constant 0 : i32
      %add3A_277 = arith.addi %mul3A_275, %add3A_276 : i32
      %add3A_278 = arith.addi %mul3A_29, %add3A_277 : i32
      %mul3A_279 = arith.constant 12000 : i32
      %mul3A_280 = arith.muli %add3A_278, %mul3A_279 : i32
      %dma_wait3A = arith.constant 0 : i32
      %dma_wait3A_281 = tpu.memref_slice %arg8[%dma_wait3A] : memref<24000xi32, #tpu.memory_space<vmem>> -> memref<12000xi32, #tpu.memory_space<vmem>>
      %dma_wait3A_282 = tpu.memref_slice %arg3[%mul3A_280] : memref<960000xi32, #tpu.memory_space<hbm>> -> memref<12000xi32, #tpu.memory_space<hbm>>
      %dma_wait3A_283 = arith.constant 0 : i32
      %dma_wait3A_284 = tpu.memref_slice %arg8[%dma_wait3A_283] : memref<24000xi32, #tpu.memory_space<vmem>> -> memref<12000xi32, #tpu.memory_space<vmem>>
      %dma_wait3A_285 = tpu.memref_slice %arg3[%mul3A_280] : memref<960000xi32, #tpu.memory_space<hbm>> -> memref<12000xi32, #tpu.memory_space<hbm>>
      tpu.wait_dma2 semaphore(%arg10 : memref<!tpu.dma_semaphore, #tpu.memory_space<semaphore_mem>>) src(%dma_wait3A_285 : memref<12000xi32, #tpu.memory_space<hbm>>) dst(%dma_wait3A_284 : memref<12000xi32, #tpu.memory_space<vmem>>)
      %add3A_286 = arith.constant 1 : i32
      %add3A_287 = arith.addi %add3A_277, %add3A_286 : i32
      %lt3A_288 = arith.constant 20 : i32
      %lt3A_289 = arith.cmpi slt, %add3A_287, %lt3A_288 : i32
      %convert_element_type3A = arith.extui %lt3A_289 : i1 to i32
      %cond3A = arith.constant 0 : i32
      %cond3A_290 = arith.cmpi ne, %convert_element_type3A, %cond3A : i32
      scf.if %cond3A_290 {
        %add3A_318 = arith.addi %mul3A_29, %add3A_277 : i32
        %add3A_319 = arith.constant 1 : i32
        %add3A_320 = arith.addi %add3A_318, %add3A_319 : i32
        %mul3A_321 = arith.constant 12000 : i32
        %mul3A_322 = arith.muli %add3A_320, %mul3A_321 : i32
        %dma_start3A_323 = arith.constant 12000 : i32
        %dma_start3A_324 = tpu.memref_slice %arg8[%dma_start3A_323] : memref<24000xi32, #tpu.memory_space<vmem>> -> memref<12000xi32, #tpu.memory_space<vmem>>
        %dma_start3A_325 = tpu.memref_slice %arg3[%mul3A_322] : memref<960000xi32, #tpu.memory_space<hbm>> -> memref<12000xi32, #tpu.memory_space<hbm>>
        %dma_start3A_326 = arith.constant 12000 : i32
        %dma_start3A_327 = tpu.memref_slice %arg8[%dma_start3A_326] : memref<24000xi32, #tpu.memory_space<vmem>> -> memref<12000xi32, #tpu.memory_space<vmem>>
        %dma_start3A_328 = tpu.memref_slice %arg3[%mul3A_322] : memref<960000xi32, #tpu.memory_space<hbm>> -> memref<12000xi32, #tpu.memory_space<hbm>>
        tpu.enqueue_dma source(%dma_start3A_328 : memref<12000xi32, #tpu.memory_space<hbm>>) target(%dma_start3A_327 : memref<12000xi32, #tpu.memory_space<vmem>>) target_semaphore(%arg11 : memref<!tpu.dma_semaphore, #tpu.memory_space<semaphore_mem>>)
      } else {
      }
      %parallel_loop3A_291 = arith.constant 0 : i32
      %parallel_loop3A_292 = arith.constant 250 : i32
      %parallel_loop3A_293 = arith.constant 1 : i32
      scf.for %parallel_loop3A_318 = %parallel_loop3A_291 to %parallel_loop3A_292 step %parallel_loop3A_293  : i32 {
        %parallel_loop3A_319 = arith.constant 16 : i32
        %parallel_loop3A_320 = arith.muli %parallel_loop3A_318, %parallel_loop3A_319 : i32
        %parallel_loop3A_321 = arith.constant 0 : i32
        %parallel_loop3A_322 = arith.addi %parallel_loop3A_321, %parallel_loop3A_320 : i32
        %parallel_loop3A_323 = arith.index_cast %parallel_loop3A_322 : i32 to index
        %parallel_loop3A_324 = tpu.vector_load %arg8[%parallel_loop3A_323] {strides = array<i32>} : memref<24000xi32, #tpu.memory_space<vmem>>, vector<16xi32>,
        %parallel_loop3A_325 = arith.constant 4000 : i32
        %parallel_loop3A_326 = arith.addi %parallel_loop3A_322, %parallel_loop3A_325 : i32
        %parallel_loop3A_327 = arith.index_cast %parallel_loop3A_326 : i32 to index
        %parallel_loop3A_328 = tpu.vector_load %arg8[%parallel_loop3A_327] {strides = array<i32>} : memref<24000xi32, #tpu.memory_space<vmem>>, vector<16xi32>,
        %parallel_loop3A_329 = arith.constant 8000 : i32
        %parallel_loop3A_330 = arith.addi %parallel_loop3A_322, %parallel_loop3A_329 : i32
        %parallel_loop3A_331 = arith.index_cast %parallel_loop3A_330 : i32 to index
        %parallel_loop3A_332 = tpu.vector_load %arg8[%parallel_loop3A_331] {strides = array<i32>} : memref<24000xi32, #tpu.memory_space<vmem>>, vector<16xi32>,
        %parallel_loop3A_333 = vector.bitcast %parallel_loop3A_332 : vector<16xi32> to vector<16xf32>
        %parallel_loop3A_334 = arith.constant 0 : i32
        %parallel_loop3A_335 = vector.broadcast %parallel_loop3A_334 : i32 to vector<16xi32>
        %parallel_loop3A_336 = arith.addi %parallel_loop3A_324, %parallel_loop3A_335 : vector<16xi32>
        %parallel_loop3A_337 = tpu.vector_load_idx %arg6[%parallel_loop3A_336] : memref<40000xf32, #tpu.memory_space<vmem>>[vector<16xi32>], vector<16xf32>,
        %parallel_loop3A_338 = arith.constant 0 : i32
        %parallel_loop3A_339 = vector.broadcast %parallel_loop3A_338 : i32 to vector<16xi32>
        %parallel_loop3A_340 = arith.addi %parallel_loop3A_328, %parallel_loop3A_339 : vector<16xi32>
        %parallel_loop3A_341 = arith.mulf %parallel_loop3A_337, %parallel_loop3A_333 : vector<16xf32>
        tpu.vector_store_idx %arg7[%parallel_loop3A_340], %parallel_loop3A_341 {add = true} : memref<40000xf32, #tpu.memory_space<vmem>>[vector<16xi32>], vector<16xf32>,
        %parallel_loop3A_342 = arith.constant 10000 : i32
        %parallel_loop3A_343 = vector.broadcast %parallel_loop3A_342 : i32 to vector<16xi32>
        %parallel_loop3A_344 = arith.addi %parallel_loop3A_324, %parallel_loop3A_343 : vector<16xi32>
        %parallel_loop3A_345 = tpu.vector_load_idx %arg6[%parallel_loop3A_344] : memref<40000xf32, #tpu.memory_space<vmem>>[vector<16xi32>], vector<16xf32>,
        %parallel_loop3A_346 = arith.constant 10000 : i32
        %parallel_loop3A_347 = vector.broadcast %parallel_loop3A_346 : i32 to vector<16xi32>
        %parallel_loop3A_348 = arith.addi %parallel_loop3A_328, %parallel_loop3A_347 : vector<16xi32>
        %parallel_loop3A_349 = arith.mulf %parallel_loop3A_345, %parallel_loop3A_333 : vector<16xf32>
        tpu.vector_store_idx %arg7[%parallel_loop3A_348], %parallel_loop3A_349 {add = true} : memref<40000xf32, #tpu.memory_space<vmem>>[vector<16xi32>], vector<16xf32>,
        %parallel_loop3A_350 = arith.constant 20000 : i32
        %parallel_loop3A_351 = vector.broadcast %parallel_loop3A_350 : i32 to vector<16xi32>
        %parallel_loop3A_352 = arith.addi %parallel_loop3A_324, %parallel_loop3A_351 : vector<16xi32>
        %parallel_loop3A_353 = tpu.vector_load_idx %arg6[%parallel_loop3A_352] : memref<40000xf32, #tpu.memory_space<vmem>>[vector<16xi32>], vector<16xf32>,
        %parallel_loop3A_354 = arith.constant 20000 : i32
        %parallel_loop3A_355 = vector.broadcast %parallel_loop3A_354 : i32 to vector<16xi32>
        %parallel_loop3A_356 = arith.addi %parallel_loop3A_328, %parallel_loop3A_355 : vector<16xi32>
        %parallel_loop3A_357 = arith.mulf %parallel_loop3A_353, %parallel_loop3A_333 : vector<16xf32>
        tpu.vector_store_idx %arg7[%parallel_loop3A_356], %parallel_loop3A_357 {add = true} : memref<40000xf32, #tpu.memory_space<vmem>>[vector<16xi32>], vector<16xf32>,
        %parallel_loop3A_358 = arith.constant 30000 : i32
        %parallel_loop3A_359 = vector.broadcast %parallel_loop3A_358 : i32 to vector<16xi32>
        %parallel_loop3A_360 = arith.addi %parallel_loop3A_324, %parallel_loop3A_359 : vector<16xi32>
        %parallel_loop3A_361 = tpu.vector_load_idx %arg6[%parallel_loop3A_360] : memref<40000xf32, #tpu.memory_space<vmem>>[vector<16xi32>], vector<16xf32>,
        %parallel_loop3A_362 = arith.constant 30000 : i32
        %parallel_loop3A_363 = vector.broadcast %parallel_loop3A_362 : i32 to vector<16xi32>
        %parallel_loop3A_364 = arith.addi %parallel_loop3A_328, %parallel_loop3A_363 : vector<16xi32>
        %parallel_loop3A_365 = arith.mulf %parallel_loop3A_361, %parallel_loop3A_333 : vector<16xf32>
        tpu.vector_store_idx %arg7[%parallel_loop3A_364], %parallel_loop3A_365 {add = true} : memref<40000xf32, #tpu.memory_space<vmem>>[vector<16xi32>], vector<16xf32>,
      } {sc.loop_unroll_factor = 8 : i64, sc.parallel_access}
      %mul3A_294 = arith.constant 2 : i32
      %mul3A_295 = arith.muli %scan3A_272, %mul3A_294 : i32
      %add3A_296 = arith.constant 1 : i32
      %add3A_297 = arith.addi %mul3A_295, %add3A_296 : i32
      %add3A_298 = arith.addi %mul3A_29, %add3A_297 : i32
      %mul3A_299 = arith.constant 12000 : i32
      %mul3A_300 = arith.muli %add3A_298, %mul3A_299 : i32
      %dma_wait3A_301 = arith.constant 12000 : i32
      %dma_wait3A_302 = tpu.memref_slice %arg8[%dma_wait3A_301] : memref<24000xi32, #tpu.memory_space<vmem>> -> memref<12000xi32, #tpu.memory_space<vmem>>
      %dma_wait3A_303 = tpu.memref_slice %arg3[%mul3A_300] : memref<960000xi32, #tpu.memory_space<hbm>> -> memref<12000xi32, #tpu.memory_space<hbm>>
      %dma_wait3A_304 = arith.constant 12000 : i32
      %dma_wait3A_305 = tpu.memref_slice %arg8[%dma_wait3A_304] : memref<24000xi32, #tpu.memory_space<vmem>> -> memref<12000xi32, #tpu.memory_space<vmem>>
      %dma_wait3A_306 = tpu.memref_slice %arg3[%mul3A_300] : memref<960000xi32, #tpu.memory_space<hbm>> -> memref<12000xi32, #tpu.memory_space<hbm>>
      tpu.wait_dma2 semaphore(%arg11 : memref<!tpu.dma_semaphore, #tpu.memory_space<semaphore_mem>>) src(%dma_wait3A_306 : memref<12000xi32, #tpu.memory_space<hbm>>) dst(%dma_wait3A_305 : memref<12000xi32, #tpu.memory_space<vmem>>)
      %add3A_307 = arith.constant 1 : i32
      %add3A_308 = arith.addi %add3A_297, %add3A_307 : i32
      %lt3A_309 = arith.constant 20 : i32
      %lt3A_310 = arith.cmpi slt, %add3A_308, %lt3A_309 : i32
      %convert_element_type3A_311 = arith.extui %lt3A_310 : i1 to i32
      %cond3A_312 = arith.constant 0 : i32
      %cond3A_313 = arith.cmpi ne, %convert_element_type3A_311, %cond3A_312 : i32
      scf.if %cond3A_313 {
        %add3A_318 = arith.addi %mul3A_29, %add3A_297 : i32
        %add3A_319 = arith.constant 1 : i32
        %add3A_320 = arith.addi %add3A_318, %add3A_319 : i32
        %mul3A_321 = arith.constant 12000 : i32
        %mul3A_322 = arith.muli %add3A_320, %mul3A_321 : i32
        %dma_start3A_323 = arith.constant 0 : i32
        %dma_start3A_324 = tpu.memref_slice %arg8[%dma_start3A_323] : memref<24000xi32, #tpu.memory_space<vmem>> -> memref<12000xi32, #tpu.memory_space<vmem>>
        %dma_start3A_325 = tpu.memref_slice %arg3[%mul3A_322] : memref<960000xi32, #tpu.memory_space<hbm>> -> memref<12000xi32, #tpu.memory_space<hbm>>
        %dma_start3A_326 = arith.constant 0 : i32
        %dma_start3A_327 = tpu.memref_slice %arg8[%dma_start3A_326] : memref<24000xi32, #tpu.memory_space<vmem>> -> memref<12000xi32, #tpu.memory_space<vmem>>
        %dma_start3A_328 = tpu.memref_slice %arg3[%mul3A_322] : memref<960000xi32, #tpu.memory_space<hbm>> -> memref<12000xi32, #tpu.memory_space<hbm>>
        tpu.enqueue_dma source(%dma_start3A_328 : memref<12000xi32, #tpu.memory_space<hbm>>) target(%dma_start3A_327 : memref<12000xi32, #tpu.memory_space<vmem>>) target_semaphore(%arg10 : memref<!tpu.dma_semaphore, #tpu.memory_space<semaphore_mem>>)
      } else {
      }
      %parallel_loop3A_314 = arith.constant 0 : i32
      %parallel_loop3A_315 = arith.constant 250 : i32
      %parallel_loop3A_316 = arith.constant 1 : i32
      scf.for %parallel_loop3A_318 = %parallel_loop3A_314 to %parallel_loop3A_315 step %parallel_loop3A_316  : i32 {
        %parallel_loop3A_319 = arith.constant 16 : i32
        %parallel_loop3A_320 = arith.muli %parallel_loop3A_318, %parallel_loop3A_319 : i32
        %parallel_loop3A_321 = arith.constant 12000 : i32
        %parallel_loop3A_322 = arith.addi %parallel_loop3A_321, %parallel_loop3A_320 : i32
        %parallel_loop3A_323 = arith.index_cast %parallel_loop3A_322 : i32 to index
        %parallel_loop3A_324 = tpu.vector_load %arg8[%parallel_loop3A_323] {strides = array<i32>} : memref<24000xi32, #tpu.memory_space<vmem>>, vector<16xi32>,
        %parallel_loop3A_325 = arith.constant 4000 : i32
        %parallel_loop3A_326 = arith.addi %parallel_loop3A_322, %parallel_loop3A_325 : i32
        %parallel_loop3A_327 = arith.index_cast %parallel_loop3A_326 : i32 to index
        %parallel_loop3A_328 = tpu.vector_load %arg8[%parallel_loop3A_327] {strides = array<i32>} : memref<24000xi32, #tpu.memory_space<vmem>>, vector<16xi32>,
        %parallel_loop3A_329 = arith.constant 8000 : i32
        %parallel_loop3A_330 = arith.addi %parallel_loop3A_322, %parallel_loop3A_329 : i32
        %parallel_loop3A_331 = arith.index_cast %parallel_loop3A_330 : i32 to index
        %parallel_loop3A_332 = tpu.vector_load %arg8[%parallel_loop3A_331] {strides = array<i32>} : memref<24000xi32, #tpu.memory_space<vmem>>, vector<16xi32>,
        %parallel_loop3A_333 = vector.bitcast %parallel_loop3A_332 : vector<16xi32> to vector<16xf32>
        %parallel_loop3A_334 = arith.constant 0 : i32
        %parallel_loop3A_335 = vector.broadcast %parallel_loop3A_334 : i32 to vector<16xi32>
        %parallel_loop3A_336 = arith.addi %parallel_loop3A_324, %parallel_loop3A_335 : vector<16xi32>
        %parallel_loop3A_337 = tpu.vector_load_idx %arg6[%parallel_loop3A_336] : memref<40000xf32, #tpu.memory_space<vmem>>[vector<16xi32>], vector<16xf32>,
        %parallel_loop3A_338 = arith.constant 0 : i32
        %parallel_loop3A_339 = vector.broadcast %parallel_loop3A_338 : i32 to vector<16xi32>
        %parallel_loop3A_340 = arith.addi %parallel_loop3A_328, %parallel_loop3A_339 : vector<16xi32>
        %parallel_loop3A_341 = arith.mulf %parallel_loop3A_337, %parallel_loop3A_333 : vector<16xf32>
        tpu.vector_store_idx %arg7[%parallel_loop3A_340], %parallel_loop3A_341 {add = true} : memref<40000xf32, #tpu.memory_space<vmem>>[vector<16xi32>], vector<16xf32>,
        %parallel_loop3A_342 = arith.constant 10000 : i32
        %parallel_loop3A_343 = vector.broadcast %parallel_loop3A_342 : i32 to vector<16xi32>
        %parallel_loop3A_344 = arith.addi %parallel_loop3A_324, %parallel_loop3A_343 : vector<16xi32>
        %parallel_loop3A_345 = tpu.vector_load_idx %arg6[%parallel_loop3A_344] : memref<40000xf32, #tpu.memory_space<vmem>>[vector<16xi32>], vector<16xf32>,
        %parallel_loop3A_346 = arith.constant 10000 : i32
        %parallel_loop3A_347 = vector.broadcast %parallel_loop3A_346 : i32 to vector<16xi32>
        %parallel_loop3A_348 = arith.addi %parallel_loop3A_328, %parallel_loop3A_347 : vector<16xi32>
        %parallel_loop3A_349 = arith.mulf %parallel_loop3A_345, %parallel_loop3A_333 : vector<16xf32>
        tpu.vector_store_idx %arg7[%parallel_loop3A_348], %parallel_loop3A_349 {add = true} : memref<40000xf32, #tpu.memory_space<vmem>>[vector<16xi32>], vector<16xf32>,
        %parallel_loop3A_350 = arith.constant 20000 : i32
        %parallel_loop3A_351 = vector.broadcast %parallel_loop3A_350 : i32 to vector<16xi32>
        %parallel_loop3A_352 = arith.addi %parallel_loop3A_324, %parallel_loop3A_351 : vector<16xi32>
        %parallel_loop3A_353 = tpu.vector_load_idx %arg6[%parallel_loop3A_352] : memref<40000xf32, #tpu.memory_space<vmem>>[vector<16xi32>], vector<16xf32>,
        %parallel_loop3A_354 = arith.constant 20000 : i32
        %parallel_loop3A_355 = vector.broadcast %parallel_loop3A_354 : i32 to vector<16xi32>
        %parallel_loop3A_356 = arith.addi %parallel_loop3A_328, %parallel_loop3A_355 : vector<16xi32>
        %parallel_loop3A_357 = arith.mulf %parallel_loop3A_353, %parallel_loop3A_333 : vector<16xf32>
        tpu.vector_store_idx %arg7[%parallel_loop3A_356], %parallel_loop3A_357 {add = true} : memref<40000xf32, #tpu.memory_space<vmem>>[vector<16xi32>], vector<16xf32>,
        %parallel_loop3A_358 = arith.constant 30000 : i32
        %parallel_loop3A_359 = vector.broadcast %parallel_loop3A_358 : i32 to vector<16xi32>
        %parallel_loop3A_360 = arith.addi %parallel_loop3A_324, %parallel_loop3A_359 : vector<16xi32>
        %parallel_loop3A_361 = tpu.vector_load_idx %arg6[%parallel_loop3A_360] : memref<40000xf32, #tpu.memory_space<vmem>>[vector<16xi32>], vector<16xf32>,
        %parallel_loop3A_362 = arith.constant 30000 : i32
        %parallel_loop3A_363 = vector.broadcast %parallel_loop3A_362 : i32 to vector<16xi32>
        %parallel_loop3A_364 = arith.addi %parallel_loop3A_328, %parallel_loop3A_363 : vector<16xi32>
        %parallel_loop3A_365 = arith.mulf %parallel_loop3A_361, %parallel_loop3A_333 : vector<16xf32>
        tpu.vector_store_idx %arg7[%parallel_loop3A_364], %parallel_loop3A_365 {add = true} : memref<40000xf32, #tpu.memory_space<vmem>>[vector<16xi32>], vector<16xf32>,
      } {sc.loop_unroll_factor = 8 : i64, sc.parallel_access}
      %scan3A_317 = arith.constant 0 : i32
      scf.yield %scan3A_317 : i32
    }
    %scan3A_69 = arith.constant 10 : i32
    "tpu.region"() ({
      %run_scoped3A = tpu.sem_alloc : memref<!tpu.dma_semaphore, #tpu.memory_space<semaphore_mem>>
      %dma_start3A_272 = tpu.memref_slice %arg5[%add3A_44] : memref<1280000xf32, #tpu.memory_space<hbm>> -> memref<40000xf32, #tpu.memory_space<hbm>>
      %dma_start3A_273 = tpu.memref_slice %arg5[%add3A_44] : memref<1280000xf32, #tpu.memory_space<hbm>> -> memref<40000xf32, #tpu.memory_space<hbm>>
      tpu.enqueue_dma source(%arg7 : memref<40000xf32, #tpu.memory_space<vmem>>) target(%dma_start3A_273 : memref<40000xf32, #tpu.memory_space<hbm>>) target_semaphore(%run_scoped3A : memref<!tpu.dma_semaphore, #tpu.memory_space<semaphore_mem>>)
      %dma_wait3A = tpu.memref_slice %arg5[%add3A_44] : memref<1280000xf32, #tpu.memory_space<hbm>> -> memref<40000xf32, #tpu.memory_space<hbm>>
      %dma_wait3A_274 = tpu.memref_slice %arg5[%add3A_44] : memref<1280000xf32, #tpu.memory_space<hbm>> -> memref<40000xf32, #tpu.memory_space<hbm>>
      tpu.wait_dma2 semaphore(%run_scoped3A : memref<!tpu.dma_semaphore, #tpu.memory_space<semaphore_mem>>) src(%arg7 : memref<40000xf32, #tpu.memory_space<vmem>>) dst(%dma_wait3A_274 : memref<40000xf32, #tpu.memory_space<hbm>>)
      tpu.yield
    }) : () -> ()
    %barrier3A = arith.constant 0 : index
    tpu.barrier barrier_id(%barrier3A)
    %mul3A_70 = arith.constant 10000 : i32
    %mul3A_71 = arith.muli %add3A_32, %mul3A_70 : i32
    %add3A_72 = arith.constant 0 : i32
    %add3A_73 = arith.addi %add3A_72, %mul3A_71 : i32
    "tpu.region"() ({
      %run_scoped3A = tpu.sem_alloc : memref<!tpu.dma_semaphore, #tpu.memory_space<semaphore_mem>>
      %dma_start3A_272 = arith.constant 0 : i32
      %dma_start3A_273 = tpu.memref_slice %arg6[%dma_start3A_272] : memref<40000xf32, #tpu.memory_space<vmem>> -> memref<10000xf32, #tpu.memory_space<vmem>>
      %dma_start3A_274 = tpu.memref_slice %arg5[%add3A_73] : memref<1280000xf32, #tpu.memory_space<hbm>> -> memref<10000xf32, #tpu.memory_space<hbm>>
      %dma_start3A_275 = arith.constant 0 : i32
      %dma_start3A_276 = tpu.memref_slice %arg6[%dma_start3A_275] : memref<40000xf32, #tpu.memory_space<vmem>> -> memref<10000xf32, #tpu.memory_space<vmem>>
      %dma_start3A_277 = tpu.memref_slice %arg5[%add3A_73] : memref<1280000xf32, #tpu.memory_space<hbm>> -> memref<10000xf32, #tpu.memory_space<hbm>>
      tpu.enqueue_dma source(%dma_start3A_277 : memref<10000xf32, #tpu.memory_space<hbm>>) target(%dma_start3A_276 : memref<10000xf32, #tpu.memory_space<vmem>>) target_semaphore(%run_scoped3A : memref<!tpu.dma_semaphore, #tpu.memory_space<semaphore_mem>>)
      %dma_wait3A = arith.constant 0 : i32
      %dma_wait3A_278 = tpu.memref_slice %arg6[%dma_wait3A] : memref<40000xf32, #tpu.memory_space<vmem>> -> memref<10000xf32, #tpu.memory_space<vmem>>
      %dma_wait3A_279 = tpu.memref_slice %arg5[%add3A_73] : memref<1280000xf32, #tpu.memory_space<hbm>> -> memref<10000xf32, #tpu.memory_space<hbm>>
      %dma_wait3A_280 = arith.constant 0 : i32
      %dma_wait3A_281 = tpu.memref_slice %arg6[%dma_wait3A_280] : memref<40000xf32, #tpu.memory_space<vmem>> -> memref<10000xf32, #tpu.memory_space<vmem>>
      %dma_wait3A_282 = tpu.memref_slice %arg5[%add3A_73] : memref<1280000xf32, #tpu.memory_space<hbm>> -> memref<10000xf32, #tpu.memory_space<hbm>>
      tpu.wait_dma2 semaphore(%run_scoped3A : memref<!tpu.dma_semaphore, #tpu.memory_space<semaphore_mem>>) src(%dma_wait3A_282 : memref<10000xf32, #tpu.memory_space<hbm>>) dst(%dma_wait3A_281 : memref<10000xf32, #tpu.memory_space<vmem>>)
      tpu.yield
    }) : () -> ()
    %mul3A_74 = arith.constant 10000 : i32
    %mul3A_75 = arith.muli %add3A_32, %mul3A_74 : i32
    %add3A_76 = arith.constant 320000 : i32
    %add3A_77 = arith.addi %add3A_76, %mul3A_75 : i32
    "tpu.region"() ({
      %run_scoped3A = tpu.sem_alloc : memref<!tpu.dma_semaphore, #tpu.memory_space<semaphore_mem>>
      %dma_start3A_272 = arith.constant 10000 : i32
      %dma_start3A_273 = tpu.memref_slice %arg6[%dma_start3A_272] : memref<40000xf32, #tpu.memory_space<vmem>> -> memref<10000xf32, #tpu.memory_space<vmem>>
      %dma_start3A_274 = tpu.memref_slice %arg5[%add3A_77] : memref<1280000xf32, #tpu.memory_space<hbm>> -> memref<10000xf32, #tpu.memory_space<hbm>>
      %dma_start3A_275 = arith.constant 10000 : i32
      %dma_start3A_276 = tpu.memref_slice %arg6[%dma_start3A_275] : memref<40000xf32, #tpu.memory_space<vmem>> -> memref<10000xf32, #tpu.memory_space<vmem>>
      %dma_start3A_277 = tpu.memref_slice %arg5[%add3A_77] : memref<1280000xf32, #tpu.memory_space<hbm>> -> memref<10000xf32, #tpu.memory_space<hbm>>
      tpu.enqueue_dma source(%dma_start3A_277 : memref<10000xf32, #tpu.memory_space<hbm>>) target(%dma_start3A_276 : memref<10000xf32, #tpu.memory_space<vmem>>) target_semaphore(%run_scoped3A : memref<!tpu.dma_semaphore, #tpu.memory_space<semaphore_mem>>)
      %dma_wait3A = arith.constant 10000 : i32
      %dma_wait3A_278 = tpu.memref_slice %arg6[%dma_wait3A] : memref<40000xf32, #tpu.memory_space<vmem>> -> memref<10000xf32, #tpu.memory_space<vmem>>
      %dma_wait3A_279 = tpu.memref_slice %arg5[%add3A_77] : memref<1280000xf32, #tpu.memory_space<hbm>> -> memref<10000xf32, #tpu.memory_space<hbm>>
      %dma_wait3A_280 = arith.constant 10000 : i32
      %dma_wait3A_281 = tpu.memref_slice %arg6[%dma_wait3A_280] : memref<40000xf32, #tpu.memory_space<vmem>> -> memref<10000xf32, #tpu.memory_space<vmem>>
      %dma_wait3A_282 = tpu.memref_slice %arg5[%add3A_77] : memref<1280000xf32, #tpu.memory_space<hbm>> -> memref<10000xf32, #tpu.memory_space<hbm>>
      tpu.wait_dma2 semaphore(%run_scoped3A : memref<!tpu.dma_semaphore, #tpu.memory_space<semaphore_mem>>) src(%dma_wait3A_282 : memref<10000xf32, #tpu.memory_space<hbm>>) dst(%dma_wait3A_281 : memref<10000xf32, #tpu.memory_space<vmem>>)
      tpu.yield
    }) : () -> ()
    %mul3A_78 = arith.constant 10000 : i32
    %mul3A_79 = arith.muli %add3A_32, %mul3A_78 : i32
    %add3A_80 = arith.constant 640000 : i32
    %add3A_81 = arith.addi %add3A_80, %mul3A_79 : i32
    "tpu.region"() ({
      %run_scoped3A = tpu.sem_alloc : memref<!tpu.dma_semaphore, #tpu.memory_space<semaphore_mem>>
      %dma_start3A_272 = arith.constant 20000 : i32
      %dma_start3A_273 = tpu.memref_slice %arg6[%dma_start3A_272] : memref<40000xf32, #tpu.memory_space<vmem>> -> memref<10000xf32, #tpu.memory_space<vmem>>
      %dma_start3A_274 = tpu.memref_slice %arg5[%add3A_81] : memref<1280000xf32, #tpu.memory_space<hbm>> -> memref<10000xf32, #tpu.memory_space<hbm>>
      %dma_start3A_275 = arith.constant 20000 : i32
      %dma_start3A_276 = tpu.memref_slice %arg6[%dma_start3A_275] : memref<40000xf32, #tpu.memory_space<vmem>> -> memref<10000xf32, #tpu.memory_space<vmem>>
      %dma_start3A_277 = tpu.memref_slice %arg5[%add3A_81] : memref<1280000xf32, #tpu.memory_space<hbm>> -> memref<10000xf32, #tpu.memory_space<hbm>>
      tpu.enqueue_dma source(%dma_start3A_277 : memref<10000xf32, #tpu.memory_space<hbm>>) target(%dma_start3A_276 : memref<10000xf32, #tpu.memory_space<vmem>>) target_semaphore(%run_scoped3A : memref<!tpu.dma_semaphore, #tpu.memory_space<semaphore_mem>>)
      %dma_wait3A = arith.constant 20000 : i32
      %dma_wait3A_278 = tpu.memref_slice %arg6[%dma_wait3A] : memref<40000xf32, #tpu.memory_space<vmem>> -> memref<10000xf32, #tpu.memory_space<vmem>>
      %dma_wait3A_279 = tpu.memref_slice %arg5[%add3A_81] : memref<1280000xf32, #tpu.memory_space<hbm>> -> memref<10000xf32, #tpu.memory_space<hbm>>
      %dma_wait3A_280 = arith.constant 20000 : i32
      %dma_wait3A_281 = tpu.memref_slice %arg6[%dma_wait3A_280] : memref<40000xf32, #tpu.memory_space<vmem>> -> memref<10000xf32, #tpu.memory_space<vmem>>
      %dma_wait3A_282 = tpu.memref_slice %arg5[%add3A_81] : memref<1280000xf32, #tpu.memory_space<hbm>> -> memref<10000xf32, #tpu.memory_space<hbm>>
      tpu.wait_dma2 semaphore(%run_scoped3A : memref<!tpu.dma_semaphore, #tpu.memory_space<semaphore_mem>>) src(%dma_wait3A_282 : memref<10000xf32, #tpu.memory_space<hbm>>) dst(%dma_wait3A_281 : memref<10000xf32, #tpu.memory_space<vmem>>)
      tpu.yield
    }) : () -> ()
    %mul3A_82 = arith.constant 10000 : i32
    %mul3A_83 = arith.muli %add3A_32, %mul3A_82 : i32
    %add3A_84 = arith.constant 960000 : i32
    %add3A_85 = arith.addi %add3A_84, %mul3A_83 : i32
    "tpu.region"() ({
      %run_scoped3A = tpu.sem_alloc : memref<!tpu.dma_semaphore, #tpu.memory_space<semaphore_mem>>
      %dma_start3A_272 = arith.constant 30000 : i32
      %dma_start3A_273 = tpu.memref_slice %arg6[%dma_start3A_272] : memref<40000xf32, #tpu.memory_space<vmem>> -> memref<10000xf32, #tpu.memory_space<vmem>>
      %dma_start3A_274 = tpu.memref_slice %arg5[%add3A_85] : memref<1280000xf32, #tpu.memory_space<hbm>> -> memref<10000xf32, #tpu.memory_space<hbm>>
      %dma_start3A_275 = arith.constant 30000 : i32
      %dma_start3A_276 = tpu.memref_slice %arg6[%dma_start3A_275] : memref<40000xf32, #tpu.memory_space<vmem>> -> memref<10000xf32, #tpu.memory_space<vmem>>
      %dma_start3A_277 = tpu.memref_slice %arg5[%add3A_85] : memref<1280000xf32, #tpu.memory_space<hbm>> -> memref<10000xf32, #tpu.memory_space<hbm>>
      tpu.enqueue_dma source(%dma_start3A_277 : memref<10000xf32, #tpu.memory_space<hbm>>) target(%dma_start3A_276 : memref<10000xf32, #tpu.memory_space<vmem>>) target_semaphore(%run_scoped3A : memref<!tpu.dma_semaphore, #tpu.memory_space<semaphore_mem>>)
      %dma_wait3A = arith.constant 30000 : i32
      %dma_wait3A_278 = tpu.memref_slice %arg6[%dma_wait3A] : memref<40000xf32, #tpu.memory_space<vmem>> -> memref<10000xf32, #tpu.memory_space<vmem>>
      %dma_wait3A_279 = tpu.memref_slice %arg5[%add3A_85] : memref<1280000xf32, #tpu.memory_space<hbm>> -> memref<10000xf32, #tpu.memory_space<hbm>>
      %dma_wait3A_280 = arith.constant 30000 : i32
      %dma_wait3A_281 = tpu.memref_slice %arg6[%dma_wait3A_280] : memref<40000xf32, #tpu.memory_space<vmem>> -> memref<10000xf32, #tpu.memory_space<vmem>>
      %dma_wait3A_282 = tpu.memref_slice %arg5[%add3A_85] : memref<1280000xf32, #tpu.memory_space<hbm>> -> memref<10000xf32, #tpu.memory_space<hbm>>
      tpu.wait_dma2 semaphore(%run_scoped3A : memref<!tpu.dma_semaphore, #tpu.memory_space<semaphore_mem>>) src(%dma_wait3A_282 : memref<10000xf32, #tpu.memory_space<hbm>>) dst(%dma_wait3A_281 : memref<10000xf32, #tpu.memory_space<vmem>>)
      tpu.yield
    }) : () -> ()
    %scan3A_86 = arith.constant 0 : i32
    %scan3A_87 = arith.constant 0 : i32
    %scan3A_88 = arith.constant 625 : i32
    %scan3A_89 = arith.addi %scan3A_87, %scan3A_88 : i32
    %scan3A_90 = arith.constant 1 : i32
    %scan3A_91 = scf.for %scan3A_272 = %scan3A_87 to %scan3A_89 step %scan3A_90 iter_args(%scan3A_273 = %scan3A_86) -> (i32)  : i32 {
      %mul3A_274 = arith.constant 16 : i32
      %mul3A_275 = arith.muli %scan3A_272, %mul3A_274 : i32
      %get3A = arith.index_cast %mul3A_275 : i32 to index
      %get3A_276 = tpu.vector_load %arg6[%get3A] {strides = array<i32>} : memref<40000xf32, #tpu.memory_space<vmem>>, vector<16xf32>,
      %add3A_277 = arith.constant 10000 : i32
      %add3A_278 = arith.addi %add3A_277, %mul3A_275 : i32
      %get3A_279 = arith.index_cast %add3A_278 : i32 to index
      %get3A_280 = tpu.vector_load %arg6[%get3A_279] {strides = array<i32>} : memref<40000xf32, #tpu.memory_space<vmem>>, vector<16xf32>,
      %add3A_281 = arith.addf %get3A_276, %get3A_280 : vector<16xf32>
      %add3A_282 = arith.constant 20000 : i32
      %add3A_283 = arith.addi %add3A_282, %mul3A_275 : i32
      %get3A_284 = arith.index_cast %add3A_283 : i32 to index
      %get3A_285 = tpu.vector_load %arg6[%get3A_284] {strides = array<i32>} : memref<40000xf32, #tpu.memory_space<vmem>>, vector<16xf32>,
      %add3A_286 = arith.constant 30000 : i32
      %add3A_287 = arith.addi %add3A_286, %mul3A_275 : i32
      %get3A_288 = arith.index_cast %add3A_287 : i32 to index
      %get3A_289 = tpu.vector_load %arg6[%get3A_288] {strides = array<i32>} : memref<40000xf32, #tpu.memory_space<vmem>>, vector<16xf32>,
      %add3A_290 = arith.addf %get3A_285, %get3A_289 : vector<16xf32>
      %add3A_291 = arith.addf %add3A_281, %add3A_290 : vector<16xf32>
      %add3A_292 = arith.constant 0 : i32
      %add3A_293 = arith.addi %add3A_292, %mul3A_275 : i32
      %swap3A = arith.index_cast %add3A_293 : i32 to index
      %swap3A_294 = tpu.vector_load %arg7[%swap3A] {strides = array<i32>} : memref<40000xf32, #tpu.memory_space<vmem>>, vector<16xf32>,
      tpu.vector_store %arg7[%swap3A], %add3A_291 {strides = array<i32>} : memref<40000xf32, #tpu.memory_space<vmem>>, vector<16xf32>,
      %scan3A_295 = arith.constant 0 : i32
      scf.yield %scan3A_295 : i32
    }
    %scan3A_92 = arith.constant 625 : i32
    %mul3A_93 = arith.constant 10000 : i32
    %mul3A_94 = arith.muli %add3A_32, %mul3A_93 : i32
    "tpu.region"() ({
      %run_scoped3A = tpu.sem_alloc : memref<!tpu.dma_semaphore, #tpu.memory_space<semaphore_mem>>
      %dma_start3A_272 = arith.constant 10000 : i32
      %dma_start3A_273 = tpu.memref_slice %arg7[%dma_start3A_272] : memref<40000xf32, #tpu.memory_space<vmem>> -> memref<10000xf32, #tpu.memory_space<vmem>>
      %dma_start3A_274 = tpu.memref_slice %arg2[%mul3A_94] : memref<960000xf32, #tpu.memory_space<hbm>> -> memref<10000xf32, #tpu.memory_space<hbm>>
      %dma_start3A_275 = arith.constant 10000 : i32
      %dma_start3A_276 = tpu.memref_slice %arg7[%dma_start3A_275] : memref<40000xf32, #tpu.memory_space<vmem>> -> memref<10000xf32, #tpu.memory_space<vmem>>
      %dma_start3A_277 = tpu.memref_slice %arg2[%mul3A_94] : memref<960000xf32, #tpu.memory_space<hbm>> -> memref<10000xf32, #tpu.memory_space<hbm>>
      tpu.enqueue_dma source(%dma_start3A_277 : memref<10000xf32, #tpu.memory_space<hbm>>) target(%dma_start3A_276 : memref<10000xf32, #tpu.memory_space<vmem>>) target_semaphore(%run_scoped3A : memref<!tpu.dma_semaphore, #tpu.memory_space<semaphore_mem>>)
      %dma_wait3A = arith.constant 10000 : i32
      %dma_wait3A_278 = tpu.memref_slice %arg7[%dma_wait3A] : memref<40000xf32, #tpu.memory_space<vmem>> -> memref<10000xf32, #tpu.memory_space<vmem>>
      %dma_wait3A_279 = tpu.memref_slice %arg2[%mul3A_94] : memref<960000xf32, #tpu.memory_space<hbm>> -> memref<10000xf32, #tpu.memory_space<hbm>>
      %dma_wait3A_280 = arith.constant 10000 : i32
      %dma_wait3A_281 = tpu.memref_slice %arg7[%dma_wait3A_280] : memref<40000xf32, #tpu.memory_space<vmem>> -> memref<10000xf32, #tpu.memory_space<vmem>>
      %dma_wait3A_282 = tpu.memref_slice %arg2[%mul3A_94] : memref<960000xf32, #tpu.memory_space<hbm>> -> memref<10000xf32, #tpu.memory_space<hbm>>
      tpu.wait_dma2 semaphore(%run_scoped3A : memref<!tpu.dma_semaphore, #tpu.memory_space<semaphore_mem>>) src(%dma_wait3A_282 : memref<10000xf32, #tpu.memory_space<hbm>>) dst(%dma_wait3A_281 : memref<10000xf32, #tpu.memory_space<vmem>>)
      tpu.yield
    }) : () -> ()
    %scan3A_95 = arith.constant 0 : i32
    %scan3A_96 = arith.constant 0 : i32
    %scan3A_97 = arith.constant 625 : i32
    %scan3A_98 = arith.addi %scan3A_96, %scan3A_97 : i32
    %scan3A_99 = arith.constant 1 : i32
    %scan3A_100 = scf.for %scan3A_272 = %scan3A_96 to %scan3A_98 step %scan3A_99 iter_args(%scan3A_273 = %scan3A_95) -> (i32)  : i32 {
      %mul3A_274 = arith.constant 16 : i32
      %mul3A_275 = arith.muli %scan3A_272, %mul3A_274 : i32
      %add3A_276 = arith.constant 10000 : i32
      %add3A_277 = arith.addi %add3A_276, %mul3A_275 : i32
      %get3A = arith.index_cast %add3A_277 : i32 to index
      %get3A_278 = tpu.vector_load %arg7[%get3A] {strides = array<i32>} : memref<40000xf32, #tpu.memory_space<vmem>>, vector<16xf32>,
      %get3A_279 = arith.index_cast %mul3A_275 : i32 to index
      %get3A_280 = tpu.vector_load %arg7[%get3A_279] {strides = array<i32>} : memref<40000xf32, #tpu.memory_space<vmem>>, vector<16xf32>,
      %mul3A_281 = arith.constant 2.000000e+00 : f32
      %mul3A_282 = vector.broadcast %mul3A_281 : f32 to vector<16xf32>
      %mul3A_283 = arith.mulf %mul3A_282, %get3A_280 : vector<16xf32>
      %add3A_284 = arith.addf %get3A_278, %mul3A_283 : vector<16xf32>
      %add3A_285 = arith.constant 20000 : i32
      %add3A_286 = arith.addi %add3A_285, %mul3A_275 : i32
      %swap3A = arith.index_cast %add3A_286 : i32 to index
      %swap3A_287 = tpu.vector_load %arg7[%swap3A] {strides = array<i32>} : memref<40000xf32, #tpu.memory_space<vmem>>, vector<16xf32>,
      tpu.vector_store %arg7[%swap3A], %add3A_284 {strides = array<i32>} : memref<40000xf32, #tpu.memory_space<vmem>>, vector<16xf32>,
      %scan3A_288 = arith.constant 0 : i32
      scf.yield %scan3A_288 : i32
    }
    %scan3A_101 = arith.constant 625 : i32
    %mul3A_102 = arith.constant 10000 : i32
    %mul3A_103 = arith.muli %arg1, %mul3A_102 : i32
    "tpu.region"() ({
      %run_scoped3A = tpu.sem_alloc : memref<!tpu.dma_semaphore, #tpu.memory_space<semaphore_mem>>
      %dma_start3A_272 = arith.constant 20000 : i32
      %dma_start3A_273 = tpu.memref_slice %arg7[%dma_start3A_272] : memref<40000xf32, #tpu.memory_space<vmem>> -> memref<10000xf32, #tpu.memory_space<vmem>>
      %dma_start3A_274 = tpu.memref_slice %arg9[%mul3A_103] : memref<160000xf32, #tpu.memory_space<vmem_shared>> -> memref<10000xf32, #tpu.memory_space<vmem_shared>>
      %dma_start3A_275 = tpu.memref_slice %arg9[%mul3A_103] : memref<160000xf32, #tpu.memory_space<vmem_shared>> -> memref<10000xf32, #tpu.memory_space<vmem_shared>>
      %dma_start3A_276 = arith.constant 20000 : i32
      %dma_start3A_277 = tpu.memref_slice %arg7[%dma_start3A_276] : memref<40000xf32, #tpu.memory_space<vmem>> -> memref<10000xf32, #tpu.memory_space<vmem>>
      tpu.enqueue_dma source(%dma_start3A_277 : memref<10000xf32, #tpu.memory_space<vmem>>) target(%dma_start3A_275 : memref<10000xf32, #tpu.memory_space<vmem_shared>>) target_semaphore(%run_scoped3A : memref<!tpu.dma_semaphore, #tpu.memory_space<semaphore_mem>>)
      %dma_wait3A = arith.constant 20000 : i32
      %dma_wait3A_278 = tpu.memref_slice %arg7[%dma_wait3A] : memref<40000xf32, #tpu.memory_space<vmem>> -> memref<10000xf32, #tpu.memory_space<vmem>>
      %dma_wait3A_279 = tpu.memref_slice %arg9[%mul3A_103] : memref<160000xf32, #tpu.memory_space<vmem_shared>> -> memref<10000xf32, #tpu.memory_space<vmem_shared>>
      %dma_wait3A_280 = tpu.memref_slice %arg9[%mul3A_103] : memref<160000xf32, #tpu.memory_space<vmem_shared>> -> memref<10000xf32, #tpu.memory_space<vmem_shared>>
      %dma_wait3A_281 = arith.constant 20000 : i32
      %dma_wait3A_282 = tpu.memref_slice %arg7[%dma_wait3A_281] : memref<40000xf32, #tpu.memory_space<vmem>> -> memref<10000xf32, #tpu.memory_space<vmem>>
      tpu.wait_dma2 semaphore(%run_scoped3A : memref<!tpu.dma_semaphore, #tpu.memory_space<semaphore_mem>>) src(%dma_wait3A_282 : memref<10000xf32, #tpu.memory_space<vmem>>) dst(%dma_wait3A_280 : memref<10000xf32, #tpu.memory_space<vmem_shared>>)
      tpu.yield
    }) : () -> ()
    %barrier3A_104 = arith.constant 0 : index
    tpu.barrier barrier_id(%barrier3A_104)
    %mul3A_105 = arith.constant 12000 : i32
    %mul3A_106 = arith.muli %mul3A_29, %mul3A_105 : i32
    %dma_start3A_107 = arith.constant 0 : i32
    %dma_start3A_108 = tpu.memref_slice %arg8[%dma_start3A_107] : memref<24000xi32, #tpu.memory_space<vmem>> -> memref<12000xi32, #tpu.memory_space<vmem>>
    %dma_start3A_109 = tpu.memref_slice %arg3[%mul3A_106] : memref<960000xi32, #tpu.memory_space<hbm>> -> memref<12000xi32, #tpu.memory_space<hbm>>
    %dma_start3A_110 = arith.constant 0 : i32
    %dma_start3A_111 = tpu.memref_slice %arg8[%dma_start3A_110] : memref<24000xi32, #tpu.memory_space<vmem>> -> memref<12000xi32, #tpu.memory_space<vmem>>
    %dma_start3A_112 = tpu.memref_slice %arg3[%mul3A_106] : memref<960000xi32, #tpu.memory_space<hbm>> -> memref<12000xi32, #tpu.memory_space<hbm>>
    tpu.enqueue_dma source(%dma_start3A_112 : memref<12000xi32, #tpu.memory_space<hbm>>) target(%dma_start3A_111 : memref<12000xi32, #tpu.memory_space<vmem>>) target_semaphore(%arg10 : memref<!tpu.dma_semaphore, #tpu.memory_space<semaphore_mem>>)
    %mul3A_113 = arith.constant 10000 : i32
    %mul3A_114 = arith.muli %mul3A_39, %mul3A_113 : i32
    "tpu.region"() ({
      %run_scoped3A = tpu.sem_alloc : memref<!tpu.dma_semaphore, #tpu.memory_space<semaphore_mem>>
      %dma_start3A_272 = tpu.memref_slice %arg9[%mul3A_114] : memref<160000xf32, #tpu.memory_space<vmem_shared>> -> memref<40000xf32, #tpu.memory_space<vmem_shared>>
      %dma_start3A_273 = tpu.memref_slice %arg9[%mul3A_114] : memref<160000xf32, #tpu.memory_space<vmem_shared>> -> memref<40000xf32, #tpu.memory_space<vmem_shared>>
      tpu.enqueue_dma source(%dma_start3A_273 : memref<40000xf32, #tpu.memory_space<vmem_shared>>) target(%arg6 : memref<40000xf32, #tpu.memory_space<vmem>>) target_semaphore(%run_scoped3A : memref<!tpu.dma_semaphore, #tpu.memory_space<semaphore_mem>>)
      %dma_wait3A = tpu.memref_slice %arg9[%mul3A_114] : memref<160000xf32, #tpu.memory_space<vmem_shared>> -> memref<40000xf32, #tpu.memory_space<vmem_shared>>
      %dma_wait3A_274 = tpu.memref_slice %arg9[%mul3A_114] : memref<160000xf32, #tpu.memory_space<vmem_shared>> -> memref<40000xf32, #tpu.memory_space<vmem_shared>>
      tpu.wait_dma2 semaphore(%run_scoped3A : memref<!tpu.dma_semaphore, #tpu.memory_space<semaphore_mem>>) src(%dma_wait3A_274 : memref<40000xf32, #tpu.memory_space<vmem_shared>>) dst(%arg6 : memref<40000xf32, #tpu.memory_space<vmem>>)
      tpu.yield
    }) : () -> ()
    %broadcast_in_dim3A_115 = arith.constant 0.000000e+00 : f32
    %broadcast_in_dim3A_116 = vector.broadcast %broadcast_in_dim3A_115 : f32 to vector<16xf32>
    %parallel_loop3A_117 = arith.constant 0 : i32
    %parallel_loop3A_118 = arith.constant 2500 : i32
    %parallel_loop3A_119 = arith.constant 1 : i32
    scf.for %parallel_loop3A_272 = %parallel_loop3A_117 to %parallel_loop3A_118 step %parallel_loop3A_119  : i32 {
      %parallel_loop3A_273 = arith.constant 16 : i32
      %parallel_loop3A_274 = arith.muli %parallel_loop3A_272, %parallel_loop3A_273 : i32
      %parallel_loop3A_275 = arith.index_cast %parallel_loop3A_274 : i32 to index
      %parallel_loop3A_276 = tpu.vector_load %arg7[%parallel_loop3A_275] {strides = array<i32>} : memref<40000xf32, #tpu.memory_space<vmem>>, vector<16xf32>,
      tpu.vector_store %arg7[%parallel_loop3A_275], %broadcast_in_dim3A_116 {strides = array<i32>} : memref<40000xf32, #tpu.memory_space<vmem>>, vector<16xf32>,
    } {sc.loop_unroll_factor = 8 : i64, sc.parallel_access}
    %scan3A_120 = arith.constant 0 : i32
    %scan3A_121 = arith.constant 0 : i32
    %scan3A_122 = arith.constant 10 : i32
    %scan3A_123 = arith.addi %scan3A_121, %scan3A_122 : i32
    %scan3A_124 = arith.constant 1 : i32
    %scan3A_125 = scf.for %scan3A_272 = %scan3A_121 to %scan3A_123 step %scan3A_124 iter_args(%scan3A_273 = %scan3A_120) -> (i32)  : i32 {
      %mul3A_274 = arith.constant 2 : i32
      %mul3A_275 = arith.muli %scan3A_272, %mul3A_274 : i32
      %add3A_276 = arith.constant 0 : i32
      %add3A_277 = arith.addi %mul3A_275, %add3A_276 : i32
      %add3A_278 = arith.addi %mul3A_29, %add3A_277 : i32
      %mul3A_279 = arith.constant 12000 : i32
      %mul3A_280 = arith.muli %add3A_278, %mul3A_279 : i32
      %dma_wait3A = arith.constant 0 : i32
      %dma_wait3A_281 = tpu.memref_slice %arg8[%dma_wait3A] : memref<24000xi32, #tpu.memory_space<vmem>> -> memref<12000xi32, #tpu.memory_space<vmem>>
      %dma_wait3A_282 = tpu.memref_slice %arg3[%mul3A_280] : memref<960000xi32, #tpu.memory_space<hbm>> -> memref<12000xi32, #tpu.memory_space<hbm>>
      %dma_wait3A_283 = arith.constant 0 : i32
      %dma_wait3A_284 = tpu.memref_slice %arg8[%dma_wait3A_283] : memref<24000xi32, #tpu.memory_space<vmem>> -> memref<12000xi32, #tpu.memory_space<vmem>>
      %dma_wait3A_285 = tpu.memref_slice %arg3[%mul3A_280] : memref<960000xi32, #tpu.memory_space<hbm>> -> memref<12000xi32, #tpu.memory_space<hbm>>
      tpu.wait_dma2 semaphore(%arg10 : memref<!tpu.dma_semaphore, #tpu.memory_space<semaphore_mem>>) src(%dma_wait3A_285 : memref<12000xi32, #tpu.memory_space<hbm>>) dst(%dma_wait3A_284 : memref<12000xi32, #tpu.memory_space<vmem>>)
      %add3A_286 = arith.constant 1 : i32
      %add3A_287 = arith.addi %add3A_277, %add3A_286 : i32
      %lt3A_288 = arith.constant 20 : i32
      %lt3A_289 = arith.cmpi slt, %add3A_287, %lt3A_288 : i32
      %convert_element_type3A = arith.extui %lt3A_289 : i1 to i32
      %cond3A = arith.constant 0 : i32
      %cond3A_290 = arith.cmpi ne, %convert_element_type3A, %cond3A : i32
      scf.if %cond3A_290 {
        %add3A_318 = arith.addi %mul3A_29, %add3A_277 : i32
        %add3A_319 = arith.constant 1 : i32
        %add3A_320 = arith.addi %add3A_318, %add3A_319 : i32
        %mul3A_321 = arith.constant 12000 : i32
        %mul3A_322 = arith.muli %add3A_320, %mul3A_321 : i32
        %dma_start3A_323 = arith.constant 12000 : i32
        %dma_start3A_324 = tpu.memref_slice %arg8[%dma_start3A_323] : memref<24000xi32, #tpu.memory_space<vmem>> -> memref<12000xi32, #tpu.memory_space<vmem>>
        %dma_start3A_325 = tpu.memref_slice %arg3[%mul3A_322] : memref<960000xi32, #tpu.memory_space<hbm>> -> memref<12000xi32, #tpu.memory_space<hbm>>
        %dma_start3A_326 = arith.constant 12000 : i32
        %dma_start3A_327 = tpu.memref_slice %arg8[%dma_start3A_326] : memref<24000xi32, #tpu.memory_space<vmem>> -> memref<12000xi32, #tpu.memory_space<vmem>>
        %dma_start3A_328 = tpu.memref_slice %arg3[%mul3A_322] : memref<960000xi32, #tpu.memory_space<hbm>> -> memref<12000xi32, #tpu.memory_space<hbm>>
        tpu.enqueue_dma source(%dma_start3A_328 : memref<12000xi32, #tpu.memory_space<hbm>>) target(%dma_start3A_327 : memref<12000xi32, #tpu.memory_space<vmem>>) target_semaphore(%arg11 : memref<!tpu.dma_semaphore, #tpu.memory_space<semaphore_mem>>)
      } else {
      }
      %parallel_loop3A_291 = arith.constant 0 : i32
      %parallel_loop3A_292 = arith.constant 250 : i32
      %parallel_loop3A_293 = arith.constant 1 : i32
      scf.for %parallel_loop3A_318 = %parallel_loop3A_291 to %parallel_loop3A_292 step %parallel_loop3A_293  : i32 {
        %parallel_loop3A_319 = arith.constant 16 : i32
        %parallel_loop3A_320 = arith.muli %parallel_loop3A_318, %parallel_loop3A_319 : i32
        %parallel_loop3A_321 = arith.constant 0 : i32
        %parallel_loop3A_322 = arith.addi %parallel_loop3A_321, %parallel_loop3A_320 : i32
        %parallel_loop3A_323 = arith.index_cast %parallel_loop3A_322 : i32 to index
        %parallel_loop3A_324 = tpu.vector_load %arg8[%parallel_loop3A_323] {strides = array<i32>} : memref<24000xi32, #tpu.memory_space<vmem>>, vector<16xi32>,
        %parallel_loop3A_325 = arith.constant 4000 : i32
        %parallel_loop3A_326 = arith.addi %parallel_loop3A_322, %parallel_loop3A_325 : i32
        %parallel_loop3A_327 = arith.index_cast %parallel_loop3A_326 : i32 to index
        %parallel_loop3A_328 = tpu.vector_load %arg8[%parallel_loop3A_327] {strides = array<i32>} : memref<24000xi32, #tpu.memory_space<vmem>>, vector<16xi32>,
        %parallel_loop3A_329 = arith.constant 8000 : i32
        %parallel_loop3A_330 = arith.addi %parallel_loop3A_322, %parallel_loop3A_329 : i32
        %parallel_loop3A_331 = arith.index_cast %parallel_loop3A_330 : i32 to index
        %parallel_loop3A_332 = tpu.vector_load %arg8[%parallel_loop3A_331] {strides = array<i32>} : memref<24000xi32, #tpu.memory_space<vmem>>, vector<16xi32>,
        %parallel_loop3A_333 = vector.bitcast %parallel_loop3A_332 : vector<16xi32> to vector<16xf32>
        %parallel_loop3A_334 = arith.constant 0 : i32
        %parallel_loop3A_335 = vector.broadcast %parallel_loop3A_334 : i32 to vector<16xi32>
        %parallel_loop3A_336 = arith.addi %parallel_loop3A_324, %parallel_loop3A_335 : vector<16xi32>
        %parallel_loop3A_337 = tpu.vector_load_idx %arg6[%parallel_loop3A_336] : memref<40000xf32, #tpu.memory_space<vmem>>[vector<16xi32>], vector<16xf32>,
        %parallel_loop3A_338 = arith.constant 0 : i32
        %parallel_loop3A_339 = vector.broadcast %parallel_loop3A_338 : i32 to vector<16xi32>
        %parallel_loop3A_340 = arith.addi %parallel_loop3A_328, %parallel_loop3A_339 : vector<16xi32>
        %parallel_loop3A_341 = arith.mulf %parallel_loop3A_337, %parallel_loop3A_333 : vector<16xf32>
        tpu.vector_store_idx %arg7[%parallel_loop3A_340], %parallel_loop3A_341 {add = true} : memref<40000xf32, #tpu.memory_space<vmem>>[vector<16xi32>], vector<16xf32>,
        %parallel_loop3A_342 = arith.constant 10000 : i32
        %parallel_loop3A_343 = vector.broadcast %parallel_loop3A_342 : i32 to vector<16xi32>
        %parallel_loop3A_344 = arith.addi %parallel_loop3A_324, %parallel_loop3A_343 : vector<16xi32>
        %parallel_loop3A_345 = tpu.vector_load_idx %arg6[%parallel_loop3A_344] : memref<40000xf32, #tpu.memory_space<vmem>>[vector<16xi32>], vector<16xf32>,
        %parallel_loop3A_346 = arith.constant 10000 : i32
        %parallel_loop3A_347 = vector.broadcast %parallel_loop3A_346 : i32 to vector<16xi32>
        %parallel_loop3A_348 = arith.addi %parallel_loop3A_328, %parallel_loop3A_347 : vector<16xi32>
        %parallel_loop3A_349 = arith.mulf %parallel_loop3A_345, %parallel_loop3A_333 : vector<16xf32>
        tpu.vector_store_idx %arg7[%parallel_loop3A_348], %parallel_loop3A_349 {add = true} : memref<40000xf32, #tpu.memory_space<vmem>>[vector<16xi32>], vector<16xf32>,
        %parallel_loop3A_350 = arith.constant 20000 : i32
        %parallel_loop3A_351 = vector.broadcast %parallel_loop3A_350 : i32 to vector<16xi32>
        %parallel_loop3A_352 = arith.addi %parallel_loop3A_324, %parallel_loop3A_351 : vector<16xi32>
        %parallel_loop3A_353 = tpu.vector_load_idx %arg6[%parallel_loop3A_352] : memref<40000xf32, #tpu.memory_space<vmem>>[vector<16xi32>], vector<16xf32>,
        %parallel_loop3A_354 = arith.constant 20000 : i32
        %parallel_loop3A_355 = vector.broadcast %parallel_loop3A_354 : i32 to vector<16xi32>
        %parallel_loop3A_356 = arith.addi %parallel_loop3A_328, %parallel_loop3A_355 : vector<16xi32>
        %parallel_loop3A_357 = arith.mulf %parallel_loop3A_353, %parallel_loop3A_333 : vector<16xf32>
        tpu.vector_store_idx %arg7[%parallel_loop3A_356], %parallel_loop3A_357 {add = true} : memref<40000xf32, #tpu.memory_space<vmem>>[vector<16xi32>], vector<16xf32>,
        %parallel_loop3A_358 = arith.constant 30000 : i32
        %parallel_loop3A_359 = vector.broadcast %parallel_loop3A_358 : i32 to vector<16xi32>
        %parallel_loop3A_360 = arith.addi %parallel_loop3A_324, %parallel_loop3A_359 : vector<16xi32>
        %parallel_loop3A_361 = tpu.vector_load_idx %arg6[%parallel_loop3A_360] : memref<40000xf32, #tpu.memory_space<vmem>>[vector<16xi32>], vector<16xf32>,
        %parallel_loop3A_362 = arith.constant 30000 : i32
        %parallel_loop3A_363 = vector.broadcast %parallel_loop3A_362 : i32 to vector<16xi32>
        %parallel_loop3A_364 = arith.addi %parallel_loop3A_328, %parallel_loop3A_363 : vector<16xi32>
        %parallel_loop3A_365 = arith.mulf %parallel_loop3A_361, %parallel_loop3A_333 : vector<16xf32>
        tpu.vector_store_idx %arg7[%parallel_loop3A_364], %parallel_loop3A_365 {add = true} : memref<40000xf32, #tpu.memory_space<vmem>>[vector<16xi32>], vector<16xf32>,
      } {sc.loop_unroll_factor = 8 : i64, sc.parallel_access}
      %mul3A_294 = arith.constant 2 : i32
      %mul3A_295 = arith.muli %scan3A_272, %mul3A_294 : i32
      %add3A_296 = arith.constant 1 : i32
      %add3A_297 = arith.addi %mul3A_295, %add3A_296 : i32
      %add3A_298 = arith.addi %mul3A_29, %add3A_297 : i32
      %mul3A_299 = arith.constant 12000 : i32
      %mul3A_300 = arith.muli %add3A_298, %mul3A_299 : i32
      %dma_wait3A_301 = arith.constant 12000 : i32
      %dma_wait3A_302 = tpu.memref_slice %arg8[%dma_wait3A_301] : memref<24000xi32, #tpu.memory_space<vmem>> -> memref<12000xi32, #tpu.memory_space<vmem>>
      %dma_wait3A_303 = tpu.memref_slice %arg3[%mul3A_300] : memref<960000xi32, #tpu.memory_space<hbm>> -> memref<12000xi32, #tpu.memory_space<hbm>>
      %dma_wait3A_304 = arith.constant 12000 : i32
      %dma_wait3A_305 = tpu.memref_slice %arg8[%dma_wait3A_304] : memref<24000xi32, #tpu.memory_space<vmem>> -> memref<12000xi32, #tpu.memory_space<vmem>>
      %dma_wait3A_306 = tpu.memref_slice %arg3[%mul3A_300] : memref<960000xi32, #tpu.memory_space<hbm>> -> memref<12000xi32, #tpu.memory_space<hbm>>
      tpu.wait_dma2 semaphore(%arg11 : memref<!tpu.dma_semaphore, #tpu.memory_space<semaphore_mem>>) src(%dma_wait3A_306 : memref<12000xi32, #tpu.memory_space<hbm>>) dst(%dma_wait3A_305 : memref<12000xi32, #tpu.memory_space<vmem>>)
      %add3A_307 = arith.constant 1 : i32
      %add3A_308 = arith.addi %add3A_297, %add3A_307 : i32
      %lt3A_309 = arith.constant 20 : i32
      %lt3A_310 = arith.cmpi slt, %add3A_308, %lt3A_309 : i32
      %convert_element_type3A_311 = arith.extui %lt3A_310 : i1 to i32
      %cond3A_312 = arith.constant 0 : i32
      %cond3A_313 = arith.cmpi ne, %convert_element_type3A_311, %cond3A_312 : i32
      scf.if %cond3A_313 {
        %add3A_318 = arith.addi %mul3A_29, %add3A_297 : i32
        %add3A_319 = arith.constant 1 : i32
        %add3A_320 = arith.addi %add3A_318, %add3A_319 : i32
        %mul3A_321 = arith.constant 12000 : i32
        %mul3A_322 = arith.muli %add3A_320, %mul3A_321 : i32
        %dma_start3A_323 = arith.constant 0 : i32
        %dma_start3A_324 = tpu.memref_slice %arg8[%dma_start3A_323] : memref<24000xi32, #tpu.memory_space<vmem>> -> memref<12000xi32, #tpu.memory_space<vmem>>
        %dma_start3A_325 = tpu.memref_slice %arg3[%mul3A_322] : memref<960000xi32, #tpu.memory_space<hbm>> -> memref<12000xi32, #tpu.memory_space<hbm>>
        %dma_start3A_326 = arith.constant 0 : i32
        %dma_start3A_327 = tpu.memref_slice %arg8[%dma_start3A_326] : memref<24000xi32, #tpu.memory_space<vmem>> -> memref<12000xi32, #tpu.memory_space<vmem>>
        %dma_start3A_328 = tpu.memref_slice %arg3[%mul3A_322] : memref<960000xi32, #tpu.memory_space<hbm>> -> memref<12000xi32, #tpu.memory_space<hbm>>
        tpu.enqueue_dma source(%dma_start3A_328 : memref<12000xi32, #tpu.memory_space<hbm>>) target(%dma_start3A_327 : memref<12000xi32, #tpu.memory_space<vmem>>) target_semaphore(%arg10 : memref<!tpu.dma_semaphore, #tpu.memory_space<semaphore_mem>>)
      } else {
      }
      %parallel_loop3A_314 = arith.constant 0 : i32
      %parallel_loop3A_315 = arith.constant 250 : i32
      %parallel_loop3A_316 = arith.constant 1 : i32
      scf.for %parallel_loop3A_318 = %parallel_loop3A_314 to %parallel_loop3A_315 step %parallel_loop3A_316  : i32 {
        %parallel_loop3A_319 = arith.constant 16 : i32
        %parallel_loop3A_320 = arith.muli %parallel_loop3A_318, %parallel_loop3A_319 : i32
        %parallel_loop3A_321 = arith.constant 12000 : i32
        %parallel_loop3A_322 = arith.addi %parallel_loop3A_321, %parallel_loop3A_320 : i32
        %parallel_loop3A_323 = arith.index_cast %parallel_loop3A_322 : i32 to index
        %parallel_loop3A_324 = tpu.vector_load %arg8[%parallel_loop3A_323] {strides = array<i32>} : memref<24000xi32, #tpu.memory_space<vmem>>, vector<16xi32>,
        %parallel_loop3A_325 = arith.constant 4000 : i32
        %parallel_loop3A_326 = arith.addi %parallel_loop3A_322, %parallel_loop3A_325 : i32
        %parallel_loop3A_327 = arith.index_cast %parallel_loop3A_326 : i32 to index
        %parallel_loop3A_328 = tpu.vector_load %arg8[%parallel_loop3A_327] {strides = array<i32>} : memref<24000xi32, #tpu.memory_space<vmem>>, vector<16xi32>,
        %parallel_loop3A_329 = arith.constant 8000 : i32
        %parallel_loop3A_330 = arith.addi %parallel_loop3A_322, %parallel_loop3A_329 : i32
        %parallel_loop3A_331 = arith.index_cast %parallel_loop3A_330 : i32 to index
        %parallel_loop3A_332 = tpu.vector_load %arg8[%parallel_loop3A_331] {strides = array<i32>} : memref<24000xi32, #tpu.memory_space<vmem>>, vector<16xi32>,
        %parallel_loop3A_333 = vector.bitcast %parallel_loop3A_332 : vector<16xi32> to vector<16xf32>
        %parallel_loop3A_334 = arith.constant 0 : i32
        %parallel_loop3A_335 = vector.broadcast %parallel_loop3A_334 : i32 to vector<16xi32>
        %parallel_loop3A_336 = arith.addi %parallel_loop3A_324, %parallel_loop3A_335 : vector<16xi32>
        %parallel_loop3A_337 = tpu.vector_load_idx %arg6[%parallel_loop3A_336] : memref<40000xf32, #tpu.memory_space<vmem>>[vector<16xi32>], vector<16xf32>,
        %parallel_loop3A_338 = arith.constant 0 : i32
        %parallel_loop3A_339 = vector.broadcast %parallel_loop3A_338 : i32 to vector<16xi32>
        %parallel_loop3A_340 = arith.addi %parallel_loop3A_328, %parallel_loop3A_339 : vector<16xi32>
        %parallel_loop3A_341 = arith.mulf %parallel_loop3A_337, %parallel_loop3A_333 : vector<16xf32>
        tpu.vector_store_idx %arg7[%parallel_loop3A_340], %parallel_loop3A_341 {add = true} : memref<40000xf32, #tpu.memory_space<vmem>>[vector<16xi32>], vector<16xf32>,
        %parallel_loop3A_342 = arith.constant 10000 : i32
        %parallel_loop3A_343 = vector.broadcast %parallel_loop3A_342 : i32 to vector<16xi32>
        %parallel_loop3A_344 = arith.addi %parallel_loop3A_324, %parallel_loop3A_343 : vector<16xi32>
        %parallel_loop3A_345 = tpu.vector_load_idx %arg6[%parallel_loop3A_344] : memref<40000xf32, #tpu.memory_space<vmem>>[vector<16xi32>], vector<16xf32>,
        %parallel_loop3A_346 = arith.constant 10000 : i32
        %parallel_loop3A_347 = vector.broadcast %parallel_loop3A_346 : i32 to vector<16xi32>
        %parallel_loop3A_348 = arith.addi %parallel_loop3A_328, %parallel_loop3A_347 : vector<16xi32>
        %parallel_loop3A_349 = arith.mulf %parallel_loop3A_345, %parallel_loop3A_333 : vector<16xf32>
        tpu.vector_store_idx %arg7[%parallel_loop3A_348], %parallel_loop3A_349 {add = true} : memref<40000xf32, #tpu.memory_space<vmem>>[vector<16xi32>], vector<16xf32>,
        %parallel_loop3A_350 = arith.constant 20000 : i32
        %parallel_loop3A_351 = vector.broadcast %parallel_loop3A_350 : i32 to vector<16xi32>
        %parallel_loop3A_352 = arith.addi %parallel_loop3A_324, %parallel_loop3A_351 : vector<16xi32>
        %parallel_loop3A_353 = tpu.vector_load_idx %arg6[%parallel_loop3A_352] : memref<40000xf32, #tpu.memory_space<vmem>>[vector<16xi32>], vector<16xf32>,
        %parallel_loop3A_354 = arith.constant 20000 : i32
        %parallel_loop3A_355 = vector.broadcast %parallel_loop3A_354 : i32 to vector<16xi32>
        %parallel_loop3A_356 = arith.addi %parallel_loop3A_328, %parallel_loop3A_355 : vector<16xi32>
        %parallel_loop3A_357 = arith.mulf %parallel_loop3A_353, %parallel_loop3A_333 : vector<16xf32>
        tpu.vector_store_idx %arg7[%parallel_loop3A_356], %parallel_loop3A_357 {add = true} : memref<40000xf32, #tpu.memory_space<vmem>>[vector<16xi32>], vector<16xf32>,
        %parallel_loop3A_358 = arith.constant 30000 : i32
        %parallel_loop3A_359 = vector.broadcast %parallel_loop3A_358 : i32 to vector<16xi32>
        %parallel_loop3A_360 = arith.addi %parallel_loop3A_324, %parallel_loop3A_359 : vector<16xi32>
        %parallel_loop3A_361 = tpu.vector_load_idx %arg6[%parallel_loop3A_360] : memref<40000xf32, #tpu.memory_space<vmem>>[vector<16xi32>], vector<16xf32>,
        %parallel_loop3A_362 = arith.constant 30000 : i32
        %parallel_loop3A_363 = vector.broadcast %parallel_loop3A_362 : i32 to vector<16xi32>
        %parallel_loop3A_364 = arith.addi %parallel_loop3A_328, %parallel_loop3A_363 : vector<16xi32>
        %parallel_loop3A_365 = arith.mulf %parallel_loop3A_361, %parallel_loop3A_333 : vector<16xf32>
        tpu.vector_store_idx %arg7[%parallel_loop3A_364], %parallel_loop3A_365 {add = true} : memref<40000xf32, #tpu.memory_space<vmem>>[vector<16xi32>], vector<16xf32>,
      } {sc.loop_unroll_factor = 8 : i64, sc.parallel_access}
      %scan3A_317 = arith.constant 0 : i32
      scf.yield %scan3A_317 : i32
    }
    %scan3A_126 = arith.constant 10 : i32
    "tpu.region"() ({
      %run_scoped3A = tpu.sem_alloc : memref<!tpu.dma_semaphore, #tpu.memory_space<semaphore_mem>>
      %dma_start3A_272 = tpu.memref_slice %arg5[%add3A_44] : memref<1280000xf32, #tpu.memory_space<hbm>> -> memref<40000xf32, #tpu.memory_space<hbm>>
      %dma_start3A_273 = tpu.memref_slice %arg5[%add3A_44] : memref<1280000xf32, #tpu.memory_space<hbm>> -> memref<40000xf32, #tpu.memory_space<hbm>>
      tpu.enqueue_dma source(%arg7 : memref<40000xf32, #tpu.memory_space<vmem>>) target(%dma_start3A_273 : memref<40000xf32, #tpu.memory_space<hbm>>) target_semaphore(%run_scoped3A : memref<!tpu.dma_semaphore, #tpu.memory_space<semaphore_mem>>)
      %dma_wait3A = tpu.memref_slice %arg5[%add3A_44] : memref<1280000xf32, #tpu.memory_space<hbm>> -> memref<40000xf32, #tpu.memory_space<hbm>>
      %dma_wait3A_274 = tpu.memref_slice %arg5[%add3A_44] : memref<1280000xf32, #tpu.memory_space<hbm>> -> memref<40000xf32, #tpu.memory_space<hbm>>
      tpu.wait_dma2 semaphore(%run_scoped3A : memref<!tpu.dma_semaphore, #tpu.memory_space<semaphore_mem>>) src(%arg7 : memref<40000xf32, #tpu.memory_space<vmem>>) dst(%dma_wait3A_274 : memref<40000xf32, #tpu.memory_space<hbm>>)
      tpu.yield
    }) : () -> ()
    %barrier3A_127 = arith.constant 0 : index
    tpu.barrier barrier_id(%barrier3A_127)
    %mul3A_128 = arith.constant 10000 : i32
    %mul3A_129 = arith.muli %add3A_32, %mul3A_128 : i32
    %add3A_130 = arith.constant 0 : i32
    %add3A_131 = arith.addi %add3A_130, %mul3A_129 : i32
    "tpu.region"() ({
      %run_scoped3A = tpu.sem_alloc : memref<!tpu.dma_semaphore, #tpu.memory_space<semaphore_mem>>
      %dma_start3A_272 = arith.constant 0 : i32
      %dma_start3A_273 = tpu.memref_slice %arg6[%dma_start3A_272] : memref<40000xf32, #tpu.memory_space<vmem>> -> memref<10000xf32, #tpu.memory_space<vmem>>
      %dma_start3A_274 = tpu.memref_slice %arg5[%add3A_131] : memref<1280000xf32, #tpu.memory_space<hbm>> -> memref<10000xf32, #tpu.memory_space<hbm>>
      %dma_start3A_275 = arith.constant 0 : i32
      %dma_start3A_276 = tpu.memref_slice %arg6[%dma_start3A_275] : memref<40000xf32, #tpu.memory_space<vmem>> -> memref<10000xf32, #tpu.memory_space<vmem>>
      %dma_start3A_277 = tpu.memref_slice %arg5[%add3A_131] : memref<1280000xf32, #tpu.memory_space<hbm>> -> memref<10000xf32, #tpu.memory_space<hbm>>
      tpu.enqueue_dma source(%dma_start3A_277 : memref<10000xf32, #tpu.memory_space<hbm>>) target(%dma_start3A_276 : memref<10000xf32, #tpu.memory_space<vmem>>) target_semaphore(%run_scoped3A : memref<!tpu.dma_semaphore, #tpu.memory_space<semaphore_mem>>)
      %dma_wait3A = arith.constant 0 : i32
      %dma_wait3A_278 = tpu.memref_slice %arg6[%dma_wait3A] : memref<40000xf32, #tpu.memory_space<vmem>> -> memref<10000xf32, #tpu.memory_space<vmem>>
      %dma_wait3A_279 = tpu.memref_slice %arg5[%add3A_131] : memref<1280000xf32, #tpu.memory_space<hbm>> -> memref<10000xf32, #tpu.memory_space<hbm>>
      %dma_wait3A_280 = arith.constant 0 : i32
      %dma_wait3A_281 = tpu.memref_slice %arg6[%dma_wait3A_280] : memref<40000xf32, #tpu.memory_space<vmem>> -> memref<10000xf32, #tpu.memory_space<vmem>>
      %dma_wait3A_282 = tpu.memref_slice %arg5[%add3A_131] : memref<1280000xf32, #tpu.memory_space<hbm>> -> memref<10000xf32, #tpu.memory_space<hbm>>
      tpu.wait_dma2 semaphore(%run_scoped3A : memref<!tpu.dma_semaphore, #tpu.memory_space<semaphore_mem>>) src(%dma_wait3A_282 : memref<10000xf32, #tpu.memory_space<hbm>>) dst(%dma_wait3A_281 : memref<10000xf32, #tpu.memory_space<vmem>>)
      tpu.yield
    }) : () -> ()
    %mul3A_132 = arith.constant 10000 : i32
    %mul3A_133 = arith.muli %add3A_32, %mul3A_132 : i32
    %add3A_134 = arith.constant 320000 : i32
    %add3A_135 = arith.addi %add3A_134, %mul3A_133 : i32
    "tpu.region"() ({
      %run_scoped3A = tpu.sem_alloc : memref<!tpu.dma_semaphore, #tpu.memory_space<semaphore_mem>>
      %dma_start3A_272 = arith.constant 10000 : i32
      %dma_start3A_273 = tpu.memref_slice %arg6[%dma_start3A_272] : memref<40000xf32, #tpu.memory_space<vmem>> -> memref<10000xf32, #tpu.memory_space<vmem>>
      %dma_start3A_274 = tpu.memref_slice %arg5[%add3A_135] : memref<1280000xf32, #tpu.memory_space<hbm>> -> memref<10000xf32, #tpu.memory_space<hbm>>
      %dma_start3A_275 = arith.constant 10000 : i32
      %dma_start3A_276 = tpu.memref_slice %arg6[%dma_start3A_275] : memref<40000xf32, #tpu.memory_space<vmem>> -> memref<10000xf32, #tpu.memory_space<vmem>>
      %dma_start3A_277 = tpu.memref_slice %arg5[%add3A_135] : memref<1280000xf32, #tpu.memory_space<hbm>> -> memref<10000xf32, #tpu.memory_space<hbm>>
      tpu.enqueue_dma source(%dma_start3A_277 : memref<10000xf32, #tpu.memory_space<hbm>>) target(%dma_start3A_276 : memref<10000xf32, #tpu.memory_space<vmem>>) target_semaphore(%run_scoped3A : memref<!tpu.dma_semaphore, #tpu.memory_space<semaphore_mem>>)
      %dma_wait3A = arith.constant 10000 : i32
      %dma_wait3A_278 = tpu.memref_slice %arg6[%dma_wait3A] : memref<40000xf32, #tpu.memory_space<vmem>> -> memref<10000xf32, #tpu.memory_space<vmem>>
      %dma_wait3A_279 = tpu.memref_slice %arg5[%add3A_135] : memref<1280000xf32, #tpu.memory_space<hbm>> -> memref<10000xf32, #tpu.memory_space<hbm>>
      %dma_wait3A_280 = arith.constant 10000 : i32
      %dma_wait3A_281 = tpu.memref_slice %arg6[%dma_wait3A_280] : memref<40000xf32, #tpu.memory_space<vmem>> -> memref<10000xf32, #tpu.memory_space<vmem>>
      %dma_wait3A_282 = tpu.memref_slice %arg5[%add3A_135] : memref<1280000xf32, #tpu.memory_space<hbm>> -> memref<10000xf32, #tpu.memory_space<hbm>>
      tpu.wait_dma2 semaphore(%run_scoped3A : memref<!tpu.dma_semaphore, #tpu.memory_space<semaphore_mem>>) src(%dma_wait3A_282 : memref<10000xf32, #tpu.memory_space<hbm>>) dst(%dma_wait3A_281 : memref<10000xf32, #tpu.memory_space<vmem>>)
      tpu.yield
    }) : () -> ()
    %mul3A_136 = arith.constant 10000 : i32
    %mul3A_137 = arith.muli %add3A_32, %mul3A_136 : i32
    %add3A_138 = arith.constant 640000 : i32
    %add3A_139 = arith.addi %add3A_138, %mul3A_137 : i32
    "tpu.region"() ({
      %run_scoped3A = tpu.sem_alloc : memref<!tpu.dma_semaphore, #tpu.memory_space<semaphore_mem>>
      %dma_start3A_272 = arith.constant 20000 : i32
      %dma_start3A_273 = tpu.memref_slice %arg6[%dma_start3A_272] : memref<40000xf32, #tpu.memory_space<vmem>> -> memref<10000xf32, #tpu.memory_space<vmem>>
      %dma_start3A_274 = tpu.memref_slice %arg5[%add3A_139] : memref<1280000xf32, #tpu.memory_space<hbm>> -> memref<10000xf32, #tpu.memory_space<hbm>>
      %dma_start3A_275 = arith.constant 20000 : i32
      %dma_start3A_276 = tpu.memref_slice %arg6[%dma_start3A_275] : memref<40000xf32, #tpu.memory_space<vmem>> -> memref<10000xf32, #tpu.memory_space<vmem>>
      %dma_start3A_277 = tpu.memref_slice %arg5[%add3A_139] : memref<1280000xf32, #tpu.memory_space<hbm>> -> memref<10000xf32, #tpu.memory_space<hbm>>
      tpu.enqueue_dma source(%dma_start3A_277 : memref<10000xf32, #tpu.memory_space<hbm>>) target(%dma_start3A_276 : memref<10000xf32, #tpu.memory_space<vmem>>) target_semaphore(%run_scoped3A : memref<!tpu.dma_semaphore, #tpu.memory_space<semaphore_mem>>)
      %dma_wait3A = arith.constant 20000 : i32
      %dma_wait3A_278 = tpu.memref_slice %arg6[%dma_wait3A] : memref<40000xf32, #tpu.memory_space<vmem>> -> memref<10000xf32, #tpu.memory_space<vmem>>
      %dma_wait3A_279 = tpu.memref_slice %arg5[%add3A_139] : memref<1280000xf32, #tpu.memory_space<hbm>> -> memref<10000xf32, #tpu.memory_space<hbm>>
      %dma_wait3A_280 = arith.constant 20000 : i32
      %dma_wait3A_281 = tpu.memref_slice %arg6[%dma_wait3A_280] : memref<40000xf32, #tpu.memory_space<vmem>> -> memref<10000xf32, #tpu.memory_space<vmem>>
      %dma_wait3A_282 = tpu.memref_slice %arg5[%add3A_139] : memref<1280000xf32, #tpu.memory_space<hbm>> -> memref<10000xf32, #tpu.memory_space<hbm>>
      tpu.wait_dma2 semaphore(%run_scoped3A : memref<!tpu.dma_semaphore, #tpu.memory_space<semaphore_mem>>) src(%dma_wait3A_282 : memref<10000xf32, #tpu.memory_space<hbm>>) dst(%dma_wait3A_281 : memref<10000xf32, #tpu.memory_space<vmem>>)
      tpu.yield
    }) : () -> ()
    %mul3A_140 = arith.constant 10000 : i32
    %mul3A_141 = arith.muli %add3A_32, %mul3A_140 : i32
    %add3A_142 = arith.constant 960000 : i32
    %add3A_143 = arith.addi %add3A_142, %mul3A_141 : i32
    "tpu.region"() ({
      %run_scoped3A = tpu.sem_alloc : memref<!tpu.dma_semaphore, #tpu.memory_space<semaphore_mem>>
      %dma_start3A_272 = arith.constant 30000 : i32
      %dma_start3A_273 = tpu.memref_slice %arg6[%dma_start3A_272] : memref<40000xf32, #tpu.memory_space<vmem>> -> memref<10000xf32, #tpu.memory_space<vmem>>
      %dma_start3A_274 = tpu.memref_slice %arg5[%add3A_143] : memref<1280000xf32, #tpu.memory_space<hbm>> -> memref<10000xf32, #tpu.memory_space<hbm>>
      %dma_start3A_275 = arith.constant 30000 : i32
      %dma_start3A_276 = tpu.memref_slice %arg6[%dma_start3A_275] : memref<40000xf32, #tpu.memory_space<vmem>> -> memref<10000xf32, #tpu.memory_space<vmem>>
      %dma_start3A_277 = tpu.memref_slice %arg5[%add3A_143] : memref<1280000xf32, #tpu.memory_space<hbm>> -> memref<10000xf32, #tpu.memory_space<hbm>>
      tpu.enqueue_dma source(%dma_start3A_277 : memref<10000xf32, #tpu.memory_space<hbm>>) target(%dma_start3A_276 : memref<10000xf32, #tpu.memory_space<vmem>>) target_semaphore(%run_scoped3A : memref<!tpu.dma_semaphore, #tpu.memory_space<semaphore_mem>>)
      %dma_wait3A = arith.constant 30000 : i32
      %dma_wait3A_278 = tpu.memref_slice %arg6[%dma_wait3A] : memref<40000xf32, #tpu.memory_space<vmem>> -> memref<10000xf32, #tpu.memory_space<vmem>>
      %dma_wait3A_279 = tpu.memref_slice %arg5[%add3A_143] : memref<1280000xf32, #tpu.memory_space<hbm>> -> memref<10000xf32, #tpu.memory_space<hbm>>
      %dma_wait3A_280 = arith.constant 30000 : i32
      %dma_wait3A_281 = tpu.memref_slice %arg6[%dma_wait3A_280] : memref<40000xf32, #tpu.memory_space<vmem>> -> memref<10000xf32, #tpu.memory_space<vmem>>
      %dma_wait3A_282 = tpu.memref_slice %arg5[%add3A_143] : memref<1280000xf32, #tpu.memory_space<hbm>> -> memref<10000xf32, #tpu.memory_space<hbm>>
      tpu.wait_dma2 semaphore(%run_scoped3A : memref<!tpu.dma_semaphore, #tpu.memory_space<semaphore_mem>>) src(%dma_wait3A_282 : memref<10000xf32, #tpu.memory_space<hbm>>) dst(%dma_wait3A_281 : memref<10000xf32, #tpu.memory_space<vmem>>)
      tpu.yield
    }) : () -> ()
    %scan3A_144 = arith.constant 0 : i32
    %scan3A_145 = arith.constant 0 : i32
    %scan3A_146 = arith.constant 625 : i32
    %scan3A_147 = arith.addi %scan3A_145, %scan3A_146 : i32
    %scan3A_148 = arith.constant 1 : i32
    %scan3A_149 = scf.for %scan3A_272 = %scan3A_145 to %scan3A_147 step %scan3A_148 iter_args(%scan3A_273 = %scan3A_144) -> (i32)  : i32 {
      %mul3A_274 = arith.constant 16 : i32
      %mul3A_275 = arith.muli %scan3A_272, %mul3A_274 : i32
      %get3A = arith.index_cast %mul3A_275 : i32 to index
      %get3A_276 = tpu.vector_load %arg6[%get3A] {strides = array<i32>} : memref<40000xf32, #tpu.memory_space<vmem>>, vector<16xf32>,
      %add3A_277 = arith.constant 10000 : i32
      %add3A_278 = arith.addi %add3A_277, %mul3A_275 : i32
      %get3A_279 = arith.index_cast %add3A_278 : i32 to index
      %get3A_280 = tpu.vector_load %arg6[%get3A_279] {strides = array<i32>} : memref<40000xf32, #tpu.memory_space<vmem>>, vector<16xf32>,
      %add3A_281 = arith.addf %get3A_276, %get3A_280 : vector<16xf32>
      %add3A_282 = arith.constant 20000 : i32
      %add3A_283 = arith.addi %add3A_282, %mul3A_275 : i32
      %get3A_284 = arith.index_cast %add3A_283 : i32 to index
      %get3A_285 = tpu.vector_load %arg6[%get3A_284] {strides = array<i32>} : memref<40000xf32, #tpu.memory_space<vmem>>, vector<16xf32>,
      %add3A_286 = arith.constant 30000 : i32
      %add3A_287 = arith.addi %add3A_286, %mul3A_275 : i32
      %get3A_288 = arith.index_cast %add3A_287 : i32 to index
      %get3A_289 = tpu.vector_load %arg6[%get3A_288] {strides = array<i32>} : memref<40000xf32, #tpu.memory_space<vmem>>, vector<16xf32>,
      %add3A_290 = arith.addf %get3A_285, %get3A_289 : vector<16xf32>
      %add3A_291 = arith.addf %add3A_281, %add3A_290 : vector<16xf32>
      %add3A_292 = arith.constant 0 : i32
      %add3A_293 = arith.addi %add3A_292, %mul3A_275 : i32
      %swap3A = arith.index_cast %add3A_293 : i32 to index
      %swap3A_294 = tpu.vector_load %arg7[%swap3A] {strides = array<i32>} : memref<40000xf32, #tpu.memory_space<vmem>>, vector<16xf32>,
      tpu.vector_store %arg7[%swap3A], %add3A_291 {strides = array<i32>} : memref<40000xf32, #tpu.memory_space<vmem>>, vector<16xf32>,
      %scan3A_295 = arith.constant 0 : i32
      scf.yield %scan3A_295 : i32
    }
    %scan3A_150 = arith.constant 625 : i32
    %add3A_151 = arith.constant 64 : i32
    %add3A_152 = arith.addi %add3A_151, %add3A_32 : i32
    %mul3A_153 = arith.constant 10000 : i32
    %mul3A_154 = arith.muli %add3A_152, %mul3A_153 : i32
    "tpu.region"() ({
      %run_scoped3A = tpu.sem_alloc : memref<!tpu.dma_semaphore, #tpu.memory_space<semaphore_mem>>
      %dma_start3A_272 = arith.constant 10000 : i32
      %dma_start3A_273 = tpu.memref_slice %arg7[%dma_start3A_272] : memref<40000xf32, #tpu.memory_space<vmem>> -> memref<10000xf32, #tpu.memory_space<vmem>>
      %dma_start3A_274 = tpu.memref_slice %arg2[%mul3A_154] : memref<960000xf32, #tpu.memory_space<hbm>> -> memref<10000xf32, #tpu.memory_space<hbm>>
      %dma_start3A_275 = arith.constant 10000 : i32
      %dma_start3A_276 = tpu.memref_slice %arg7[%dma_start3A_275] : memref<40000xf32, #tpu.memory_space<vmem>> -> memref<10000xf32, #tpu.memory_space<vmem>>
      %dma_start3A_277 = tpu.memref_slice %arg2[%mul3A_154] : memref<960000xf32, #tpu.memory_space<hbm>> -> memref<10000xf32, #tpu.memory_space<hbm>>
      tpu.enqueue_dma source(%dma_start3A_277 : memref<10000xf32, #tpu.memory_space<hbm>>) target(%dma_start3A_276 : memref<10000xf32, #tpu.memory_space<vmem>>) target_semaphore(%run_scoped3A : memref<!tpu.dma_semaphore, #tpu.memory_space<semaphore_mem>>)
      %dma_wait3A = arith.constant 10000 : i32
      %dma_wait3A_278 = tpu.memref_slice %arg7[%dma_wait3A] : memref<40000xf32, #tpu.memory_space<vmem>> -> memref<10000xf32, #tpu.memory_space<vmem>>
      %dma_wait3A_279 = tpu.memref_slice %arg2[%mul3A_154] : memref<960000xf32, #tpu.memory_space<hbm>> -> memref<10000xf32, #tpu.memory_space<hbm>>
      %dma_wait3A_280 = arith.constant 10000 : i32
      %dma_wait3A_281 = tpu.memref_slice %arg7[%dma_wait3A_280] : memref<40000xf32, #tpu.memory_space<vmem>> -> memref<10000xf32, #tpu.memory_space<vmem>>
      %dma_wait3A_282 = tpu.memref_slice %arg2[%mul3A_154] : memref<960000xf32, #tpu.memory_space<hbm>> -> memref<10000xf32, #tpu.memory_space<hbm>>
      tpu.wait_dma2 semaphore(%run_scoped3A : memref<!tpu.dma_semaphore, #tpu.memory_space<semaphore_mem>>) src(%dma_wait3A_282 : memref<10000xf32, #tpu.memory_space<hbm>>) dst(%dma_wait3A_281 : memref<10000xf32, #tpu.memory_space<vmem>>)
      tpu.yield
    }) : () -> ()
    %broadcast_in_dim3A_155 = arith.constant 0.000000e+00 : f32
    %broadcast_in_dim3A_156 = vector.broadcast %broadcast_in_dim3A_155 : f32 to vector<16xf32>
    %scan3A_157 = arith.constant 0 : i32
    %scan3A_158 = arith.constant 0 : i32
    %scan3A_159 = arith.constant 625 : i32
    %scan3A_160 = arith.addi %scan3A_158, %scan3A_159 : i32
    %scan3A_161 = arith.constant 1 : i32
    %scan3A_162 = scf.for %scan3A_272 = %scan3A_158 to %scan3A_160 step %scan3A_161 iter_args(%scan3A_273 = %scan3A_157) -> (i32)  : i32 {
      %mul3A_274 = arith.constant 16 : i32
      %mul3A_275 = arith.muli %scan3A_272, %mul3A_274 : i32
      %get3A = arith.index_cast %mul3A_275 : i32 to index
      %get3A_276 = tpu.vector_load %arg7[%get3A] {strides = array<i32>} : memref<40000xf32, #tpu.memory_space<vmem>>, vector<16xf32>,
      %add3A_277 = arith.constant 10000 : i32
      %add3A_278 = arith.addi %add3A_277, %mul3A_275 : i32
      %get3A_279 = arith.index_cast %add3A_278 : i32 to index
      %get3A_280 = tpu.vector_load %arg7[%get3A_279] {strides = array<i32>} : memref<40000xf32, #tpu.memory_space<vmem>>, vector<16xf32>,
      %add3A_281 = arith.addf %get3A_276, %get3A_280 : vector<16xf32>
      %max3A = arith.maximumf %add3A_281, %broadcast_in_dim3A_156 : vector<16xf32>
      %add3A_282 = arith.constant 20000 : i32
      %add3A_283 = arith.addi %add3A_282, %mul3A_275 : i32
      %swap3A = arith.index_cast %add3A_283 : i32 to index
      %swap3A_284 = tpu.vector_load %arg7[%swap3A] {strides = array<i32>} : memref<40000xf32, #tpu.memory_space<vmem>>, vector<16xf32>,
      tpu.vector_store %arg7[%swap3A], %max3A {strides = array<i32>} : memref<40000xf32, #tpu.memory_space<vmem>>, vector<16xf32>,
      %scan3A_285 = arith.constant 0 : i32
      scf.yield %scan3A_285 : i32
    }
    %scan3A_163 = arith.constant 625 : i32
    %mul3A_164 = arith.constant 10000 : i32
    %mul3A_165 = arith.muli %add3A_32, %mul3A_164 : i32
    "tpu.region"() ({
      %run_scoped3A = tpu.sem_alloc : memref<!tpu.dma_semaphore, #tpu.memory_space<semaphore_mem>>
      %dma_start3A_272 = arith.constant 20000 : i32
      %dma_start3A_273 = tpu.memref_slice %arg7[%dma_start3A_272] : memref<40000xf32, #tpu.memory_space<vmem>> -> memref<10000xf32, #tpu.memory_space<vmem>>
      %dma_start3A_274 = tpu.memref_slice %arg4[%mul3A_165] : memref<960000xf32, #tpu.memory_space<hbm>> -> memref<10000xf32, #tpu.memory_space<hbm>>
      %dma_start3A_275 = tpu.memref_slice %arg4[%mul3A_165] : memref<960000xf32, #tpu.memory_space<hbm>> -> memref<10000xf32, #tpu.memory_space<hbm>>
      %dma_start3A_276 = arith.constant 20000 : i32
      %dma_start3A_277 = tpu.memref_slice %arg7[%dma_start3A_276] : memref<40000xf32, #tpu.memory_space<vmem>> -> memref<10000xf32, #tpu.memory_space<vmem>>
      tpu.enqueue_dma source(%dma_start3A_277 : memref<10000xf32, #tpu.memory_space<vmem>>) target(%dma_start3A_275 : memref<10000xf32, #tpu.memory_space<hbm>>) target_semaphore(%run_scoped3A : memref<!tpu.dma_semaphore, #tpu.memory_space<semaphore_mem>>)
      %dma_wait3A = arith.constant 20000 : i32
      %dma_wait3A_278 = tpu.memref_slice %arg7[%dma_wait3A] : memref<40000xf32, #tpu.memory_space<vmem>> -> memref<10000xf32, #tpu.memory_space<vmem>>
      %dma_wait3A_279 = tpu.memref_slice %arg4[%mul3A_165] : memref<960000xf32, #tpu.memory_space<hbm>> -> memref<10000xf32, #tpu.memory_space<hbm>>
      %dma_wait3A_280 = tpu.memref_slice %arg4[%mul3A_165] : memref<960000xf32, #tpu.memory_space<hbm>> -> memref<10000xf32, #tpu.memory_space<hbm>>
      %dma_wait3A_281 = arith.constant 20000 : i32
      %dma_wait3A_282 = tpu.memref_slice %arg7[%dma_wait3A_281] : memref<40000xf32, #tpu.memory_space<vmem>> -> memref<10000xf32, #tpu.memory_space<vmem>>
      tpu.wait_dma2 semaphore(%run_scoped3A : memref<!tpu.dma_semaphore, #tpu.memory_space<semaphore_mem>>) src(%dma_wait3A_282 : memref<10000xf32, #tpu.memory_space<vmem>>) dst(%dma_wait3A_280 : memref<10000xf32, #tpu.memory_space<hbm>>)
      tpu.yield
    }) : () -> ()
    %mul3A_166 = arith.constant 10000 : i32
    %mul3A_167 = arith.muli %arg1, %mul3A_166 : i32
    "tpu.region"() ({
      %run_scoped3A = tpu.sem_alloc : memref<!tpu.dma_semaphore, #tpu.memory_space<semaphore_mem>>
      %dma_start3A_272 = arith.constant 20000 : i32
      %dma_start3A_273 = tpu.memref_slice %arg7[%dma_start3A_272] : memref<40000xf32, #tpu.memory_space<vmem>> -> memref<10000xf32, #tpu.memory_space<vmem>>
      %dma_start3A_274 = tpu.memref_slice %arg9[%mul3A_167] : memref<160000xf32, #tpu.memory_space<vmem_shared>> -> memref<10000xf32, #tpu.memory_space<vmem_shared>>
      %dma_start3A_275 = tpu.memref_slice %arg9[%mul3A_167] : memref<160000xf32, #tpu.memory_space<vmem_shared>> -> memref<10000xf32, #tpu.memory_space<vmem_shared>>
      %dma_start3A_276 = arith.constant 20000 : i32
      %dma_start3A_277 = tpu.memref_slice %arg7[%dma_start3A_276] : memref<40000xf32, #tpu.memory_space<vmem>> -> memref<10000xf32, #tpu.memory_space<vmem>>
      tpu.enqueue_dma source(%dma_start3A_277 : memref<10000xf32, #tpu.memory_space<vmem>>) target(%dma_start3A_275 : memref<10000xf32, #tpu.memory_space<vmem_shared>>) target_semaphore(%run_scoped3A : memref<!tpu.dma_semaphore, #tpu.memory_space<semaphore_mem>>)
      %dma_wait3A = arith.constant 20000 : i32
      %dma_wait3A_278 = tpu.memref_slice %arg7[%dma_wait3A] : memref<40000xf32, #tpu.memory_space<vmem>> -> memref<10000xf32, #tpu.memory_space<vmem>>
      %dma_wait3A_279 = tpu.memref_slice %arg9[%mul3A_167] : memref<160000xf32, #tpu.memory_space<vmem_shared>> -> memref<10000xf32, #tpu.memory_space<vmem_shared>>
      %dma_wait3A_280 = tpu.memref_slice %arg9[%mul3A_167] : memref<160000xf32, #tpu.memory_space<vmem_shared>> -> memref<10000xf32, #tpu.memory_space<vmem_shared>>
      %dma_wait3A_281 = arith.constant 20000 : i32
      %dma_wait3A_282 = tpu.memref_slice %arg7[%dma_wait3A_281] : memref<40000xf32, #tpu.memory_space<vmem>> -> memref<10000xf32, #tpu.memory_space<vmem>>
      tpu.wait_dma2 semaphore(%run_scoped3A : memref<!tpu.dma_semaphore, #tpu.memory_space<semaphore_mem>>) src(%dma_wait3A_282 : memref<10000xf32, #tpu.memory_space<vmem>>) dst(%dma_wait3A_280 : memref<10000xf32, #tpu.memory_space<vmem_shared>>)
      tpu.yield
    }) : () -> ()
    %barrier3A_168 = arith.constant 0 : index
    tpu.barrier barrier_id(%barrier3A_168)
    %mul3A_169 = arith.constant 12000 : i32
    %mul3A_170 = arith.muli %mul3A_29, %mul3A_169 : i32
    %dma_start3A_171 = arith.constant 0 : i32
    %dma_start3A_172 = tpu.memref_slice %arg8[%dma_start3A_171] : memref<24000xi32, #tpu.memory_space<vmem>> -> memref<12000xi32, #tpu.memory_space<vmem>>
    %dma_start3A_173 = tpu.memref_slice %arg3[%mul3A_170] : memref<960000xi32, #tpu.memory_space<hbm>> -> memref<12000xi32, #tpu.memory_space<hbm>>
    %dma_start3A_174 = arith.constant 0 : i32
    %dma_start3A_175 = tpu.memref_slice %arg8[%dma_start3A_174] : memref<24000xi32, #tpu.memory_space<vmem>> -> memref<12000xi32, #tpu.memory_space<vmem>>
    %dma_start3A_176 = tpu.memref_slice %arg3[%mul3A_170] : memref<960000xi32, #tpu.memory_space<hbm>> -> memref<12000xi32, #tpu.memory_space<hbm>>
    tpu.enqueue_dma source(%dma_start3A_176 : memref<12000xi32, #tpu.memory_space<hbm>>) target(%dma_start3A_175 : memref<12000xi32, #tpu.memory_space<vmem>>) target_semaphore(%arg10 : memref<!tpu.dma_semaphore, #tpu.memory_space<semaphore_mem>>)
    %mul3A_177 = arith.constant 10000 : i32
    %mul3A_178 = arith.muli %mul3A_39, %mul3A_177 : i32
    "tpu.region"() ({
      %run_scoped3A = tpu.sem_alloc : memref<!tpu.dma_semaphore, #tpu.memory_space<semaphore_mem>>
      %dma_start3A_272 = tpu.memref_slice %arg9[%mul3A_178] : memref<160000xf32, #tpu.memory_space<vmem_shared>> -> memref<40000xf32, #tpu.memory_space<vmem_shared>>
      %dma_start3A_273 = tpu.memref_slice %arg9[%mul3A_178] : memref<160000xf32, #tpu.memory_space<vmem_shared>> -> memref<40000xf32, #tpu.memory_space<vmem_shared>>
      tpu.enqueue_dma source(%dma_start3A_273 : memref<40000xf32, #tpu.memory_space<vmem_shared>>) target(%arg6 : memref<40000xf32, #tpu.memory_space<vmem>>) target_semaphore(%run_scoped3A : memref<!tpu.dma_semaphore, #tpu.memory_space<semaphore_mem>>)
      %dma_wait3A = tpu.memref_slice %arg9[%mul3A_178] : memref<160000xf32, #tpu.memory_space<vmem_shared>> -> memref<40000xf32, #tpu.memory_space<vmem_shared>>
      %dma_wait3A_274 = tpu.memref_slice %arg9[%mul3A_178] : memref<160000xf32, #tpu.memory_space<vmem_shared>> -> memref<40000xf32, #tpu.memory_space<vmem_shared>>
      tpu.wait_dma2 semaphore(%run_scoped3A : memref<!tpu.dma_semaphore, #tpu.memory_space<semaphore_mem>>) src(%dma_wait3A_274 : memref<40000xf32, #tpu.memory_space<vmem_shared>>) dst(%arg6 : memref<40000xf32, #tpu.memory_space<vmem>>)
      tpu.yield
    }) : () -> ()
    %broadcast_in_dim3A_179 = arith.constant 0.000000e+00 : f32
    %broadcast_in_dim3A_180 = vector.broadcast %broadcast_in_dim3A_179 : f32 to vector<16xf32>
    %parallel_loop3A_181 = arith.constant 0 : i32
    %parallel_loop3A_182 = arith.constant 2500 : i32
    %parallel_loop3A_183 = arith.constant 1 : i32
    scf.for %parallel_loop3A_272 = %parallel_loop3A_181 to %parallel_loop3A_182 step %parallel_loop3A_183  : i32 {
      %parallel_loop3A_273 = arith.constant 16 : i32
      %parallel_loop3A_274 = arith.muli %parallel_loop3A_272, %parallel_loop3A_273 : i32
      %parallel_loop3A_275 = arith.index_cast %parallel_loop3A_274 : i32 to index
      %parallel_loop3A_276 = tpu.vector_load %arg7[%parallel_loop3A_275] {strides = array<i32>} : memref<40000xf32, #tpu.memory_space<vmem>>, vector<16xf32>,
      tpu.vector_store %arg7[%parallel_loop3A_275], %broadcast_in_dim3A_180 {strides = array<i32>} : memref<40000xf32, #tpu.memory_space<vmem>>, vector<16xf32>,
    } {sc.loop_unroll_factor = 8 : i64, sc.parallel_access}
    %scan3A_184 = arith.constant 0 : i32
    %scan3A_185 = arith.constant 0 : i32
    %scan3A_186 = arith.constant 10 : i32
    %scan3A_187 = arith.addi %scan3A_185, %scan3A_186 : i32
    %scan3A_188 = arith.constant 1 : i32
    %scan3A_189 = scf.for %scan3A_272 = %scan3A_185 to %scan3A_187 step %scan3A_188 iter_args(%scan3A_273 = %scan3A_184) -> (i32)  : i32 {
      %mul3A_274 = arith.constant 2 : i32
      %mul3A_275 = arith.muli %scan3A_272, %mul3A_274 : i32
      %add3A_276 = arith.constant 0 : i32
      %add3A_277 = arith.addi %mul3A_275, %add3A_276 : i32
      %add3A_278 = arith.addi %mul3A_29, %add3A_277 : i32
      %mul3A_279 = arith.constant 12000 : i32
      %mul3A_280 = arith.muli %add3A_278, %mul3A_279 : i32
      %dma_wait3A = arith.constant 0 : i32
      %dma_wait3A_281 = tpu.memref_slice %arg8[%dma_wait3A] : memref<24000xi32, #tpu.memory_space<vmem>> -> memref<12000xi32, #tpu.memory_space<vmem>>
      %dma_wait3A_282 = tpu.memref_slice %arg3[%mul3A_280] : memref<960000xi32, #tpu.memory_space<hbm>> -> memref<12000xi32, #tpu.memory_space<hbm>>
      %dma_wait3A_283 = arith.constant 0 : i32
      %dma_wait3A_284 = tpu.memref_slice %arg8[%dma_wait3A_283] : memref<24000xi32, #tpu.memory_space<vmem>> -> memref<12000xi32, #tpu.memory_space<vmem>>
      %dma_wait3A_285 = tpu.memref_slice %arg3[%mul3A_280] : memref<960000xi32, #tpu.memory_space<hbm>> -> memref<12000xi32, #tpu.memory_space<hbm>>
      tpu.wait_dma2 semaphore(%arg10 : memref<!tpu.dma_semaphore, #tpu.memory_space<semaphore_mem>>) src(%dma_wait3A_285 : memref<12000xi32, #tpu.memory_space<hbm>>) dst(%dma_wait3A_284 : memref<12000xi32, #tpu.memory_space<vmem>>)
      %add3A_286 = arith.constant 1 : i32
      %add3A_287 = arith.addi %add3A_277, %add3A_286 : i32
      %lt3A_288 = arith.constant 20 : i32
      %lt3A_289 = arith.cmpi slt, %add3A_287, %lt3A_288 : i32
      %convert_element_type3A = arith.extui %lt3A_289 : i1 to i32
      %cond3A = arith.constant 0 : i32
      %cond3A_290 = arith.cmpi ne, %convert_element_type3A, %cond3A : i32
      scf.if %cond3A_290 {
        %add3A_318 = arith.addi %mul3A_29, %add3A_277 : i32
        %add3A_319 = arith.constant 1 : i32
        %add3A_320 = arith.addi %add3A_318, %add3A_319 : i32
        %mul3A_321 = arith.constant 12000 : i32
        %mul3A_322 = arith.muli %add3A_320, %mul3A_321 : i32
        %dma_start3A_323 = arith.constant 12000 : i32
        %dma_start3A_324 = tpu.memref_slice %arg8[%dma_start3A_323] : memref<24000xi32, #tpu.memory_space<vmem>> -> memref<12000xi32, #tpu.memory_space<vmem>>
        %dma_start3A_325 = tpu.memref_slice %arg3[%mul3A_322] : memref<960000xi32, #tpu.memory_space<hbm>> -> memref<12000xi32, #tpu.memory_space<hbm>>
        %dma_start3A_326 = arith.constant 12000 : i32
        %dma_start3A_327 = tpu.memref_slice %arg8[%dma_start3A_326] : memref<24000xi32, #tpu.memory_space<vmem>> -> memref<12000xi32, #tpu.memory_space<vmem>>
        %dma_start3A_328 = tpu.memref_slice %arg3[%mul3A_322] : memref<960000xi32, #tpu.memory_space<hbm>> -> memref<12000xi32, #tpu.memory_space<hbm>>
        tpu.enqueue_dma source(%dma_start3A_328 : memref<12000xi32, #tpu.memory_space<hbm>>) target(%dma_start3A_327 : memref<12000xi32, #tpu.memory_space<vmem>>) target_semaphore(%arg11 : memref<!tpu.dma_semaphore, #tpu.memory_space<semaphore_mem>>)
      } else {
      }
      %parallel_loop3A_291 = arith.constant 0 : i32
      %parallel_loop3A_292 = arith.constant 250 : i32
      %parallel_loop3A_293 = arith.constant 1 : i32
      scf.for %parallel_loop3A_318 = %parallel_loop3A_291 to %parallel_loop3A_292 step %parallel_loop3A_293  : i32 {
        %parallel_loop3A_319 = arith.constant 16 : i32
        %parallel_loop3A_320 = arith.muli %parallel_loop3A_318, %parallel_loop3A_319 : i32
        %parallel_loop3A_321 = arith.constant 0 : i32
        %parallel_loop3A_322 = arith.addi %parallel_loop3A_321, %parallel_loop3A_320 : i32
        %parallel_loop3A_323 = arith.index_cast %parallel_loop3A_322 : i32 to index
        %parallel_loop3A_324 = tpu.vector_load %arg8[%parallel_loop3A_323] {strides = array<i32>} : memref<24000xi32, #tpu.memory_space<vmem>>, vector<16xi32>,
        %parallel_loop3A_325 = arith.constant 4000 : i32
        %parallel_loop3A_326 = arith.addi %parallel_loop3A_322, %parallel_loop3A_325 : i32
        %parallel_loop3A_327 = arith.index_cast %parallel_loop3A_326 : i32 to index
        %parallel_loop3A_328 = tpu.vector_load %arg8[%parallel_loop3A_327] {strides = array<i32>} : memref<24000xi32, #tpu.memory_space<vmem>>, vector<16xi32>,
        %parallel_loop3A_329 = arith.constant 8000 : i32
        %parallel_loop3A_330 = arith.addi %parallel_loop3A_322, %parallel_loop3A_329 : i32
        %parallel_loop3A_331 = arith.index_cast %parallel_loop3A_330 : i32 to index
        %parallel_loop3A_332 = tpu.vector_load %arg8[%parallel_loop3A_331] {strides = array<i32>} : memref<24000xi32, #tpu.memory_space<vmem>>, vector<16xi32>,
        %parallel_loop3A_333 = vector.bitcast %parallel_loop3A_332 : vector<16xi32> to vector<16xf32>
        %parallel_loop3A_334 = arith.constant 0 : i32
        %parallel_loop3A_335 = vector.broadcast %parallel_loop3A_334 : i32 to vector<16xi32>
        %parallel_loop3A_336 = arith.addi %parallel_loop3A_324, %parallel_loop3A_335 : vector<16xi32>
        %parallel_loop3A_337 = tpu.vector_load_idx %arg6[%parallel_loop3A_336] : memref<40000xf32, #tpu.memory_space<vmem>>[vector<16xi32>], vector<16xf32>,
        %parallel_loop3A_338 = arith.constant 0 : i32
        %parallel_loop3A_339 = vector.broadcast %parallel_loop3A_338 : i32 to vector<16xi32>
        %parallel_loop3A_340 = arith.addi %parallel_loop3A_328, %parallel_loop3A_339 : vector<16xi32>
        %parallel_loop3A_341 = arith.mulf %parallel_loop3A_337, %parallel_loop3A_333 : vector<16xf32>
        tpu.vector_store_idx %arg7[%parallel_loop3A_340], %parallel_loop3A_341 {add = true} : memref<40000xf32, #tpu.memory_space<vmem>>[vector<16xi32>], vector<16xf32>,
        %parallel_loop3A_342 = arith.constant 10000 : i32
        %parallel_loop3A_343 = vector.broadcast %parallel_loop3A_342 : i32 to vector<16xi32>
        %parallel_loop3A_344 = arith.addi %parallel_loop3A_324, %parallel_loop3A_343 : vector<16xi32>
        %parallel_loop3A_345 = tpu.vector_load_idx %arg6[%parallel_loop3A_344] : memref<40000xf32, #tpu.memory_space<vmem>>[vector<16xi32>], vector<16xf32>,
        %parallel_loop3A_346 = arith.constant 10000 : i32
        %parallel_loop3A_347 = vector.broadcast %parallel_loop3A_346 : i32 to vector<16xi32>
        %parallel_loop3A_348 = arith.addi %parallel_loop3A_328, %parallel_loop3A_347 : vector<16xi32>
        %parallel_loop3A_349 = arith.mulf %parallel_loop3A_345, %parallel_loop3A_333 : vector<16xf32>
        tpu.vector_store_idx %arg7[%parallel_loop3A_348], %parallel_loop3A_349 {add = true} : memref<40000xf32, #tpu.memory_space<vmem>>[vector<16xi32>], vector<16xf32>,
        %parallel_loop3A_350 = arith.constant 20000 : i32
        %parallel_loop3A_351 = vector.broadcast %parallel_loop3A_350 : i32 to vector<16xi32>
        %parallel_loop3A_352 = arith.addi %parallel_loop3A_324, %parallel_loop3A_351 : vector<16xi32>
        %parallel_loop3A_353 = tpu.vector_load_idx %arg6[%parallel_loop3A_352] : memref<40000xf32, #tpu.memory_space<vmem>>[vector<16xi32>], vector<16xf32>,
        %parallel_loop3A_354 = arith.constant 20000 : i32
        %parallel_loop3A_355 = vector.broadcast %parallel_loop3A_354 : i32 to vector<16xi32>
        %parallel_loop3A_356 = arith.addi %parallel_loop3A_328, %parallel_loop3A_355 : vector<16xi32>
        %parallel_loop3A_357 = arith.mulf %parallel_loop3A_353, %parallel_loop3A_333 : vector<16xf32>
        tpu.vector_store_idx %arg7[%parallel_loop3A_356], %parallel_loop3A_357 {add = true} : memref<40000xf32, #tpu.memory_space<vmem>>[vector<16xi32>], vector<16xf32>,
        %parallel_loop3A_358 = arith.constant 30000 : i32
        %parallel_loop3A_359 = vector.broadcast %parallel_loop3A_358 : i32 to vector<16xi32>
        %parallel_loop3A_360 = arith.addi %parallel_loop3A_324, %parallel_loop3A_359 : vector<16xi32>
        %parallel_loop3A_361 = tpu.vector_load_idx %arg6[%parallel_loop3A_360] : memref<40000xf32, #tpu.memory_space<vmem>>[vector<16xi32>], vector<16xf32>,
        %parallel_loop3A_362 = arith.constant 30000 : i32
        %parallel_loop3A_363 = vector.broadcast %parallel_loop3A_362 : i32 to vector<16xi32>
        %parallel_loop3A_364 = arith.addi %parallel_loop3A_328, %parallel_loop3A_363 : vector<16xi32>
        %parallel_loop3A_365 = arith.mulf %parallel_loop3A_361, %parallel_loop3A_333 : vector<16xf32>
        tpu.vector_store_idx %arg7[%parallel_loop3A_364], %parallel_loop3A_365 {add = true} : memref<40000xf32, #tpu.memory_space<vmem>>[vector<16xi32>], vector<16xf32>,
      } {sc.loop_unroll_factor = 8 : i64, sc.parallel_access}
      %mul3A_294 = arith.constant 2 : i32
      %mul3A_295 = arith.muli %scan3A_272, %mul3A_294 : i32
      %add3A_296 = arith.constant 1 : i32
      %add3A_297 = arith.addi %mul3A_295, %add3A_296 : i32
      %add3A_298 = arith.addi %mul3A_29, %add3A_297 : i32
      %mul3A_299 = arith.constant 12000 : i32
      %mul3A_300 = arith.muli %add3A_298, %mul3A_299 : i32
      %dma_wait3A_301 = arith.constant 12000 : i32
      %dma_wait3A_302 = tpu.memref_slice %arg8[%dma_wait3A_301] : memref<24000xi32, #tpu.memory_space<vmem>> -> memref<12000xi32, #tpu.memory_space<vmem>>
      %dma_wait3A_303 = tpu.memref_slice %arg3[%mul3A_300] : memref<960000xi32, #tpu.memory_space<hbm>> -> memref<12000xi32, #tpu.memory_space<hbm>>
      %dma_wait3A_304 = arith.constant 12000 : i32
      %dma_wait3A_305 = tpu.memref_slice %arg8[%dma_wait3A_304] : memref<24000xi32, #tpu.memory_space<vmem>> -> memref<12000xi32, #tpu.memory_space<vmem>>
      %dma_wait3A_306 = tpu.memref_slice %arg3[%mul3A_300] : memref<960000xi32, #tpu.memory_space<hbm>> -> memref<12000xi32, #tpu.memory_space<hbm>>
      tpu.wait_dma2 semaphore(%arg11 : memref<!tpu.dma_semaphore, #tpu.memory_space<semaphore_mem>>) src(%dma_wait3A_306 : memref<12000xi32, #tpu.memory_space<hbm>>) dst(%dma_wait3A_305 : memref<12000xi32, #tpu.memory_space<vmem>>)
      %add3A_307 = arith.constant 1 : i32
      %add3A_308 = arith.addi %add3A_297, %add3A_307 : i32
      %lt3A_309 = arith.constant 20 : i32
      %lt3A_310 = arith.cmpi slt, %add3A_308, %lt3A_309 : i32
      %convert_element_type3A_311 = arith.extui %lt3A_310 : i1 to i32
      %cond3A_312 = arith.constant 0 : i32
      %cond3A_313 = arith.cmpi ne, %convert_element_type3A_311, %cond3A_312 : i32
      scf.if %cond3A_313 {
        %add3A_318 = arith.addi %mul3A_29, %add3A_297 : i32
        %add3A_319 = arith.constant 1 : i32
        %add3A_320 = arith.addi %add3A_318, %add3A_319 : i32
        %mul3A_321 = arith.constant 12000 : i32
        %mul3A_322 = arith.muli %add3A_320, %mul3A_321 : i32
        %dma_start3A_323 = arith.constant 0 : i32
        %dma_start3A_324 = tpu.memref_slice %arg8[%dma_start3A_323] : memref<24000xi32, #tpu.memory_space<vmem>> -> memref<12000xi32, #tpu.memory_space<vmem>>
        %dma_start3A_325 = tpu.memref_slice %arg3[%mul3A_322] : memref<960000xi32, #tpu.memory_space<hbm>> -> memref<12000xi32, #tpu.memory_space<hbm>>
        %dma_start3A_326 = arith.constant 0 : i32
        %dma_start3A_327 = tpu.memref_slice %arg8[%dma_start3A_326] : memref<24000xi32, #tpu.memory_space<vmem>> -> memref<12000xi32, #tpu.memory_space<vmem>>
        %dma_start3A_328 = tpu.memref_slice %arg3[%mul3A_322] : memref<960000xi32, #tpu.memory_space<hbm>> -> memref<12000xi32, #tpu.memory_space<hbm>>
        tpu.enqueue_dma source(%dma_start3A_328 : memref<12000xi32, #tpu.memory_space<hbm>>) target(%dma_start3A_327 : memref<12000xi32, #tpu.memory_space<vmem>>) target_semaphore(%arg10 : memref<!tpu.dma_semaphore, #tpu.memory_space<semaphore_mem>>)
      } else {
      }
      %parallel_loop3A_314 = arith.constant 0 : i32
      %parallel_loop3A_315 = arith.constant 250 : i32
      %parallel_loop3A_316 = arith.constant 1 : i32
      scf.for %parallel_loop3A_318 = %parallel_loop3A_314 to %parallel_loop3A_315 step %parallel_loop3A_316  : i32 {
        %parallel_loop3A_319 = arith.constant 16 : i32
        %parallel_loop3A_320 = arith.muli %parallel_loop3A_318, %parallel_loop3A_319 : i32
        %parallel_loop3A_321 = arith.constant 12000 : i32
        %parallel_loop3A_322 = arith.addi %parallel_loop3A_321, %parallel_loop3A_320 : i32
        %parallel_loop3A_323 = arith.index_cast %parallel_loop3A_322 : i32 to index
        %parallel_loop3A_324 = tpu.vector_load %arg8[%parallel_loop3A_323] {strides = array<i32>} : memref<24000xi32, #tpu.memory_space<vmem>>, vector<16xi32>,
        %parallel_loop3A_325 = arith.constant 4000 : i32
        %parallel_loop3A_326 = arith.addi %parallel_loop3A_322, %parallel_loop3A_325 : i32
        %parallel_loop3A_327 = arith.index_cast %parallel_loop3A_326 : i32 to index
        %parallel_loop3A_328 = tpu.vector_load %arg8[%parallel_loop3A_327] {strides = array<i32>} : memref<24000xi32, #tpu.memory_space<vmem>>, vector<16xi32>,
        %parallel_loop3A_329 = arith.constant 8000 : i32
        %parallel_loop3A_330 = arith.addi %parallel_loop3A_322, %parallel_loop3A_329 : i32
        %parallel_loop3A_331 = arith.index_cast %parallel_loop3A_330 : i32 to index
        %parallel_loop3A_332 = tpu.vector_load %arg8[%parallel_loop3A_331] {strides = array<i32>} : memref<24000xi32, #tpu.memory_space<vmem>>, vector<16xi32>,
        %parallel_loop3A_333 = vector.bitcast %parallel_loop3A_332 : vector<16xi32> to vector<16xf32>
        %parallel_loop3A_334 = arith.constant 0 : i32
        %parallel_loop3A_335 = vector.broadcast %parallel_loop3A_334 : i32 to vector<16xi32>
        %parallel_loop3A_336 = arith.addi %parallel_loop3A_324, %parallel_loop3A_335 : vector<16xi32>
        %parallel_loop3A_337 = tpu.vector_load_idx %arg6[%parallel_loop3A_336] : memref<40000xf32, #tpu.memory_space<vmem>>[vector<16xi32>], vector<16xf32>,
        %parallel_loop3A_338 = arith.constant 0 : i32
        %parallel_loop3A_339 = vector.broadcast %parallel_loop3A_338 : i32 to vector<16xi32>
        %parallel_loop3A_340 = arith.addi %parallel_loop3A_328, %parallel_loop3A_339 : vector<16xi32>
        %parallel_loop3A_341 = arith.mulf %parallel_loop3A_337, %parallel_loop3A_333 : vector<16xf32>
        tpu.vector_store_idx %arg7[%parallel_loop3A_340], %parallel_loop3A_341 {add = true} : memref<40000xf32, #tpu.memory_space<vmem>>[vector<16xi32>], vector<16xf32>,
        %parallel_loop3A_342 = arith.constant 10000 : i32
        %parallel_loop3A_343 = vector.broadcast %parallel_loop3A_342 : i32 to vector<16xi32>
        %parallel_loop3A_344 = arith.addi %parallel_loop3A_324, %parallel_loop3A_343 : vector<16xi32>
        %parallel_loop3A_345 = tpu.vector_load_idx %arg6[%parallel_loop3A_344] : memref<40000xf32, #tpu.memory_space<vmem>>[vector<16xi32>], vector<16xf32>,
        %parallel_loop3A_346 = arith.constant 10000 : i32
        %parallel_loop3A_347 = vector.broadcast %parallel_loop3A_346 : i32 to vector<16xi32>
        %parallel_loop3A_348 = arith.addi %parallel_loop3A_328, %parallel_loop3A_347 : vector<16xi32>
        %parallel_loop3A_349 = arith.mulf %parallel_loop3A_345, %parallel_loop3A_333 : vector<16xf32>
        tpu.vector_store_idx %arg7[%parallel_loop3A_348], %parallel_loop3A_349 {add = true} : memref<40000xf32, #tpu.memory_space<vmem>>[vector<16xi32>], vector<16xf32>,
        %parallel_loop3A_350 = arith.constant 20000 : i32
        %parallel_loop3A_351 = vector.broadcast %parallel_loop3A_350 : i32 to vector<16xi32>
        %parallel_loop3A_352 = arith.addi %parallel_loop3A_324, %parallel_loop3A_351 : vector<16xi32>
        %parallel_loop3A_353 = tpu.vector_load_idx %arg6[%parallel_loop3A_352] : memref<40000xf32, #tpu.memory_space<vmem>>[vector<16xi32>], vector<16xf32>,
        %parallel_loop3A_354 = arith.constant 20000 : i32
        %parallel_loop3A_355 = vector.broadcast %parallel_loop3A_354 : i32 to vector<16xi32>
        %parallel_loop3A_356 = arith.addi %parallel_loop3A_328, %parallel_loop3A_355 : vector<16xi32>
        %parallel_loop3A_357 = arith.mulf %parallel_loop3A_353, %parallel_loop3A_333 : vector<16xf32>
        tpu.vector_store_idx %arg7[%parallel_loop3A_356], %parallel_loop3A_357 {add = true} : memref<40000xf32, #tpu.memory_space<vmem>>[vector<16xi32>], vector<16xf32>,
        %parallel_loop3A_358 = arith.constant 30000 : i32
        %parallel_loop3A_359 = vector.broadcast %parallel_loop3A_358 : i32 to vector<16xi32>
        %parallel_loop3A_360 = arith.addi %parallel_loop3A_324, %parallel_loop3A_359 : vector<16xi32>
        %parallel_loop3A_361 = tpu.vector_load_idx %arg6[%parallel_loop3A_360] : memref<40000xf32, #tpu.memory_space<vmem>>[vector<16xi32>], vector<16xf32>,
        %parallel_loop3A_362 = arith.constant 30000 : i32
        %parallel_loop3A_363 = vector.broadcast %parallel_loop3A_362 : i32 to vector<16xi32>
        %parallel_loop3A_364 = arith.addi %parallel_loop3A_328, %parallel_loop3A_363 : vector<16xi32>
        %parallel_loop3A_365 = arith.mulf %parallel_loop3A_361, %parallel_loop3A_333 : vector<16xf32>
        tpu.vector_store_idx %arg7[%parallel_loop3A_364], %parallel_loop3A_365 {add = true} : memref<40000xf32, #tpu.memory_space<vmem>>[vector<16xi32>], vector<16xf32>,
      } {sc.loop_unroll_factor = 8 : i64, sc.parallel_access}
      %scan3A_317 = arith.constant 0 : i32
      scf.yield %scan3A_317 : i32
    }
    %scan3A_190 = arith.constant 10 : i32
    "tpu.region"() ({
      %run_scoped3A = tpu.sem_alloc : memref<!tpu.dma_semaphore, #tpu.memory_space<semaphore_mem>>
      %dma_start3A_272 = tpu.memref_slice %arg5[%add3A_44] : memref<1280000xf32, #tpu.memory_space<hbm>> -> memref<40000xf32, #tpu.memory_space<hbm>>
      %dma_start3A_273 = tpu.memref_slice %arg5[%add3A_44] : memref<1280000xf32, #tpu.memory_space<hbm>> -> memref<40000xf32, #tpu.memory_space<hbm>>
      tpu.enqueue_dma source(%arg7 : memref<40000xf32, #tpu.memory_space<vmem>>) target(%dma_start3A_273 : memref<40000xf32, #tpu.memory_space<hbm>>) target_semaphore(%run_scoped3A : memref<!tpu.dma_semaphore, #tpu.memory_space<semaphore_mem>>)
      %dma_wait3A = tpu.memref_slice %arg5[%add3A_44] : memref<1280000xf32, #tpu.memory_space<hbm>> -> memref<40000xf32, #tpu.memory_space<hbm>>
      %dma_wait3A_274 = tpu.memref_slice %arg5[%add3A_44] : memref<1280000xf32, #tpu.memory_space<hbm>> -> memref<40000xf32, #tpu.memory_space<hbm>>
      tpu.wait_dma2 semaphore(%run_scoped3A : memref<!tpu.dma_semaphore, #tpu.memory_space<semaphore_mem>>) src(%arg7 : memref<40000xf32, #tpu.memory_space<vmem>>) dst(%dma_wait3A_274 : memref<40000xf32, #tpu.memory_space<hbm>>)
      tpu.yield
    }) : () -> ()
    %barrier3A_191 = arith.constant 0 : index
    tpu.barrier barrier_id(%barrier3A_191)
    %mul3A_192 = arith.constant 10000 : i32
    %mul3A_193 = arith.muli %add3A_32, %mul3A_192 : i32
    %add3A_194 = arith.constant 0 : i32
    %add3A_195 = arith.addi %add3A_194, %mul3A_193 : i32
    "tpu.region"() ({
      %run_scoped3A = tpu.sem_alloc : memref<!tpu.dma_semaphore, #tpu.memory_space<semaphore_mem>>
      %dma_start3A_272 = arith.constant 0 : i32
      %dma_start3A_273 = tpu.memref_slice %arg6[%dma_start3A_272] : memref<40000xf32, #tpu.memory_space<vmem>> -> memref<10000xf32, #tpu.memory_space<vmem>>
      %dma_start3A_274 = tpu.memref_slice %arg5[%add3A_195] : memref<1280000xf32, #tpu.memory_space<hbm>> -> memref<10000xf32, #tpu.memory_space<hbm>>
      %dma_start3A_275 = arith.constant 0 : i32
      %dma_start3A_276 = tpu.memref_slice %arg6[%dma_start3A_275] : memref<40000xf32, #tpu.memory_space<vmem>> -> memref<10000xf32, #tpu.memory_space<vmem>>
      %dma_start3A_277 = tpu.memref_slice %arg5[%add3A_195] : memref<1280000xf32, #tpu.memory_space<hbm>> -> memref<10000xf32, #tpu.memory_space<hbm>>
      tpu.enqueue_dma source(%dma_start3A_277 : memref<10000xf32, #tpu.memory_space<hbm>>) target(%dma_start3A_276 : memref<10000xf32, #tpu.memory_space<vmem>>) target_semaphore(%run_scoped3A : memref<!tpu.dma_semaphore, #tpu.memory_space<semaphore_mem>>)
      %dma_wait3A = arith.constant 0 : i32
      %dma_wait3A_278 = tpu.memref_slice %arg6[%dma_wait3A] : memref<40000xf32, #tpu.memory_space<vmem>> -> memref<10000xf32, #tpu.memory_space<vmem>>
      %dma_wait3A_279 = tpu.memref_slice %arg5[%add3A_195] : memref<1280000xf32, #tpu.memory_space<hbm>> -> memref<10000xf32, #tpu.memory_space<hbm>>
      %dma_wait3A_280 = arith.constant 0 : i32
      %dma_wait3A_281 = tpu.memref_slice %arg6[%dma_wait3A_280] : memref<40000xf32, #tpu.memory_space<vmem>> -> memref<10000xf32, #tpu.memory_space<vmem>>
      %dma_wait3A_282 = tpu.memref_slice %arg5[%add3A_195] : memref<1280000xf32, #tpu.memory_space<hbm>> -> memref<10000xf32, #tpu.memory_space<hbm>>
      tpu.wait_dma2 semaphore(%run_scoped3A : memref<!tpu.dma_semaphore, #tpu.memory_space<semaphore_mem>>) src(%dma_wait3A_282 : memref<10000xf32, #tpu.memory_space<hbm>>) dst(%dma_wait3A_281 : memref<10000xf32, #tpu.memory_space<vmem>>)
      tpu.yield
    }) : () -> ()
    %mul3A_196 = arith.constant 10000 : i32
    %mul3A_197 = arith.muli %add3A_32, %mul3A_196 : i32
    %add3A_198 = arith.constant 320000 : i32
    %add3A_199 = arith.addi %add3A_198, %mul3A_197 : i32
    "tpu.region"() ({
      %run_scoped3A = tpu.sem_alloc : memref<!tpu.dma_semaphore, #tpu.memory_space<semaphore_mem>>
      %dma_start3A_272 = arith.constant 10000 : i32
      %dma_start3A_273 = tpu.memref_slice %arg6[%dma_start3A_272] : memref<40000xf32, #tpu.memory_space<vmem>> -> memref<10000xf32, #tpu.memory_space<vmem>>
      %dma_start3A_274 = tpu.memref_slice %arg5[%add3A_199] : memref<1280000xf32, #tpu.memory_space<hbm>> -> memref<10000xf32, #tpu.memory_space<hbm>>
      %dma_start3A_275 = arith.constant 10000 : i32
      %dma_start3A_276 = tpu.memref_slice %arg6[%dma_start3A_275] : memref<40000xf32, #tpu.memory_space<vmem>> -> memref<10000xf32, #tpu.memory_space<vmem>>
      %dma_start3A_277 = tpu.memref_slice %arg5[%add3A_199] : memref<1280000xf32, #tpu.memory_space<hbm>> -> memref<10000xf32, #tpu.memory_space<hbm>>
      tpu.enqueue_dma source(%dma_start3A_277 : memref<10000xf32, #tpu.memory_space<hbm>>) target(%dma_start3A_276 : memref<10000xf32, #tpu.memory_space<vmem>>) target_semaphore(%run_scoped3A : memref<!tpu.dma_semaphore, #tpu.memory_space<semaphore_mem>>)
      %dma_wait3A = arith.constant 10000 : i32
      %dma_wait3A_278 = tpu.memref_slice %arg6[%dma_wait3A] : memref<40000xf32, #tpu.memory_space<vmem>> -> memref<10000xf32, #tpu.memory_space<vmem>>
      %dma_wait3A_279 = tpu.memref_slice %arg5[%add3A_199] : memref<1280000xf32, #tpu.memory_space<hbm>> -> memref<10000xf32, #tpu.memory_space<hbm>>
      %dma_wait3A_280 = arith.constant 10000 : i32
      %dma_wait3A_281 = tpu.memref_slice %arg6[%dma_wait3A_280] : memref<40000xf32, #tpu.memory_space<vmem>> -> memref<10000xf32, #tpu.memory_space<vmem>>
      %dma_wait3A_282 = tpu.memref_slice %arg5[%add3A_199] : memref<1280000xf32, #tpu.memory_space<hbm>> -> memref<10000xf32, #tpu.memory_space<hbm>>
      tpu.wait_dma2 semaphore(%run_scoped3A : memref<!tpu.dma_semaphore, #tpu.memory_space<semaphore_mem>>) src(%dma_wait3A_282 : memref<10000xf32, #tpu.memory_space<hbm>>) dst(%dma_wait3A_281 : memref<10000xf32, #tpu.memory_space<vmem>>)
      tpu.yield
    }) : () -> ()
    %mul3A_200 = arith.constant 10000 : i32
    %mul3A_201 = arith.muli %add3A_32, %mul3A_200 : i32
    %add3A_202 = arith.constant 640000 : i32
    %add3A_203 = arith.addi %add3A_202, %mul3A_201 : i32
    "tpu.region"() ({
      %run_scoped3A = tpu.sem_alloc : memref<!tpu.dma_semaphore, #tpu.memory_space<semaphore_mem>>
      %dma_start3A_272 = arith.constant 20000 : i32
      %dma_start3A_273 = tpu.memref_slice %arg6[%dma_start3A_272] : memref<40000xf32, #tpu.memory_space<vmem>> -> memref<10000xf32, #tpu.memory_space<vmem>>
      %dma_start3A_274 = tpu.memref_slice %arg5[%add3A_203] : memref<1280000xf32, #tpu.memory_space<hbm>> -> memref<10000xf32, #tpu.memory_space<hbm>>
      %dma_start3A_275 = arith.constant 20000 : i32
      %dma_start3A_276 = tpu.memref_slice %arg6[%dma_start3A_275] : memref<40000xf32, #tpu.memory_space<vmem>> -> memref<10000xf32, #tpu.memory_space<vmem>>
      %dma_start3A_277 = tpu.memref_slice %arg5[%add3A_203] : memref<1280000xf32, #tpu.memory_space<hbm>> -> memref<10000xf32, #tpu.memory_space<hbm>>
      tpu.enqueue_dma source(%dma_start3A_277 : memref<10000xf32, #tpu.memory_space<hbm>>) target(%dma_start3A_276 : memref<10000xf32, #tpu.memory_space<vmem>>) target_semaphore(%run_scoped3A : memref<!tpu.dma_semaphore, #tpu.memory_space<semaphore_mem>>)
      %dma_wait3A = arith.constant 20000 : i32
      %dma_wait3A_278 = tpu.memref_slice %arg6[%dma_wait3A] : memref<40000xf32, #tpu.memory_space<vmem>> -> memref<10000xf32, #tpu.memory_space<vmem>>
      %dma_wait3A_279 = tpu.memref_slice %arg5[%add3A_203] : memref<1280000xf32, #tpu.memory_space<hbm>> -> memref<10000xf32, #tpu.memory_space<hbm>>
      %dma_wait3A_280 = arith.constant 20000 : i32
      %dma_wait3A_281 = tpu.memref_slice %arg6[%dma_wait3A_280] : memref<40000xf32, #tpu.memory_space<vmem>> -> memref<10000xf32, #tpu.memory_space<vmem>>
      %dma_wait3A_282 = tpu.memref_slice %arg5[%add3A_203] : memref<1280000xf32, #tpu.memory_space<hbm>> -> memref<10000xf32, #tpu.memory_space<hbm>>
      tpu.wait_dma2 semaphore(%run_scoped3A : memref<!tpu.dma_semaphore, #tpu.memory_space<semaphore_mem>>) src(%dma_wait3A_282 : memref<10000xf32, #tpu.memory_space<hbm>>) dst(%dma_wait3A_281 : memref<10000xf32, #tpu.memory_space<vmem>>)
      tpu.yield
    }) : () -> ()
    %mul3A_204 = arith.constant 10000 : i32
    %mul3A_205 = arith.muli %add3A_32, %mul3A_204 : i32
    %add3A_206 = arith.constant 960000 : i32
    %add3A_207 = arith.addi %add3A_206, %mul3A_205 : i32
    "tpu.region"() ({
      %run_scoped3A = tpu.sem_alloc : memref<!tpu.dma_semaphore, #tpu.memory_space<semaphore_mem>>
      %dma_start3A_272 = arith.constant 30000 : i32
      %dma_start3A_273 = tpu.memref_slice %arg6[%dma_start3A_272] : memref<40000xf32, #tpu.memory_space<vmem>> -> memref<10000xf32, #tpu.memory_space<vmem>>
      %dma_start3A_274 = tpu.memref_slice %arg5[%add3A_207] : memref<1280000xf32, #tpu.memory_space<hbm>> -> memref<10000xf32, #tpu.memory_space<hbm>>
      %dma_start3A_275 = arith.constant 30000 : i32
      %dma_start3A_276 = tpu.memref_slice %arg6[%dma_start3A_275] : memref<40000xf32, #tpu.memory_space<vmem>> -> memref<10000xf32, #tpu.memory_space<vmem>>
      %dma_start3A_277 = tpu.memref_slice %arg5[%add3A_207] : memref<1280000xf32, #tpu.memory_space<hbm>> -> memref<10000xf32, #tpu.memory_space<hbm>>
      tpu.enqueue_dma source(%dma_start3A_277 : memref<10000xf32, #tpu.memory_space<hbm>>) target(%dma_start3A_276 : memref<10000xf32, #tpu.memory_space<vmem>>) target_semaphore(%run_scoped3A : memref<!tpu.dma_semaphore, #tpu.memory_space<semaphore_mem>>)
      %dma_wait3A = arith.constant 30000 : i32
      %dma_wait3A_278 = tpu.memref_slice %arg6[%dma_wait3A] : memref<40000xf32, #tpu.memory_space<vmem>> -> memref<10000xf32, #tpu.memory_space<vmem>>
      %dma_wait3A_279 = tpu.memref_slice %arg5[%add3A_207] : memref<1280000xf32, #tpu.memory_space<hbm>> -> memref<10000xf32, #tpu.memory_space<hbm>>
      %dma_wait3A_280 = arith.constant 30000 : i32
      %dma_wait3A_281 = tpu.memref_slice %arg6[%dma_wait3A_280] : memref<40000xf32, #tpu.memory_space<vmem>> -> memref<10000xf32, #tpu.memory_space<vmem>>
      %dma_wait3A_282 = tpu.memref_slice %arg5[%add3A_207] : memref<1280000xf32, #tpu.memory_space<hbm>> -> memref<10000xf32, #tpu.memory_space<hbm>>
      tpu.wait_dma2 semaphore(%run_scoped3A : memref<!tpu.dma_semaphore, #tpu.memory_space<semaphore_mem>>) src(%dma_wait3A_282 : memref<10000xf32, #tpu.memory_space<hbm>>) dst(%dma_wait3A_281 : memref<10000xf32, #tpu.memory_space<vmem>>)
      tpu.yield
    }) : () -> ()
    %scan3A_208 = arith.constant 0 : i32
    %scan3A_209 = arith.constant 0 : i32
    %scan3A_210 = arith.constant 625 : i32
    %scan3A_211 = arith.addi %scan3A_209, %scan3A_210 : i32
    %scan3A_212 = arith.constant 1 : i32
    %scan3A_213 = scf.for %scan3A_272 = %scan3A_209 to %scan3A_211 step %scan3A_212 iter_args(%scan3A_273 = %scan3A_208) -> (i32)  : i32 {
      %mul3A_274 = arith.constant 16 : i32
      %mul3A_275 = arith.muli %scan3A_272, %mul3A_274 : i32
      %get3A = arith.index_cast %mul3A_275 : i32 to index
      %get3A_276 = tpu.vector_load %arg6[%get3A] {strides = array<i32>} : memref<40000xf32, #tpu.memory_space<vmem>>, vector<16xf32>,
      %add3A_277 = arith.constant 10000 : i32
      %add3A_278 = arith.addi %add3A_277, %mul3A_275 : i32
      %get3A_279 = arith.index_cast %add3A_278 : i32 to index
      %get3A_280 = tpu.vector_load %arg6[%get3A_279] {strides = array<i32>} : memref<40000xf32, #tpu.memory_space<vmem>>, vector<16xf32>,
      %add3A_281 = arith.addf %get3A_276, %get3A_280 : vector<16xf32>
      %add3A_282 = arith.constant 20000 : i32
      %add3A_283 = arith.addi %add3A_282, %mul3A_275 : i32
      %get3A_284 = arith.index_cast %add3A_283 : i32 to index
      %get3A_285 = tpu.vector_load %arg6[%get3A_284] {strides = array<i32>} : memref<40000xf32, #tpu.memory_space<vmem>>, vector<16xf32>,
      %add3A_286 = arith.constant 30000 : i32
      %add3A_287 = arith.addi %add3A_286, %mul3A_275 : i32
      %get3A_288 = arith.index_cast %add3A_287 : i32 to index
      %get3A_289 = tpu.vector_load %arg6[%get3A_288] {strides = array<i32>} : memref<40000xf32, #tpu.memory_space<vmem>>, vector<16xf32>,
      %add3A_290 = arith.addf %get3A_285, %get3A_289 : vector<16xf32>
      %add3A_291 = arith.addf %add3A_281, %add3A_290 : vector<16xf32>
      %add3A_292 = arith.constant 0 : i32
      %add3A_293 = arith.addi %add3A_292, %mul3A_275 : i32
      %swap3A = arith.index_cast %add3A_293 : i32 to index
      %swap3A_294 = tpu.vector_load %arg7[%swap3A] {strides = array<i32>} : memref<40000xf32, #tpu.memory_space<vmem>>, vector<16xf32>,
      tpu.vector_store %arg7[%swap3A], %add3A_291 {strides = array<i32>} : memref<40000xf32, #tpu.memory_space<vmem>>, vector<16xf32>,
      %scan3A_295 = arith.constant 0 : i32
      scf.yield %scan3A_295 : i32
    }
    %scan3A_214 = arith.constant 625 : i32
    %add3A_215 = arith.constant 32 : i32
    %add3A_216 = arith.addi %add3A_215, %add3A_32 : i32
    %mul3A_217 = arith.constant 10000 : i32
    %mul3A_218 = arith.muli %add3A_216, %mul3A_217 : i32
    "tpu.region"() ({
      %run_scoped3A = tpu.sem_alloc : memref<!tpu.dma_semaphore, #tpu.memory_space<semaphore_mem>>
      %dma_start3A_272 = arith.constant 0 : i32
      %dma_start3A_273 = tpu.memref_slice %arg7[%dma_start3A_272] : memref<40000xf32, #tpu.memory_space<vmem>> -> memref<10000xf32, #tpu.memory_space<vmem>>
      %dma_start3A_274 = tpu.memref_slice %arg4[%mul3A_218] : memref<960000xf32, #tpu.memory_space<hbm>> -> memref<10000xf32, #tpu.memory_space<hbm>>
      %dma_start3A_275 = tpu.memref_slice %arg4[%mul3A_218] : memref<960000xf32, #tpu.memory_space<hbm>> -> memref<10000xf32, #tpu.memory_space<hbm>>
      %dma_start3A_276 = arith.constant 0 : i32
      %dma_start3A_277 = tpu.memref_slice %arg7[%dma_start3A_276] : memref<40000xf32, #tpu.memory_space<vmem>> -> memref<10000xf32, #tpu.memory_space<vmem>>
      tpu.enqueue_dma source(%dma_start3A_277 : memref<10000xf32, #tpu.memory_space<vmem>>) target(%dma_start3A_275 : memref<10000xf32, #tpu.memory_space<hbm>>) target_semaphore(%run_scoped3A : memref<!tpu.dma_semaphore, #tpu.memory_space<semaphore_mem>>)
      %dma_wait3A = arith.constant 0 : i32
      %dma_wait3A_278 = tpu.memref_slice %arg7[%dma_wait3A] : memref<40000xf32, #tpu.memory_space<vmem>> -> memref<10000xf32, #tpu.memory_space<vmem>>
      %dma_wait3A_279 = tpu.memref_slice %arg4[%mul3A_218] : memref<960000xf32, #tpu.memory_space<hbm>> -> memref<10000xf32, #tpu.memory_space<hbm>>
      %dma_wait3A_280 = tpu.memref_slice %arg4[%mul3A_218] : memref<960000xf32, #tpu.memory_space<hbm>> -> memref<10000xf32, #tpu.memory_space<hbm>>
      %dma_wait3A_281 = arith.constant 0 : i32
      %dma_wait3A_282 = tpu.memref_slice %arg7[%dma_wait3A_281] : memref<40000xf32, #tpu.memory_space<vmem>> -> memref<10000xf32, #tpu.memory_space<vmem>>
      tpu.wait_dma2 semaphore(%run_scoped3A : memref<!tpu.dma_semaphore, #tpu.memory_space<semaphore_mem>>) src(%dma_wait3A_282 : memref<10000xf32, #tpu.memory_space<vmem>>) dst(%dma_wait3A_280 : memref<10000xf32, #tpu.memory_space<hbm>>)
      tpu.yield
    }) : () -> ()
    %mul3A_219 = arith.constant 10000 : i32
    %mul3A_220 = arith.muli %arg1, %mul3A_219 : i32
    "tpu.region"() ({
      %run_scoped3A = tpu.sem_alloc : memref<!tpu.dma_semaphore, #tpu.memory_space<semaphore_mem>>
      %dma_start3A_272 = arith.constant 0 : i32
      %dma_start3A_273 = tpu.memref_slice %arg7[%dma_start3A_272] : memref<40000xf32, #tpu.memory_space<vmem>> -> memref<10000xf32, #tpu.memory_space<vmem>>
      %dma_start3A_274 = tpu.memref_slice %arg9[%mul3A_220] : memref<160000xf32, #tpu.memory_space<vmem_shared>> -> memref<10000xf32, #tpu.memory_space<vmem_shared>>
      %dma_start3A_275 = tpu.memref_slice %arg9[%mul3A_220] : memref<160000xf32, #tpu.memory_space<vmem_shared>> -> memref<10000xf32, #tpu.memory_space<vmem_shared>>
      %dma_start3A_276 = arith.constant 0 : i32
      %dma_start3A_277 = tpu.memref_slice %arg7[%dma_start3A_276] : memref<40000xf32, #tpu.memory_space<vmem>> -> memref<10000xf32, #tpu.memory_space<vmem>>
      tpu.enqueue_dma source(%dma_start3A_277 : memref<10000xf32, #tpu.memory_space<vmem>>) target(%dma_start3A_275 : memref<10000xf32, #tpu.memory_space<vmem_shared>>) target_semaphore(%run_scoped3A : memref<!tpu.dma_semaphore, #tpu.memory_space<semaphore_mem>>)
      %dma_wait3A = arith.constant 0 : i32
      %dma_wait3A_278 = tpu.memref_slice %arg7[%dma_wait3A] : memref<40000xf32, #tpu.memory_space<vmem>> -> memref<10000xf32, #tpu.memory_space<vmem>>
      %dma_wait3A_279 = tpu.memref_slice %arg9[%mul3A_220] : memref<160000xf32, #tpu.memory_space<vmem_shared>> -> memref<10000xf32, #tpu.memory_space<vmem_shared>>
      %dma_wait3A_280 = tpu.memref_slice %arg9[%mul3A_220] : memref<160000xf32, #tpu.memory_space<vmem_shared>> -> memref<10000xf32, #tpu.memory_space<vmem_shared>>
      %dma_wait3A_281 = arith.constant 0 : i32
      %dma_wait3A_282 = tpu.memref_slice %arg7[%dma_wait3A_281] : memref<40000xf32, #tpu.memory_space<vmem>> -> memref<10000xf32, #tpu.memory_space<vmem>>
      tpu.wait_dma2 semaphore(%run_scoped3A : memref<!tpu.dma_semaphore, #tpu.memory_space<semaphore_mem>>) src(%dma_wait3A_282 : memref<10000xf32, #tpu.memory_space<vmem>>) dst(%dma_wait3A_280 : memref<10000xf32, #tpu.memory_space<vmem_shared>>)
      tpu.yield
    }) : () -> ()
    %barrier3A_221 = arith.constant 0 : index
    tpu.barrier barrier_id(%barrier3A_221)
    %mul3A_222 = arith.constant 12000 : i32
    %mul3A_223 = arith.muli %mul3A_29, %mul3A_222 : i32
    %dma_start3A_224 = arith.constant 0 : i32
    %dma_start3A_225 = tpu.memref_slice %arg8[%dma_start3A_224] : memref<24000xi32, #tpu.memory_space<vmem>> -> memref<12000xi32, #tpu.memory_space<vmem>>
    %dma_start3A_226 = tpu.memref_slice %arg3[%mul3A_223] : memref<960000xi32, #tpu.memory_space<hbm>> -> memref<12000xi32, #tpu.memory_space<hbm>>
    %dma_start3A_227 = arith.constant 0 : i32
    %dma_start3A_228 = tpu.memref_slice %arg8[%dma_start3A_227] : memref<24000xi32, #tpu.memory_space<vmem>> -> memref<12000xi32, #tpu.memory_space<vmem>>
    %dma_start3A_229 = tpu.memref_slice %arg3[%mul3A_223] : memref<960000xi32, #tpu.memory_space<hbm>> -> memref<12000xi32, #tpu.memory_space<hbm>>
    tpu.enqueue_dma source(%dma_start3A_229 : memref<12000xi32, #tpu.memory_space<hbm>>) target(%dma_start3A_228 : memref<12000xi32, #tpu.memory_space<vmem>>) target_semaphore(%arg10 : memref<!tpu.dma_semaphore, #tpu.memory_space<semaphore_mem>>)
    %mul3A_230 = arith.constant 10000 : i32
    %mul3A_231 = arith.muli %mul3A_39, %mul3A_230 : i32
    "tpu.region"() ({
      %run_scoped3A = tpu.sem_alloc : memref<!tpu.dma_semaphore, #tpu.memory_space<semaphore_mem>>
      %dma_start3A_272 = tpu.memref_slice %arg9[%mul3A_231] : memref<160000xf32, #tpu.memory_space<vmem_shared>> -> memref<40000xf32, #tpu.memory_space<vmem_shared>>
      %dma_start3A_273 = tpu.memref_slice %arg9[%mul3A_231] : memref<160000xf32, #tpu.memory_space<vmem_shared>> -> memref<40000xf32, #tpu.memory_space<vmem_shared>>
      tpu.enqueue_dma source(%dma_start3A_273 : memref<40000xf32, #tpu.memory_space<vmem_shared>>) target(%arg6 : memref<40000xf32, #tpu.memory_space<vmem>>) target_semaphore(%run_scoped3A : memref<!tpu.dma_semaphore, #tpu.memory_space<semaphore_mem>>)
      %dma_wait3A = tpu.memref_slice %arg9[%mul3A_231] : memref<160000xf32, #tpu.memory_space<vmem_shared>> -> memref<40000xf32, #tpu.memory_space<vmem_shared>>
      %dma_wait3A_274 = tpu.memref_slice %arg9[%mul3A_231] : memref<160000xf32, #tpu.memory_space<vmem_shared>> -> memref<40000xf32, #tpu.memory_space<vmem_shared>>
      tpu.wait_dma2 semaphore(%run_scoped3A : memref<!tpu.dma_semaphore, #tpu.memory_space<semaphore_mem>>) src(%dma_wait3A_274 : memref<40000xf32, #tpu.memory_space<vmem_shared>>) dst(%arg6 : memref<40000xf32, #tpu.memory_space<vmem>>)
      tpu.yield
    }) : () -> ()
    %broadcast_in_dim3A_232 = arith.constant 0.000000e+00 : f32
    %broadcast_in_dim3A_233 = vector.broadcast %broadcast_in_dim3A_232 : f32 to vector<16xf32>
    %parallel_loop3A_234 = arith.constant 0 : i32
    %parallel_loop3A_235 = arith.constant 2500 : i32
    %parallel_loop3A_236 = arith.constant 1 : i32
    scf.for %parallel_loop3A_272 = %parallel_loop3A_234 to %parallel_loop3A_235 step %parallel_loop3A_236  : i32 {
      %parallel_loop3A_273 = arith.constant 16 : i32
      %parallel_loop3A_274 = arith.muli %parallel_loop3A_272, %parallel_loop3A_273 : i32
      %parallel_loop3A_275 = arith.index_cast %parallel_loop3A_274 : i32 to index
      %parallel_loop3A_276 = tpu.vector_load %arg7[%parallel_loop3A_275] {strides = array<i32>} : memref<40000xf32, #tpu.memory_space<vmem>>, vector<16xf32>,
      tpu.vector_store %arg7[%parallel_loop3A_275], %broadcast_in_dim3A_233 {strides = array<i32>} : memref<40000xf32, #tpu.memory_space<vmem>>, vector<16xf32>,
    } {sc.loop_unroll_factor = 8 : i64, sc.parallel_access}
    %scan3A_237 = arith.constant 0 : i32
    %scan3A_238 = arith.constant 0 : i32
    %scan3A_239 = arith.constant 10 : i32
    %scan3A_240 = arith.addi %scan3A_238, %scan3A_239 : i32
    %scan3A_241 = arith.constant 1 : i32
    %scan3A_242 = scf.for %scan3A_272 = %scan3A_238 to %scan3A_240 step %scan3A_241 iter_args(%scan3A_273 = %scan3A_237) -> (i32)  : i32 {
      %mul3A_274 = arith.constant 2 : i32
      %mul3A_275 = arith.muli %scan3A_272, %mul3A_274 : i32
      %add3A_276 = arith.constant 0 : i32
      %add3A_277 = arith.addi %mul3A_275, %add3A_276 : i32
      %add3A_278 = arith.addi %mul3A_29, %add3A_277 : i32
      %mul3A_279 = arith.constant 12000 : i32
      %mul3A_280 = arith.muli %add3A_278, %mul3A_279 : i32
      %dma_wait3A = arith.constant 0 : i32
      %dma_wait3A_281 = tpu.memref_slice %arg8[%dma_wait3A] : memref<24000xi32, #tpu.memory_space<vmem>> -> memref<12000xi32, #tpu.memory_space<vmem>>
      %dma_wait3A_282 = tpu.memref_slice %arg3[%mul3A_280] : memref<960000xi32, #tpu.memory_space<hbm>> -> memref<12000xi32, #tpu.memory_space<hbm>>
      %dma_wait3A_283 = arith.constant 0 : i32
      %dma_wait3A_284 = tpu.memref_slice %arg8[%dma_wait3A_283] : memref<24000xi32, #tpu.memory_space<vmem>> -> memref<12000xi32, #tpu.memory_space<vmem>>
      %dma_wait3A_285 = tpu.memref_slice %arg3[%mul3A_280] : memref<960000xi32, #tpu.memory_space<hbm>> -> memref<12000xi32, #tpu.memory_space<hbm>>
      tpu.wait_dma2 semaphore(%arg10 : memref<!tpu.dma_semaphore, #tpu.memory_space<semaphore_mem>>) src(%dma_wait3A_285 : memref<12000xi32, #tpu.memory_space<hbm>>) dst(%dma_wait3A_284 : memref<12000xi32, #tpu.memory_space<vmem>>)
      %add3A_286 = arith.constant 1 : i32
      %add3A_287 = arith.addi %add3A_277, %add3A_286 : i32
      %lt3A_288 = arith.constant 20 : i32
      %lt3A_289 = arith.cmpi slt, %add3A_287, %lt3A_288 : i32
      %convert_element_type3A = arith.extui %lt3A_289 : i1 to i32
      %cond3A = arith.constant 0 : i32
      %cond3A_290 = arith.cmpi ne, %convert_element_type3A, %cond3A : i32
      scf.if %cond3A_290 {
        %add3A_318 = arith.addi %mul3A_29, %add3A_277 : i32
        %add3A_319 = arith.constant 1 : i32
        %add3A_320 = arith.addi %add3A_318, %add3A_319 : i32
        %mul3A_321 = arith.constant 12000 : i32
        %mul3A_322 = arith.muli %add3A_320, %mul3A_321 : i32
        %dma_start3A_323 = arith.constant 12000 : i32
        %dma_start3A_324 = tpu.memref_slice %arg8[%dma_start3A_323] : memref<24000xi32, #tpu.memory_space<vmem>> -> memref<12000xi32, #tpu.memory_space<vmem>>
        %dma_start3A_325 = tpu.memref_slice %arg3[%mul3A_322] : memref<960000xi32, #tpu.memory_space<hbm>> -> memref<12000xi32, #tpu.memory_space<hbm>>
        %dma_start3A_326 = arith.constant 12000 : i32
        %dma_start3A_327 = tpu.memref_slice %arg8[%dma_start3A_326] : memref<24000xi32, #tpu.memory_space<vmem>> -> memref<12000xi32, #tpu.memory_space<vmem>>
        %dma_start3A_328 = tpu.memref_slice %arg3[%mul3A_322] : memref<960000xi32, #tpu.memory_space<hbm>> -> memref<12000xi32, #tpu.memory_space<hbm>>
        tpu.enqueue_dma source(%dma_start3A_328 : memref<12000xi32, #tpu.memory_space<hbm>>) target(%dma_start3A_327 : memref<12000xi32, #tpu.memory_space<vmem>>) target_semaphore(%arg11 : memref<!tpu.dma_semaphore, #tpu.memory_space<semaphore_mem>>)
      } else {
      }
      %parallel_loop3A_291 = arith.constant 0 : i32
      %parallel_loop3A_292 = arith.constant 250 : i32
      %parallel_loop3A_293 = arith.constant 1 : i32
      scf.for %parallel_loop3A_318 = %parallel_loop3A_291 to %parallel_loop3A_292 step %parallel_loop3A_293  : i32 {
        %parallel_loop3A_319 = arith.constant 16 : i32
        %parallel_loop3A_320 = arith.muli %parallel_loop3A_318, %parallel_loop3A_319 : i32
        %parallel_loop3A_321 = arith.constant 0 : i32
        %parallel_loop3A_322 = arith.addi %parallel_loop3A_321, %parallel_loop3A_320 : i32
        %parallel_loop3A_323 = arith.index_cast %parallel_loop3A_322 : i32 to index
        %parallel_loop3A_324 = tpu.vector_load %arg8[%parallel_loop3A_323] {strides = array<i32>} : memref<24000xi32, #tpu.memory_space<vmem>>, vector<16xi32>,
        %parallel_loop3A_325 = arith.constant 4000 : i32
        %parallel_loop3A_326 = arith.addi %parallel_loop3A_322, %parallel_loop3A_325 : i32
        %parallel_loop3A_327 = arith.index_cast %parallel_loop3A_326 : i32 to index
        %parallel_loop3A_328 = tpu.vector_load %arg8[%parallel_loop3A_327] {strides = array<i32>} : memref<24000xi32, #tpu.memory_space<vmem>>, vector<16xi32>,
        %parallel_loop3A_329 = arith.constant 8000 : i32
        %parallel_loop3A_330 = arith.addi %parallel_loop3A_322, %parallel_loop3A_329 : i32
        %parallel_loop3A_331 = arith.index_cast %parallel_loop3A_330 : i32 to index
        %parallel_loop3A_332 = tpu.vector_load %arg8[%parallel_loop3A_331] {strides = array<i32>} : memref<24000xi32, #tpu.memory_space<vmem>>, vector<16xi32>,
        %parallel_loop3A_333 = vector.bitcast %parallel_loop3A_332 : vector<16xi32> to vector<16xf32>
        %parallel_loop3A_334 = arith.constant 0 : i32
        %parallel_loop3A_335 = vector.broadcast %parallel_loop3A_334 : i32 to vector<16xi32>
        %parallel_loop3A_336 = arith.addi %parallel_loop3A_324, %parallel_loop3A_335 : vector<16xi32>
        %parallel_loop3A_337 = tpu.vector_load_idx %arg6[%parallel_loop3A_336] : memref<40000xf32, #tpu.memory_space<vmem>>[vector<16xi32>], vector<16xf32>,
        %parallel_loop3A_338 = arith.constant 0 : i32
        %parallel_loop3A_339 = vector.broadcast %parallel_loop3A_338 : i32 to vector<16xi32>
        %parallel_loop3A_340 = arith.addi %parallel_loop3A_328, %parallel_loop3A_339 : vector<16xi32>
        %parallel_loop3A_341 = arith.mulf %parallel_loop3A_337, %parallel_loop3A_333 : vector<16xf32>
        tpu.vector_store_idx %arg7[%parallel_loop3A_340], %parallel_loop3A_341 {add = true} : memref<40000xf32, #tpu.memory_space<vmem>>[vector<16xi32>], vector<16xf32>,
        %parallel_loop3A_342 = arith.constant 10000 : i32
        %parallel_loop3A_343 = vector.broadcast %parallel_loop3A_342 : i32 to vector<16xi32>
        %parallel_loop3A_344 = arith.addi %parallel_loop3A_324, %parallel_loop3A_343 : vector<16xi32>
        %parallel_loop3A_345 = tpu.vector_load_idx %arg6[%parallel_loop3A_344] : memref<40000xf32, #tpu.memory_space<vmem>>[vector<16xi32>], vector<16xf32>,
        %parallel_loop3A_346 = arith.constant 10000 : i32
        %parallel_loop3A_347 = vector.broadcast %parallel_loop3A_346 : i32 to vector<16xi32>
        %parallel_loop3A_348 = arith.addi %parallel_loop3A_328, %parallel_loop3A_347 : vector<16xi32>
        %parallel_loop3A_349 = arith.mulf %parallel_loop3A_345, %parallel_loop3A_333 : vector<16xf32>
        tpu.vector_store_idx %arg7[%parallel_loop3A_348], %parallel_loop3A_349 {add = true} : memref<40000xf32, #tpu.memory_space<vmem>>[vector<16xi32>], vector<16xf32>,
        %parallel_loop3A_350 = arith.constant 20000 : i32
        %parallel_loop3A_351 = vector.broadcast %parallel_loop3A_350 : i32 to vector<16xi32>
        %parallel_loop3A_352 = arith.addi %parallel_loop3A_324, %parallel_loop3A_351 : vector<16xi32>
        %parallel_loop3A_353 = tpu.vector_load_idx %arg6[%parallel_loop3A_352] : memref<40000xf32, #tpu.memory_space<vmem>>[vector<16xi32>], vector<16xf32>,
        %parallel_loop3A_354 = arith.constant 20000 : i32
        %parallel_loop3A_355 = vector.broadcast %parallel_loop3A_354 : i32 to vector<16xi32>
        %parallel_loop3A_356 = arith.addi %parallel_loop3A_328, %parallel_loop3A_355 : vector<16xi32>
        %parallel_loop3A_357 = arith.mulf %parallel_loop3A_353, %parallel_loop3A_333 : vector<16xf32>
        tpu.vector_store_idx %arg7[%parallel_loop3A_356], %parallel_loop3A_357 {add = true} : memref<40000xf32, #tpu.memory_space<vmem>>[vector<16xi32>], vector<16xf32>,
        %parallel_loop3A_358 = arith.constant 30000 : i32
        %parallel_loop3A_359 = vector.broadcast %parallel_loop3A_358 : i32 to vector<16xi32>
        %parallel_loop3A_360 = arith.addi %parallel_loop3A_324, %parallel_loop3A_359 : vector<16xi32>
        %parallel_loop3A_361 = tpu.vector_load_idx %arg6[%parallel_loop3A_360] : memref<40000xf32, #tpu.memory_space<vmem>>[vector<16xi32>], vector<16xf32>,
        %parallel_loop3A_362 = arith.constant 30000 : i32
        %parallel_loop3A_363 = vector.broadcast %parallel_loop3A_362 : i32 to vector<16xi32>
        %parallel_loop3A_364 = arith.addi %parallel_loop3A_328, %parallel_loop3A_363 : vector<16xi32>
        %parallel_loop3A_365 = arith.mulf %parallel_loop3A_361, %parallel_loop3A_333 : vector<16xf32>
        tpu.vector_store_idx %arg7[%parallel_loop3A_364], %parallel_loop3A_365 {add = true} : memref<40000xf32, #tpu.memory_space<vmem>>[vector<16xi32>], vector<16xf32>,
      } {sc.loop_unroll_factor = 8 : i64, sc.parallel_access}
      %mul3A_294 = arith.constant 2 : i32
      %mul3A_295 = arith.muli %scan3A_272, %mul3A_294 : i32
      %add3A_296 = arith.constant 1 : i32
      %add3A_297 = arith.addi %mul3A_295, %add3A_296 : i32
      %add3A_298 = arith.addi %mul3A_29, %add3A_297 : i32
      %mul3A_299 = arith.constant 12000 : i32
      %mul3A_300 = arith.muli %add3A_298, %mul3A_299 : i32
      %dma_wait3A_301 = arith.constant 12000 : i32
      %dma_wait3A_302 = tpu.memref_slice %arg8[%dma_wait3A_301] : memref<24000xi32, #tpu.memory_space<vmem>> -> memref<12000xi32, #tpu.memory_space<vmem>>
      %dma_wait3A_303 = tpu.memref_slice %arg3[%mul3A_300] : memref<960000xi32, #tpu.memory_space<hbm>> -> memref<12000xi32, #tpu.memory_space<hbm>>
      %dma_wait3A_304 = arith.constant 12000 : i32
      %dma_wait3A_305 = tpu.memref_slice %arg8[%dma_wait3A_304] : memref<24000xi32, #tpu.memory_space<vmem>> -> memref<12000xi32, #tpu.memory_space<vmem>>
      %dma_wait3A_306 = tpu.memref_slice %arg3[%mul3A_300] : memref<960000xi32, #tpu.memory_space<hbm>> -> memref<12000xi32, #tpu.memory_space<hbm>>
      tpu.wait_dma2 semaphore(%arg11 : memref<!tpu.dma_semaphore, #tpu.memory_space<semaphore_mem>>) src(%dma_wait3A_306 : memref<12000xi32, #tpu.memory_space<hbm>>) dst(%dma_wait3A_305 : memref<12000xi32, #tpu.memory_space<vmem>>)
      %add3A_307 = arith.constant 1 : i32
      %add3A_308 = arith.addi %add3A_297, %add3A_307 : i32
      %lt3A_309 = arith.constant 20 : i32
      %lt3A_310 = arith.cmpi slt, %add3A_308, %lt3A_309 : i32
      %convert_element_type3A_311 = arith.extui %lt3A_310 : i1 to i32
      %cond3A_312 = arith.constant 0 : i32
      %cond3A_313 = arith.cmpi ne, %convert_element_type3A_311, %cond3A_312 : i32
      scf.if %cond3A_313 {
        %add3A_318 = arith.addi %mul3A_29, %add3A_297 : i32
        %add3A_319 = arith.constant 1 : i32
        %add3A_320 = arith.addi %add3A_318, %add3A_319 : i32
        %mul3A_321 = arith.constant 12000 : i32
        %mul3A_322 = arith.muli %add3A_320, %mul3A_321 : i32
        %dma_start3A_323 = arith.constant 0 : i32
        %dma_start3A_324 = tpu.memref_slice %arg8[%dma_start3A_323] : memref<24000xi32, #tpu.memory_space<vmem>> -> memref<12000xi32, #tpu.memory_space<vmem>>
        %dma_start3A_325 = tpu.memref_slice %arg3[%mul3A_322] : memref<960000xi32, #tpu.memory_space<hbm>> -> memref<12000xi32, #tpu.memory_space<hbm>>
        %dma_start3A_326 = arith.constant 0 : i32
        %dma_start3A_327 = tpu.memref_slice %arg8[%dma_start3A_326] : memref<24000xi32, #tpu.memory_space<vmem>> -> memref<12000xi32, #tpu.memory_space<vmem>>
        %dma_start3A_328 = tpu.memref_slice %arg3[%mul3A_322] : memref<960000xi32, #tpu.memory_space<hbm>> -> memref<12000xi32, #tpu.memory_space<hbm>>
        tpu.enqueue_dma source(%dma_start3A_328 : memref<12000xi32, #tpu.memory_space<hbm>>) target(%dma_start3A_327 : memref<12000xi32, #tpu.memory_space<vmem>>) target_semaphore(%arg10 : memref<!tpu.dma_semaphore, #tpu.memory_space<semaphore_mem>>)
      } else {
      }
      %parallel_loop3A_314 = arith.constant 0 : i32
      %parallel_loop3A_315 = arith.constant 250 : i32
      %parallel_loop3A_316 = arith.constant 1 : i32
      scf.for %parallel_loop3A_318 = %parallel_loop3A_314 to %parallel_loop3A_315 step %parallel_loop3A_316  : i32 {
        %parallel_loop3A_319 = arith.constant 16 : i32
        %parallel_loop3A_320 = arith.muli %parallel_loop3A_318, %parallel_loop3A_319 : i32
        %parallel_loop3A_321 = arith.constant 12000 : i32
        %parallel_loop3A_322 = arith.addi %parallel_loop3A_321, %parallel_loop3A_320 : i32
        %parallel_loop3A_323 = arith.index_cast %parallel_loop3A_322 : i32 to index
        %parallel_loop3A_324 = tpu.vector_load %arg8[%parallel_loop3A_323] {strides = array<i32>} : memref<24000xi32, #tpu.memory_space<vmem>>, vector<16xi32>,
        %parallel_loop3A_325 = arith.constant 4000 : i32
        %parallel_loop3A_326 = arith.addi %parallel_loop3A_322, %parallel_loop3A_325 : i32
        %parallel_loop3A_327 = arith.index_cast %parallel_loop3A_326 : i32 to index
        %parallel_loop3A_328 = tpu.vector_load %arg8[%parallel_loop3A_327] {strides = array<i32>} : memref<24000xi32, #tpu.memory_space<vmem>>, vector<16xi32>,
        %parallel_loop3A_329 = arith.constant 8000 : i32
        %parallel_loop3A_330 = arith.addi %parallel_loop3A_322, %parallel_loop3A_329 : i32
        %parallel_loop3A_331 = arith.index_cast %parallel_loop3A_330 : i32 to index
        %parallel_loop3A_332 = tpu.vector_load %arg8[%parallel_loop3A_331] {strides = array<i32>} : memref<24000xi32, #tpu.memory_space<vmem>>, vector<16xi32>,
        %parallel_loop3A_333 = vector.bitcast %parallel_loop3A_332 : vector<16xi32> to vector<16xf32>
        %parallel_loop3A_334 = arith.constant 0 : i32
        %parallel_loop3A_335 = vector.broadcast %parallel_loop3A_334 : i32 to vector<16xi32>
        %parallel_loop3A_336 = arith.addi %parallel_loop3A_324, %parallel_loop3A_335 : vector<16xi32>
        %parallel_loop3A_337 = tpu.vector_load_idx %arg6[%parallel_loop3A_336] : memref<40000xf32, #tpu.memory_space<vmem>>[vector<16xi32>], vector<16xf32>,
        %parallel_loop3A_338 = arith.constant 0 : i32
        %parallel_loop3A_339 = vector.broadcast %parallel_loop3A_338 : i32 to vector<16xi32>
        %parallel_loop3A_340 = arith.addi %parallel_loop3A_328, %parallel_loop3A_339 : vector<16xi32>
        %parallel_loop3A_341 = arith.mulf %parallel_loop3A_337, %parallel_loop3A_333 : vector<16xf32>
        tpu.vector_store_idx %arg7[%parallel_loop3A_340], %parallel_loop3A_341 {add = true} : memref<40000xf32, #tpu.memory_space<vmem>>[vector<16xi32>], vector<16xf32>,
        %parallel_loop3A_342 = arith.constant 10000 : i32
        %parallel_loop3A_343 = vector.broadcast %parallel_loop3A_342 : i32 to vector<16xi32>
        %parallel_loop3A_344 = arith.addi %parallel_loop3A_324, %parallel_loop3A_343 : vector<16xi32>
        %parallel_loop3A_345 = tpu.vector_load_idx %arg6[%parallel_loop3A_344] : memref<40000xf32, #tpu.memory_space<vmem>>[vector<16xi32>], vector<16xf32>,
        %parallel_loop3A_346 = arith.constant 10000 : i32
        %parallel_loop3A_347 = vector.broadcast %parallel_loop3A_346 : i32 to vector<16xi32>
        %parallel_loop3A_348 = arith.addi %parallel_loop3A_328, %parallel_loop3A_347 : vector<16xi32>
        %parallel_loop3A_349 = arith.mulf %parallel_loop3A_345, %parallel_loop3A_333 : vector<16xf32>
        tpu.vector_store_idx %arg7[%parallel_loop3A_348], %parallel_loop3A_349 {add = true} : memref<40000xf32, #tpu.memory_space<vmem>>[vector<16xi32>], vector<16xf32>,
        %parallel_loop3A_350 = arith.constant 20000 : i32
        %parallel_loop3A_351 = vector.broadcast %parallel_loop3A_350 : i32 to vector<16xi32>
        %parallel_loop3A_352 = arith.addi %parallel_loop3A_324, %parallel_loop3A_351 : vector<16xi32>
        %parallel_loop3A_353 = tpu.vector_load_idx %arg6[%parallel_loop3A_352] : memref<40000xf32, #tpu.memory_space<vmem>>[vector<16xi32>], vector<16xf32>,
        %parallel_loop3A_354 = arith.constant 20000 : i32
        %parallel_loop3A_355 = vector.broadcast %parallel_loop3A_354 : i32 to vector<16xi32>
        %parallel_loop3A_356 = arith.addi %parallel_loop3A_328, %parallel_loop3A_355 : vector<16xi32>
        %parallel_loop3A_357 = arith.mulf %parallel_loop3A_353, %parallel_loop3A_333 : vector<16xf32>
        tpu.vector_store_idx %arg7[%parallel_loop3A_356], %parallel_loop3A_357 {add = true} : memref<40000xf32, #tpu.memory_space<vmem>>[vector<16xi32>], vector<16xf32>,
        %parallel_loop3A_358 = arith.constant 30000 : i32
        %parallel_loop3A_359 = vector.broadcast %parallel_loop3A_358 : i32 to vector<16xi32>
        %parallel_loop3A_360 = arith.addi %parallel_loop3A_324, %parallel_loop3A_359 : vector<16xi32>
        %parallel_loop3A_361 = tpu.vector_load_idx %arg6[%parallel_loop3A_360] : memref<40000xf32, #tpu.memory_space<vmem>>[vector<16xi32>], vector<16xf32>,
        %parallel_loop3A_362 = arith.constant 30000 : i32
        %parallel_loop3A_363 = vector.broadcast %parallel_loop3A_362 : i32 to vector<16xi32>
        %parallel_loop3A_364 = arith.addi %parallel_loop3A_328, %parallel_loop3A_363 : vector<16xi32>
        %parallel_loop3A_365 = arith.mulf %parallel_loop3A_361, %parallel_loop3A_333 : vector<16xf32>
        tpu.vector_store_idx %arg7[%parallel_loop3A_364], %parallel_loop3A_365 {add = true} : memref<40000xf32, #tpu.memory_space<vmem>>[vector<16xi32>], vector<16xf32>,
      } {sc.loop_unroll_factor = 8 : i64, sc.parallel_access}
      %scan3A_317 = arith.constant 0 : i32
      scf.yield %scan3A_317 : i32
    }
    %scan3A_243 = arith.constant 10 : i32
    "tpu.region"() ({
      %run_scoped3A = tpu.sem_alloc : memref<!tpu.dma_semaphore, #tpu.memory_space<semaphore_mem>>
      %dma_start3A_272 = tpu.memref_slice %arg5[%add3A_44] : memref<1280000xf32, #tpu.memory_space<hbm>> -> memref<40000xf32, #tpu.memory_space<hbm>>
      %dma_start3A_273 = tpu.memref_slice %arg5[%add3A_44] : memref<1280000xf32, #tpu.memory_space<hbm>> -> memref<40000xf32, #tpu.memory_space<hbm>>
      tpu.enqueue_dma source(%arg7 : memref<40000xf32, #tpu.memory_space<vmem>>) target(%dma_start3A_273 : memref<40000xf32, #tpu.memory_space<hbm>>) target_semaphore(%run_scoped3A : memref<!tpu.dma_semaphore, #tpu.memory_space<semaphore_mem>>)
      %dma_wait3A = tpu.memref_slice %arg5[%add3A_44] : memref<1280000xf32, #tpu.memory_space<hbm>> -> memref<40000xf32, #tpu.memory_space<hbm>>
      %dma_wait3A_274 = tpu.memref_slice %arg5[%add3A_44] : memref<1280000xf32, #tpu.memory_space<hbm>> -> memref<40000xf32, #tpu.memory_space<hbm>>
      tpu.wait_dma2 semaphore(%run_scoped3A : memref<!tpu.dma_semaphore, #tpu.memory_space<semaphore_mem>>) src(%arg7 : memref<40000xf32, #tpu.memory_space<vmem>>) dst(%dma_wait3A_274 : memref<40000xf32, #tpu.memory_space<hbm>>)
      tpu.yield
    }) : () -> ()
    %barrier3A_244 = arith.constant 0 : index
    tpu.barrier barrier_id(%barrier3A_244)
    %mul3A_245 = arith.constant 10000 : i32
    %mul3A_246 = arith.muli %add3A_32, %mul3A_245 : i32
    %add3A_247 = arith.constant 0 : i32
    %add3A_248 = arith.addi %add3A_247, %mul3A_246 : i32
    "tpu.region"() ({
      %run_scoped3A = tpu.sem_alloc : memref<!tpu.dma_semaphore, #tpu.memory_space<semaphore_mem>>
      %dma_start3A_272 = arith.constant 0 : i32
      %dma_start3A_273 = tpu.memref_slice %arg6[%dma_start3A_272] : memref<40000xf32, #tpu.memory_space<vmem>> -> memref<10000xf32, #tpu.memory_space<vmem>>
      %dma_start3A_274 = tpu.memref_slice %arg5[%add3A_248] : memref<1280000xf32, #tpu.memory_space<hbm>> -> memref<10000xf32, #tpu.memory_space<hbm>>
      %dma_start3A_275 = arith.constant 0 : i32
      %dma_start3A_276 = tpu.memref_slice %arg6[%dma_start3A_275] : memref<40000xf32, #tpu.memory_space<vmem>> -> memref<10000xf32, #tpu.memory_space<vmem>>
      %dma_start3A_277 = tpu.memref_slice %arg5[%add3A_248] : memref<1280000xf32, #tpu.memory_space<hbm>> -> memref<10000xf32, #tpu.memory_space<hbm>>
      tpu.enqueue_dma source(%dma_start3A_277 : memref<10000xf32, #tpu.memory_space<hbm>>) target(%dma_start3A_276 : memref<10000xf32, #tpu.memory_space<vmem>>) target_semaphore(%run_scoped3A : memref<!tpu.dma_semaphore, #tpu.memory_space<semaphore_mem>>)
      %dma_wait3A = arith.constant 0 : i32
      %dma_wait3A_278 = tpu.memref_slice %arg6[%dma_wait3A] : memref<40000xf32, #tpu.memory_space<vmem>> -> memref<10000xf32, #tpu.memory_space<vmem>>
      %dma_wait3A_279 = tpu.memref_slice %arg5[%add3A_248] : memref<1280000xf32, #tpu.memory_space<hbm>> -> memref<10000xf32, #tpu.memory_space<hbm>>
      %dma_wait3A_280 = arith.constant 0 : i32
      %dma_wait3A_281 = tpu.memref_slice %arg6[%dma_wait3A_280] : memref<40000xf32, #tpu.memory_space<vmem>> -> memref<10000xf32, #tpu.memory_space<vmem>>
      %dma_wait3A_282 = tpu.memref_slice %arg5[%add3A_248] : memref<1280000xf32, #tpu.memory_space<hbm>> -> memref<10000xf32, #tpu.memory_space<hbm>>
      tpu.wait_dma2 semaphore(%run_scoped3A : memref<!tpu.dma_semaphore, #tpu.memory_space<semaphore_mem>>) src(%dma_wait3A_282 : memref<10000xf32, #tpu.memory_space<hbm>>) dst(%dma_wait3A_281 : memref<10000xf32, #tpu.memory_space<vmem>>)
      tpu.yield
    }) : () -> ()
    %mul3A_249 = arith.constant 10000 : i32
    %mul3A_250 = arith.muli %add3A_32, %mul3A_249 : i32
    %add3A_251 = arith.constant 320000 : i32
    %add3A_252 = arith.addi %add3A_251, %mul3A_250 : i32
    "tpu.region"() ({
      %run_scoped3A = tpu.sem_alloc : memref<!tpu.dma_semaphore, #tpu.memory_space<semaphore_mem>>
      %dma_start3A_272 = arith.constant 10000 : i32
      %dma_start3A_273 = tpu.memref_slice %arg6[%dma_start3A_272] : memref<40000xf32, #tpu.memory_space<vmem>> -> memref<10000xf32, #tpu.memory_space<vmem>>
      %dma_start3A_274 = tpu.memref_slice %arg5[%add3A_252] : memref<1280000xf32, #tpu.memory_space<hbm>> -> memref<10000xf32, #tpu.memory_space<hbm>>
      %dma_start3A_275 = arith.constant 10000 : i32
      %dma_start3A_276 = tpu.memref_slice %arg6[%dma_start3A_275] : memref<40000xf32, #tpu.memory_space<vmem>> -> memref<10000xf32, #tpu.memory_space<vmem>>
      %dma_start3A_277 = tpu.memref_slice %arg5[%add3A_252] : memref<1280000xf32, #tpu.memory_space<hbm>> -> memref<10000xf32, #tpu.memory_space<hbm>>
      tpu.enqueue_dma source(%dma_start3A_277 : memref<10000xf32, #tpu.memory_space<hbm>>) target(%dma_start3A_276 : memref<10000xf32, #tpu.memory_space<vmem>>) target_semaphore(%run_scoped3A : memref<!tpu.dma_semaphore, #tpu.memory_space<semaphore_mem>>)
      %dma_wait3A = arith.constant 10000 : i32
      %dma_wait3A_278 = tpu.memref_slice %arg6[%dma_wait3A] : memref<40000xf32, #tpu.memory_space<vmem>> -> memref<10000xf32, #tpu.memory_space<vmem>>
      %dma_wait3A_279 = tpu.memref_slice %arg5[%add3A_252] : memref<1280000xf32, #tpu.memory_space<hbm>> -> memref<10000xf32, #tpu.memory_space<hbm>>
      %dma_wait3A_280 = arith.constant 10000 : i32
      %dma_wait3A_281 = tpu.memref_slice %arg6[%dma_wait3A_280] : memref<40000xf32, #tpu.memory_space<vmem>> -> memref<10000xf32, #tpu.memory_space<vmem>>
      %dma_wait3A_282 = tpu.memref_slice %arg5[%add3A_252] : memref<1280000xf32, #tpu.memory_space<hbm>> -> memref<10000xf32, #tpu.memory_space<hbm>>
      tpu.wait_dma2 semaphore(%run_scoped3A : memref<!tpu.dma_semaphore, #tpu.memory_space<semaphore_mem>>) src(%dma_wait3A_282 : memref<10000xf32, #tpu.memory_space<hbm>>) dst(%dma_wait3A_281 : memref<10000xf32, #tpu.memory_space<vmem>>)
      tpu.yield
    }) : () -> ()
    %mul3A_253 = arith.constant 10000 : i32
    %mul3A_254 = arith.muli %add3A_32, %mul3A_253 : i32
    %add3A_255 = arith.constant 640000 : i32
    %add3A_256 = arith.addi %add3A_255, %mul3A_254 : i32
    "tpu.region"() ({
      %run_scoped3A = tpu.sem_alloc : memref<!tpu.dma_semaphore, #tpu.memory_space<semaphore_mem>>
      %dma_start3A_272 = arith.constant 20000 : i32
      %dma_start3A_273 = tpu.memref_slice %arg6[%dma_start3A_272] : memref<40000xf32, #tpu.memory_space<vmem>> -> memref<10000xf32, #tpu.memory_space<vmem>>
      %dma_start3A_274 = tpu.memref_slice %arg5[%add3A_256] : memref<1280000xf32, #tpu.memory_space<hbm>> -> memref<10000xf32, #tpu.memory_space<hbm>>
      %dma_start3A_275 = arith.constant 20000 : i32
      %dma_start3A_276 = tpu.memref_slice %arg6[%dma_start3A_275] : memref<40000xf32, #tpu.memory_space<vmem>> -> memref<10000xf32, #tpu.memory_space<vmem>>
      %dma_start3A_277 = tpu.memref_slice %arg5[%add3A_256] : memref<1280000xf32, #tpu.memory_space<hbm>> -> memref<10000xf32, #tpu.memory_space<hbm>>
      tpu.enqueue_dma source(%dma_start3A_277 : memref<10000xf32, #tpu.memory_space<hbm>>) target(%dma_start3A_276 : memref<10000xf32, #tpu.memory_space<vmem>>) target_semaphore(%run_scoped3A : memref<!tpu.dma_semaphore, #tpu.memory_space<semaphore_mem>>)
      %dma_wait3A = arith.constant 20000 : i32
      %dma_wait3A_278 = tpu.memref_slice %arg6[%dma_wait3A] : memref<40000xf32, #tpu.memory_space<vmem>> -> memref<10000xf32, #tpu.memory_space<vmem>>
      %dma_wait3A_279 = tpu.memref_slice %arg5[%add3A_256] : memref<1280000xf32, #tpu.memory_space<hbm>> -> memref<10000xf32, #tpu.memory_space<hbm>>
      %dma_wait3A_280 = arith.constant 20000 : i32
      %dma_wait3A_281 = tpu.memref_slice %arg6[%dma_wait3A_280] : memref<40000xf32, #tpu.memory_space<vmem>> -> memref<10000xf32, #tpu.memory_space<vmem>>
      %dma_wait3A_282 = tpu.memref_slice %arg5[%add3A_256] : memref<1280000xf32, #tpu.memory_space<hbm>> -> memref<10000xf32, #tpu.memory_space<hbm>>
      tpu.wait_dma2 semaphore(%run_scoped3A : memref<!tpu.dma_semaphore, #tpu.memory_space<semaphore_mem>>) src(%dma_wait3A_282 : memref<10000xf32, #tpu.memory_space<hbm>>) dst(%dma_wait3A_281 : memref<10000xf32, #tpu.memory_space<vmem>>)
      tpu.yield
    }) : () -> ()
    %mul3A_257 = arith.constant 10000 : i32
    %mul3A_258 = arith.muli %add3A_32, %mul3A_257 : i32
    %add3A_259 = arith.constant 960000 : i32
    %add3A_260 = arith.addi %add3A_259, %mul3A_258 : i32
    "tpu.region"() ({
      %run_scoped3A = tpu.sem_alloc : memref<!tpu.dma_semaphore, #tpu.memory_space<semaphore_mem>>
      %dma_start3A_272 = arith.constant 30000 : i32
      %dma_start3A_273 = tpu.memref_slice %arg6[%dma_start3A_272] : memref<40000xf32, #tpu.memory_space<vmem>> -> memref<10000xf32, #tpu.memory_space<vmem>>
      %dma_start3A_274 = tpu.memref_slice %arg5[%add3A_260] : memref<1280000xf32, #tpu.memory_space<hbm>> -> memref<10000xf32, #tpu.memory_space<hbm>>
      %dma_start3A_275 = arith.constant 30000 : i32
      %dma_start3A_276 = tpu.memref_slice %arg6[%dma_start3A_275] : memref<40000xf32, #tpu.memory_space<vmem>> -> memref<10000xf32, #tpu.memory_space<vmem>>
      %dma_start3A_277 = tpu.memref_slice %arg5[%add3A_260] : memref<1280000xf32, #tpu.memory_space<hbm>> -> memref<10000xf32, #tpu.memory_space<hbm>>
      tpu.enqueue_dma source(%dma_start3A_277 : memref<10000xf32, #tpu.memory_space<hbm>>) target(%dma_start3A_276 : memref<10000xf32, #tpu.memory_space<vmem>>) target_semaphore(%run_scoped3A : memref<!tpu.dma_semaphore, #tpu.memory_space<semaphore_mem>>)
      %dma_wait3A = arith.constant 30000 : i32
      %dma_wait3A_278 = tpu.memref_slice %arg6[%dma_wait3A] : memref<40000xf32, #tpu.memory_space<vmem>> -> memref<10000xf32, #tpu.memory_space<vmem>>
      %dma_wait3A_279 = tpu.memref_slice %arg5[%add3A_260] : memref<1280000xf32, #tpu.memory_space<hbm>> -> memref<10000xf32, #tpu.memory_space<hbm>>
      %dma_wait3A_280 = arith.constant 30000 : i32
      %dma_wait3A_281 = tpu.memref_slice %arg6[%dma_wait3A_280] : memref<40000xf32, #tpu.memory_space<vmem>> -> memref<10000xf32, #tpu.memory_space<vmem>>
      %dma_wait3A_282 = tpu.memref_slice %arg5[%add3A_260] : memref<1280000xf32, #tpu.memory_space<hbm>> -> memref<10000xf32, #tpu.memory_space<hbm>>
      tpu.wait_dma2 semaphore(%run_scoped3A : memref<!tpu.dma_semaphore, #tpu.memory_space<semaphore_mem>>) src(%dma_wait3A_282 : memref<10000xf32, #tpu.memory_space<hbm>>) dst(%dma_wait3A_281 : memref<10000xf32, #tpu.memory_space<vmem>>)
      tpu.yield
    }) : () -> ()
    %scan3A_261 = arith.constant 0 : i32
    %scan3A_262 = arith.constant 0 : i32
    %scan3A_263 = arith.constant 625 : i32
    %scan3A_264 = arith.addi %scan3A_262, %scan3A_263 : i32
    %scan3A_265 = arith.constant 1 : i32
    %scan3A_266 = scf.for %scan3A_272 = %scan3A_262 to %scan3A_264 step %scan3A_265 iter_args(%scan3A_273 = %scan3A_261) -> (i32)  : i32 {
      %mul3A_274 = arith.constant 16 : i32
      %mul3A_275 = arith.muli %scan3A_272, %mul3A_274 : i32
      %get3A = arith.index_cast %mul3A_275 : i32 to index
      %get3A_276 = tpu.vector_load %arg6[%get3A] {strides = array<i32>} : memref<40000xf32, #tpu.memory_space<vmem>>, vector<16xf32>,
      %add3A_277 = arith.constant 10000 : i32
      %add3A_278 = arith.addi %add3A_277, %mul3A_275 : i32
      %get3A_279 = arith.index_cast %add3A_278 : i32 to index
      %get3A_280 = tpu.vector_load %arg6[%get3A_279] {strides = array<i32>} : memref<40000xf32, #tpu.memory_space<vmem>>, vector<16xf32>,
      %add3A_281 = arith.addf %get3A_276, %get3A_280 : vector<16xf32>
      %add3A_282 = arith.constant 20000 : i32
      %add3A_283 = arith.addi %add3A_282, %mul3A_275 : i32
      %get3A_284 = arith.index_cast %add3A_283 : i32 to index
      %get3A_285 = tpu.vector_load %arg6[%get3A_284] {strides = array<i32>} : memref<40000xf32, #tpu.memory_space<vmem>>, vector<16xf32>,
      %add3A_286 = arith.constant 30000 : i32
      %add3A_287 = arith.addi %add3A_286, %mul3A_275 : i32
      %get3A_288 = arith.index_cast %add3A_287 : i32 to index
      %get3A_289 = tpu.vector_load %arg6[%get3A_288] {strides = array<i32>} : memref<40000xf32, #tpu.memory_space<vmem>>, vector<16xf32>,
      %add3A_290 = arith.addf %get3A_285, %get3A_289 : vector<16xf32>
      %add3A_291 = arith.addf %add3A_281, %add3A_290 : vector<16xf32>
      %add3A_292 = arith.constant 0 : i32
      %add3A_293 = arith.addi %add3A_292, %mul3A_275 : i32
      %swap3A = arith.index_cast %add3A_293 : i32 to index
      %swap3A_294 = tpu.vector_load %arg7[%swap3A] {strides = array<i32>} : memref<40000xf32, #tpu.memory_space<vmem>>, vector<16xf32>,
      tpu.vector_store %arg7[%swap3A], %add3A_291 {strides = array<i32>} : memref<40000xf32, #tpu.memory_space<vmem>>, vector<16xf32>,
      %scan3A_295 = arith.constant 0 : i32
      scf.yield %scan3A_295 : i32
    }
    %scan3A_267 = arith.constant 625 : i32
    %add3A_268 = arith.constant 64 : i32
    %add3A_269 = arith.addi %add3A_268, %add3A_32 : i32
    %mul3A_270 = arith.constant 10000 : i32
    %mul3A_271 = arith.muli %add3A_269, %mul3A_270 : i32
    "tpu.region"() ({
      %run_scoped3A = tpu.sem_alloc : memref<!tpu.dma_semaphore, #tpu.memory_space<semaphore_mem>>
      %dma_start3A_272 = arith.constant 0 : i32
      %dma_start3A_273 = tpu.memref_slice %arg7[%dma_start3A_272] : memref<40000xf32, #tpu.memory_space<vmem>> -> memref<10000xf32, #tpu.memory_space<vmem>>
      %dma_start3A_274 = tpu.memref_slice %arg4[%mul3A_271] : memref<960000xf32, #tpu.memory_space<hbm>> -> memref<10000xf32, #tpu.memory_space<hbm>>
      %dma_start3A_275 = tpu.memref_slice %arg4[%mul3A_271] : memref<960000xf32, #tpu.memory_space<hbm>> -> memref<10000xf32, #tpu.memory_space<hbm>>
      %dma_start3A_276 = arith.constant 0 : i32
      %dma_start3A_277 = tpu.memref_slice %arg7[%dma_start3A_276] : memref<40000xf32, #tpu.memory_space<vmem>> -> memref<10000xf32, #tpu.memory_space<vmem>>
      tpu.enqueue_dma source(%dma_start3A_277 : memref<10000xf32, #tpu.memory_space<vmem>>) target(%dma_start3A_275 : memref<10000xf32, #tpu.memory_space<hbm>>) target_semaphore(%run_scoped3A : memref<!tpu.dma_semaphore, #tpu.memory_space<semaphore_mem>>)
      %dma_wait3A = arith.constant 0 : i32
      %dma_wait3A_278 = tpu.memref_slice %arg7[%dma_wait3A] : memref<40000xf32, #tpu.memory_space<vmem>> -> memref<10000xf32, #tpu.memory_space<vmem>>
      %dma_wait3A_279 = tpu.memref_slice %arg4[%mul3A_271] : memref<960000xf32, #tpu.memory_space<hbm>> -> memref<10000xf32, #tpu.memory_space<hbm>>
      %dma_wait3A_280 = tpu.memref_slice %arg4[%mul3A_271] : memref<960000xf32, #tpu.memory_space<hbm>> -> memref<10000xf32, #tpu.memory_space<hbm>>
      %dma_wait3A_281 = arith.constant 0 : i32
      %dma_wait3A_282 = tpu.memref_slice %arg7[%dma_wait3A_281] : memref<40000xf32, #tpu.memory_space<vmem>> -> memref<10000xf32, #tpu.memory_space<vmem>>
      tpu.wait_dma2 semaphore(%run_scoped3A : memref<!tpu.dma_semaphore, #tpu.memory_space<semaphore_mem>>) src(%dma_wait3A_282 : memref<10000xf32, #tpu.memory_space<vmem>>) dst(%dma_wait3A_280 : memref<10000xf32, #tpu.memory_space<hbm>>)
      tpu.yield
    }) : () -> ()
    return
  }
}

</mosaic_0001>

<sc_bundles>
// kernel: _net_core.3.cloned.1.call-start
scs
__scs_entry_jumppad:
0x0: {  	(pc) =	sbr.rel $0x88, $3  }
0x1: {  	(tag) =	ssettag $0x0;
	lr =	simm.s32 $0x1  }
0x2: {  	[smem:$0x3F9D] =	sst lr;
	_ =	strace $0xD0000000  }
0x3: {  	_ = 	snop  }
0x4: {  	_ = 	snop  }
0x5: {  	_ = 	snop  }
0x6: {  	_ = 	snop  }
0x7: {  	_ = 	snop  }
__scs_overlays_trampoline_lowered:
0x8: {  	[smem:$0x3FAC] =	sst s0  }
0x9: {  	[smem:$0x3FAD] =	sst s1  }
0xa: {  	[smem:$0x3FAE] =	sst s2  }
0xb: {  	[smem:$0x3FAF] =	sst s3  }
0xc: {  	[smem:$0x3FB0] =	sst s4  }
0xd: {  	[smem:$0x3FB1] =	sst s5  }
0xe: {  	[smem:$0x3FB2] =	sst s6  }
0xf: {  	[smem:$0x3FB3] =	sst s7  }
0x10: {  	[smem:$0x3FB4] =	sst s8  }
0x11: {  	[smem:$0x3FB5] =	sst s9;
	s0 =	simm.s32 @!p0 $0x0  }
0x12: {  	s1 =	sld [smem:$0x3F9B];
	s0 =	simm.s32 @p0 $0x1  }
0x13: {  	[smem:$0x3FB6] =	sst s0;
	s0 =	simm.s32 @!p1 $0x0  }
0x14: {  	s2 =	sld [smem:$0x3F9A];
	s0 =	simm.s32 @p1 $0x1  }
0x15: {  	[smem:$0x3FB7] =	sst s0;
	s0 =	simm.s32 @!p2 $0x0  }
0x16: {  	s3 =	sld [smem:$0x3FDB];
	s0 =	simm.s32 @p2 $0x1  }
0x17: {  	s4 =	simm.s32 $0x1BF5;
	[smem:$0x3FB9] =	sst s0  }
0x18: {  	s0 =	sld [smem:$0x3F9C];
	_ =	swait.ge [sflag:s4], $0x0  }
0x19: {  	s7 =	sld [smem:$0x3F9D]  }
0x1a: {  	s8 =	sadd.s32 $0xFFFFE003, lr  }
0x1b: {  	s9 =	sadd.s32 $0xFFFFFEF7, lr;
	s5 =	simm.s32 $0xFFFFFFFF;
	p2 =	slt.u32 s8, $0xFFFFF086  }
0x1c: {  	p1 =	slt.u32 s9, $0xF7A;
	s5 =	simm.s32 @!p2 $0x0  }
0x1d: {  	s5 =	simm.s32 @p1 $0x1;
	p0 =	seq.s32 s7, s2  }
0x1e: {  	s7 =	smul.u32 @!p0 $0xF7A, s2;
	p2 =	seq.s32 @!p0 s5, $0x0  }
0x1f: {  	s9 =	smul.u32 $0xF7A, s1;
	s8 =	simm.s32 @!p0 $0x1BF5;
	p2 =	por !p2, p0  }
0x20: {  	[sflag:s8] =	ssyncset.s32 @!p0 $0xFFFFF086;
	s6 =	sadd.s32 @!p0 s3, s7;
	s7 =	simm.s32 @!p0 $0x108  }
0x21: {  	s3 =	sadd.s32 s3, s9;
	s6 =	sadd.s32 @!p0 $0x88, s6;
	s7 =	simm.s32 @p2 $0x1082  }
0x22: {  	[simem:s7], [sflag:s8] =	dma.local @!p0 [hbm:s6], $0xF7A  }
0x23: {  	s9 =	sor.u32 $0xD0000000, s2;
	s6 =	simm.s32 $0x108;
	_ =	swait.ge @!p0 [sflag:s8], $0x0  }
0x24: {  	s3 =	sadd.s32 $0x88, s3;
	s6 =	simm.s32 @!p1 $0x1082;
	[sflag:s4] =	ssyncset.s32 $0xFFFFF086  }
0x25: {  	[simem:s6], [sflag:s4] =	dma.local [hbm:s3], $0xF7A  }
0x26: {  	[smem:$0x3F9D] =	sst s1;
	(tag) =	ssettag s2;
	_ =	strace s9  }
0x27: {  	s1 =	sld [smem:$0x3FAD]  }
0x28: {  	s2 =	sld [smem:$0x3FAE]  }
0x29: {  	s4 =	sld [smem:$0x3FB0]  }
0x2a: {  	p0 =	seq.s32 s5, $0x0;
	s5 =	sld [smem:$0x3FB1]  }
0x2b: {  	s6 =	sld [smem:$0x3FB2]  }
0x2c: {  	s7 =	sld [smem:$0x3FB3]  }
0x2d: {  	s3 =	simm.s32 $0x108;
	s8 =	sld [smem:$0x3FB4]  }
0x2e: {  	s3 =	simm.s32 @!p0 $0x1082;
	s9 =	sld [smem:$0x3FB5]  }
0x2f: {  	lr =	sadd.s32 s0, s3;
	s0 =	sld [smem:$0x3FAC]  }
0x30: {  	s3 =	sld [smem:$0x3FAF]  }
0x31: {  	[smem:$0x3FB8] =	sst s10  }
0x32: {  	s10 =	sld [smem:$0x3FB6];
	_ =	sdelay $0x3  }
0x33: {  	p0 =	seq.s32 s10, $0x1;
	s10 =	sld [smem:$0x3FB8];
	_ =	sdelay $0x3  }
0x34: {  	[smem:$0x3FB8] =	sst s10  }
0x35: {  	s10 =	sld [smem:$0x3FB7];
	_ =	sdelay $0x3  }
0x36: {  	p1 =	seq.s32 s10, $0x1;
	s10 =	sld [smem:$0x3FB8];
	_ =	sdelay $0x3  }
0x37: {  	[smem:$0x3FB8] =	sst s10  }
0x38: {  	s10 =	sld [smem:$0x3FB9]  }
0x39: {  	_ = 	snop;
	(pc) =	sbr.ind lr, $3  }
0x3a: {  	_ = 	snop  }
0x3b: {  	_ = 	snop  }
0x3c: {  	p2 =	seq.s32 s10, $0x1;
	s10 =	sld [smem:$0x3FB8]  }
0x3d: {  	_ =	shalt  }
0x3e: {  	_ =	shalt  }
0x3f: {  	_ =	shalt  }
0x40: {  	_ =	shalt  }
0x41: {  	_ =	shalt  }
0x42: {  	_ =	shalt  }
0x43: {  	_ =	shalt  }
0x44: {  	_ =	shalt  }
0x45: {  	_ =	shalt  }
0x46: {  	_ =	shalt  }
0x47: {  	_ =	shalt  }
0x48: {  	_ =	shalt  }
0x49: {  	_ =	shalt  }
0x4a: {  	_ =	shalt  }
0x4b: {  	_ =	shalt  }
0x4c: {  	_ =	shalt  }
0x4d: {  	_ =	shalt  }
0x4e: {  	_ =	shalt  }
0x4f: {  	_ =	shalt  }
0x50: {  	_ =	shalt  }
0x51: {  	_ =	shalt  }
0x52: {  	_ =	shalt  }
0x53: {  	_ =	shalt  }
0x54: {  	_ =	shalt  }
0x55: {  	_ =	shalt  }
0x56: {  	_ =	shalt  }
0x57: {  	_ =	shalt  }
0x58: {  	_ =	shalt  }
0x59: {  	_ =	shalt  }
0x5a: {  	_ =	shalt  }
0x5b: {  	_ =	shalt  }
0x5c: {  	_ =	shalt  }
0x5d: {  	_ =	shalt  }
0x5e: {  	_ =	shalt  }
0x5f: {  	_ =	shalt  }
0x60: {  	_ =	shalt  }
0x61: {  	_ =	shalt  }
0x62: {  	_ =	shalt  }
0x63: {  	_ =	shalt  }
0x64: {  	_ =	shalt  }
0x65: {  	_ =	shalt  }
0x66: {  	_ =	shalt  }
0x67: {  	_ =	shalt  }
0x68: {  	_ =	shalt  }
0x69: {  	_ =	shalt  }
0x6a: {  	_ =	shalt  }
0x6b: {  	_ =	shalt  }
0x6c: {  	_ =	shalt  }
0x6d: {  	_ =	shalt  }
0x6e: {  	_ =	shalt  }
0x6f: {  	_ =	shalt  }
0x70: {  	_ =	shalt  }
0x71: {  	_ =	shalt  }
0x72: {  	_ =	shalt  }
0x73: {  	_ =	shalt  }
0x74: {  	_ =	shalt  }
0x75: {  	_ =	shalt  }
0x76: {  	_ =	shalt  }
0x77: {  	_ =	shalt  }
0x78: {  	_ =	shalt  }
0x79: {  	_ =	shalt  }
0x7a: {  	_ =	shalt  }
0x7b: {  	_ =	shalt  }
0x7c: {  	_ =	shalt  }
0x7d: {  	_ =	shalt  }
0x7e: {  	_ =	shalt  }
0x7f: {  	_ =	shalt  }
0x80: {  	_ =	shalt  }
0x81: {  	_ =	shalt  }
0x82: {  	_ =	shalt  }
0x83: {  	_ =	shalt  }
0x84: {  	_ =	shalt  }
0x85: {  	_ =	shalt  }
0x86: {  	_ =	shalt  }
0x87: {  	_ =	shalt  }
.Lfunc_end0:
.L_simem_size_0:
called_computation_lowered:
.L_overlay_start_0:
0x88: {  	s2 =	sld [smem:$0x3FD9]  }
0x89: {  	s3 =	sld [smem:$0x3FFE];
	_ =	sdelay $0x1  }
0x8a: {  	s1 =	srdreg.scid  }
0x8b: {  	s0 =	sand.u32 $0x1, s1  }
0x8c: {  	s17 =	sshll.u32 s0, $0xA;
	s2 =	sadd.s32 s3, s2  }
0x8d: {  	s2 =	sadd.s32 s2, s17  }
0x8e: {  	[smem:$0x3FC4] =	sst s2  }
0x8f: {  	_ = 	snop  }
0x90: {  	s2 =	sld [smem:$0x3FC6]  }
0x91: {  	s18 =	sld [smem:$0x3FD0];
	(tm) =	ssettm $0x1  }
0x92: {  	s4 =	sld [smem:$0x3FFB];
	_ =	sdelay $0x3  }
0x93: {  	_ =	strace s4  }
0x94: {  	s4 =	sld [smem:$0x3FFC];
	_ =	sdelay $0x3  }
0x95: {  	_ =	strace s4  }
0x96: {  	s4 =	sld [smem:$0x3FFD];
	_ =	sdelay $0x3  }
0x97: {  	_ =	strace s4  }
0x98: {  	_ =	strace $0x8FFFFFFF  }
0x99: {  	s19 =	sld [smem:$0x3FDB];
	_ =	sdelay $0x1  }
0x9a: {  	s5 =	simm.s32 $_scs_section_size  }
0x9b: {  	s6 =	simm.s32 $_size__tile_overlayer_lowered;
	s7 =	simm.s32 $_tile_overlayer_lowered  }
0x9c: {  	s22 =	simm.s32 $0x1BFF;
	s21 =	sshll.u32 s7, $0x1;
	s4 =	sadd.s32 s5, s19  }
0x9d: {  	s8 =	simm.s32 $0x0;
	s20 =	sshll.u32 s6, $0x1;
	s6 =	sadd.s32 s21, s4  }
0x9e: {  	[timem:s8], [sflag:s22] =	dma.local [hbm:s6], s20  }
0x9f: {  	_ =	swait.ge [sflag:s22], s20  }
0xa0: {  	s5 =	ssub.s32 $0x0, s20;
	[sflag:s22] =	ssyncset.done $0x0  }
0xa1: {  	[sflag:s22] =	ssyncadd.s32 s5;
	_ =	sdelay $0x1  }
0xa2: {  	s23 =	simm.s32 $0x1B8B  }
0xa3: {  	_ =	swait.ge [sflag:s23], $0x1  }
0xa4: {  	[sflag:s23] =	ssyncset.done $0x0  }
0xa5: {  	s25 =	simm.s32 $0x1B8E;
	s24 =	sld [smem:$0x3FFE];
	[sflag:s23] =	ssyncadd.s32 $0xFFFFFFFF  }
0xa6: {  	s26 =	simm.s32 $execute0_lowered;
	[smem:$0x3FD2] =	sst s25  }
0xa7: {  	s6 =	sshll.u32 s26, $0x1;
	_ =	strace $0x80000046;
	[dreg:$0x1] =	wrdreg $0xFFFFFFFF  }
0xa8: {  	s28 =	simm.s32 $_size_execute0_lowered;
	s4 =	sadd.s32 s4, s6;
	[dreg:$0x0] =	wrdreg $0x0  }
0xa9: {  	s6 =	sshll.u32 s28, $0x1;
	[dreg:$0x2] =	wrdreg s4  }
0xaa: {  	[dreg:$0x3] =	wrdreg s6  }
0xab: {  	[dreg:$0x4] =	wrdreg $0xC0  }
0xac: {  	_ =	task [dreg:s8], $0x5FFFF  }
0xad: {  	[dreg:$0x1] =	wrdreg $0xFFFFFFFF  }
0xae: {  	[dreg:$0x0] =	wrdreg $0x60  }
0xaf: {  	[dreg:$0x2] =	wrdreg s18  }
0xb0: {  	[dreg:$0x3] =	wrdreg s2  }
0xb1: {  	[dreg:$0x4] =	wrdreg s24  }
0xb2: {  	[dreg:$0x5] =	wrdreg $0x197000  }
0xb3: {  	[dreg:$0x6] =	wrdreg $0x9  }
0xb4: {  	_ =	task.clear_ibuf [dreg:s8], $0x7FFFF;
	_ =	strace $0x90000046  }
0xb5: {  	s29 =	simm.s32 $0x9;
	_ =	strace $0x80000048  }
0xb6: {  	_ =	swait.ge [sflag:s29], $0x1  }
0xb7: {  	[sflag:s29] =	ssyncadd.s32 $0xFFFFFFFF  }
0xb8: {  	_ =	strace $0x90000048  }
0xb9: {  	_ =	sfence  }
0xba: {  	s30 =	sld [smem:$0x0];
	_ =	sdelay $0x2  }
0xbb: {  	s31 =	sshll.u32 s1, $0xD;
	s1 =	sshrl.u32 s1, $0x2  }
0xbc: {  	s3 =	sand.u32 $0x4000, s31;
	s1 =	sadd.s32 s1, s30  }
0xbd: {  	s0 =	sor.u32 s3, s0;
	s1 =	sshll.u32 s1, $0x11  }
0xbe: {  	s0 =	sor.u32 s1, s0  }
0xbf: {  	s0 =	sadd.s32 $0x8F2B, s0  }
0xc0: {  	[sflag:s0] =	ssyncadd.remote.s32 $0x1  }
0xc1: {  	_ =	sfence.sel $0xFFFF  }
0xc2: {  	[dreg:$0x0] =	wrdreg $0xFFFFFFFF;
	(pc) =	sbr.abs _section_cstart, $3  }
0xc3: {  	[dreg:$0x1] =	wrdreg $0xFFFFFFFF  }
0xc4: {  	_ =	task.clear_ibuf [dreg:s8], $0x2FFFF;
	_ =	strace $0x9FFFFFFF  }
0xc5: {  	(tm) =	ssettm $0x7FFFFFFF  }
tec
execute0_lowered:
.L_overlay_start_1:
0x0: {  	(tag) =	ssettag $0x1  }
0x1: {  	s0 =	rddreg [dreg:$0x0]  }
0x2: {  	s1 =	rddreg [dreg:$0x1]  }
0x3: {  	s2 =	rddreg [dreg:$0x2]  }
0x4: {  	s6 =	rddreg [dreg:$0x3];
	s3 =	simm.s32 $0x0;
	s14 =	stileid.u32  }
0x5: {  	s7 =	srdreg.scid;
	s21 =	simm.s32 $0x13900;
	s28 =	simm.s32 $0x2710  }
0x6: {  	s29 =	simm.s32 $0x4E20;
	s5 =	sand.u32 $0x3, s14;
	s24 =	smul.u32 $0x9C40, s14  }
0x7: {  	s30 =	simm.s32 $0x7530;
	[smem:$0x7FF] =	sst s3;
	s4 =	smul.u32 $0x14, s5  }
0x8: {  	s13 =	sadd.s32 $0x27A00, s2;
	s9 =	sshrl.u32 s14, $0x2;
	s8 =	smul.u32 $0x4E200, s5  }
0x9: {  	s7 =	sand.u32 $0x1, s7;
	s11 =	sand.u32 $0xC, s14;
	s15 =	smul.u32 $0x9C40, s9  }
0xa: {  	s10 =	sshll.u32 s7, $0x4;
	s22 =	ssub.s32 $0x2, s7;
	s7 =	smul.u32 $0x27100, s7  }
0xb: {  	s2 =	sadd.s32 $0x800, s2;
	_ =	strace $0x80000047;
	s5 =	smul.u32 $0x7530, s5  }
0xc: {  	s11 =	sor.u32 s11, s10;
	s12 =	sshrl.u32 s22, $0x1;
	s23 =	sor.u32 s14, s10  }
0xd: {  	s25 =	sshrl.u32 s24, $0x2;
	s24 =	simm.s32 $0x167E0;
	s11 =	smul.u32 $0x2710, s11  }
0xe: {  	s16 =	ssub.s32 s22, s12;
	s7 =	sadd.s32 s15, s7;
	s5 =	sadd.s32 s1, s5  }
0xf: {  	s9 =	smul.u32 $0x2710, s23;
	s14 =	sadd.s32 s25, s6;
	s15 =	sadd.s32 s15, s6  }
0x10: {  	s22 =	simm.s32 $0x3;
	s23 =	simm.s32 $0x1;
	s7 =	sshrl.u32 s7, $0x3  }
0x11: {  	s25 =	simm.s32 $0x9C80;
	s20 =	smax.u32 s16, $0x1;
	s7 =	sadd.s32 s0, s7  }
0x12: {  	s8 =	sadd.s32 s8, s11;
	s17 =	sshrl.u32 s9, $0x3;
	s7 =	sadd.s32 $0x9C40, s7  }
0x13: {  	s8 =	sshrl.u32 s8, $0x3;
	s9 =	sadd.s32 s2, s17;
	s18 =	sadd.s32 $0x9C40, s17  }
0x14: {  	s19 =	sadd.s32 $0x13880, s17;
	s26 =	sadd.s32 s0, s17;
	s31 =	sadd.s32 s13, s17  }
0x15: {  	[dreg:$0x5] =	wrdreg s7;
	s7 =	sor.u32 $0x1, s4;
	s8 =	sadd.s32 s2, s8  }
0x16: {  	s10 =	sadd.s32 s2, s18;
	s11 =	sadd.s32 s2, s19;
	[dreg:$0x6] =	wrdreg s26  }
0x17: {  	s12 =	sadd.s32 $0x1D4C0, s9;
	s0 =	sadd.s32 s0, s19;
	[dreg:$0x8] =	wrdreg s31  }
0x18: {  	s18 =	sadd.s32 s13, s18;
	s19 =	sadd.s32 s13, s19;
	s26 =	simm.s32 $0x2  }
0x19: {  	v0 =	vimm.f32 $0.0e+00;
	s2 =	simm.s32 $0x0;
	[dreg:$0x7] =	wrdreg s0;
	s0 =	simm.s32 $0xEAA0  }
.LBB2_1:
0x1a: {  	[tilespmem:s21], [sflag:$0x1] =	stream.linear.gather [hbm4b:s5+s3], $0x2EE0, $0x38;
	[tilespmem:$0x1BE10] =	vst v63  }
0x1b: {  	s6 =	rddreg [dreg:$0x5]  }
0x1c: {  	[tilespmem:s3], [sflag:$0x3] =	stream.linear.gather [hbm4b:s6+s3], $0x9C40, $0x38;
	[tilespmem:$0x1BE10] =	vst v63  }
0x1d: {  	_ =	swait.ge [sflag:s22], $0x9C40  }
0x1e: {  	[sflag:s22] =	ssyncset.done $0x0  }
0x1f: {  	s6 =	simm.s32 $0x9CC0;
	[sflag:s22] =	ssyncadd.s32 $0xFFFF63C0  }
0x20: {  	[tilespmem:s6+$0xFFFFFFC0] =	vst v0  }
0x21: {  	[tilespmem:s6+$0x30] =	vst v0  }
0x22: {  	[tilespmem:s6+$0x20] =	vst v0  }
0x23: {  	[tilespmem:s6+$0x10] =	vst v0  }
0x24: {  	[tilespmem:s6+$0x0] =	vst v0  }
0x25: {  	[tilespmem:s6+$0xFFFFFFF0] =	vst v0  }
0x26: {  	s13 =	simm.s32 $0x0;
	[tilespmem:s6+$0xFFFFFFE0] =	vst v0  }
.LBB2_2:
0x27: {  	s13 =	sadd.s32 $0x8, s13;
	[tilespmem:s6+$0xFFFFFFD0] =	vst v0;
	s6 =	sadd.s32 $0x80, s6  }
0x28: {  	[tilespmem:s6+$0xFFFFFFC0] =	vst v0;
	p0 =	slt.u32 s13, $0x9B8  }
0x29: {  	[tilespmem:s6+$0x30] =	vst v0  }
.Ltmp0:
0x2a: {  	[tilespmem:s6+$0x20] =	vst v0;
	(pc) =	sbr.rel @p0 .LBB2_2-.Ltmp0, $4  }
0x2b: {  	[tilespmem:s6+$0x10] =	vst v0  }
0x2c: {  	[tilespmem:s6+$0x0] =	vst v0  }
0x2d: {  	[tilespmem:s6+$0xFFFFFFF0] =	vst v0  }
0x2e: {  	[tilespmem:s6+$0xFFFFFFE0] =	vst v0  }
0x2f: {  	[tilespmem:s6+$0xFFFFFFD0] =	vst v0;
	s31 =	simm.s32 $0x0;
	s6 =	simm.s32 $0x0  }
.LBB2_4:
0x30: {  	p0 =	sne.s32 s6, $0xC0  }
.Ltmp1:
0x31: {  	_ = 	snop;
	(pc) =	sbr.rel @p0 .LBB2_4-.Ltmp1, $3  }
0x32: {  	_ =	sdelay $0x1  }
0x33: {  	s13 =	sshra.s32 s6, $0x2  }
0x34: {  	s6 =	sadd.s32 $0x40, s6;
	[tilespmem:s13+$0x13880] =	vst v0  }
.LBB2_5:
0x35: {  	s6 =	sshll.u32 s31, $0x1  }
0x36: {  	s13 =	sadd.s32 s4, s6  }
0x37: {  	s13 =	smul.u32 $0x2EE0, s13;
	_ =	sdelay $0x1  }
0x38: {  	_ =	swait.ge [sflag:s23], $0x2EE0;
	s13 =	sshrl.u32 s13, $0x3  }
0x39: {  	[sflag:s23] =	ssyncset.done $0x0;
	s13 =	sadd.s32 s1, s13  }
0x3a: {  	s16 =	simm.s32 $0x148E0;
	[sflag:s23] =	ssyncadd.s32 $0xFFFFD120;
	s13 =	sadd.s32 $0x5DC, s13  }
0x3b: {  	[tilespmem:s24], [sflag:$0x2] =	stream.linear.gather [hbm4b:s13+s3], $0x2EE0, $0x38;
	[tilespmem:$0x1BE10] =	vst v63  }
0x3c: {  	v10 =	vld [tilespmem:s16+$0xFFFFF090]  }
0x3d: {  	v11 =	vld [tilespmem:s16+$0xFFFFF030]  }
0x3e: {  	v8 =	vld [tilespmem:s16+$0xFFFFF040]  }
0x3f: {  	v6 =	vld [tilespmem:s16+$0xFFFFF050]  }
0x40: {  	v4 =	vld [tilespmem:s16+$0xFFFFF060]  }
0x41: {  	v3 =	vld [tilespmem:s16+$0xFFFFF070]  }
0x42: {  	v2 =	vld [tilespmem:s16+$0xFFFFF080]  }
0x43: {  	v12 =	vld [tilespmem:s16+$0x30]  }
0x44: {  	v13 =	vld [tilespmem:s16+$0xFD0]  }
0x45: {  	v14 =	vld [tilespmem:s16+$0xFFFFF020]  }
0x46: {  	v22 =	vld [tilespmem:s16+$0xF60]  }
0x47: {  	v23 =	vld [tilespmem:s16+$0xF70]  }
0x48: {  	v25 =	vld [tilespmem:s16+$0xF80]  }
0x49: {  	s13 =	simm.s32 $0x0;
	v9 =	vld [tilespmem:s16+$0xF90]  }
0x4a: {  	v1 =	vld.idx.msk [tilespmem:v10+s13+$0x0], $0xffff  }
0x4b: {  	v26 =	vld [tilespmem:s16+$0xFFFFFFC0]  }
0x4c: {  	v28 =	vld [tilespmem:s16+$0xFFFFFFD0]  }
0x4d: {  	v29 =	vld [tilespmem:s16+$0xFFFFFFE0];
	v5 =	vadd.s32 $0x2710, v10  }
0x4e: {  	v30 =	vld [tilespmem:s16+$0xFFFFFFF0]  }
0x4f: {  	v31 =	vld [tilespmem:s16+$0x0];
	v1 =	vmul.f32 v1, v13  }
0x50: {  	v40 =	vld [tilespmem:s16+$0x10]  }
0x51: {  	[tilespmem:v12+s25+$0x0] =	vst.idx.add.f32.msk $0xffff, v1  }
0x52: {  	v1 =	vld.idx.msk [tilespmem:v5+s13+$0x0], $0xffff  }
0x53: {  	v41 =	vld [tilespmem:s16+$0x20]  }
0x54: {  	v7 =	vadd.s32 $0x2710, v12;
	v15 =	vld.idx.msk [tilespmem:v11+s13+$0x0], $0xffff  }
0x55: {  	v24 =	vadd.s32 $0x4E20, v10;
	v16 =	vld.idx.msk [tilespmem:v8+s13+$0x0], $0xffff  }
0x56: {  	v20 =	vld.idx.msk [tilespmem:v14+s13+$0x0], $0xffff  }
0x57: {  	v18 =	vld.idx.msk [tilespmem:v4+s13+$0x0], $0xffff;
	v1 =	vmul.f32 v1, v13  }
0x58: {  	v5 =	vld [tilespmem:s16+$0xFA0]  }
0x59: {  	[tilespmem:v7+s25+$0x0] =	vst.idx.add.f32.msk $0xffff, v1  }
0x5a: {  	v24 =	vld.idx.msk [tilespmem:v24+s13+$0x0], $0xffff  }
0x5b: {  	v17 =	vld.idx.msk [tilespmem:v6+s13+$0x0], $0xffff;
	v20 =	vmul.f32 v20, v22  }
0x5c: {  	v27 =	vadd.s32 $0x4E20, v12;
	v19 =	vld.idx.msk [tilespmem:v3+s13+$0x0], $0xffff;
	v15 =	vmul.f32 v15, v23  }
0x5d: {  	v10 =	vadd.s32 $0x7530, v10;
	v16 =	vmul.f32 v16, v25;
	[tilespmem:v26+s25+$0x0] =	vst.idx.add.f32.msk $0xffff, v20  }
0x5e: {  	v42 =	vadd.s32 $0x2710, v14;
	[tilespmem:v28+s25+$0x0] =	vst.idx.add.f32.msk $0xffff, v15;
	v15 =	vmul.f32 v18, v5  }
0x5f: {  	[tilespmem:v29+s25+$0x0] =	vst.idx.add.f32.msk $0xffff, v16;
	v24 =	vmul.f32 v24, v13  }
0x60: {  	[tilespmem:v31+s25+$0x0] =	vst.idx.add.f32.msk $0xffff, v15  }
0x61: {  	v15 =	vadd.s32 $0x2710, v8;
	[tilespmem:v27+s25+$0x0] =	vst.idx.add.f32.msk $0xffff, v24  }
0x62: {  	v10 =	vld.idx.msk [tilespmem:v10+s13+$0x0], $0xffff  }
0x63: {  	v16 =	vld.idx.msk [tilespmem:v42+s13+$0x0], $0xffff  }
0x64: {  	v12 =	vadd.s32 $0x7530, v12;
	v7 =	vld [tilespmem:s16+$0xFB0]  }
0x65: {  	v47 =	vadd.s32 $0x2710, v26;
	v21 =	vld.idx.msk [tilespmem:v2+s13+$0x0], $0xffff;
	v17 =	vmul.f32 v17, v9  }
0x66: {  	v15 =	vld.idx.msk [tilespmem:v15+s13+$0x0], $0xffff  }
0x67: {  	[tilespmem:v30+s25+$0x0] =	vst.idx.add.f32.msk $0xffff, v17;
	v10 =	vmul.f32 v10, v13;
	v13 =	vadd.s32 $0x2710, v11  }
0x68: {  	v49 =	vadd.s32 $0x2710, v29;
	v16 =	vmul.f32 v16, v22;
	v1 =	vld [tilespmem:s16+$0xFC0]  }
0x69: {  	v43 =	vmul.f32 v19, v7;
	[tilespmem:v12+s25+$0x0] =	vst.idx.add.f32.msk $0xffff, v10;
	v10 =	vadd.s32 $0x2710, v6  }
0x6a: {  	[tilespmem:v47+s25+$0x0] =	vst.idx.add.f32.msk $0xffff, v16;
	v12 =	vadd.s32 $0x2710, v4  }
0x6b: {  	[tilespmem:v40+s25+$0x0] =	vst.idx.add.f32.msk $0xffff, v43;
	v15 =	vmul.f32 v15, v25  }
0x6c: {  	v45 =	vadd.s32 $0x2710, v3;
	v13 =	vld.idx.msk [tilespmem:v13+s13+$0x0], $0xffff  }
0x6d: {  	v46 =	vadd.s32 $0x2710, v2;
	[tilespmem:v49+s25+$0x0] =	vst.idx.add.f32.msk $0xffff, v15  }
0x6e: {  	v48 =	vadd.s32 $0x2710, v28;
	v44 =	vmul.f32 v21, v1;
	v10 =	vld.idx.msk [tilespmem:v10+s13+$0x0], $0xffff  }
0x6f: {  	v15 =	vadd.s32 $0x4E20, v11;
	v12 =	vld.idx.msk [tilespmem:v12+s13+$0x0], $0xffff  }
0x70: {  	v32 =	vadd.s32 $0x2710, v30;
	[tilespmem:v41+s25+$0x0] =	vst.idx.add.f32.msk $0xffff, v44  }
0x71: {  	v33 =	vadd.s32 $0x2710, v31;
	v17 =	vld.idx.msk [tilespmem:v45+s13+$0x0], $0xffff;
	v13 =	vmul.f32 v13, v23  }
0x72: {  	v51 =	vadd.s32 $0x4E20, v8;
	v18 =	vld.idx.msk [tilespmem:v46+s13+$0x0], $0xffff  }
0x73: {  	v52 =	vadd.s32 $0x4E20, v6;
	[tilespmem:v48+s25+$0x0] =	vst.idx.add.f32.msk $0xffff, v13;
	v10 =	vmul.f32 v10, v9  }
0x74: {  	v34 =	vadd.s32 $0x2710, v40;
	v12 =	vmul.f32 v12, v5;
	v15 =	vld.idx.msk [tilespmem:v15+s13+$0x0], $0xffff  }
0x75: {  	v50 =	vadd.s32 $0x2710, v41;
	[tilespmem:v32+s25+$0x0] =	vst.idx.add.f32.msk $0xffff, v10  }
0x76: {  	v13 =	vadd.s32 $0x4E20, v14;
	[tilespmem:v33+s25+$0x0] =	vst.idx.add.f32.msk $0xffff, v12  }
0x77: {  	v53 =	vadd.s32 $0x4E20, v2;
	v10 =	vmul.f32 v17, v7;
	v17 =	vld.idx.msk [tilespmem:v51+s13+$0x0], $0xffff  }
0x78: {  	v55 =	vadd.s32 $0x4E20, v28;
	v12 =	vmul.f32 v18, v1;
	v18 =	vld.idx.msk [tilespmem:v52+s13+$0x0], $0xffff  }
0x79: {  	[tilespmem:v34+s25+$0x0] =	vst.idx.add.f32.msk $0xffff, v10;
	v10 =	vadd.s32 $0x4E20, v4  }
0x7a: {  	[tilespmem:v50+s25+$0x0] =	vst.idx.add.f32.msk $0xffff, v12;
	v12 =	vadd.s32 $0x4E20, v3  }
0x7b: {  	v11 =	vadd.s32 $0x7530, v11;
	v13 =	vld.idx.msk [tilespmem:v13+s13+$0x0], $0xffff;
	v15 =	vmul.f32 v15, v23  }
0x7c: {  	v57 =	vadd.s32 $0x4E20, v30;
	v16 =	vld.idx.msk [tilespmem:v53+s13+$0x0], $0xffff  }
0x7d: {  	v54 =	vadd.s32 $0x4E20, v26;
	[tilespmem:v55+s25+$0x0] =	vst.idx.add.f32.msk $0xffff, v15  }
0x7e: {  	v6 =	vadd.s32 $0x7530, v6;
	v10 =	vld.idx.msk [tilespmem:v10+s13+$0x0], $0xffff  }
0x7f: {  	v56 =	vadd.s32 $0x4E20, v29;
	v15 =	vmul.f32 v18, v9;
	v12 =	vld.idx.msk [tilespmem:v12+s13+$0x0], $0xffff  }
0x80: {  	v8 =	vadd.s32 $0x7530, v8;
	v11 =	vld.idx.msk [tilespmem:v11+s13+$0x0], $0xffff;
	v13 =	vmul.f32 v13, v22  }
0x81: {  	v58 =	vadd.s32 $0x4E20, v31;
	[tilespmem:v57+s25+$0x0] =	vst.idx.add.f32.msk $0xffff, v15  }
0x82: {  	v59 =	vadd.s32 $0x4E20, v40;
	[tilespmem:v54+s25+$0x0] =	vst.idx.add.f32.msk $0xffff, v13;
	v13 =	vmul.f32 v17, v25  }
0x83: {  	v60 =	vadd.s32 $0x4E20, v41;
	v6 =	vld.idx.msk [tilespmem:v6+s13+$0x0], $0xffff  }
0x84: {  	v14 =	vadd.s32 $0x7530, v14;
	[tilespmem:v56+s25+$0x0] =	vst.idx.add.f32.msk $0xffff, v13;
	v10 =	vmul.f32 v10, v5  }
0x85: {  	v4 =	vadd.s32 $0x7530, v4;
	v12 =	vmul.f32 v12, v7;
	v13 =	vld.idx.msk [tilespmem:v8+s13+$0x0], $0xffff  }
0x86: {  	v3 =	vadd.s32 $0x7530, v3;
	[tilespmem:v58+s25+$0x0] =	vst.idx.add.f32.msk $0xffff, v10;
	v10 =	vmul.f32 v16, v1  }
0x87: {  	v2 =	vadd.s32 $0x7530, v2;
	[tilespmem:v59+s25+$0x0] =	vst.idx.add.f32.msk $0xffff, v12  }
0x88: {  	v62 =	vadd.s32 $0x7530, v30;
	[tilespmem:v60+s25+$0x0] =	vst.idx.add.f32.msk $0xffff, v10  }
0x89: {  	v15 =	vadd.s32 $0x7530, v29;
	v10 =	vld.idx.msk [tilespmem:v14+s13+$0x0], $0xffff  }
0x8a: {  	v61 =	vld.idx.msk [tilespmem:v4+s13+$0x0], $0xffff;
	v14 =	vadd.s32 $0x7530, v28  }
0x8b: {  	v12 =	vadd.s32 $0x7530, v26;
	v6 =	vmul.f32 v6, v9;
	v63 =	vld.idx.msk [tilespmem:v3+s13+$0x0], $0xffff  }
0x8c: {  	v8 =	vld.idx.msk [tilespmem:v2+s13+$0x0], $0xffff;
	v4 =	vmul.f32 v13, v25  }
0x8d: {  	[tilespmem:v62+s25+$0x0] =	vst.idx.add.f32.msk $0xffff, v6;
	v2 =	vmul.f32 v11, v23  }
0x8e: {  	[tilespmem:v15+s25+$0x0] =	vst.idx.add.f32.msk $0xffff, v4;
	v3 =	vmul.f32 v10, v22  }
0x8f: {  	v4 =	vadd.s32 $0x7530, v41;
	v13 =	vmul.f32 v61, v5;
	[tilespmem:v14+s25+$0x0] =	vst.idx.add.f32.msk $0xffff, v2  }
0x90: {  	s17 =	simm.s32 $0x14960;
	s16 =	simm.s32 $0x0;
	v6 =	vmul.f32 v63, v7;
	v2 =	vadd.s32 $0x7530, v31;
	[tilespmem:v12+s25+$0x0] =	vst.idx.add.f32.msk $0xffff, v3;
	v3 =	vadd.s32 $0x7530, v40  }
.LBB2_6:
0x91: {  	v28 =	vld [tilespmem:s17+$0xFFFFF090];
	s16 =	sadd.s32 $0x8, s16;
	v5 =	vmul.f32 v8, v1  }
0x92: {  	v1 =	vld [tilespmem:s17+$0xFFFFF030];
	p0 =	slt.u32 s16, $0xF0  }
0x93: {  	v14 =	vld [tilespmem:s17+$0xFFFFF040]  }
0x94: {  	v15 =	vld [tilespmem:s17+$0xFFFFF050]  }
0x95: {  	v17 =	vld [tilespmem:s17+$0xFFFFF060]  }
0x96: {  	v18 =	vld [tilespmem:s17+$0xFFFFF070]  }
0x97: {  	v27 =	vadd.s32 $0x2710, v1;
	v16 =	vadd.s32 $0x4E20, v1;
	v7 =	vadd.s32 $0x7530, v1;
	v19 =	vld [tilespmem:s17+$0xFFFFF080]  }
0x98: {  	v31 =	vadd.s32 $0x2710, v14;
	v21 =	vadd.s32 $0x4E20, v14;
	v8 =	vadd.s32 $0x7530, v14;
	v36 =	vld [tilespmem:s17+$0x30]  }
0x99: {  	v33 =	vadd.s32 $0x2710, v15;
	v23 =	vadd.s32 $0x4E20, v15;
	v9 =	vadd.s32 $0x7530, v15;
	v20 =	vld.idx.msk [tilespmem:v28+s13+$0x0], $0xffff  }
0x9a: {  	v35 =	vadd.s32 $0x2710, v17;
	v24 =	vadd.s32 $0x4E20, v17;
	v10 =	vadd.s32 $0x7530, v17;
	v37 =	vld [tilespmem:s17+$0xFD0]  }
0x9b: {  	v22 =	vld [tilespmem:s17+$0xFFFFF020];
	v38 =	vadd.s32 $0x2710, v18;
	v25 =	vadd.s32 $0x4E20, v18;
	v11 =	vadd.s32 $0x7530, v18  }
0x9c: {  	v1 =	vld.idx.msk [tilespmem:v1+s13+$0x0], $0xffff;
	v39 =	vadd.s32 $0x2710, v19;
	v26 =	vadd.s32 $0x4E20, v19;
	v12 =	vadd.s32 $0x7530, v19  }
0x9d: {  	v30 =	vld.idx.msk [tilespmem:v14+s13+$0x0], $0xffff;
	v14 =	vadd.s32 $0x2710, v28  }
0x9e: {  	v32 =	vld.idx.msk [tilespmem:v15+s13+$0x0], $0xffff  }
0x9f: {  	v34 =	vld.idx.msk [tilespmem:v17+s13+$0x0], $0xffff;
	v15 =	vmul.f32 v20, v37  }
0xa0: {  	v40 =	vadd.s32 $0x2710, v22;
	v29 =	vadd.s32 $0x4E20, v22;
	v20 =	vadd.s32 $0x7530, v22;
	v41 =	vld.idx.msk [tilespmem:v18+s13+$0x0], $0xffff  }
0xa1: {  	[tilespmem:v36+s25+$0x0] =	vst.idx.add.f32.msk $0xffff, v15  }
0xa2: {  	v15 =	vld.idx.msk [tilespmem:v14+s13+$0x0], $0xffff  }
0xa3: {  	v22 =	vld.idx.msk [tilespmem:v22+s13+$0x0], $0xffff  }
0xa4: {  	v42 =	vld.idx.msk [tilespmem:v19+s13+$0x0], $0xffff  }
0xa5: {  	v43 =	vadd.s32 $0x2710, v36;
	v18 =	vld [tilespmem:s17+$0xF60]  }
0xa6: {  	v44 =	vadd.s32 $0x4E20, v28;
	v19 =	vld [tilespmem:s17+$0xF70]  }
0xa7: {  	v17 =	vld [tilespmem:s17+$0xF80]  }
0xa8: {  	v45 =	vmul.f32 v15, v37;
	v14 =	vld [tilespmem:s17+$0xF90]  }
0xa9: {  	v15 =	vld [tilespmem:s17+$0xFA0]  }
0xaa: {  	v46 =	vmul.f32 v22, v18;
	[tilespmem:v43+s25+$0x0] =	vst.idx.add.f32.msk $0xffff, v45  }
0xab: {  	v43 =	vmul.f32 v1, v19;
	v44 =	vld.idx.msk [tilespmem:v44+s13+$0x0], $0xffff  }
0xac: {  	v45 =	vmul.f32 v30, v17;
	v22 =	vld [tilespmem:s17+$0xFB0]  }
0xad: {  	v47 =	vmul.f32 v32, v14;
	v1 =	vld [tilespmem:s17+$0xFC0]  }
0xae: {  	v30 =	vadd.s32 $0x4E20, v36;
	v48 =	vld [tilespmem:s17+$0xFFFFFFC0];
	v49 =	vmul.f32 v34, v15  }
0xaf: {  	v32 =	vadd.s32 $0x7530, v28;
	v50 =	vld [tilespmem:s17+$0xFFFFFFD0]  }
0xb0: {  	v51 =	vld [tilespmem:s17+$0xFFFFFFE0]  }
0xb1: {  	v34 =	vmul.f32 v44, v37;
	v52 =	vld [tilespmem:s17+$0xFFFFFFF0];
	v41 =	vmul.f32 v41, v22  }
0xb2: {  	v44 =	vld [tilespmem:s17+$0x0];
	v42 =	vmul.f32 v42, v1  }
0xb3: {  	v53 =	vadd.s32 $0x2710, v48;
	v54 =	vadd.s32 $0x4E20, v48;
	v28 =	vadd.s32 $0x7530, v48;
	[tilespmem:v30+s25+$0x0] =	vst.idx.add.f32.msk $0xffff, v34  }
0xb4: {  	v55 =	vadd.s32 $0x2710, v50;
	v56 =	vadd.s32 $0x4E20, v50;
	v30 =	vadd.s32 $0x7530, v50;
	v57 =	vld.idx.msk [tilespmem:v32+s13+$0x0], $0xffff  }
0xb5: {  	v58 =	vadd.s32 $0x2710, v51;
	v59 =	vadd.s32 $0x4E20, v51;
	v32 =	vadd.s32 $0x7530, v51;
	v60 =	vld [tilespmem:s17+$0x10]  }
0xb6: {  	v61 =	vadd.s32 $0x2710, v52;
	v62 =	vadd.s32 $0x4E20, v52;
	v34 =	vadd.s32 $0x7530, v52;
	v63 =	vld [tilespmem:s17+$0x20]  }
0xb7: {  	v36 =	vadd.s32 $0x7530, v36;
	[tilespmem:v48+s25+$0x0] =	vst.idx.add.f32.msk $0xffff, v46;
	v46 =	vadd.s32 $0x2710, v44;
	v48 =	vadd.s32 $0x4E20, v44  }
0xb8: {  	[tilespmem:v50+s25+$0x0] =	vst.idx.add.f32.msk $0xffff, v43;
	v43 =	vadd.s32 $0x7530, v44  }
0xb9: {  	[tilespmem:v51+s25+$0x0] =	vst.idx.add.f32.msk $0xffff, v45  }
0xba: {  	v37 =	vmul.f32 v57, v37;
	[tilespmem:v52+s25+$0x0] =	vst.idx.add.f32.msk $0xffff, v47;
	v45 =	vadd.s32 $0x2710, v60;
	v47 =	vadd.s32 $0x4E20, v60  }
0xbb: {  	[tilespmem:v44+s25+$0x0] =	vst.idx.add.f32.msk $0xffff, v49;
	v44 =	vadd.s32 $0x7530, v60;
	v49 =	vadd.s32 $0x2710, v63;
	v50 =	vadd.s32 $0x4E20, v63  }
0xbc: {  	v51 =	vadd.s32 $0x7530, v63;
	[tilespmem:v36+s25+$0x0] =	vst.idx.add.f32.msk $0xffff, v37  }
0xbd: {  	[tilespmem:v60+s25+$0x0] =	vst.idx.add.f32.msk $0xffff, v41  }
0xbe: {  	[tilespmem:v63+s25+$0x0] =	vst.idx.add.f32.msk $0xffff, v42  }
0xbf: {  	v36 =	vld.idx.msk [tilespmem:v40+s13+$0x0], $0xffff  }
0xc0: {  	v27 =	vld.idx.msk [tilespmem:v27+s13+$0x0], $0xffff  }
0xc1: {  	v31 =	vld.idx.msk [tilespmem:v31+s13+$0x0], $0xffff  }
0xc2: {  	v33 =	vld.idx.msk [tilespmem:v33+s13+$0x0], $0xffff  }
0xc3: {  	v35 =	vld.idx.msk [tilespmem:v35+s13+$0x0], $0xffff  }
0xc4: {  	v37 =	vld.idx.msk [tilespmem:v38+s13+$0x0], $0xffff  }
0xc5: {  	v36 =	vmul.f32 v36, v18;
	v38 =	vld.idx.msk [tilespmem:v39+s13+$0x0], $0xffff  }
0xc6: {  	v27 =	vmul.f32 v27, v19;
	[tilespmem:v2+s25+$0x0] =	vst.idx.add.f32.msk $0xffff, v13;
	v2 =	vmov v43  }
0xc7: {  	v13 =	vmul.f32 v31, v17;
	[tilespmem:v53+s25+$0x0] =	vst.idx.add.f32.msk $0xffff, v36  }
0xc8: {  	[tilespmem:v55+s25+$0x0] =	vst.idx.add.f32.msk $0xffff, v27;
	v27 =	vmul.f32 v33, v14  }
0xc9: {  	[tilespmem:v58+s25+$0x0] =	vst.idx.add.f32.msk $0xffff, v13;
	v13 =	vmul.f32 v35, v15  }
0xca: {  	[tilespmem:v61+s25+$0x0] =	vst.idx.add.f32.msk $0xffff, v27;
	v27 =	vmul.f32 v37, v22  }
0xcb: {  	[tilespmem:v46+s25+$0x0] =	vst.idx.add.f32.msk $0xffff, v13;
	v13 =	vmul.f32 v38, v1  }
0xcc: {  	[tilespmem:v45+s25+$0x0] =	vst.idx.add.f32.msk $0xffff, v27  }
0xcd: {  	[tilespmem:v49+s25+$0x0] =	vst.idx.add.f32.msk $0xffff, v13  }
0xce: {  	v13 =	vld.idx.msk [tilespmem:v29+s13+$0x0], $0xffff  }
0xcf: {  	v16 =	vld.idx.msk [tilespmem:v16+s13+$0x0], $0xffff  }
0xd0: {  	v21 =	vld.idx.msk [tilespmem:v21+s13+$0x0], $0xffff  }
0xd1: {  	v23 =	vld.idx.msk [tilespmem:v23+s13+$0x0], $0xffff  }
0xd2: {  	v24 =	vld.idx.msk [tilespmem:v24+s13+$0x0], $0xffff  }
0xd3: {  	v25 =	vld.idx.msk [tilespmem:v25+s13+$0x0], $0xffff  }
0xd4: {  	v13 =	vmul.f32 v13, v18;
	v26 =	vld.idx.msk [tilespmem:v26+s13+$0x0], $0xffff  }
0xd5: {  	v16 =	vmul.f32 v16, v19;
	[tilespmem:v3+s25+$0x0] =	vst.idx.add.f32.msk $0xffff, v6;
	v3 =	vmov v44  }
0xd6: {  	v6 =	vmul.f32 v21, v17;
	[tilespmem:v54+s25+$0x0] =	vst.idx.add.f32.msk $0xffff, v13  }
0xd7: {  	v13 =	vmul.f32 v23, v14;
	[tilespmem:v56+s25+$0x0] =	vst.idx.add.f32.msk $0xffff, v16  }
0xd8: {  	[tilespmem:v59+s25+$0x0] =	vst.idx.add.f32.msk $0xffff, v6;
	v6 =	vmul.f32 v24, v15  }
0xd9: {  	[tilespmem:v62+s25+$0x0] =	vst.idx.add.f32.msk $0xffff, v13;
	v13 =	vmul.f32 v25, v22  }
0xda: {  	[tilespmem:v48+s25+$0x0] =	vst.idx.add.f32.msk $0xffff, v6;
	v6 =	vmul.f32 v26, v1  }
0xdb: {  	[tilespmem:v47+s25+$0x0] =	vst.idx.add.f32.msk $0xffff, v13  }
0xdc: {  	[tilespmem:v50+s25+$0x0] =	vst.idx.add.f32.msk $0xffff, v6  }
0xdd: {  	v6 =	vld.idx.msk [tilespmem:v20+s13+$0x0], $0xffff  }
0xde: {  	v7 =	vld.idx.msk [tilespmem:v7+s13+$0x0], $0xffff  }
0xdf: {  	v13 =	vld.idx.msk [tilespmem:v8+s13+$0x0], $0xffff  }
0xe0: {  	v9 =	vld.idx.msk [tilespmem:v9+s13+$0x0], $0xffff  }
0xe1: {  	v10 =	vld.idx.msk [tilespmem:v10+s13+$0x0], $0xffff  }
0xe2: {  	v11 =	vld.idx.msk [tilespmem:v11+s13+$0x0], $0xffff  }
0xe3: {  	v6 =	vmul.f32 v6, v18;
	v8 =	vld.idx.msk [tilespmem:v12+s13+$0x0], $0xffff  }
.Ltmp2:
0xe4: {  	v7 =	vmul.f32 v7, v19;
	[tilespmem:v4+s25+$0x0] =	vst.idx.add.f32.msk $0xffff, v5;
	v4 =	vmov v51;
	(pc) =	sbr.rel @p0 .LBB2_6-.Ltmp2, $4  }
0xe5: {  	v5 =	vmul.f32 v13, v17;
	[tilespmem:v28+s25+$0x0] =	vst.idx.add.f32.msk $0xffff, v6  }
0xe6: {  	v6 =	vmul.f32 v9, v14;
	[tilespmem:v30+s25+$0x0] =	vst.idx.add.f32.msk $0xffff, v7  }
0xe7: {  	v13 =	vmul.f32 v10, v15;
	[tilespmem:v32+s25+$0x0] =	vst.idx.add.f32.msk $0xffff, v5  }
0xe8: {  	s17 =	sadd.s32 $0x80, s17;
	[tilespmem:v34+s25+$0x0] =	vst.idx.add.f32.msk $0xffff, v6;
	v6 =	vmul.f32 v11, v22  }
0xe9: {  	_ =	sdelay $0x3  }
0xea: {  	v1 =	vmul.f32 v8, v1;
	[tilespmem:v2+s25+$0x0] =	vst.idx.add.f32.msk $0xffff, v13  }
0xeb: {  	[tilespmem:v3+s25+$0x0] =	vst.idx.add.f32.msk $0xffff, v6  }
0xec: {  	[tilespmem:v4+s25+$0x0] =	vst.idx.add.f32.msk $0xffff, v1  }
.LBB2_8:
0xed: {  	s16 =	sshra.s32 s13, $0x2  }
0xee: {  	v1 =	vld [tilespmem:s16+$0x14880];
	_ =	sdelay $0x5  }
0xef: {  	v2 =	vld [tilespmem:s16+$0x15820]  }
0xf0: {  	v3 =	vld [tilespmem:s16+$0x167C0]  }
0xf1: {  	v4 =	vld.idx.msk [tilespmem:v1+s3+$0x0], $0xffff;
	_ =	sdelay $0x2  }
0xf2: {  	v5 =	vadd.s32 $0x2710, v1;
	_ =	sdelay $0x1  }
0xf3: {  	v4 =	vmul.f32 v4, v3;
	_ =	sdelay $0x1  }
0xf4: {  	[tilespmem:v2+s25+$0x0] =	vst.idx.add.f32.msk $0xffff, v4  }
0xf5: {  	v4 =	vld.idx.msk [tilespmem:v5+s3+$0x0], $0xffff;
	_ =	sdelay $0x1  }
0xf6: {  	v62 =	vadd.s32 $0x2710, v2  }
0xf7: {  	v6 =	vadd.s32 $0x4E20, v1;
	_ =	sdelay $0x1  }
0xf8: {  	v4 =	vmul.f32 v4, v3;
	_ =	sdelay $0x1  }
0xf9: {  	[tilespmem:v62+s25+$0x0] =	vst.idx.add.f32.msk $0xffff, v4  }
0xfa: {  	v4 =	vld.idx.msk [tilespmem:v6+s3+$0x0], $0xffff;
	_ =	sdelay $0x1  }
0xfb: {  	v63 =	vadd.s32 $0x4E20, v2  }
0xfc: {  	v1 =	vadd.s32 $0x7530, v1;
	_ =	sdelay $0x1  }
0xfd: {  	v4 =	vmul.f32 v4, v3;
	_ =	sdelay $0x1  }
0xfe: {  	[tilespmem:v63+s25+$0x0] =	vst.idx.add.f32.msk $0xffff, v4  }
0xff: {  	v1 =	vld.idx.msk [tilespmem:v1+s3+$0x0], $0xffff;
	_ =	sdelay $0x1  }
0x100: {  	p0 =	sne.s32 s13, $0x40;
	v2 =	vadd.s32 $0x7530, v2  }
.Ltmp3:
0x101: {  	_ = 	snop;
	(pc) =	sbr.rel @p0 .LBB2_8-.Ltmp3, $3  }
0x102: {  	_ = 	snop  }
0x103: {  	v1 =	vmul.f32 v1, v3;
	_ =	sdelay $0x1  }
0x104: {  	s13 =	sadd.s32 $0x40, s13;
	[tilespmem:v2+s25+$0x0] =	vst.idx.add.f32.msk $0xffff, v1  }
0x105: {  	p0 =	seq.s32 s31, $0x9  }
0x106: {  	s6 =	sadd.s32 @!p0 s6, s7  }
0x107: {  	s6 =	smul.u32 @!p0 $0x2EE0, s6;
	_ =	sdelay $0x1  }
0x108: {  	_ =	swait.ge [sflag:s26], $0x2EE0;
	s17 =	simm.s32 $0x167E0;
	s6 =	sshrl.u32 @!p0 s6, $0x3  }
0x109: {  	[sflag:s26] =	ssyncset.done $0x0;
	s13 =	simm.s32 @!p0 $0x0;
	s6 =	sadd.s32 @!p0 s1, s6  }
0x10a: {  	s16 =	simm.s32 @!p0 $0x13900;
	[sflag:s26] =	ssyncadd.s32 $0xFFFFD120;
	s6 =	sadd.s32 @!p0 $0x5DC, s6  }
0x10b: {  	[tilespmem:s16], [sflag:$0x1] =	stream.linear.gather @!p0 [hbm4b:s6+s13], $0x2EE0, $0x38;
	[tilespmem:$0x1BE10] =	vst v63  }
0x10c: {  	v10 =	vld [tilespmem:s17+$0x70]  }
0x10d: {  	v11 =	vld [tilespmem:s17+$0x10]  }
0x10e: {  	v8 =	vld [tilespmem:s17+$0x20]  }
0x10f: {  	v6 =	vld [tilespmem:s17+$0x30]  }
0x110: {  	v4 =	vld [tilespmem:s17+$0x40]  }
0x111: {  	v3 =	vld [tilespmem:s17+$0x50]  }
0x112: {  	v2 =	vld [tilespmem:s17+$0x60]  }
0x113: {  	v12 =	vld [tilespmem:s17+$0x1010]  }
0x114: {  	v13 =	vld [tilespmem:s17+$0x1FB0]  }
0x115: {  	v14 =	vld [tilespmem:s17+$0x0]  }
0x116: {  	v22 =	vld [tilespmem:s17+$0x1F40]  }
0x117: {  	v23 =	vld [tilespmem:s17+$0x1F50]  }
0x118: {  	v25 =	vld [tilespmem:s17+$0x1F60]  }
0x119: {  	s6 =	simm.s32 $0x0;
	v9 =	vld [tilespmem:s17+$0x1F70]  }
0x11a: {  	v1 =	vld.idx.msk [tilespmem:v10+s6+$0x0], $0xffff  }
0x11b: {  	v26 =	vld [tilespmem:s17+$0xFA0]  }
0x11c: {  	v28 =	vld [tilespmem:s17+$0xFB0]  }
0x11d: {  	v29 =	vld [tilespmem:s17+$0xFC0];
	v5 =	vadd.s32 $0x2710, v10  }
0x11e: {  	v30 =	vld [tilespmem:s17+$0xFD0]  }
0x11f: {  	v31 =	vld [tilespmem:s17+$0xFE0];
	v1 =	vmul.f32 v1, v13  }
0x120: {  	v40 =	vld [tilespmem:s17+$0xFF0]  }
0x121: {  	[tilespmem:v12+s25+$0x0] =	vst.idx.add.f32.msk $0xffff, v1  }
0x122: {  	v1 =	vld.idx.msk [tilespmem:v5+s6+$0x0], $0xffff  }
0x123: {  	v41 =	vld [tilespmem:s17+$0x1000]  }
0x124: {  	v7 =	vadd.s32 $0x2710, v12;
	v15 =	vld.idx.msk [tilespmem:v11+s6+$0x0], $0xffff  }
0x125: {  	v24 =	vadd.s32 $0x4E20, v10;
	v16 =	vld.idx.msk [tilespmem:v8+s6+$0x0], $0xffff  }
0x126: {  	v20 =	vld.idx.msk [tilespmem:v14+s6+$0x0], $0xffff  }
0x127: {  	v18 =	vld.idx.msk [tilespmem:v4+s6+$0x0], $0xffff;
	v1 =	vmul.f32 v1, v13  }
0x128: {  	v5 =	vld [tilespmem:s17+$0x1F80]  }
0x129: {  	[tilespmem:v7+s25+$0x0] =	vst.idx.add.f32.msk $0xffff, v1  }
0x12a: {  	v24 =	vld.idx.msk [tilespmem:v24+s6+$0x0], $0xffff  }
0x12b: {  	v17 =	vld.idx.msk [tilespmem:v6+s6+$0x0], $0xffff;
	v20 =	vmul.f32 v20, v22  }
0x12c: {  	v27 =	vadd.s32 $0x4E20, v12;
	v19 =	vld.idx.msk [tilespmem:v3+s6+$0x0], $0xffff;
	v15 =	vmul.f32 v15, v23  }
0x12d: {  	v10 =	vadd.s32 $0x7530, v10;
	v16 =	vmul.f32 v16, v25;
	[tilespmem:v26+s25+$0x0] =	vst.idx.add.f32.msk $0xffff, v20  }
0x12e: {  	v42 =	vadd.s32 $0x2710, v14;
	[tilespmem:v28+s25+$0x0] =	vst.idx.add.f32.msk $0xffff, v15;
	v15 =	vmul.f32 v18, v5  }
0x12f: {  	[tilespmem:v29+s25+$0x0] =	vst.idx.add.f32.msk $0xffff, v16;
	v24 =	vmul.f32 v24, v13  }
0x130: {  	[tilespmem:v31+s25+$0x0] =	vst.idx.add.f32.msk $0xffff, v15  }
0x131: {  	v15 =	vadd.s32 $0x2710, v8;
	[tilespmem:v27+s25+$0x0] =	vst.idx.add.f32.msk $0xffff, v24  }
0x132: {  	v10 =	vld.idx.msk [tilespmem:v10+s6+$0x0], $0xffff  }
0x133: {  	v16 =	vld.idx.msk [tilespmem:v42+s6+$0x0], $0xffff  }
0x134: {  	v12 =	vadd.s32 $0x7530, v12;
	v7 =	vld [tilespmem:s17+$0x1F90]  }
0x135: {  	v47 =	vadd.s32 $0x2710, v26;
	v21 =	vld.idx.msk [tilespmem:v2+s6+$0x0], $0xffff;
	v17 =	vmul.f32 v17, v9  }
0x136: {  	v15 =	vld.idx.msk [tilespmem:v15+s6+$0x0], $0xffff  }
0x137: {  	[tilespmem:v30+s25+$0x0] =	vst.idx.add.f32.msk $0xffff, v17;
	v10 =	vmul.f32 v10, v13;
	v13 =	vadd.s32 $0x2710, v11  }
0x138: {  	v49 =	vadd.s32 $0x2710, v29;
	v16 =	vmul.f32 v16, v22;
	v1 =	vld [tilespmem:s17+$0x1FA0]  }
0x139: {  	v43 =	vmul.f32 v19, v7;
	[tilespmem:v12+s25+$0x0] =	vst.idx.add.f32.msk $0xffff, v10;
	v10 =	vadd.s32 $0x2710, v6  }
0x13a: {  	[tilespmem:v47+s25+$0x0] =	vst.idx.add.f32.msk $0xffff, v16;
	v12 =	vadd.s32 $0x2710, v4  }
0x13b: {  	[tilespmem:v40+s25+$0x0] =	vst.idx.add.f32.msk $0xffff, v43;
	v15 =	vmul.f32 v15, v25  }
0x13c: {  	v45 =	vadd.s32 $0x2710, v3;
	v13 =	vld.idx.msk [tilespmem:v13+s6+$0x0], $0xffff  }
0x13d: {  	v46 =	vadd.s32 $0x2710, v2;
	[tilespmem:v49+s25+$0x0] =	vst.idx.add.f32.msk $0xffff, v15  }
0x13e: {  	v48 =	vadd.s32 $0x2710, v28;
	v44 =	vmul.f32 v21, v1;
	v10 =	vld.idx.msk [tilespmem:v10+s6+$0x0], $0xffff  }
0x13f: {  	v15 =	vadd.s32 $0x4E20, v11;
	v12 =	vld.idx.msk [tilespmem:v12+s6+$0x0], $0xffff  }
0x140: {  	v32 =	vadd.s32 $0x2710, v30;
	[tilespmem:v41+s25+$0x0] =	vst.idx.add.f32.msk $0xffff, v44  }
0x141: {  	v33 =	vadd.s32 $0x2710, v31;
	v17 =	vld.idx.msk [tilespmem:v45+s6+$0x0], $0xffff;
	v13 =	vmul.f32 v13, v23  }
0x142: {  	v51 =	vadd.s32 $0x4E20, v8;
	v18 =	vld.idx.msk [tilespmem:v46+s6+$0x0], $0xffff  }
0x143: {  	v52 =	vadd.s32 $0x4E20, v6;
	[tilespmem:v48+s25+$0x0] =	vst.idx.add.f32.msk $0xffff, v13;
	v10 =	vmul.f32 v10, v9  }
0x144: {  	v34 =	vadd.s32 $0x2710, v40;
	v12 =	vmul.f32 v12, v5;
	v15 =	vld.idx.msk [tilespmem:v15+s6+$0x0], $0xffff  }
0x145: {  	v50 =	vadd.s32 $0x2710, v41;
	[tilespmem:v32+s25+$0x0] =	vst.idx.add.f32.msk $0xffff, v10  }
0x146: {  	v13 =	vadd.s32 $0x4E20, v14;
	[tilespmem:v33+s25+$0x0] =	vst.idx.add.f32.msk $0xffff, v12  }
0x147: {  	v53 =	vadd.s32 $0x4E20, v2;
	v10 =	vmul.f32 v17, v7;
	v17 =	vld.idx.msk [tilespmem:v51+s6+$0x0], $0xffff  }
0x148: {  	v55 =	vadd.s32 $0x4E20, v28;
	v12 =	vmul.f32 v18, v1;
	v18 =	vld.idx.msk [tilespmem:v52+s6+$0x0], $0xffff  }
0x149: {  	[tilespmem:v34+s25+$0x0] =	vst.idx.add.f32.msk $0xffff, v10;
	v10 =	vadd.s32 $0x4E20, v4  }
0x14a: {  	[tilespmem:v50+s25+$0x0] =	vst.idx.add.f32.msk $0xffff, v12;
	v12 =	vadd.s32 $0x4E20, v3  }
0x14b: {  	v11 =	vadd.s32 $0x7530, v11;
	v13 =	vld.idx.msk [tilespmem:v13+s6+$0x0], $0xffff;
	v15 =	vmul.f32 v15, v23  }
0x14c: {  	v57 =	vadd.s32 $0x4E20, v30;
	v16 =	vld.idx.msk [tilespmem:v53+s6+$0x0], $0xffff  }
0x14d: {  	v54 =	vadd.s32 $0x4E20, v26;
	[tilespmem:v55+s25+$0x0] =	vst.idx.add.f32.msk $0xffff, v15  }
0x14e: {  	v6 =	vadd.s32 $0x7530, v6;
	v10 =	vld.idx.msk [tilespmem:v10+s6+$0x0], $0xffff  }
0x14f: {  	v56 =	vadd.s32 $0x4E20, v29;
	v15 =	vmul.f32 v18, v9;
	v12 =	vld.idx.msk [tilespmem:v12+s6+$0x0], $0xffff  }
0x150: {  	v8 =	vadd.s32 $0x7530, v8;
	v11 =	vld.idx.msk [tilespmem:v11+s6+$0x0], $0xffff;
	v13 =	vmul.f32 v13, v22  }
0x151: {  	v58 =	vadd.s32 $0x4E20, v31;
	[tilespmem:v57+s25+$0x0] =	vst.idx.add.f32.msk $0xffff, v15  }
0x152: {  	v59 =	vadd.s32 $0x4E20, v40;
	[tilespmem:v54+s25+$0x0] =	vst.idx.add.f32.msk $0xffff, v13;
	v13 =	vmul.f32 v17, v25  }
0x153: {  	v60 =	vadd.s32 $0x4E20, v41;
	v6 =	vld.idx.msk [tilespmem:v6+s6+$0x0], $0xffff  }
0x154: {  	v14 =	vadd.s32 $0x7530, v14;
	[tilespmem:v56+s25+$0x0] =	vst.idx.add.f32.msk $0xffff, v13;
	v10 =	vmul.f32 v10, v5  }
0x155: {  	v4 =	vadd.s32 $0x7530, v4;
	v12 =	vmul.f32 v12, v7;
	v13 =	vld.idx.msk [tilespmem:v8+s6+$0x0], $0xffff  }
0x156: {  	v3 =	vadd.s32 $0x7530, v3;
	[tilespmem:v58+s25+$0x0] =	vst.idx.add.f32.msk $0xffff, v10;
	v10 =	vmul.f32 v16, v1  }
0x157: {  	v2 =	vadd.s32 $0x7530, v2;
	[tilespmem:v59+s25+$0x0] =	vst.idx.add.f32.msk $0xffff, v12  }
0x158: {  	v62 =	vadd.s32 $0x7530, v30;
	[tilespmem:v60+s25+$0x0] =	vst.idx.add.f32.msk $0xffff, v10  }
0x159: {  	v15 =	vadd.s32 $0x7530, v29;
	v10 =	vld.idx.msk [tilespmem:v14+s6+$0x0], $0xffff  }
0x15a: {  	v61 =	vld.idx.msk [tilespmem:v4+s6+$0x0], $0xffff;
	v14 =	vadd.s32 $0x7530, v28  }
0x15b: {  	v12 =	vadd.s32 $0x7530, v26;
	v6 =	vmul.f32 v6, v9;
	v63 =	vld.idx.msk [tilespmem:v3+s6+$0x0], $0xffff  }
0x15c: {  	v8 =	vld.idx.msk [tilespmem:v2+s6+$0x0], $0xffff;
	v4 =	vmul.f32 v13, v25  }
0x15d: {  	[tilespmem:v62+s25+$0x0] =	vst.idx.add.f32.msk $0xffff, v6;
	v2 =	vmul.f32 v11, v23  }
0x15e: {  	[tilespmem:v15+s25+$0x0] =	vst.idx.add.f32.msk $0xffff, v4;
	v3 =	vmul.f32 v10, v22  }
0x15f: {  	v4 =	vadd.s32 $0x7530, v41;
	v13 =	vmul.f32 v61, v5;
	[tilespmem:v14+s25+$0x0] =	vst.idx.add.f32.msk $0xffff, v2  }
0x160: {  	s13 =	simm.s32 $0x0;
	s16 =	simm.s32 $0x16860;
	v6 =	vmul.f32 v63, v7;
	v2 =	vadd.s32 $0x7530, v31;
	[tilespmem:v12+s25+$0x0] =	vst.idx.add.f32.msk $0xffff, v3;
	v3 =	vadd.s32 $0x7530, v40  }
.LBB2_10:
0x161: {  	v28 =	vld [tilespmem:s16+$0x70];
	s13 =	sadd.s32 $0x8, s13;
	v5 =	vmul.f32 v8, v1  }
0x162: {  	v1 =	vld [tilespmem:s16+$0x10];
	p0 =	slt.u32 s13, $0xF0  }
0x163: {  	v14 =	vld [tilespmem:s16+$0x20]  }
0x164: {  	v15 =	vld [tilespmem:s16+$0x30]  }
0x165: {  	v17 =	vld [tilespmem:s16+$0x40]  }
0x166: {  	v18 =	vld [tilespmem:s16+$0x50]  }
0x167: {  	v27 =	vadd.s32 $0x2710, v1;
	v16 =	vadd.s32 $0x4E20, v1;
	v7 =	vadd.s32 $0x7530, v1;
	v19 =	vld [tilespmem:s16+$0x60]  }
0x168: {  	v31 =	vadd.s32 $0x2710, v14;
	v21 =	vadd.s32 $0x4E20, v14;
	v8 =	vadd.s32 $0x7530, v14;
	v36 =	vld [tilespmem:s16+$0x1010]  }
0x169: {  	v33 =	vadd.s32 $0x2710, v15;
	v23 =	vadd.s32 $0x4E20, v15;
	v9 =	vadd.s32 $0x7530, v15;
	v20 =	vld.idx.msk [tilespmem:v28+s6+$0x0], $0xffff  }
0x16a: {  	v35 =	vadd.s32 $0x2710, v17;
	v24 =	vadd.s32 $0x4E20, v17;
	v10 =	vadd.s32 $0x7530, v17;
	v37 =	vld [tilespmem:s16+$0x1FB0]  }
0x16b: {  	v22 =	vld [tilespmem:s16+$0x0];
	v38 =	vadd.s32 $0x2710, v18;
	v25 =	vadd.s32 $0x4E20, v18;
	v11 =	vadd.s32 $0x7530, v18  }
0x16c: {  	v1 =	vld.idx.msk [tilespmem:v1+s6+$0x0], $0xffff;
	v39 =	vadd.s32 $0x2710, v19;
	v26 =	vadd.s32 $0x4E20, v19;
	v12 =	vadd.s32 $0x7530, v19  }
0x16d: {  	v30 =	vld.idx.msk [tilespmem:v14+s6+$0x0], $0xffff;
	v14 =	vadd.s32 $0x2710, v28  }
0x16e: {  	v32 =	vld.idx.msk [tilespmem:v15+s6+$0x0], $0xffff  }
0x16f: {  	v34 =	vld.idx.msk [tilespmem:v17+s6+$0x0], $0xffff;
	v15 =	vmul.f32 v20, v37  }
0x170: {  	v40 =	vadd.s32 $0x2710, v22;
	v29 =	vadd.s32 $0x4E20, v22;
	v20 =	vadd.s32 $0x7530, v22;
	v41 =	vld.idx.msk [tilespmem:v18+s6+$0x0], $0xffff  }
0x171: {  	[tilespmem:v36+s25+$0x0] =	vst.idx.add.f32.msk $0xffff, v15  }
0x172: {  	v15 =	vld.idx.msk [tilespmem:v14+s6+$0x0], $0xffff  }
0x173: {  	v22 =	vld.idx.msk [tilespmem:v22+s6+$0x0], $0xffff  }
0x174: {  	v42 =	vld.idx.msk [tilespmem:v19+s6+$0x0], $0xffff  }
0x175: {  	v43 =	vadd.s32 $0x2710, v36;
	v18 =	vld [tilespmem:s16+$0x1F40]  }
0x176: {  	v44 =	vadd.s32 $0x4E20, v28;
	v19 =	vld [tilespmem:s16+$0x1F50]  }
0x177: {  	v17 =	vld [tilespmem:s16+$0x1F60]  }
0x178: {  	v45 =	vmul.f32 v15, v37;
	v14 =	vld [tilespmem:s16+$0x1F70]  }
0x179: {  	v15 =	vld [tilespmem:s16+$0x1F80]  }
0x17a: {  	v46 =	vmul.f32 v22, v18;
	[tilespmem:v43+s25+$0x0] =	vst.idx.add.f32.msk $0xffff, v45  }
0x17b: {  	v43 =	vmul.f32 v1, v19;
	v44 =	vld.idx.msk [tilespmem:v44+s6+$0x0], $0xffff  }
0x17c: {  	v45 =	vmul.f32 v30, v17;
	v22 =	vld [tilespmem:s16+$0x1F90]  }
0x17d: {  	v47 =	vmul.f32 v32, v14;
	v1 =	vld [tilespmem:s16+$0x1FA0]  }
0x17e: {  	v30 =	vadd.s32 $0x4E20, v36;
	v48 =	vld [tilespmem:s16+$0xFA0];
	v49 =	vmul.f32 v34, v15  }
0x17f: {  	v32 =	vadd.s32 $0x7530, v28;
	v50 =	vld [tilespmem:s16+$0xFB0]  }
0x180: {  	v51 =	vld [tilespmem:s16+$0xFC0]  }
0x181: {  	v34 =	vmul.f32 v44, v37;
	v52 =	vld [tilespmem:s16+$0xFD0];
	v41 =	vmul.f32 v41, v22  }
0x182: {  	v44 =	vld [tilespmem:s16+$0xFE0];
	v42 =	vmul.f32 v42, v1  }
0x183: {  	v53 =	vadd.s32 $0x2710, v48;
	v54 =	vadd.s32 $0x4E20, v48;
	v28 =	vadd.s32 $0x7530, v48;
	[tilespmem:v30+s25+$0x0] =	vst.idx.add.f32.msk $0xffff, v34  }
0x184: {  	v55 =	vadd.s32 $0x2710, v50;
	v56 =	vadd.s32 $0x4E20, v50;
	v30 =	vadd.s32 $0x7530, v50;
	v57 =	vld.idx.msk [tilespmem:v32+s6+$0x0], $0xffff  }
0x185: {  	v58 =	vadd.s32 $0x2710, v51;
	v59 =	vadd.s32 $0x4E20, v51;
	v32 =	vadd.s32 $0x7530, v51;
	v60 =	vld [tilespmem:s16+$0xFF0]  }
0x186: {  	v61 =	vadd.s32 $0x2710, v52;
	v62 =	vadd.s32 $0x4E20, v52;
	v34 =	vadd.s32 $0x7530, v52;
	v63 =	vld [tilespmem:s16+$0x1000]  }
0x187: {  	v36 =	vadd.s32 $0x7530, v36;
	[tilespmem:v48+s25+$0x0] =	vst.idx.add.f32.msk $0xffff, v46;
	v46 =	vadd.s32 $0x2710, v44;
	v48 =	vadd.s32 $0x4E20, v44  }
0x188: {  	[tilespmem:v50+s25+$0x0] =	vst.idx.add.f32.msk $0xffff, v43;
	v43 =	vadd.s32 $0x7530, v44  }
0x189: {  	[tilespmem:v51+s25+$0x0] =	vst.idx.add.f32.msk $0xffff, v45  }
0x18a: {  	v37 =	vmul.f32 v57, v37;
	[tilespmem:v52+s25+$0x0] =	vst.idx.add.f32.msk $0xffff, v47;
	v45 =	vadd.s32 $0x2710, v60;
	v47 =	vadd.s32 $0x4E20, v60  }
0x18b: {  	[tilespmem:v44+s25+$0x0] =	vst.idx.add.f32.msk $0xffff, v49;
	v44 =	vadd.s32 $0x7530, v60;
	v49 =	vadd.s32 $0x2710, v63;
	v50 =	vadd.s32 $0x4E20, v63  }
0x18c: {  	v51 =	vadd.s32 $0x7530, v63;
	[tilespmem:v36+s25+$0x0] =	vst.idx.add.f32.msk $0xffff, v37  }
0x18d: {  	[tilespmem:v60+s25+$0x0] =	vst.idx.add.f32.msk $0xffff, v41  }
0x18e: {  	[tilespmem:v63+s25+$0x0] =	vst.idx.add.f32.msk $0xffff, v42  }
0x18f: {  	v36 =	vld.idx.msk [tilespmem:v40+s6+$0x0], $0xffff  }
0x190: {  	v27 =	vld.idx.msk [tilespmem:v27+s6+$0x0], $0xffff  }
0x191: {  	v31 =	vld.idx.msk [tilespmem:v31+s6+$0x0], $0xffff  }
0x192: {  	v33 =	vld.idx.msk [tilespmem:v33+s6+$0x0], $0xffff  }
0x193: {  	v35 =	vld.idx.msk [tilespmem:v35+s6+$0x0], $0xffff  }
0x194: {  	v37 =	vld.idx.msk [tilespmem:v38+s6+$0x0], $0xffff  }
0x195: {  	v36 =	vmul.f32 v36, v18;
	v38 =	vld.idx.msk [tilespmem:v39+s6+$0x0], $0xffff  }
0x196: {  	v27 =	vmul.f32 v27, v19;
	[tilespmem:v2+s25+$0x0] =	vst.idx.add.f32.msk $0xffff, v13;
	v2 =	vmov v43  }
0x197: {  	v13 =	vmul.f32 v31, v17;
	[tilespmem:v53+s25+$0x0] =	vst.idx.add.f32.msk $0xffff, v36  }
0x198: {  	[tilespmem:v55+s25+$0x0] =	vst.idx.add.f32.msk $0xffff, v27;
	v27 =	vmul.f32 v33, v14  }
0x199: {  	[tilespmem:v58+s25+$0x0] =	vst.idx.add.f32.msk $0xffff, v13;
	v13 =	vmul.f32 v35, v15  }
0x19a: {  	[tilespmem:v61+s25+$0x0] =	vst.idx.add.f32.msk $0xffff, v27;
	v27 =	vmul.f32 v37, v22  }
0x19b: {  	[tilespmem:v46+s25+$0x0] =	vst.idx.add.f32.msk $0xffff, v13;
	v13 =	vmul.f32 v38, v1  }
0x19c: {  	[tilespmem:v45+s25+$0x0] =	vst.idx.add.f32.msk $0xffff, v27  }
0x19d: {  	[tilespmem:v49+s25+$0x0] =	vst.idx.add.f32.msk $0xffff, v13  }
0x19e: {  	v13 =	vld.idx.msk [tilespmem:v29+s6+$0x0], $0xffff  }
0x19f: {  	v16 =	vld.idx.msk [tilespmem:v16+s6+$0x0], $0xffff  }
0x1a0: {  	v21 =	vld.idx.msk [tilespmem:v21+s6+$0x0], $0xffff  }
0x1a1: {  	v23 =	vld.idx.msk [tilespmem:v23+s6+$0x0], $0xffff  }
0x1a2: {  	v24 =	vld.idx.msk [tilespmem:v24+s6+$0x0], $0xffff  }
0x1a3: {  	v25 =	vld.idx.msk [tilespmem:v25+s6+$0x0], $0xffff  }
0x1a4: {  	v13 =	vmul.f32 v13, v18;
	v26 =	vld.idx.msk [tilespmem:v26+s6+$0x0], $0xffff  }
0x1a5: {  	v16 =	vmul.f32 v16, v19;
	[tilespmem:v3+s25+$0x0] =	vst.idx.add.f32.msk $0xffff, v6;
	v3 =	vmov v44  }
0x1a6: {  	v6 =	vmul.f32 v21, v17;
	[tilespmem:v54+s25+$0x0] =	vst.idx.add.f32.msk $0xffff, v13  }
0x1a7: {  	v13 =	vmul.f32 v23, v14;
	[tilespmem:v56+s25+$0x0] =	vst.idx.add.f32.msk $0xffff, v16  }
0x1a8: {  	[tilespmem:v59+s25+$0x0] =	vst.idx.add.f32.msk $0xffff, v6;
	v6 =	vmul.f32 v24, v15  }
0x1a9: {  	[tilespmem:v62+s25+$0x0] =	vst.idx.add.f32.msk $0xffff, v13;
	v13 =	vmul.f32 v25, v22  }
0x1aa: {  	[tilespmem:v48+s25+$0x0] =	vst.idx.add.f32.msk $0xffff, v6;
	v6 =	vmul.f32 v26, v1  }
0x1ab: {  	[tilespmem:v47+s25+$0x0] =	vst.idx.add.f32.msk $0xffff, v13  }
0x1ac: {  	[tilespmem:v50+s25+$0x0] =	vst.idx.add.f32.msk $0xffff, v6  }
0x1ad: {  	v6 =	vld.idx.msk [tilespmem:v20+s6+$0x0], $0xffff  }
0x1ae: {  	v7 =	vld.idx.msk [tilespmem:v7+s6+$0x0], $0xffff  }
0x1af: {  	v13 =	vld.idx.msk [tilespmem:v8+s6+$0x0], $0xffff  }
0x1b0: {  	v9 =	vld.idx.msk [tilespmem:v9+s6+$0x0], $0xffff  }
0x1b1: {  	v10 =	vld.idx.msk [tilespmem:v10+s6+$0x0], $0xffff  }
0x1b2: {  	v11 =	vld.idx.msk [tilespmem:v11+s6+$0x0], $0xffff  }
0x1b3: {  	v6 =	vmul.f32 v6, v18;
	v8 =	vld.idx.msk [tilespmem:v12+s6+$0x0], $0xffff  }
.Ltmp4:
0x1b4: {  	v7 =	vmul.f32 v7, v19;
	[tilespmem:v4+s25+$0x0] =	vst.idx.add.f32.msk $0xffff, v5;
	v4 =	vmov v51;
	(pc) =	sbr.rel @p0 .LBB2_10-.Ltmp4, $4  }
0x1b5: {  	v5 =	vmul.f32 v13, v17;
	[tilespmem:v28+s25+$0x0] =	vst.idx.add.f32.msk $0xffff, v6  }
0x1b6: {  	v6 =	vmul.f32 v9, v14;
	[tilespmem:v30+s25+$0x0] =	vst.idx.add.f32.msk $0xffff, v7  }
0x1b7: {  	v13 =	vmul.f32 v10, v15;
	[tilespmem:v32+s25+$0x0] =	vst.idx.add.f32.msk $0xffff, v5  }
0x1b8: {  	s16 =	sadd.s32 $0x80, s16;
	[tilespmem:v34+s25+$0x0] =	vst.idx.add.f32.msk $0xffff, v6;
	v6 =	vmul.f32 v11, v22  }
0x1b9: {  	_ =	sdelay $0x3  }
0x1ba: {  	v1 =	vmul.f32 v8, v1;
	[tilespmem:v2+s25+$0x0] =	vst.idx.add.f32.msk $0xffff, v13  }
0x1bb: {  	[tilespmem:v3+s25+$0x0] =	vst.idx.add.f32.msk $0xffff, v6  }
0x1bc: {  	[tilespmem:v4+s25+$0x0] =	vst.idx.add.f32.msk $0xffff, v1  }
.LBB2_12:
0x1bd: {  	s13 =	sshra.s32 s6, $0x2  }
0x1be: {  	v1 =	vld [tilespmem:s13+$0x17760];
	_ =	sdelay $0x5  }
0x1bf: {  	v2 =	vld [tilespmem:s13+$0x18700]  }
0x1c0: {  	v3 =	vld [tilespmem:s13+$0x196A0]  }
0x1c1: {  	v4 =	vld.idx.msk [tilespmem:v1+s3+$0x0], $0xffff;
	_ =	sdelay $0x2  }
0x1c2: {  	v5 =	vadd.s32 $0x2710, v1;
	_ =	sdelay $0x1  }
0x1c3: {  	v4 =	vmul.f32 v4, v3;
	_ =	sdelay $0x1  }
0x1c4: {  	[tilespmem:v2+s25+$0x0] =	vst.idx.add.f32.msk $0xffff, v4  }
0x1c5: {  	v4 =	vld.idx.msk [tilespmem:v5+s3+$0x0], $0xffff;
	_ =	sdelay $0x1  }
0x1c6: {  	v62 =	vadd.s32 $0x2710, v2  }
0x1c7: {  	v6 =	vadd.s32 $0x4E20, v1;
	_ =	sdelay $0x1  }
0x1c8: {  	v4 =	vmul.f32 v4, v3;
	_ =	sdelay $0x1  }
0x1c9: {  	[tilespmem:v62+s25+$0x0] =	vst.idx.add.f32.msk $0xffff, v4  }
0x1ca: {  	v4 =	vld.idx.msk [tilespmem:v6+s3+$0x0], $0xffff;
	_ =	sdelay $0x1  }
0x1cb: {  	v63 =	vadd.s32 $0x4E20, v2  }
0x1cc: {  	v1 =	vadd.s32 $0x7530, v1;
	_ =	sdelay $0x1  }
0x1cd: {  	v4 =	vmul.f32 v4, v3;
	_ =	sdelay $0x1  }
0x1ce: {  	[tilespmem:v63+s25+$0x0] =	vst.idx.add.f32.msk $0xffff, v4  }
0x1cf: {  	v1 =	vld.idx.msk [tilespmem:v1+s3+$0x0], $0xffff;
	_ =	sdelay $0x1  }
0x1d0: {  	p0 =	sne.s32 s6, $0x40;
	v2 =	vadd.s32 $0x7530, v2  }
.Ltmp5:
0x1d1: {  	_ = 	snop;
	(pc) =	sbr.rel @p0 .LBB2_12-.Ltmp5, $3  }
0x1d2: {  	_ = 	snop  }
0x1d3: {  	v1 =	vmul.f32 v1, v3;
	_ =	sdelay $0x1  }
0x1d4: {  	s6 =	sadd.s32 $0x40, s6;
	[tilespmem:v2+s25+$0x0] =	vst.idx.add.f32.msk $0xffff, v1  }
0x1d5: {  	s31 =	sadd.s32 $0x1, s31  }
0x1d6: {  	p0 =	sne.s32 s31, $0xA  }
.Ltmp6:
0x1d7: {  	_ = 	snop;
	(pc) =	sbr.rel @p0 .LBB2_5-.Ltmp6, $1  }
0x1d8: {  	_ =	sdelay $0x3  }
0x1d9: {  	s6 =	simm.s32 $0x0  }
0x1da: {  	[hbm4b:s8+s6] =	stream.linear.scatter [tilespmem:s25], [sflag:$0x3], $0x9C40, $0x38;
	[tilespmem:$0x1BE10] =	vst v63  }
0x1db: {  	_ =	swait.ge [sflag:s22], $0x9C40  }
0x1dc: {  	[sflag:s22] =	ssyncset.done $0x0  }
0x1dd: {  	[sflag:s22] =	ssyncadd.s32 $0xFFFF63C0  }
0x1de: {  	[bflag:$0x0] =	sbarrier.arrive $0xFFFF  }
0x1df: {  	[tilespmem:s6], [sflag:$0x3] =	stream.linear.gather [hbm4b:s9+s6], $0x2710, $0x38;
	[tilespmem:$0x1BE10] =	vst v63  }
0x1e0: {  	_ =	swait.ge [sflag:s22], $0x2710  }
0x1e1: {  	[sflag:s22] =	ssyncset.done $0x0  }
0x1e2: {  	[sflag:s22] =	ssyncadd.s32 $0xFFFFD8F0  }
0x1e3: {  	[tilespmem:s28], [sflag:$0x3] =	stream.linear.gather [hbm4b:s10+s6], $0x2710, $0x38;
	[tilespmem:$0x1BE10] =	vst v63  }
0x1e4: {  	_ =	swait.ge [sflag:s22], $0x2710  }
0x1e5: {  	[sflag:s22] =	ssyncset.done $0x0  }
0x1e6: {  	[sflag:s22] =	ssyncadd.s32 $0xFFFFD8F0  }
0x1e7: {  	[tilespmem:s29], [sflag:$0x3] =	stream.linear.gather [hbm4b:s11+s6], $0x2710, $0x38;
	[tilespmem:$0x1BE10] =	vst v63  }
0x1e8: {  	_ =	swait.ge [sflag:s22], $0x2710  }
0x1e9: {  	[sflag:s22] =	ssyncset.done $0x0  }
0x1ea: {  	[sflag:s22] =	ssyncadd.s32 $0xFFFFD8F0  }
0x1eb: {  	[tilespmem:s30], [sflag:$0x3] =	stream.linear.gather [hbm4b:s12+s6], $0x2710, $0x38;
	[tilespmem:$0x1BE10] =	vst v63  }
0x1ec: {  	_ =	swait.ge [sflag:s22], $0x2710  }
0x1ed: {  	[sflag:s22] =	ssyncset.done $0x0  }
0x1ee: {  	s6 =	simm.s32 $0x0;
	[sflag:s22] =	ssyncadd.s32 $0xFFFFD8F0  }
0x1ef: {  	v2 =	vld [tilespmem:s6+$0x0]  }
0x1f0: {  	v4 =	vld [tilespmem:s6+$0x2710]  }
0x1f1: {  	v5 =	vld [tilespmem:s6+$0x4E20]  }
0x1f2: {  	v6 =	vld [tilespmem:s6+$0x7530];
	_ =	sdelay $0x1  }
0x1f3: {  	s13 =	simm.s32 $0x10  }
0x1f4: {  	v1 =	vld [tilespmem:s13+$0x0]  }
0x1f5: {  	v3 =	vld [tilespmem:s13+$0x2710]  }
0x1f6: {  	v7 =	vadd.f32 v4, v2;
	v5 =	vadd.f32 v6, v5;
	v2 =	vld [tilespmem:s13+$0x4E20]  }
0x1f7: {  	v4 =	vld [tilespmem:s13+$0x7530]  }
0x1f8: {  	s16 =	simm.s32 $0x80;
	v5 =	vadd.f32 v5, v7  }
.LBB2_15:
0x1f9: {  	s17 =	sshra.s32 s16, $0x2;
	v6 =	vmov v1;
	p0 =	sne.s32 s16, $0x9C00  }
.Ltmp7:
0x1fa: {  	v1 =	vld [tilespmem:s17+$0x0];
	[tilespmem:s6+$0x9C80] =	vst v5;
	v5 =	vmov v3;
	s6 =	smov.u32 s13;
	s13 =	smov.u32 s17;
	(pc) =	sbr.rel @p0 .LBB2_15-.Ltmp7, $4  }
0x1fb: {  	v3 =	vld [tilespmem:s13+$0x2710]  }
0x1fc: {  	s16 =	sadd.s32 $0x40, s16;
	v5 =	vadd.f32 v5, v6;
	v6 =	vadd.f32 v4, v2;
	v2 =	vld [tilespmem:s13+$0x4E20]  }
0x1fd: {  	v4 =	vld [tilespmem:s13+$0x7530]  }
0x1fe: {  	v5 =	vadd.f32 v6, v5  }
0x1ff: {  	_ =	sdelay $0x2  }
0x200: {  	v1 =	vadd.f32 v3, v1;
	v2 =	vadd.f32 v4, v2;
	_ =	sdelay $0x1  }
0x201: {  	v1 =	vadd.f32 v2, v1  }
0x202: {  	[tilespmem:s6+$0x9C80] =	vst v5  }
0x203: {  	s17 =	simm.s32 $0x0;
	s31 =	rddreg [dreg:$0x6];
	s16 =	simm.s32 $0xC390;
	[tilespmem:s13+$0x9C80] =	vst v1  }
0x204: {  	[tilespmem:s16], [sflag:$0x3] =	stream.linear.gather [hbm4b:s31+s17], $0x2710, $0x38;
	[tilespmem:$0x1BE10] =	vst v63  }
0x205: {  	_ =	swait.ge [sflag:s22], $0x2710  }
0x206: {  	[sflag:s22] =	ssyncset.done $0x0  }
0x207: {  	s6 =	simm.s32 $0x0;
	[sflag:s22] =	ssyncadd.s32 $0xFFFFD8F0  }
0x208: {  	v1 =	vld [tilespmem:s6+$0x9C80];
	_ =	sdelay $0x1  }
0x209: {  	v2 =	vld [tilespmem:s6+$0xC390]  }
0x20a: {  	s13 =	simm.s32 $0x40  }
.LBB2_17:
0x20b: {  	p0 =	sne.s32 s13, $0x9C00  }
.Ltmp8:
0x20c: {  	s16 =	sshra.s32 s13, $0x2;
	s13 =	sadd.s32 $0x40, s13;
	v3 =	vadd.f32 v1, v1;
	(pc) =	sbr.rel @p0 .LBB2_17-.Ltmp8, $4  }
0x20d: {  	v1 =	vld [tilespmem:s16+$0x9C80]  }
0x20e: {  	v3 =	vadd.f32 v3, v2  }
0x20f: {  	v2 =	vld [tilespmem:s16+$0xC390]  }
0x210: {  	[tilespmem:s6+$0xEAA0] =	vst v3;
	s6 =	smov.u32 s16  }
0x211: {  	_ = 	snop  }
0x212: {  	v1 =	vadd.f32 v1, v1;
	_ =	sdelay $0x1  }
0x213: {  	v1 =	vadd.f32 v1, v2;
	_ =	sdelay $0x1  }
0x214: {  	[tilespmem:s6+$0xEAA0] =	vst v1  }
0x215: {  	[spmem:s14] =	stream.linear.scatter [tilespmem:s0], [sflag:$0x3], $0x2710, $0x38;
	[tilespmem:$0x1BE10] =	vst v63  }
0x216: {  	_ =	swait.ge [sflag:s22], $0x2710  }
0x217: {  	[sflag:s22] =	ssyncset.done $0x0  }
0x218: {  	[sflag:s22] =	ssyncadd.s32 $0xFFFFD8F0  }
0x219: {  	[bflag:$0x0] =	sbarrier.arrive $0xFFFF  }
0x21a: {  	[tilespmem:s21], [sflag:$0x1] =	stream.linear.gather [hbm4b:s5+s3], $0x2EE0, $0x38;
	[tilespmem:$0x1BE10] =	vst v63  }
0x21b: {  	_ = 	snop  }
0x21c: {  	[tilespmem:s3], [sflag:$0x3] =	stream.linear.gather [spmem:s15], $0x9C40, $0x38;
	[tilespmem:$0x1BE10] =	vst v63  }
0x21d: {  	_ =	swait.ge [sflag:s22], $0x9C40  }
0x21e: {  	[sflag:s22] =	ssyncset.done $0x0  }
0x21f: {  	s6 =	simm.s32 $0x9CC0;
	[sflag:s22] =	ssyncadd.s32 $0xFFFF63C0  }
0x220: {  	[tilespmem:s6+$0xFFFFFFC0] =	vst v0  }
0x221: {  	[tilespmem:s6+$0x30] =	vst v0  }
0x222: {  	[tilespmem:s6+$0x20] =	vst v0  }
0x223: {  	[tilespmem:s6+$0x10] =	vst v0  }
0x224: {  	[tilespmem:s6+$0x0] =	vst v0  }
0x225: {  	[tilespmem:s6+$0xFFFFFFF0] =	vst v0  }
0x226: {  	s13 =	simm.s32 $0x0;
	[tilespmem:s6+$0xFFFFFFE0] =	vst v0  }
.LBB2_19:
0x227: {  	s13 =	sadd.s32 $0x8, s13;
	[tilespmem:s6+$0xFFFFFFD0] =	vst v0;
	s6 =	sadd.s32 $0x80, s6  }
0x228: {  	[tilespmem:s6+$0xFFFFFFC0] =	vst v0;
	p0 =	slt.u32 s13, $0x9B8  }
0x229: {  	[tilespmem:s6+$0x30] =	vst v0  }
.Ltmp9:
0x22a: {  	[tilespmem:s6+$0x20] =	vst v0;
	(pc) =	sbr.rel @p0 .LBB2_19-.Ltmp9, $4  }
0x22b: {  	[tilespmem:s6+$0x10] =	vst v0  }
0x22c: {  	[tilespmem:s6+$0x0] =	vst v0  }
0x22d: {  	[tilespmem:s6+$0xFFFFFFF0] =	vst v0  }
0x22e: {  	[tilespmem:s6+$0xFFFFFFE0] =	vst v0  }
0x22f: {  	[tilespmem:s6+$0xFFFFFFD0] =	vst v0;
	s31 =	simm.s32 $0x0;
	s6 =	simm.s32 $0x0  }
.LBB2_21:
0x230: {  	p0 =	sne.s32 s6, $0xC0  }
.Ltmp10:
0x231: {  	_ = 	snop;
	(pc) =	sbr.rel @p0 .LBB2_21-.Ltmp10, $3  }
0x232: {  	_ =	sdelay $0x1  }
0x233: {  	s13 =	sshra.s32 s6, $0x2  }
0x234: {  	s6 =	sadd.s32 $0x40, s6;
	[tilespmem:s13+$0x13880] =	vst v0  }
.LBB2_22:
0x235: {  	s6 =	sshll.u32 s31, $0x1  }
0x236: {  	s13 =	sadd.s32 s4, s6  }
0x237: {  	s13 =	smul.u32 $0x2EE0, s13;
	_ =	sdelay $0x1  }
0x238: {  	_ =	swait.ge [sflag:s23], $0x2EE0;
	s13 =	sshrl.u32 s13, $0x3  }
0x239: {  	[sflag:s23] =	ssyncset.done $0x0;
	s13 =	sadd.s32 s1, s13  }
0x23a: {  	s16 =	simm.s32 $0x148E0;
	[sflag:s23] =	ssyncadd.s32 $0xFFFFD120;
	s13 =	sadd.s32 $0x5DC, s13  }
0x23b: {  	[tilespmem:s24], [sflag:$0x2] =	stream.linear.gather [hbm4b:s13+s3], $0x2EE0, $0x38;
	[tilespmem:$0x1BE10] =	vst v63  }
0x23c: {  	v10 =	vld [tilespmem:s16+$0xFFFFF090]  }
0x23d: {  	v11 =	vld [tilespmem:s16+$0xFFFFF030]  }
0x23e: {  	v8 =	vld [tilespmem:s16+$0xFFFFF040]  }
0x23f: {  	v6 =	vld [tilespmem:s16+$0xFFFFF050]  }
0x240: {  	v4 =	vld [tilespmem:s16+$0xFFFFF060]  }
0x241: {  	v3 =	vld [tilespmem:s16+$0xFFFFF070]  }
0x242: {  	v2 =	vld [tilespmem:s16+$0xFFFFF080]  }
0x243: {  	v12 =	vld [tilespmem:s16+$0x30]  }
0x244: {  	v13 =	vld [tilespmem:s16+$0xFD0]  }
0x245: {  	v14 =	vld [tilespmem:s16+$0xFFFFF020]  }
0x246: {  	v22 =	vld [tilespmem:s16+$0xF60]  }
0x247: {  	v23 =	vld [tilespmem:s16+$0xF70]  }
0x248: {  	v25 =	vld [tilespmem:s16+$0xF80]  }
0x249: {  	s13 =	simm.s32 $0x0;
	v9 =	vld [tilespmem:s16+$0xF90]  }
0x24a: {  	v1 =	vld.idx.msk [tilespmem:v10+s13+$0x0], $0xffff  }
0x24b: {  	v26 =	vld [tilespmem:s16+$0xFFFFFFC0]  }
0x24c: {  	v28 =	vld [tilespmem:s16+$0xFFFFFFD0]  }
0x24d: {  	v29 =	vld [tilespmem:s16+$0xFFFFFFE0];
	v5 =	vadd.s32 $0x2710, v10  }
0x24e: {  	v30 =	vld [tilespmem:s16+$0xFFFFFFF0]  }
0x24f: {  	v31 =	vld [tilespmem:s16+$0x0];
	v1 =	vmul.f32 v1, v13  }
0x250: {  	v40 =	vld [tilespmem:s16+$0x10]  }
0x251: {  	[tilespmem:v12+s25+$0x0] =	vst.idx.add.f32.msk $0xffff, v1  }
0x252: {  	v1 =	vld.idx.msk [tilespmem:v5+s13+$0x0], $0xffff  }
0x253: {  	v41 =	vld [tilespmem:s16+$0x20]  }
0x254: {  	v7 =	vadd.s32 $0x2710, v12;
	v15 =	vld.idx.msk [tilespmem:v11+s13+$0x0], $0xffff  }
0x255: {  	v24 =	vadd.s32 $0x4E20, v10;
	v16 =	vld.idx.msk [tilespmem:v8+s13+$0x0], $0xffff  }
0x256: {  	v20 =	vld.idx.msk [tilespmem:v14+s13+$0x0], $0xffff  }
0x257: {  	v18 =	vld.idx.msk [tilespmem:v4+s13+$0x0], $0xffff;
	v1 =	vmul.f32 v1, v13  }
0x258: {  	v5 =	vld [tilespmem:s16+$0xFA0]  }
0x259: {  	[tilespmem:v7+s25+$0x0] =	vst.idx.add.f32.msk $0xffff, v1  }
0x25a: {  	v24 =	vld.idx.msk [tilespmem:v24+s13+$0x0], $0xffff  }
0x25b: {  	v17 =	vld.idx.msk [tilespmem:v6+s13+$0x0], $0xffff;
	v20 =	vmul.f32 v20, v22  }
0x25c: {  	v27 =	vadd.s32 $0x4E20, v12;
	v19 =	vld.idx.msk [tilespmem:v3+s13+$0x0], $0xffff;
	v15 =	vmul.f32 v15, v23  }
0x25d: {  	v10 =	vadd.s32 $0x7530, v10;
	v16 =	vmul.f32 v16, v25;
	[tilespmem:v26+s25+$0x0] =	vst.idx.add.f32.msk $0xffff, v20  }
0x25e: {  	v42 =	vadd.s32 $0x2710, v14;
	[tilespmem:v28+s25+$0x0] =	vst.idx.add.f32.msk $0xffff, v15;
	v15 =	vmul.f32 v18, v5  }
0x25f: {  	[tilespmem:v29+s25+$0x0] =	vst.idx.add.f32.msk $0xffff, v16;
	v24 =	vmul.f32 v24, v13  }
0x260: {  	[tilespmem:v31+s25+$0x0] =	vst.idx.add.f32.msk $0xffff, v15  }
0x261: {  	v15 =	vadd.s32 $0x2710, v8;
	[tilespmem:v27+s25+$0x0] =	vst.idx.add.f32.msk $0xffff, v24  }
0x262: {  	v10 =	vld.idx.msk [tilespmem:v10+s13+$0x0], $0xffff  }
0x263: {  	v16 =	vld.idx.msk [tilespmem:v42+s13+$0x0], $0xffff  }
0x264: {  	v12 =	vadd.s32 $0x7530, v12;
	v7 =	vld [tilespmem:s16+$0xFB0]  }
0x265: {  	v47 =	vadd.s32 $0x2710, v26;
	v21 =	vld.idx.msk [tilespmem:v2+s13+$0x0], $0xffff;
	v17 =	vmul.f32 v17, v9  }
0x266: {  	v15 =	vld.idx.msk [tilespmem:v15+s13+$0x0], $0xffff  }
0x267: {  	[tilespmem:v30+s25+$0x0] =	vst.idx.add.f32.msk $0xffff, v17;
	v10 =	vmul.f32 v10, v13;
	v13 =	vadd.s32 $0x2710, v11  }
0x268: {  	v49 =	vadd.s32 $0x2710, v29;
	v16 =	vmul.f32 v16, v22;
	v1 =	vld [tilespmem:s16+$0xFC0]  }
0x269: {  	v43 =	vmul.f32 v19, v7;
	[tilespmem:v12+s25+$0x0] =	vst.idx.add.f32.msk $0xffff, v10;
	v10 =	vadd.s32 $0x2710, v6  }
0x26a: {  	[tilespmem:v47+s25+$0x0] =	vst.idx.add.f32.msk $0xffff, v16;
	v12 =	vadd.s32 $0x2710, v4  }
0x26b: {  	[tilespmem:v40+s25+$0x0] =	vst.idx.add.f32.msk $0xffff, v43;
	v15 =	vmul.f32 v15, v25  }
0x26c: {  	v45 =	vadd.s32 $0x2710, v3;
	v13 =	vld.idx.msk [tilespmem:v13+s13+$0x0], $0xffff  }
0x26d: {  	v46 =	vadd.s32 $0x2710, v2;
	[tilespmem:v49+s25+$0x0] =	vst.idx.add.f32.msk $0xffff, v15  }
0x26e: {  	v48 =	vadd.s32 $0x2710, v28;
	v44 =	vmul.f32 v21, v1;
	v10 =	vld.idx.msk [tilespmem:v10+s13+$0x0], $0xffff  }
0x26f: {  	v15 =	vadd.s32 $0x4E20, v11;
	v12 =	vld.idx.msk [tilespmem:v12+s13+$0x0], $0xffff  }
0x270: {  	v32 =	vadd.s32 $0x2710, v30;
	[tilespmem:v41+s25+$0x0] =	vst.idx.add.f32.msk $0xffff, v44  }
0x271: {  	v33 =	vadd.s32 $0x2710, v31;
	v17 =	vld.idx.msk [tilespmem:v45+s13+$0x0], $0xffff;
	v13 =	vmul.f32 v13, v23  }
0x272: {  	v51 =	vadd.s32 $0x4E20, v8;
	v18 =	vld.idx.msk [tilespmem:v46+s13+$0x0], $0xffff  }
0x273: {  	v52 =	vadd.s32 $0x4E20, v6;
	[tilespmem:v48+s25+$0x0] =	vst.idx.add.f32.msk $0xffff, v13;
	v10 =	vmul.f32 v10, v9  }
0x274: {  	v34 =	vadd.s32 $0x2710, v40;
	v12 =	vmul.f32 v12, v5;
	v15 =	vld.idx.msk [tilespmem:v15+s13+$0x0], $0xffff  }
0x275: {  	v50 =	vadd.s32 $0x2710, v41;
	[tilespmem:v32+s25+$0x0] =	vst.idx.add.f32.msk $0xffff, v10  }
0x276: {  	v13 =	vadd.s32 $0x4E20, v14;
	[tilespmem:v33+s25+$0x0] =	vst.idx.add.f32.msk $0xffff, v12  }
0x277: {  	v53 =	vadd.s32 $0x4E20, v2;
	v10 =	vmul.f32 v17, v7;
	v17 =	vld.idx.msk [tilespmem:v51+s13+$0x0], $0xffff  }
0x278: {  	v55 =	vadd.s32 $0x4E20, v28;
	v12 =	vmul.f32 v18, v1;
	v18 =	vld.idx.msk [tilespmem:v52+s13+$0x0], $0xffff  }
0x279: {  	[tilespmem:v34+s25+$0x0] =	vst.idx.add.f32.msk $0xffff, v10;
	v10 =	vadd.s32 $0x4E20, v4  }
0x27a: {  	[tilespmem:v50+s25+$0x0] =	vst.idx.add.f32.msk $0xffff, v12;
	v12 =	vadd.s32 $0x4E20, v3  }
0x27b: {  	v11 =	vadd.s32 $0x7530, v11;
	v13 =	vld.idx.msk [tilespmem:v13+s13+$0x0], $0xffff;
	v15 =	vmul.f32 v15, v23  }
0x27c: {  	v57 =	vadd.s32 $0x4E20, v30;
	v16 =	vld.idx.msk [tilespmem:v53+s13+$0x0], $0xffff  }
0x27d: {  	v54 =	vadd.s32 $0x4E20, v26;
	[tilespmem:v55+s25+$0x0] =	vst.idx.add.f32.msk $0xffff, v15  }
0x27e: {  	v6 =	vadd.s32 $0x7530, v6;
	v10 =	vld.idx.msk [tilespmem:v10+s13+$0x0], $0xffff  }
0x27f: {  	v56 =	vadd.s32 $0x4E20, v29;
	v15 =	vmul.f32 v18, v9;
	v12 =	vld.idx.msk [tilespmem:v12+s13+$0x0], $0xffff  }
0x280: {  	v8 =	vadd.s32 $0x7530, v8;
	v11 =	vld.idx.msk [tilespmem:v11+s13+$0x0], $0xffff;
	v13 =	vmul.f32 v13, v22  }
0x281: {  	v58 =	vadd.s32 $0x4E20, v31;
	[tilespmem:v57+s25+$0x0] =	vst.idx.add.f32.msk $0xffff, v15  }
0x282: {  	v59 =	vadd.s32 $0x4E20, v40;
	[tilespmem:v54+s25+$0x0] =	vst.idx.add.f32.msk $0xffff, v13;
	v13 =	vmul.f32 v17, v25  }
0x283: {  	v60 =	vadd.s32 $0x4E20, v41;
	v6 =	vld.idx.msk [tilespmem:v6+s13+$0x0], $0xffff  }
0x284: {  	v14 =	vadd.s32 $0x7530, v14;
	[tilespmem:v56+s25+$0x0] =	vst.idx.add.f32.msk $0xffff, v13;
	v10 =	vmul.f32 v10, v5  }
0x285: {  	v4 =	vadd.s32 $0x7530, v4;
	v12 =	vmul.f32 v12, v7;
	v13 =	vld.idx.msk [tilespmem:v8+s13+$0x0], $0xffff  }
0x286: {  	v3 =	vadd.s32 $0x7530, v3;
	[tilespmem:v58+s25+$0x0] =	vst.idx.add.f32.msk $0xffff, v10;
	v10 =	vmul.f32 v16, v1  }
0x287: {  	v2 =	vadd.s32 $0x7530, v2;
	[tilespmem:v59+s25+$0x0] =	vst.idx.add.f32.msk $0xffff, v12  }
0x288: {  	v62 =	vadd.s32 $0x7530, v30;
	[tilespmem:v60+s25+$0x0] =	vst.idx.add.f32.msk $0xffff, v10  }
0x289: {  	v15 =	vadd.s32 $0x7530, v29;
	v10 =	vld.idx.msk [tilespmem:v14+s13+$0x0], $0xffff  }
0x28a: {  	v61 =	vld.idx.msk [tilespmem:v4+s13+$0x0], $0xffff;
	v14 =	vadd.s32 $0x7530, v28  }
0x28b: {  	v12 =	vadd.s32 $0x7530, v26;
	v6 =	vmul.f32 v6, v9;
	v63 =	vld.idx.msk [tilespmem:v3+s13+$0x0], $0xffff  }
0x28c: {  	v8 =	vld.idx.msk [tilespmem:v2+s13+$0x0], $0xffff;
	v4 =	vmul.f32 v13, v25  }
0x28d: {  	[tilespmem:v62+s25+$0x0] =	vst.idx.add.f32.msk $0xffff, v6;
	v2 =	vmul.f32 v11, v23  }
0x28e: {  	[tilespmem:v15+s25+$0x0] =	vst.idx.add.f32.msk $0xffff, v4;
	v3 =	vmul.f32 v10, v22  }
0x28f: {  	v4 =	vadd.s32 $0x7530, v41;
	v13 =	vmul.f32 v61, v5;
	[tilespmem:v14+s25+$0x0] =	vst.idx.add.f32.msk $0xffff, v2  }
0x290: {  	s17 =	simm.s32 $0x14960;
	s16 =	simm.s32 $0x0;
	v6 =	vmul.f32 v63, v7;
	v2 =	vadd.s32 $0x7530, v31;
	[tilespmem:v12+s25+$0x0] =	vst.idx.add.f32.msk $0xffff, v3;
	v3 =	vadd.s32 $0x7530, v40  }
.LBB2_23:
0x291: {  	v28 =	vld [tilespmem:s17+$0xFFFFF090];
	s16 =	sadd.s32 $0x8, s16;
	v5 =	vmul.f32 v8, v1  }
0x292: {  	v1 =	vld [tilespmem:s17+$0xFFFFF030];
	p0 =	slt.u32 s16, $0xF0  }
0x293: {  	v14 =	vld [tilespmem:s17+$0xFFFFF040]  }
0x294: {  	v15 =	vld [tilespmem:s17+$0xFFFFF050]  }
0x295: {  	v17 =	vld [tilespmem:s17+$0xFFFFF060]  }
0x296: {  	v18 =	vld [tilespmem:s17+$0xFFFFF070]  }
0x297: {  	v27 =	vadd.s32 $0x2710, v1;
	v16 =	vadd.s32 $0x4E20, v1;
	v7 =	vadd.s32 $0x7530, v1;
	v19 =	vld [tilespmem:s17+$0xFFFFF080]  }
0x298: {  	v31 =	vadd.s32 $0x2710, v14;
	v21 =	vadd.s32 $0x4E20, v14;
	v8 =	vadd.s32 $0x7530, v14;
	v36 =	vld [tilespmem:s17+$0x30]  }
0x299: {  	v33 =	vadd.s32 $0x2710, v15;
	v23 =	vadd.s32 $0x4E20, v15;
	v9 =	vadd.s32 $0x7530, v15;
	v20 =	vld.idx.msk [tilespmem:v28+s13+$0x0], $0xffff  }
0x29a: {  	v35 =	vadd.s32 $0x2710, v17;
	v24 =	vadd.s32 $0x4E20, v17;
	v10 =	vadd.s32 $0x7530, v17;
	v37 =	vld [tilespmem:s17+$0xFD0]  }
0x29b: {  	v22 =	vld [tilespmem:s17+$0xFFFFF020];
	v38 =	vadd.s32 $0x2710, v18;
	v25 =	vadd.s32 $0x4E20, v18;
	v11 =	vadd.s32 $0x7530, v18  }
0x29c: {  	v1 =	vld.idx.msk [tilespmem:v1+s13+$0x0], $0xffff;
	v39 =	vadd.s32 $0x2710, v19;
	v26 =	vadd.s32 $0x4E20, v19;
	v12 =	vadd.s32 $0x7530, v19  }
0x29d: {  	v30 =	vld.idx.msk [tilespmem:v14+s13+$0x0], $0xffff;
	v14 =	vadd.s32 $0x2710, v28  }
0x29e: {  	v32 =	vld.idx.msk [tilespmem:v15+s13+$0x0], $0xffff  }
0x29f: {  	v34 =	vld.idx.msk [tilespmem:v17+s13+$0x0], $0xffff;
	v15 =	vmul.f32 v20, v37  }
0x2a0: {  	v40 =	vadd.s32 $0x2710, v22;
	v29 =	vadd.s32 $0x4E20, v22;
	v20 =	vadd.s32 $0x7530, v22;
	v41 =	vld.idx.msk [tilespmem:v18+s13+$0x0], $0xffff  }
0x2a1: {  	[tilespmem:v36+s25+$0x0] =	vst.idx.add.f32.msk $0xffff, v15  }
0x2a2: {  	v15 =	vld.idx.msk [tilespmem:v14+s13+$0x0], $0xffff  }
0x2a3: {  	v22 =	vld.idx.msk [tilespmem:v22+s13+$0x0], $0xffff  }
0x2a4: {  	v42 =	vld.idx.msk [tilespmem:v19+s13+$0x0], $0xffff  }
0x2a5: {  	v43 =	vadd.s32 $0x2710, v36;
	v18 =	vld [tilespmem:s17+$0xF60]  }
0x2a6: {  	v44 =	vadd.s32 $0x4E20, v28;
	v19 =	vld [tilespmem:s17+$0xF70]  }
0x2a7: {  	v17 =	vld [tilespmem:s17+$0xF80]  }
0x2a8: {  	v45 =	vmul.f32 v15, v37;
	v14 =	vld [tilespmem:s17+$0xF90]  }
0x2a9: {  	v15 =	vld [tilespmem:s17+$0xFA0]  }
0x2aa: {  	v46 =	vmul.f32 v22, v18;
	[tilespmem:v43+s25+$0x0] =	vst.idx.add.f32.msk $0xffff, v45  }
0x2ab: {  	v43 =	vmul.f32 v1, v19;
	v44 =	vld.idx.msk [tilespmem:v44+s13+$0x0], $0xffff  }
0x2ac: {  	v45 =	vmul.f32 v30, v17;
	v22 =	vld [tilespmem:s17+$0xFB0]  }
0x2ad: {  	v47 =	vmul.f32 v32, v14;
	v1 =	vld [tilespmem:s17+$0xFC0]  }
0x2ae: {  	v30 =	vadd.s32 $0x4E20, v36;
	v48 =	vld [tilespmem:s17+$0xFFFFFFC0];
	v49 =	vmul.f32 v34, v15  }
0x2af: {  	v32 =	vadd.s32 $0x7530, v28;
	v50 =	vld [tilespmem:s17+$0xFFFFFFD0]  }
0x2b0: {  	v51 =	vld [tilespmem:s17+$0xFFFFFFE0]  }
0x2b1: {  	v34 =	vmul.f32 v44, v37;
	v52 =	vld [tilespmem:s17+$0xFFFFFFF0];
	v41 =	vmul.f32 v41, v22  }
0x2b2: {  	v44 =	vld [tilespmem:s17+$0x0];
	v42 =	vmul.f32 v42, v1  }
0x2b3: {  	v53 =	vadd.s32 $0x2710, v48;
	v54 =	vadd.s32 $0x4E20, v48;
	v28 =	vadd.s32 $0x7530, v48;
	[tilespmem:v30+s25+$0x0] =	vst.idx.add.f32.msk $0xffff, v34  }
0x2b4: {  	v55 =	vadd.s32 $0x2710, v50;
	v56 =	vadd.s32 $0x4E20, v50;
	v30 =	vadd.s32 $0x7530, v50;
	v57 =	vld.idx.msk [tilespmem:v32+s13+$0x0], $0xffff  }
0x2b5: {  	v58 =	vadd.s32 $0x2710, v51;
	v59 =	vadd.s32 $0x4E20, v51;
	v32 =	vadd.s32 $0x7530, v51;
	v60 =	vld [tilespmem:s17+$0x10]  }
0x2b6: {  	v61 =	vadd.s32 $0x2710, v52;
	v62 =	vadd.s32 $0x4E20, v52;
	v34 =	vadd.s32 $0x7530, v52;
	v63 =	vld [tilespmem:s17+$0x20]  }
0x2b7: {  	v36 =	vadd.s32 $0x7530, v36;
	[tilespmem:v48+s25+$0x0] =	vst.idx.add.f32.msk $0xffff, v46;
	v46 =	vadd.s32 $0x2710, v44;
	v48 =	vadd.s32 $0x4E20, v44  }
0x2b8: {  	[tilespmem:v50+s25+$0x0] =	vst.idx.add.f32.msk $0xffff, v43;
	v43 =	vadd.s32 $0x7530, v44  }
0x2b9: {  	[tilespmem:v51+s25+$0x0] =	vst.idx.add.f32.msk $0xffff, v45  }
0x2ba: {  	v37 =	vmul.f32 v57, v37;
	[tilespmem:v52+s25+$0x0] =	vst.idx.add.f32.msk $0xffff, v47;
	v45 =	vadd.s32 $0x2710, v60;
	v47 =	vadd.s32 $0x4E20, v60  }
0x2bb: {  	[tilespmem:v44+s25+$0x0] =	vst.idx.add.f32.msk $0xffff, v49;
	v44 =	vadd.s32 $0x7530, v60;
	v49 =	vadd.s32 $0x2710, v63;
	v50 =	vadd.s32 $0x4E20, v63  }
0x2bc: {  	v51 =	vadd.s32 $0x7530, v63;
	[tilespmem:v36+s25+$0x0] =	vst.idx.add.f32.msk $0xffff, v37  }
0x2bd: {  	[tilespmem:v60+s25+$0x0] =	vst.idx.add.f32.msk $0xffff, v41  }
0x2be: {  	[tilespmem:v63+s25+$0x0] =	vst.idx.add.f32.msk $0xffff, v42  }
0x2bf: {  	v36 =	vld.idx.msk [tilespmem:v40+s13+$0x0], $0xffff  }
0x2c0: {  	v27 =	vld.idx.msk [tilespmem:v27+s13+$0x0], $0xffff  }
0x2c1: {  	v31 =	vld.idx.msk [tilespmem:v31+s13+$0x0], $0xffff  }
0x2c2: {  	v33 =	vld.idx.msk [tilespmem:v33+s13+$0x0], $0xffff  }
0x2c3: {  	v35 =	vld.idx.msk [tilespmem:v35+s13+$0x0], $0xffff  }
0x2c4: {  	v37 =	vld.idx.msk [tilespmem:v38+s13+$0x0], $0xffff  }
0x2c5: {  	v36 =	vmul.f32 v36, v18;
	v38 =	vld.idx.msk [tilespmem:v39+s13+$0x0], $0xffff  }
0x2c6: {  	v27 =	vmul.f32 v27, v19;
	[tilespmem:v2+s25+$0x0] =	vst.idx.add.f32.msk $0xffff, v13;
	v2 =	vmov v43  }
0x2c7: {  	v13 =	vmul.f32 v31, v17;
	[tilespmem:v53+s25+$0x0] =	vst.idx.add.f32.msk $0xffff, v36  }
0x2c8: {  	[tilespmem:v55+s25+$0x0] =	vst.idx.add.f32.msk $0xffff, v27;
	v27 =	vmul.f32 v33, v14  }
0x2c9: {  	[tilespmem:v58+s25+$0x0] =	vst.idx.add.f32.msk $0xffff, v13;
	v13 =	vmul.f32 v35, v15  }
0x2ca: {  	[tilespmem:v61+s25+$0x0] =	vst.idx.add.f32.msk $0xffff, v27;
	v27 =	vmul.f32 v37, v22  }
0x2cb: {  	[tilespmem:v46+s25+$0x0] =	vst.idx.add.f32.msk $0xffff, v13;
	v13 =	vmul.f32 v38, v1  }
0x2cc: {  	[tilespmem:v45+s25+$0x0] =	vst.idx.add.f32.msk $0xffff, v27  }
0x2cd: {  	[tilespmem:v49+s25+$0x0] =	vst.idx.add.f32.msk $0xffff, v13  }
0x2ce: {  	v13 =	vld.idx.msk [tilespmem:v29+s13+$0x0], $0xffff  }
0x2cf: {  	v16 =	vld.idx.msk [tilespmem:v16+s13+$0x0], $0xffff  }
0x2d0: {  	v21 =	vld.idx.msk [tilespmem:v21+s13+$0x0], $0xffff  }
0x2d1: {  	v23 =	vld.idx.msk [tilespmem:v23+s13+$0x0], $0xffff  }
0x2d2: {  	v24 =	vld.idx.msk [tilespmem:v24+s13+$0x0], $0xffff  }
0x2d3: {  	v25 =	vld.idx.msk [tilespmem:v25+s13+$0x0], $0xffff  }
0x2d4: {  	v13 =	vmul.f32 v13, v18;
	v26 =	vld.idx.msk [tilespmem:v26+s13+$0x0], $0xffff  }
0x2d5: {  	v16 =	vmul.f32 v16, v19;
	[tilespmem:v3+s25+$0x0] =	vst.idx.add.f32.msk $0xffff, v6;
	v3 =	vmov v44  }
0x2d6: {  	v6 =	vmul.f32 v21, v17;
	[tilespmem:v54+s25+$0x0] =	vst.idx.add.f32.msk $0xffff, v13  }
0x2d7: {  	v13 =	vmul.f32 v23, v14;
	[tilespmem:v56+s25+$0x0] =	vst.idx.add.f32.msk $0xffff, v16  }
0x2d8: {  	[tilespmem:v59+s25+$0x0] =	vst.idx.add.f32.msk $0xffff, v6;
	v6 =	vmul.f32 v24, v15  }
0x2d9: {  	[tilespmem:v62+s25+$0x0] =	vst.idx.add.f32.msk $0xffff, v13;
	v13 =	vmul.f32 v25, v22  }
0x2da: {  	[tilespmem:v48+s25+$0x0] =	vst.idx.add.f32.msk $0xffff, v6;
	v6 =	vmul.f32 v26, v1  }
0x2db: {  	[tilespmem:v47+s25+$0x0] =	vst.idx.add.f32.msk $0xffff, v13  }
0x2dc: {  	[tilespmem:v50+s25+$0x0] =	vst.idx.add.f32.msk $0xffff, v6  }
0x2dd: {  	v6 =	vld.idx.msk [tilespmem:v20+s13+$0x0], $0xffff  }
0x2de: {  	v7 =	vld.idx.msk [tilespmem:v7+s13+$0x0], $0xffff  }
0x2df: {  	v13 =	vld.idx.msk [tilespmem:v8+s13+$0x0], $0xffff  }
0x2e0: {  	v9 =	vld.idx.msk [tilespmem:v9+s13+$0x0], $0xffff  }
0x2e1: {  	v10 =	vld.idx.msk [tilespmem:v10+s13+$0x0], $0xffff  }
0x2e2: {  	v11 =	vld.idx.msk [tilespmem:v11+s13+$0x0], $0xffff  }
0x2e3: {  	v6 =	vmul.f32 v6, v18;
	v8 =	vld.idx.msk [tilespmem:v12+s13+$0x0], $0xffff  }
.Ltmp11:
0x2e4: {  	v7 =	vmul.f32 v7, v19;
	[tilespmem:v4+s25+$0x0] =	vst.idx.add.f32.msk $0xffff, v5;
	v4 =	vmov v51;
	(pc) =	sbr.rel @p0 .LBB2_23-.Ltmp11, $4  }
0x2e5: {  	v5 =	vmul.f32 v13, v17;
	[tilespmem:v28+s25+$0x0] =	vst.idx.add.f32.msk $0xffff, v6  }
0x2e6: {  	v6 =	vmul.f32 v9, v14;
	[tilespmem:v30+s25+$0x0] =	vst.idx.add.f32.msk $0xffff, v7  }
0x2e7: {  	v13 =	vmul.f32 v10, v15;
	[tilespmem:v32+s25+$0x0] =	vst.idx.add.f32.msk $0xffff, v5  }
0x2e8: {  	s17 =	sadd.s32 $0x80, s17;
	[tilespmem:v34+s25+$0x0] =	vst.idx.add.f32.msk $0xffff, v6;
	v6 =	vmul.f32 v11, v22  }
0x2e9: {  	_ =	sdelay $0x3  }
0x2ea: {  	v1 =	vmul.f32 v8, v1;
	[tilespmem:v2+s25+$0x0] =	vst.idx.add.f32.msk $0xffff, v13  }
0x2eb: {  	[tilespmem:v3+s25+$0x0] =	vst.idx.add.f32.msk $0xffff, v6  }
0x2ec: {  	[tilespmem:v4+s25+$0x0] =	vst.idx.add.f32.msk $0xffff, v1  }
.LBB2_25:
0x2ed: {  	s16 =	sshra.s32 s13, $0x2  }
0x2ee: {  	v1 =	vld [tilespmem:s16+$0x14880];
	_ =	sdelay $0x5  }
0x2ef: {  	v2 =	vld [tilespmem:s16+$0x15820]  }
0x2f0: {  	v3 =	vld [tilespmem:s16+$0x167C0]  }
0x2f1: {  	v4 =	vld.idx.msk [tilespmem:v1+s3+$0x0], $0xffff;
	_ =	sdelay $0x2  }
0x2f2: {  	v5 =	vadd.s32 $0x2710, v1;
	_ =	sdelay $0x1  }
0x2f3: {  	v4 =	vmul.f32 v4, v3;
	_ =	sdelay $0x1  }
0x2f4: {  	[tilespmem:v2+s25+$0x0] =	vst.idx.add.f32.msk $0xffff, v4  }
0x2f5: {  	v4 =	vld.idx.msk [tilespmem:v5+s3+$0x0], $0xffff;
	_ =	sdelay $0x1  }
0x2f6: {  	v62 =	vadd.s32 $0x2710, v2  }
0x2f7: {  	v6 =	vadd.s32 $0x4E20, v1;
	_ =	sdelay $0x1  }
0x2f8: {  	v4 =	vmul.f32 v4, v3;
	_ =	sdelay $0x1  }
0x2f9: {  	[tilespmem:v62+s25+$0x0] =	vst.idx.add.f32.msk $0xffff, v4  }
0x2fa: {  	v4 =	vld.idx.msk [tilespmem:v6+s3+$0x0], $0xffff;
	_ =	sdelay $0x1  }
0x2fb: {  	v63 =	vadd.s32 $0x4E20, v2  }
0x2fc: {  	v1 =	vadd.s32 $0x7530, v1;
	_ =	sdelay $0x1  }
0x2fd: {  	v4 =	vmul.f32 v4, v3;
	_ =	sdelay $0x1  }
0x2fe: {  	[tilespmem:v63+s25+$0x0] =	vst.idx.add.f32.msk $0xffff, v4  }
0x2ff: {  	v1 =	vld.idx.msk [tilespmem:v1+s3+$0x0], $0xffff;
	_ =	sdelay $0x1  }
0x300: {  	p0 =	sne.s32 s13, $0x40;
	v2 =	vadd.s32 $0x7530, v2  }
.Ltmp12:
0x301: {  	_ = 	snop;
	(pc) =	sbr.rel @p0 .LBB2_25-.Ltmp12, $3  }
0x302: {  	_ = 	snop  }
0x303: {  	v1 =	vmul.f32 v1, v3;
	_ =	sdelay $0x1  }
0x304: {  	s13 =	sadd.s32 $0x40, s13;
	[tilespmem:v2+s25+$0x0] =	vst.idx.add.f32.msk $0xffff, v1  }
0x305: {  	p0 =	seq.s32 s31, $0x9  }
0x306: {  	s6 =	sadd.s32 @!p0 s6, s7  }
0x307: {  	s6 =	smul.u32 @!p0 $0x2EE0, s6;
	_ =	sdelay $0x1  }
0x308: {  	_ =	swait.ge [sflag:s26], $0x2EE0;
	s17 =	simm.s32 $0x167E0;
	s6 =	sshrl.u32 @!p0 s6, $0x3  }
0x309: {  	[sflag:s26] =	ssyncset.done $0x0;
	s13 =	simm.s32 @!p0 $0x0;
	s6 =	sadd.s32 @!p0 s1, s6  }
0x30a: {  	s16 =	simm.s32 @!p0 $0x13900;
	[sflag:s26] =	ssyncadd.s32 $0xFFFFD120;
	s6 =	sadd.s32 @!p0 $0x5DC, s6  }
0x30b: {  	[tilespmem:s16], [sflag:$0x1] =	stream.linear.gather @!p0 [hbm4b:s6+s13], $0x2EE0, $0x38;
	[tilespmem:$0x1BE10] =	vst v63  }
0x30c: {  	v10 =	vld [tilespmem:s17+$0x70]  }
0x30d: {  	v11 =	vld [tilespmem:s17+$0x10]  }
0x30e: {  	v8 =	vld [tilespmem:s17+$0x20]  }
0x30f: {  	v6 =	vld [tilespmem:s17+$0x30]  }
0x310: {  	v4 =	vld [tilespmem:s17+$0x40]  }
0x311: {  	v3 =	vld [tilespmem:s17+$0x50]  }
0x312: {  	v2 =	vld [tilespmem:s17+$0x60]  }
0x313: {  	v12 =	vld [tilespmem:s17+$0x1010]  }
0x314: {  	v13 =	vld [tilespmem:s17+$0x1FB0]  }
0x315: {  	v14 =	vld [tilespmem:s17+$0x0]  }
0x316: {  	v22 =	vld [tilespmem:s17+$0x1F40]  }
0x317: {  	v23 =	vld [tilespmem:s17+$0x1F50]  }
0x318: {  	v25 =	vld [tilespmem:s17+$0x1F60]  }
0x319: {  	s6 =	simm.s32 $0x0;
	v9 =	vld [tilespmem:s17+$0x1F70]  }
0x31a: {  	v1 =	vld.idx.msk [tilespmem:v10+s6+$0x0], $0xffff  }
0x31b: {  	v26 =	vld [tilespmem:s17+$0xFA0]  }
0x31c: {  	v28 =	vld [tilespmem:s17+$0xFB0]  }
0x31d: {  	v29 =	vld [tilespmem:s17+$0xFC0];
	v5 =	vadd.s32 $0x2710, v10  }
0x31e: {  	v30 =	vld [tilespmem:s17+$0xFD0]  }
0x31f: {  	v31 =	vld [tilespmem:s17+$0xFE0];
	v1 =	vmul.f32 v1, v13  }
0x320: {  	v40 =	vld [tilespmem:s17+$0xFF0]  }
0x321: {  	[tilespmem:v12+s25+$0x0] =	vst.idx.add.f32.msk $0xffff, v1  }
0x322: {  	v1 =	vld.idx.msk [tilespmem:v5+s6+$0x0], $0xffff  }
0x323: {  	v41 =	vld [tilespmem:s17+$0x1000]  }
0x324: {  	v7 =	vadd.s32 $0x2710, v12;
	v15 =	vld.idx.msk [tilespmem:v11+s6+$0x0], $0xffff  }
0x325: {  	v24 =	vadd.s32 $0x4E20, v10;
	v16 =	vld.idx.msk [tilespmem:v8+s6+$0x0], $0xffff  }
0x326: {  	v20 =	vld.idx.msk [tilespmem:v14+s6+$0x0], $0xffff  }
0x327: {  	v18 =	vld.idx.msk [tilespmem:v4+s6+$0x0], $0xffff;
	v1 =	vmul.f32 v1, v13  }
0x328: {  	v5 =	vld [tilespmem:s17+$0x1F80]  }
0x329: {  	[tilespmem:v7+s25+$0x0] =	vst.idx.add.f32.msk $0xffff, v1  }
0x32a: {  	v24 =	vld.idx.msk [tilespmem:v24+s6+$0x0], $0xffff  }
0x32b: {  	v17 =	vld.idx.msk [tilespmem:v6+s6+$0x0], $0xffff;
	v20 =	vmul.f32 v20, v22  }
0x32c: {  	v27 =	vadd.s32 $0x4E20, v12;
	v19 =	vld.idx.msk [tilespmem:v3+s6+$0x0], $0xffff;
	v15 =	vmul.f32 v15, v23  }
0x32d: {  	v10 =	vadd.s32 $0x7530, v10;
	v16 =	vmul.f32 v16, v25;
	[tilespmem:v26+s25+$0x0] =	vst.idx.add.f32.msk $0xffff, v20  }
0x32e: {  	v42 =	vadd.s32 $0x2710, v14;
	[tilespmem:v28+s25+$0x0] =	vst.idx.add.f32.msk $0xffff, v15;
	v15 =	vmul.f32 v18, v5  }
0x32f: {  	[tilespmem:v29+s25+$0x0] =	vst.idx.add.f32.msk $0xffff, v16;
	v24 =	vmul.f32 v24, v13  }
0x330: {  	[tilespmem:v31+s25+$0x0] =	vst.idx.add.f32.msk $0xffff, v15  }
0x331: {  	v15 =	vadd.s32 $0x2710, v8;
	[tilespmem:v27+s25+$0x0] =	vst.idx.add.f32.msk $0xffff, v24  }
0x332: {  	v10 =	vld.idx.msk [tilespmem:v10+s6+$0x0], $0xffff  }
0x333: {  	v16 =	vld.idx.msk [tilespmem:v42+s6+$0x0], $0xffff  }
0x334: {  	v12 =	vadd.s32 $0x7530, v12;
	v7 =	vld [tilespmem:s17+$0x1F90]  }
0x335: {  	v47 =	vadd.s32 $0x2710, v26;
	v21 =	vld.idx.msk [tilespmem:v2+s6+$0x0], $0xffff;
	v17 =	vmul.f32 v17, v9  }
0x336: {  	v15 =	vld.idx.msk [tilespmem:v15+s6+$0x0], $0xffff  }
0x337: {  	[tilespmem:v30+s25+$0x0] =	vst.idx.add.f32.msk $0xffff, v17;
	v10 =	vmul.f32 v10, v13;
	v13 =	vadd.s32 $0x2710, v11  }
0x338: {  	v49 =	vadd.s32 $0x2710, v29;
	v16 =	vmul.f32 v16, v22;
	v1 =	vld [tilespmem:s17+$0x1FA0]  }
0x339: {  	v43 =	vmul.f32 v19, v7;
	[tilespmem:v12+s25+$0x0] =	vst.idx.add.f32.msk $0xffff, v10;
	v10 =	vadd.s32 $0x2710, v6  }
0x33a: {  	[tilespmem:v47+s25+$0x0] =	vst.idx.add.f32.msk $0xffff, v16;
	v12 =	vadd.s32 $0x2710, v4  }
0x33b: {  	[tilespmem:v40+s25+$0x0] =	vst.idx.add.f32.msk $0xffff, v43;
	v15 =	vmul.f32 v15, v25  }
0x33c: {  	v45 =	vadd.s32 $0x2710, v3;
	v13 =	vld.idx.msk [tilespmem:v13+s6+$0x0], $0xffff  }
0x33d: {  	v46 =	vadd.s32 $0x2710, v2;
	[tilespmem:v49+s25+$0x0] =	vst.idx.add.f32.msk $0xffff, v15  }
0x33e: {  	v48 =	vadd.s32 $0x2710, v28;
	v44 =	vmul.f32 v21, v1;
	v10 =	vld.idx.msk [tilespmem:v10+s6+$0x0], $0xffff  }
0x33f: {  	v15 =	vadd.s32 $0x4E20, v11;
	v12 =	vld.idx.msk [tilespmem:v12+s6+$0x0], $0xffff  }
0x340: {  	v32 =	vadd.s32 $0x2710, v30;
	[tilespmem:v41+s25+$0x0] =	vst.idx.add.f32.msk $0xffff, v44  }
0x341: {  	v33 =	vadd.s32 $0x2710, v31;
	v17 =	vld.idx.msk [tilespmem:v45+s6+$0x0], $0xffff;
	v13 =	vmul.f32 v13, v23  }
0x342: {  	v51 =	vadd.s32 $0x4E20, v8;
	v18 =	vld.idx.msk [tilespmem:v46+s6+$0x0], $0xffff  }
0x343: {  	v52 =	vadd.s32 $0x4E20, v6;
	[tilespmem:v48+s25+$0x0] =	vst.idx.add.f32.msk $0xffff, v13;
	v10 =	vmul.f32 v10, v9  }
0x344: {  	v34 =	vadd.s32 $0x2710, v40;
	v12 =	vmul.f32 v12, v5;
	v15 =	vld.idx.msk [tilespmem:v15+s6+$0x0], $0xffff  }
0x345: {  	v50 =	vadd.s32 $0x2710, v41;
	[tilespmem:v32+s25+$0x0] =	vst.idx.add.f32.msk $0xffff, v10  }
0x346: {  	v13 =	vadd.s32 $0x4E20, v14;
	[tilespmem:v33+s25+$0x0] =	vst.idx.add.f32.msk $0xffff, v12  }
0x347: {  	v53 =	vadd.s32 $0x4E20, v2;
	v10 =	vmul.f32 v17, v7;
	v17 =	vld.idx.msk [tilespmem:v51+s6+$0x0], $0xffff  }
0x348: {  	v55 =	vadd.s32 $0x4E20, v28;
	v12 =	vmul.f32 v18, v1;
	v18 =	vld.idx.msk [tilespmem:v52+s6+$0x0], $0xffff  }
0x349: {  	[tilespmem:v34+s25+$0x0] =	vst.idx.add.f32.msk $0xffff, v10;
	v10 =	vadd.s32 $0x4E20, v4  }
0x34a: {  	[tilespmem:v50+s25+$0x0] =	vst.idx.add.f32.msk $0xffff, v12;
	v12 =	vadd.s32 $0x4E20, v3  }
0x34b: {  	v11 =	vadd.s32 $0x7530, v11;
	v13 =	vld.idx.msk [tilespmem:v13+s6+$0x0], $0xffff;
	v15 =	vmul.f32 v15, v23  }
0x34c: {  	v57 =	vadd.s32 $0x4E20, v30;
	v16 =	vld.idx.msk [tilespmem:v53+s6+$0x0], $0xffff  }
0x34d: {  	v54 =	vadd.s32 $0x4E20, v26;
	[tilespmem:v55+s25+$0x0] =	vst.idx.add.f32.msk $0xffff, v15  }
0x34e: {  	v6 =	vadd.s32 $0x7530, v6;
	v10 =	vld.idx.msk [tilespmem:v10+s6+$0x0], $0xffff  }
0x34f: {  	v56 =	vadd.s32 $0x4E20, v29;
	v15 =	vmul.f32 v18, v9;
	v12 =	vld.idx.msk [tilespmem:v12+s6+$0x0], $0xffff  }
0x350: {  	v8 =	vadd.s32 $0x7530, v8;
	v11 =	vld.idx.msk [tilespmem:v11+s6+$0x0], $0xffff;
	v13 =	vmul.f32 v13, v22  }
0x351: {  	v58 =	vadd.s32 $0x4E20, v31;
	[tilespmem:v57+s25+$0x0] =	vst.idx.add.f32.msk $0xffff, v15  }
0x352: {  	v59 =	vadd.s32 $0x4E20, v40;
	[tilespmem:v54+s25+$0x0] =	vst.idx.add.f32.msk $0xffff, v13;
	v13 =	vmul.f32 v17, v25  }
0x353: {  	v60 =	vadd.s32 $0x4E20, v41;
	v6 =	vld.idx.msk [tilespmem:v6+s6+$0x0], $0xffff  }
0x354: {  	v14 =	vadd.s32 $0x7530, v14;
	[tilespmem:v56+s25+$0x0] =	vst.idx.add.f32.msk $0xffff, v13;
	v10 =	vmul.f32 v10, v5  }
0x355: {  	v4 =	vadd.s32 $0x7530, v4;
	v12 =	vmul.f32 v12, v7;
	v13 =	vld.idx.msk [tilespmem:v8+s6+$0x0], $0xffff  }
0x356: {  	v3 =	vadd.s32 $0x7530, v3;
	[tilespmem:v58+s25+$0x0] =	vst.idx.add.f32.msk $0xffff, v10;
	v10 =	vmul.f32 v16, v1  }
0x357: {  	v2 =	vadd.s32 $0x7530, v2;
	[tilespmem:v59+s25+$0x0] =	vst.idx.add.f32.msk $0xffff, v12  }
0x358: {  	v62 =	vadd.s32 $0x7530, v30;
	[tilespmem:v60+s25+$0x0] =	vst.idx.add.f32.msk $0xffff, v10  }
0x359: {  	v15 =	vadd.s32 $0x7530, v29;
	v10 =	vld.idx.msk [tilespmem:v14+s6+$0x0], $0xffff  }
0x35a: {  	v61 =	vld.idx.msk [tilespmem:v4+s6+$0x0], $0xffff;
	v14 =	vadd.s32 $0x7530, v28  }
0x35b: {  	v12 =	vadd.s32 $0x7530, v26;
	v6 =	vmul.f32 v6, v9;
	v63 =	vld.idx.msk [tilespmem:v3+s6+$0x0], $0xffff  }
0x35c: {  	v8 =	vld.idx.msk [tilespmem:v2+s6+$0x0], $0xffff;
	v4 =	vmul.f32 v13, v25  }
0x35d: {  	[tilespmem:v62+s25+$0x0] =	vst.idx.add.f32.msk $0xffff, v6;
	v2 =	vmul.f32 v11, v23  }
0x35e: {  	[tilespmem:v15+s25+$0x0] =	vst.idx.add.f32.msk $0xffff, v4;
	v3 =	vmul.f32 v10, v22  }
0x35f: {  	v4 =	vadd.s32 $0x7530, v41;
	v13 =	vmul.f32 v61, v5;
	[tilespmem:v14+s25+$0x0] =	vst.idx.add.f32.msk $0xffff, v2  }
0x360: {  	s13 =	simm.s32 $0x0;
	s16 =	simm.s32 $0x16860;
	v6 =	vmul.f32 v63, v7;
	v2 =	vadd.s32 $0x7530, v31;
	[tilespmem:v12+s25+$0x0] =	vst.idx.add.f32.msk $0xffff, v3;
	v3 =	vadd.s32 $0x7530, v40  }
.LBB2_27:
0x361: {  	v28 =	vld [tilespmem:s16+$0x70];
	s13 =	sadd.s32 $0x8, s13;
	v5 =	vmul.f32 v8, v1  }
0x362: {  	v1 =	vld [tilespmem:s16+$0x10];
	p0 =	slt.u32 s13, $0xF0  }
0x363: {  	v14 =	vld [tilespmem:s16+$0x20]  }
0x364: {  	v15 =	vld [tilespmem:s16+$0x30]  }
0x365: {  	v17 =	vld [tilespmem:s16+$0x40]  }
0x366: {  	v18 =	vld [tilespmem:s16+$0x50]  }
0x367: {  	v27 =	vadd.s32 $0x2710, v1;
	v16 =	vadd.s32 $0x4E20, v1;
	v7 =	vadd.s32 $0x7530, v1;
	v19 =	vld [tilespmem:s16+$0x60]  }
0x368: {  	v31 =	vadd.s32 $0x2710, v14;
	v21 =	vadd.s32 $0x4E20, v14;
	v8 =	vadd.s32 $0x7530, v14;
	v36 =	vld [tilespmem:s16+$0x1010]  }
0x369: {  	v33 =	vadd.s32 $0x2710, v15;
	v23 =	vadd.s32 $0x4E20, v15;
	v9 =	vadd.s32 $0x7530, v15;
	v20 =	vld.idx.msk [tilespmem:v28+s6+$0x0], $0xffff  }
0x36a: {  	v35 =	vadd.s32 $0x2710, v17;
	v24 =	vadd.s32 $0x4E20, v17;
	v10 =	vadd.s32 $0x7530, v17;
	v37 =	vld [tilespmem:s16+$0x1FB0]  }
0x36b: {  	v22 =	vld [tilespmem:s16+$0x0];
	v38 =	vadd.s32 $0x2710, v18;
	v25 =	vadd.s32 $0x4E20, v18;
	v11 =	vadd.s32 $0x7530, v18  }
0x36c: {  	v1 =	vld.idx.msk [tilespmem:v1+s6+$0x0], $0xffff;
	v39 =	vadd.s32 $0x2710, v19;
	v26 =	vadd.s32 $0x4E20, v19;
	v12 =	vadd.s32 $0x7530, v19  }
0x36d: {  	v30 =	vld.idx.msk [tilespmem:v14+s6+$0x0], $0xffff;
	v14 =	vadd.s32 $0x2710, v28  }
0x36e: {  	v32 =	vld.idx.msk [tilespmem:v15+s6+$0x0], $0xffff  }
0x36f: {  	v34 =	vld.idx.msk [tilespmem:v17+s6+$0x0], $0xffff;
	v15 =	vmul.f32 v20, v37  }
0x370: {  	v40 =	vadd.s32 $0x2710, v22;
	v29 =	vadd.s32 $0x4E20, v22;
	v20 =	vadd.s32 $0x7530, v22;
	v41 =	vld.idx.msk [tilespmem:v18+s6+$0x0], $0xffff  }
0x371: {  	[tilespmem:v36+s25+$0x0] =	vst.idx.add.f32.msk $0xffff, v15  }
0x372: {  	v15 =	vld.idx.msk [tilespmem:v14+s6+$0x0], $0xffff  }
0x373: {  	v22 =	vld.idx.msk [tilespmem:v22+s6+$0x0], $0xffff  }
0x374: {  	v42 =	vld.idx.msk [tilespmem:v19+s6+$0x0], $0xffff  }
0x375: {  	v43 =	vadd.s32 $0x2710, v36;
	v18 =	vld [tilespmem:s16+$0x1F40]  }
0x376: {  	v44 =	vadd.s32 $0x4E20, v28;
	v19 =	vld [tilespmem:s16+$0x1F50]  }
0x377: {  	v17 =	vld [tilespmem:s16+$0x1F60]  }
0x378: {  	v45 =	vmul.f32 v15, v37;
	v14 =	vld [tilespmem:s16+$0x1F70]  }
0x379: {  	v15 =	vld [tilespmem:s16+$0x1F80]  }
0x37a: {  	v46 =	vmul.f32 v22, v18;
	[tilespmem:v43+s25+$0x0] =	vst.idx.add.f32.msk $0xffff, v45  }
0x37b: {  	v43 =	vmul.f32 v1, v19;
	v44 =	vld.idx.msk [tilespmem:v44+s6+$0x0], $0xffff  }
0x37c: {  	v45 =	vmul.f32 v30, v17;
	v22 =	vld [tilespmem:s16+$0x1F90]  }
0x37d: {  	v47 =	vmul.f32 v32, v14;
	v1 =	vld [tilespmem:s16+$0x1FA0]  }
0x37e: {  	v30 =	vadd.s32 $0x4E20, v36;
	v48 =	vld [tilespmem:s16+$0xFA0];
	v49 =	vmul.f32 v34, v15  }
0x37f: {  	v32 =	vadd.s32 $0x7530, v28;
	v50 =	vld [tilespmem:s16+$0xFB0]  }
0x380: {  	v51 =	vld [tilespmem:s16+$0xFC0]  }
0x381: {  	v34 =	vmul.f32 v44, v37;
	v52 =	vld [tilespmem:s16+$0xFD0];
	v41 =	vmul.f32 v41, v22  }
0x382: {  	v44 =	vld [tilespmem:s16+$0xFE0];
	v42 =	vmul.f32 v42, v1  }
0x383: {  	v53 =	vadd.s32 $0x2710, v48;
	v54 =	vadd.s32 $0x4E20, v48;
	v28 =	vadd.s32 $0x7530, v48;
	[tilespmem:v30+s25+$0x0] =	vst.idx.add.f32.msk $0xffff, v34  }
0x384: {  	v55 =	vadd.s32 $0x2710, v50;
	v56 =	vadd.s32 $0x4E20, v50;
	v30 =	vadd.s32 $0x7530, v50;
	v57 =	vld.idx.msk [tilespmem:v32+s6+$0x0], $0xffff  }
0x385: {  	v58 =	vadd.s32 $0x2710, v51;
	v59 =	vadd.s32 $0x4E20, v51;
	v32 =	vadd.s32 $0x7530, v51;
	v60 =	vld [tilespmem:s16+$0xFF0]  }
0x386: {  	v61 =	vadd.s32 $0x2710, v52;
	v62 =	vadd.s32 $0x4E20, v52;
	v34 =	vadd.s32 $0x7530, v52;
	v63 =	vld [tilespmem:s16+$0x1000]  }
0x387: {  	v36 =	vadd.s32 $0x7530, v36;
	[tilespmem:v48+s25+$0x0] =	vst.idx.add.f32.msk $0xffff, v46;
	v46 =	vadd.s32 $0x2710, v44;
	v48 =	vadd.s32 $0x4E20, v44  }
0x388: {  	[tilespmem:v50+s25+$0x0] =	vst.idx.add.f32.msk $0xffff, v43;
	v43 =	vadd.s32 $0x7530, v44  }
0x389: {  	[tilespmem:v51+s25+$0x0] =	vst.idx.add.f32.msk $0xffff, v45  }
0x38a: {  	v37 =	vmul.f32 v57, v37;
	[tilespmem:v52+s25+$0x0] =	vst.idx.add.f32.msk $0xffff, v47;
	v45 =	vadd.s32 $0x2710, v60;
	v47 =	vadd.s32 $0x4E20, v60  }
0x38b: {  	[tilespmem:v44+s25+$0x0] =	vst.idx.add.f32.msk $0xffff, v49;
	v44 =	vadd.s32 $0x7530, v60;
	v49 =	vadd.s32 $0x2710, v63;
	v50 =	vadd.s32 $0x4E20, v63  }
0x38c: {  	v51 =	vadd.s32 $0x7530, v63;
	[tilespmem:v36+s25+$0x0] =	vst.idx.add.f32.msk $0xffff, v37  }
0x38d: {  	[tilespmem:v60+s25+$0x0] =	vst.idx.add.f32.msk $0xffff, v41  }
0x38e: {  	[tilespmem:v63+s25+$0x0] =	vst.idx.add.f32.msk $0xffff, v42  }
0x38f: {  	v36 =	vld.idx.msk [tilespmem:v40+s6+$0x0], $0xffff  }
0x390: {  	v27 =	vld.idx.msk [tilespmem:v27+s6+$0x0], $0xffff  }
0x391: {  	v31 =	vld.idx.msk [tilespmem:v31+s6+$0x0], $0xffff  }
0x392: {  	v33 =	vld.idx.msk [tilespmem:v33+s6+$0x0], $0xffff  }
0x393: {  	v35 =	vld.idx.msk [tilespmem:v35+s6+$0x0], $0xffff  }
0x394: {  	v37 =	vld.idx.msk [tilespmem:v38+s6+$0x0], $0xffff  }
0x395: {  	v36 =	vmul.f32 v36, v18;
	v38 =	vld.idx.msk [tilespmem:v39+s6+$0x0], $0xffff  }
0x396: {  	v27 =	vmul.f32 v27, v19;
	[tilespmem:v2+s25+$0x0] =	vst.idx.add.f32.msk $0xffff, v13;
	v2 =	vmov v43  }
0x397: {  	v13 =	vmul.f32 v31, v17;
	[tilespmem:v53+s25+$0x0] =	vst.idx.add.f32.msk $0xffff, v36  }
0x398: {  	[tilespmem:v55+s25+$0x0] =	vst.idx.add.f32.msk $0xffff, v27;
	v27 =	vmul.f32 v33, v14  }
0x399: {  	[tilespmem:v58+s25+$0x0] =	vst.idx.add.f32.msk $0xffff, v13;
	v13 =	vmul.f32 v35, v15  }
0x39a: {  	[tilespmem:v61+s25+$0x0] =	vst.idx.add.f32.msk $0xffff, v27;
	v27 =	vmul.f32 v37, v22  }
0x39b: {  	[tilespmem:v46+s25+$0x0] =	vst.idx.add.f32.msk $0xffff, v13;
	v13 =	vmul.f32 v38, v1  }
0x39c: {  	[tilespmem:v45+s25+$0x0] =	vst.idx.add.f32.msk $0xffff, v27  }
0x39d: {  	[tilespmem:v49+s25+$0x0] =	vst.idx.add.f32.msk $0xffff, v13  }
0x39e: {  	v13 =	vld.idx.msk [tilespmem:v29+s6+$0x0], $0xffff  }
0x39f: {  	v16 =	vld.idx.msk [tilespmem:v16+s6+$0x0], $0xffff  }
0x3a0: {  	v21 =	vld.idx.msk [tilespmem:v21+s6+$0x0], $0xffff  }
0x3a1: {  	v23 =	vld.idx.msk [tilespmem:v23+s6+$0x0], $0xffff  }
0x3a2: {  	v24 =	vld.idx.msk [tilespmem:v24+s6+$0x0], $0xffff  }
0x3a3: {  	v25 =	vld.idx.msk [tilespmem:v25+s6+$0x0], $0xffff  }
0x3a4: {  	v13 =	vmul.f32 v13, v18;
	v26 =	vld.idx.msk [tilespmem:v26+s6+$0x0], $0xffff  }
0x3a5: {  	v16 =	vmul.f32 v16, v19;
	[tilespmem:v3+s25+$0x0] =	vst.idx.add.f32.msk $0xffff, v6;
	v3 =	vmov v44  }
0x3a6: {  	v6 =	vmul.f32 v21, v17;
	[tilespmem:v54+s25+$0x0] =	vst.idx.add.f32.msk $0xffff, v13  }
0x3a7: {  	v13 =	vmul.f32 v23, v14;
	[tilespmem:v56+s25+$0x0] =	vst.idx.add.f32.msk $0xffff, v16  }
0x3a8: {  	[tilespmem:v59+s25+$0x0] =	vst.idx.add.f32.msk $0xffff, v6;
	v6 =	vmul.f32 v24, v15  }
0x3a9: {  	[tilespmem:v62+s25+$0x0] =	vst.idx.add.f32.msk $0xffff, v13;
	v13 =	vmul.f32 v25, v22  }
0x3aa: {  	[tilespmem:v48+s25+$0x0] =	vst.idx.add.f32.msk $0xffff, v6;
	v6 =	vmul.f32 v26, v1  }
0x3ab: {  	[tilespmem:v47+s25+$0x0] =	vst.idx.add.f32.msk $0xffff, v13  }
0x3ac: {  	[tilespmem:v50+s25+$0x0] =	vst.idx.add.f32.msk $0xffff, v6  }
0x3ad: {  	v6 =	vld.idx.msk [tilespmem:v20+s6+$0x0], $0xffff  }
0x3ae: {  	v7 =	vld.idx.msk [tilespmem:v7+s6+$0x0], $0xffff  }
0x3af: {  	v13 =	vld.idx.msk [tilespmem:v8+s6+$0x0], $0xffff  }
0x3b0: {  	v9 =	vld.idx.msk [tilespmem:v9+s6+$0x0], $0xffff  }
0x3b1: {  	v10 =	vld.idx.msk [tilespmem:v10+s6+$0x0], $0xffff  }
0x3b2: {  	v11 =	vld.idx.msk [tilespmem:v11+s6+$0x0], $0xffff  }
0x3b3: {  	v6 =	vmul.f32 v6, v18;
	v8 =	vld.idx.msk [tilespmem:v12+s6+$0x0], $0xffff  }
.Ltmp13:
0x3b4: {  	v7 =	vmul.f32 v7, v19;
	[tilespmem:v4+s25+$0x0] =	vst.idx.add.f32.msk $0xffff, v5;
	v4 =	vmov v51;
	(pc) =	sbr.rel @p0 .LBB2_27-.Ltmp13, $4  }
0x3b5: {  	v5 =	vmul.f32 v13, v17;
	[tilespmem:v28+s25+$0x0] =	vst.idx.add.f32.msk $0xffff, v6  }
0x3b6: {  	v6 =	vmul.f32 v9, v14;
	[tilespmem:v30+s25+$0x0] =	vst.idx.add.f32.msk $0xffff, v7  }
0x3b7: {  	v13 =	vmul.f32 v10, v15;
	[tilespmem:v32+s25+$0x0] =	vst.idx.add.f32.msk $0xffff, v5  }
0x3b8: {  	s16 =	sadd.s32 $0x80, s16;
	[tilespmem:v34+s25+$0x0] =	vst.idx.add.f32.msk $0xffff, v6;
	v6 =	vmul.f32 v11, v22  }
0x3b9: {  	_ =	sdelay $0x3  }
0x3ba: {  	v1 =	vmul.f32 v8, v1;
	[tilespmem:v2+s25+$0x0] =	vst.idx.add.f32.msk $0xffff, v13  }
0x3bb: {  	[tilespmem:v3+s25+$0x0] =	vst.idx.add.f32.msk $0xffff, v6  }
0x3bc: {  	[tilespmem:v4+s25+$0x0] =	vst.idx.add.f32.msk $0xffff, v1  }
.LBB2_29:
0x3bd: {  	s13 =	sshra.s32 s6, $0x2  }
0x3be: {  	v1 =	vld [tilespmem:s13+$0x17760];
	_ =	sdelay $0x5  }
0x3bf: {  	v2 =	vld [tilespmem:s13+$0x18700]  }
0x3c0: {  	v3 =	vld [tilespmem:s13+$0x196A0]  }
0x3c1: {  	v4 =	vld.idx.msk [tilespmem:v1+s3+$0x0], $0xffff;
	_ =	sdelay $0x2  }
0x3c2: {  	v5 =	vadd.s32 $0x2710, v1;
	_ =	sdelay $0x1  }
0x3c3: {  	v4 =	vmul.f32 v4, v3;
	_ =	sdelay $0x1  }
0x3c4: {  	[tilespmem:v2+s25+$0x0] =	vst.idx.add.f32.msk $0xffff, v4  }
0x3c5: {  	v4 =	vld.idx.msk [tilespmem:v5+s3+$0x0], $0xffff;
	_ =	sdelay $0x1  }
0x3c6: {  	v62 =	vadd.s32 $0x2710, v2  }
0x3c7: {  	v6 =	vadd.s32 $0x4E20, v1;
	_ =	sdelay $0x1  }
0x3c8: {  	v4 =	vmul.f32 v4, v3;
	_ =	sdelay $0x1  }
0x3c9: {  	[tilespmem:v62+s25+$0x0] =	vst.idx.add.f32.msk $0xffff, v4  }
0x3ca: {  	v4 =	vld.idx.msk [tilespmem:v6+s3+$0x0], $0xffff;
	_ =	sdelay $0x1  }
0x3cb: {  	v63 =	vadd.s32 $0x4E20, v2  }
0x3cc: {  	v1 =	vadd.s32 $0x7530, v1;
	_ =	sdelay $0x1  }
0x3cd: {  	v4 =	vmul.f32 v4, v3;
	_ =	sdelay $0x1  }
0x3ce: {  	[tilespmem:v63+s25+$0x0] =	vst.idx.add.f32.msk $0xffff, v4  }
0x3cf: {  	v1 =	vld.idx.msk [tilespmem:v1+s3+$0x0], $0xffff;
	_ =	sdelay $0x1  }
0x3d0: {  	p0 =	sne.s32 s6, $0x40;
	v2 =	vadd.s32 $0x7530, v2  }
.Ltmp14:
0x3d1: {  	_ = 	snop;
	(pc) =	sbr.rel @p0 .LBB2_29-.Ltmp14, $3  }
0x3d2: {  	_ = 	snop  }
0x3d3: {  	v1 =	vmul.f32 v1, v3;
	_ =	sdelay $0x1  }
0x3d4: {  	s6 =	sadd.s32 $0x40, s6;
	[tilespmem:v2+s25+$0x0] =	vst.idx.add.f32.msk $0xffff, v1  }
0x3d5: {  	s31 =	sadd.s32 $0x1, s31  }
0x3d6: {  	p0 =	sne.s32 s31, $0xA  }
.Ltmp15:
0x3d7: {  	_ = 	snop;
	(pc) =	sbr.rel @p0 .LBB2_22-.Ltmp15, $1  }
0x3d8: {  	_ =	sdelay $0x3  }
0x3d9: {  	s6 =	simm.s32 $0x0  }
0x3da: {  	[hbm4b:s8+s6] =	stream.linear.scatter [tilespmem:s25], [sflag:$0x3], $0x9C40, $0x38;
	[tilespmem:$0x1BE10] =	vst v63  }
0x3db: {  	_ =	swait.ge [sflag:s22], $0x9C40  }
0x3dc: {  	[sflag:s22] =	ssyncset.done $0x0  }
0x3dd: {  	[sflag:s22] =	ssyncadd.s32 $0xFFFF63C0  }
0x3de: {  	[bflag:$0x0] =	sbarrier.arrive $0xFFFF  }
0x3df: {  	[tilespmem:s6], [sflag:$0x3] =	stream.linear.gather [hbm4b:s9+s6], $0x2710, $0x38;
	[tilespmem:$0x1BE10] =	vst v63  }
0x3e0: {  	_ =	swait.ge [sflag:s22], $0x2710  }
0x3e1: {  	[sflag:s22] =	ssyncset.done $0x0  }
0x3e2: {  	[sflag:s22] =	ssyncadd.s32 $0xFFFFD8F0  }
0x3e3: {  	[tilespmem:s28], [sflag:$0x3] =	stream.linear.gather [hbm4b:s10+s6], $0x2710, $0x38;
	[tilespmem:$0x1BE10] =	vst v63  }
0x3e4: {  	_ =	swait.ge [sflag:s22], $0x2710  }
0x3e5: {  	[sflag:s22] =	ssyncset.done $0x0  }
0x3e6: {  	[sflag:s22] =	ssyncadd.s32 $0xFFFFD8F0  }
0x3e7: {  	[tilespmem:s29], [sflag:$0x3] =	stream.linear.gather [hbm4b:s11+s6], $0x2710, $0x38;
	[tilespmem:$0x1BE10] =	vst v63  }
0x3e8: {  	_ =	swait.ge [sflag:s22], $0x2710  }
0x3e9: {  	[sflag:s22] =	ssyncset.done $0x0  }
0x3ea: {  	[sflag:s22] =	ssyncadd.s32 $0xFFFFD8F0  }
0x3eb: {  	[tilespmem:s30], [sflag:$0x3] =	stream.linear.gather [hbm4b:s12+s6], $0x2710, $0x38;
	[tilespmem:$0x1BE10] =	vst v63  }
0x3ec: {  	_ =	swait.ge [sflag:s22], $0x2710  }
0x3ed: {  	[sflag:s22] =	ssyncset.done $0x0  }
0x3ee: {  	s6 =	simm.s32 $0x0;
	[sflag:s22] =	ssyncadd.s32 $0xFFFFD8F0  }
0x3ef: {  	v2 =	vld [tilespmem:s6+$0x0]  }
0x3f0: {  	v4 =	vld [tilespmem:s6+$0x2710]  }
0x3f1: {  	v5 =	vld [tilespmem:s6+$0x4E20]  }
0x3f2: {  	v6 =	vld [tilespmem:s6+$0x7530];
	_ =	sdelay $0x1  }
0x3f3: {  	s13 =	simm.s32 $0x10  }
0x3f4: {  	v1 =	vld [tilespmem:s13+$0x0]  }
0x3f5: {  	v3 =	vld [tilespmem:s13+$0x2710]  }
0x3f6: {  	v7 =	vadd.f32 v4, v2;
	v5 =	vadd.f32 v6, v5;
	v2 =	vld [tilespmem:s13+$0x4E20]  }
0x3f7: {  	v4 =	vld [tilespmem:s13+$0x7530]  }
0x3f8: {  	s16 =	simm.s32 $0x80;
	v5 =	vadd.f32 v5, v7  }
.LBB2_32:
0x3f9: {  	s17 =	sshra.s32 s16, $0x2;
	v6 =	vmov v1;
	p0 =	sne.s32 s16, $0x9C00  }
.Ltmp16:
0x3fa: {  	v1 =	vld [tilespmem:s17+$0x0];
	[tilespmem:s6+$0x9C80] =	vst v5;
	v5 =	vmov v3;
	s6 =	smov.u32 s13;
	s13 =	smov.u32 s17;
	(pc) =	sbr.rel @p0 .LBB2_32-.Ltmp16, $4  }
0x3fb: {  	v3 =	vld [tilespmem:s13+$0x2710]  }
0x3fc: {  	s16 =	sadd.s32 $0x40, s16;
	v5 =	vadd.f32 v5, v6;
	v6 =	vadd.f32 v4, v2;
	v2 =	vld [tilespmem:s13+$0x4E20]  }
0x3fd: {  	v4 =	vld [tilespmem:s13+$0x7530]  }
0x3fe: {  	v5 =	vadd.f32 v6, v5  }
0x3ff: {  	_ =	sdelay $0x2  }
0x400: {  	v1 =	vadd.f32 v3, v1;
	v2 =	vadd.f32 v4, v2;
	_ =	sdelay $0x1  }
0x401: {  	v1 =	vadd.f32 v2, v1  }
0x402: {  	[tilespmem:s6+$0x9C80] =	vst v5  }
0x403: {  	s17 =	simm.s32 $0x0;
	s31 =	rddreg [dreg:$0x7];
	s16 =	simm.s32 $0xC390;
	[tilespmem:s13+$0x9C80] =	vst v1  }
0x404: {  	[tilespmem:s16], [sflag:$0x3] =	stream.linear.gather [hbm4b:s31+s17], $0x2710, $0x38;
	[tilespmem:$0x1BE10] =	vst v63  }
0x405: {  	_ =	swait.ge [sflag:s22], $0x2710  }
0x406: {  	[sflag:s22] =	ssyncset.done $0x0  }
0x407: {  	s6 =	simm.s32 $0x0;
	[sflag:s22] =	ssyncadd.s32 $0xFFFFD8F0  }
0x408: {  	v1 =	vld [tilespmem:s6+$0x9C80]  }
0x409: {  	v2 =	vld [tilespmem:s6+$0xC390];
	_ =	sdelay $0x1  }
0x40a: {  	s13 =	simm.s32 $0x40  }
.LBB2_34:
0x40b: {  	p0 =	sne.s32 s13, $0x9C00  }
.Ltmp17:
0x40c: {  	s16 =	sshra.s32 s13, $0x2;
	(pc) =	sbr.rel @p0 .LBB2_34-.Ltmp17, $4  }
0x40d: {  	s13 =	sadd.s32 $0x40, s13;
	v3 =	vadd.f32 v2, v1;
	v1 =	vld [tilespmem:s16+$0x9C80]  }
0x40e: {  	v2 =	vld [tilespmem:s16+$0xC390]  }
0x40f: {  	v3 =	vmax.f32 v3, $0.0e+00  }
0x410: {  	[tilespmem:s6+$0xEAA0] =	vst v3;
	s6 =	smov.u32 s16  }
0x411: {  	_ =	sdelay $0x1  }
0x412: {  	v1 =	vadd.f32 v2, v1;
	_ =	sdelay $0x1  }
0x413: {  	v1 =	vmax.f32 v1, $0.0e+00  }
0x414: {  	s31 =	rddreg [dreg:$0x8];
	[tilespmem:s6+$0xEAA0] =	vst v1  }
0x415: {  	[hbm4b:s31+s3] =	stream.linear.scatter [tilespmem:s0], [sflag:$0x3], $0x2710, $0x38;
	[tilespmem:$0x1BE10] =	vst v63  }
0x416: {  	_ =	swait.ge [sflag:s22], $0x2710  }
0x417: {  	[sflag:s22] =	ssyncset.done $0x0  }
0x418: {  	[sflag:s22] =	ssyncadd.s32 $0xFFFFD8F0  }
0x419: {  	[spmem:s14] =	stream.linear.scatter [tilespmem:s0], [sflag:$0x3], $0x2710, $0x38;
	[tilespmem:$0x1BE10] =	vst v63  }
0x41a: {  	_ =	swait.ge [sflag:s22], $0x2710  }
0x41b: {  	[sflag:s22] =	ssyncset.done $0x0  }
0x41c: {  	[sflag:s22] =	ssyncadd.s32 $0xFFFFD8F0  }
0x41d: {  	[bflag:$0x0] =	sbarrier.arrive $0xFFFF  }
0x41e: {  	[tilespmem:s21], [sflag:$0x1] =	stream.linear.gather [hbm4b:s5+s3], $0x2EE0, $0x38;
	[tilespmem:$0x1BE10] =	vst v63  }
0x41f: {  	_ = 	snop  }
0x420: {  	[tilespmem:s3], [sflag:$0x3] =	stream.linear.gather [spmem:s15], $0x9C40, $0x38;
	[tilespmem:$0x1BE10] =	vst v63  }
0x421: {  	_ =	swait.ge [sflag:s22], $0x9C40  }
0x422: {  	[sflag:s22] =	ssyncset.done $0x0  }
0x423: {  	s6 =	simm.s32 $0x9CC0;
	[sflag:s22] =	ssyncadd.s32 $0xFFFF63C0  }
0x424: {  	[tilespmem:s6+$0xFFFFFFC0] =	vst v0  }
0x425: {  	[tilespmem:s6+$0x30] =	vst v0  }
0x426: {  	[tilespmem:s6+$0x20] =	vst v0  }
0x427: {  	[tilespmem:s6+$0x10] =	vst v0  }
0x428: {  	[tilespmem:s6+$0x0] =	vst v0  }
0x429: {  	[tilespmem:s6+$0xFFFFFFF0] =	vst v0  }
0x42a: {  	s13 =	simm.s32 $0x0;
	[tilespmem:s6+$0xFFFFFFE0] =	vst v0  }
.LBB2_36:
0x42b: {  	s13 =	sadd.s32 $0x8, s13;
	[tilespmem:s6+$0xFFFFFFD0] =	vst v0;
	s6 =	sadd.s32 $0x80, s6  }
0x42c: {  	[tilespmem:s6+$0xFFFFFFC0] =	vst v0;
	p0 =	slt.u32 s13, $0x9B8  }
0x42d: {  	[tilespmem:s6+$0x30] =	vst v0  }
.Ltmp18:
0x42e: {  	[tilespmem:s6+$0x20] =	vst v0;
	(pc) =	sbr.rel @p0 .LBB2_36-.Ltmp18, $4  }
0x42f: {  	[tilespmem:s6+$0x10] =	vst v0  }
0x430: {  	[tilespmem:s6+$0x0] =	vst v0  }
0x431: {  	[tilespmem:s6+$0xFFFFFFF0] =	vst v0  }
0x432: {  	[tilespmem:s6+$0xFFFFFFE0] =	vst v0  }
0x433: {  	[tilespmem:s6+$0xFFFFFFD0] =	vst v0;
	s31 =	simm.s32 $0x0;
	s6 =	simm.s32 $0x0  }
.LBB2_38:
0x434: {  	p0 =	sne.s32 s6, $0xC0  }
.Ltmp19:
0x435: {  	_ = 	snop;
	(pc) =	sbr.rel @p0 .LBB2_38-.Ltmp19, $3  }
0x436: {  	_ =	sdelay $0x1  }
0x437: {  	s13 =	sshra.s32 s6, $0x2  }
0x438: {  	s6 =	sadd.s32 $0x40, s6;
	[tilespmem:s13+$0x13880] =	vst v0  }
.LBB2_39:
0x439: {  	s6 =	sshll.u32 s31, $0x1  }
0x43a: {  	s13 =	sadd.s32 s4, s6  }
0x43b: {  	s13 =	smul.u32 $0x2EE0, s13;
	_ =	sdelay $0x1  }
0x43c: {  	_ =	swait.ge [sflag:s23], $0x2EE0;
	s13 =	sshrl.u32 s13, $0x3  }
0x43d: {  	[sflag:s23] =	ssyncset.done $0x0;
	s13 =	sadd.s32 s1, s13  }
0x43e: {  	s16 =	simm.s32 $0x148E0;
	[sflag:s23] =	ssyncadd.s32 $0xFFFFD120;
	s13 =	sadd.s32 $0x5DC, s13  }
0x43f: {  	[tilespmem:s24], [sflag:$0x2] =	stream.linear.gather [hbm4b:s13+s3], $0x2EE0, $0x38;
	[tilespmem:$0x1BE10] =	vst v63  }
0x440: {  	v10 =	vld [tilespmem:s16+$0xFFFFF090]  }
0x441: {  	v11 =	vld [tilespmem:s16+$0xFFFFF030]  }
0x442: {  	v8 =	vld [tilespmem:s16+$0xFFFFF040]  }
0x443: {  	v6 =	vld [tilespmem:s16+$0xFFFFF050]  }
0x444: {  	v4 =	vld [tilespmem:s16+$0xFFFFF060]  }
0x445: {  	v3 =	vld [tilespmem:s16+$0xFFFFF070]  }
0x446: {  	v2 =	vld [tilespmem:s16+$0xFFFFF080]  }
0x447: {  	v12 =	vld [tilespmem:s16+$0x30]  }
0x448: {  	v13 =	vld [tilespmem:s16+$0xFD0]  }
0x449: {  	v14 =	vld [tilespmem:s16+$0xFFFFF020]  }
0x44a: {  	v22 =	vld [tilespmem:s16+$0xF60]  }
0x44b: {  	v23 =	vld [tilespmem:s16+$0xF70]  }
0x44c: {  	v25 =	vld [tilespmem:s16+$0xF80]  }
0x44d: {  	s13 =	simm.s32 $0x0;
	v9 =	vld [tilespmem:s16+$0xF90]  }
0x44e: {  	v1 =	vld.idx.msk [tilespmem:v10+s13+$0x0], $0xffff  }
0x44f: {  	v26 =	vld [tilespmem:s16+$0xFFFFFFC0]  }
0x450: {  	v28 =	vld [tilespmem:s16+$0xFFFFFFD0]  }
0x451: {  	v29 =	vld [tilespmem:s16+$0xFFFFFFE0];
	v5 =	vadd.s32 $0x2710, v10  }
0x452: {  	v30 =	vld [tilespmem:s16+$0xFFFFFFF0]  }
0x453: {  	v31 =	vld [tilespmem:s16+$0x0];
	v1 =	vmul.f32 v1, v13  }
0x454: {  	v40 =	vld [tilespmem:s16+$0x10]  }
0x455: {  	[tilespmem:v12+s25+$0x0] =	vst.idx.add.f32.msk $0xffff, v1  }
0x456: {  	v1 =	vld.idx.msk [tilespmem:v5+s13+$0x0], $0xffff  }
0x457: {  	v41 =	vld [tilespmem:s16+$0x20]  }
0x458: {  	v7 =	vadd.s32 $0x2710, v12;
	v15 =	vld.idx.msk [tilespmem:v11+s13+$0x0], $0xffff  }
0x459: {  	v24 =	vadd.s32 $0x4E20, v10;
	v16 =	vld.idx.msk [tilespmem:v8+s13+$0x0], $0xffff  }
0x45a: {  	v20 =	vld.idx.msk [tilespmem:v14+s13+$0x0], $0xffff  }
0x45b: {  	v18 =	vld.idx.msk [tilespmem:v4+s13+$0x0], $0xffff;
	v1 =	vmul.f32 v1, v13  }
0x45c: {  	v5 =	vld [tilespmem:s16+$0xFA0]  }
0x45d: {  	[tilespmem:v7+s25+$0x0] =	vst.idx.add.f32.msk $0xffff, v1  }
0x45e: {  	v24 =	vld.idx.msk [tilespmem:v24+s13+$0x0], $0xffff  }
0x45f: {  	v17 =	vld.idx.msk [tilespmem:v6+s13+$0x0], $0xffff;
	v20 =	vmul.f32 v20, v22  }
0x460: {  	v27 =	vadd.s32 $0x4E20, v12;
	v19 =	vld.idx.msk [tilespmem:v3+s13+$0x0], $0xffff;
	v15 =	vmul.f32 v15, v23  }
0x461: {  	v10 =	vadd.s32 $0x7530, v10;
	v16 =	vmul.f32 v16, v25;
	[tilespmem:v26+s25+$0x0] =	vst.idx.add.f32.msk $0xffff, v20  }
0x462: {  	v42 =	vadd.s32 $0x2710, v14;
	[tilespmem:v28+s25+$0x0] =	vst.idx.add.f32.msk $0xffff, v15;
	v15 =	vmul.f32 v18, v5  }
0x463: {  	[tilespmem:v29+s25+$0x0] =	vst.idx.add.f32.msk $0xffff, v16;
	v24 =	vmul.f32 v24, v13  }
0x464: {  	[tilespmem:v31+s25+$0x0] =	vst.idx.add.f32.msk $0xffff, v15  }
0x465: {  	v15 =	vadd.s32 $0x2710, v8;
	[tilespmem:v27+s25+$0x0] =	vst.idx.add.f32.msk $0xffff, v24  }
0x466: {  	v10 =	vld.idx.msk [tilespmem:v10+s13+$0x0], $0xffff  }
0x467: {  	v16 =	vld.idx.msk [tilespmem:v42+s13+$0x0], $0xffff  }
0x468: {  	v12 =	vadd.s32 $0x7530, v12;
	v7 =	vld [tilespmem:s16+$0xFB0]  }
0x469: {  	v47 =	vadd.s32 $0x2710, v26;
	v21 =	vld.idx.msk [tilespmem:v2+s13+$0x0], $0xffff;
	v17 =	vmul.f32 v17, v9  }
0x46a: {  	v15 =	vld.idx.msk [tilespmem:v15+s13+$0x0], $0xffff  }
0x46b: {  	[tilespmem:v30+s25+$0x0] =	vst.idx.add.f32.msk $0xffff, v17;
	v10 =	vmul.f32 v10, v13;
	v13 =	vadd.s32 $0x2710, v11  }
0x46c: {  	v49 =	vadd.s32 $0x2710, v29;
	v16 =	vmul.f32 v16, v22;
	v1 =	vld [tilespmem:s16+$0xFC0]  }
0x46d: {  	v43 =	vmul.f32 v19, v7;
	[tilespmem:v12+s25+$0x0] =	vst.idx.add.f32.msk $0xffff, v10;
	v10 =	vadd.s32 $0x2710, v6  }
0x46e: {  	[tilespmem:v47+s25+$0x0] =	vst.idx.add.f32.msk $0xffff, v16;
	v12 =	vadd.s32 $0x2710, v4  }
0x46f: {  	[tilespmem:v40+s25+$0x0] =	vst.idx.add.f32.msk $0xffff, v43;
	v15 =	vmul.f32 v15, v25  }
0x470: {  	v45 =	vadd.s32 $0x2710, v3;
	v13 =	vld.idx.msk [tilespmem:v13+s13+$0x0], $0xffff  }
0x471: {  	v46 =	vadd.s32 $0x2710, v2;
	[tilespmem:v49+s25+$0x0] =	vst.idx.add.f32.msk $0xffff, v15  }
0x472: {  	v48 =	vadd.s32 $0x2710, v28;
	v44 =	vmul.f32 v21, v1;
	v10 =	vld.idx.msk [tilespmem:v10+s13+$0x0], $0xffff  }
0x473: {  	v15 =	vadd.s32 $0x4E20, v11;
	v12 =	vld.idx.msk [tilespmem:v12+s13+$0x0], $0xffff  }
0x474: {  	v32 =	vadd.s32 $0x2710, v30;
	[tilespmem:v41+s25+$0x0] =	vst.idx.add.f32.msk $0xffff, v44  }
0x475: {  	v33 =	vadd.s32 $0x2710, v31;
	v17 =	vld.idx.msk [tilespmem:v45+s13+$0x0], $0xffff;
	v13 =	vmul.f32 v13, v23  }
0x476: {  	v51 =	vadd.s32 $0x4E20, v8;
	v18 =	vld.idx.msk [tilespmem:v46+s13+$0x0], $0xffff  }
0x477: {  	v52 =	vadd.s32 $0x4E20, v6;
	[tilespmem:v48+s25+$0x0] =	vst.idx.add.f32.msk $0xffff, v13;
	v10 =	vmul.f32 v10, v9  }
0x478: {  	v34 =	vadd.s32 $0x2710, v40;
	v12 =	vmul.f32 v12, v5;
	v15 =	vld.idx.msk [tilespmem:v15+s13+$0x0], $0xffff  }
0x479: {  	v50 =	vadd.s32 $0x2710, v41;
	[tilespmem:v32+s25+$0x0] =	vst.idx.add.f32.msk $0xffff, v10  }
0x47a: {  	v13 =	vadd.s32 $0x4E20, v14;
	[tilespmem:v33+s25+$0x0] =	vst.idx.add.f32.msk $0xffff, v12  }
0x47b: {  	v53 =	vadd.s32 $0x4E20, v2;
	v10 =	vmul.f32 v17, v7;
	v17 =	vld.idx.msk [tilespmem:v51+s13+$0x0], $0xffff  }
0x47c: {  	v55 =	vadd.s32 $0x4E20, v28;
	v12 =	vmul.f32 v18, v1;
	v18 =	vld.idx.msk [tilespmem:v52+s13+$0x0], $0xffff  }
0x47d: {  	[tilespmem:v34+s25+$0x0] =	vst.idx.add.f32.msk $0xffff, v10;
	v10 =	vadd.s32 $0x4E20, v4  }
0x47e: {  	[tilespmem:v50+s25+$0x0] =	vst.idx.add.f32.msk $0xffff, v12;
	v12 =	vadd.s32 $0x4E20, v3  }
0x47f: {  	v11 =	vadd.s32 $0x7530, v11;
	v13 =	vld.idx.msk [tilespmem:v13+s13+$0x0], $0xffff;
	v15 =	vmul.f32 v15, v23  }
0x480: {  	v57 =	vadd.s32 $0x4E20, v30;
	v16 =	vld.idx.msk [tilespmem:v53+s13+$0x0], $0xffff  }
0x481: {  	v54 =	vadd.s32 $0x4E20, v26;
	[tilespmem:v55+s25+$0x0] =	vst.idx.add.f32.msk $0xffff, v15  }
0x482: {  	v6 =	vadd.s32 $0x7530, v6;
	v10 =	vld.idx.msk [tilespmem:v10+s13+$0x0], $0xffff  }
0x483: {  	v56 =	vadd.s32 $0x4E20, v29;
	v15 =	vmul.f32 v18, v9;
	v12 =	vld.idx.msk [tilespmem:v12+s13+$0x0], $0xffff  }
0x484: {  	v8 =	vadd.s32 $0x7530, v8;
	v11 =	vld.idx.msk [tilespmem:v11+s13+$0x0], $0xffff;
	v13 =	vmul.f32 v13, v22  }
0x485: {  	v58 =	vadd.s32 $0x4E20, v31;
	[tilespmem:v57+s25+$0x0] =	vst.idx.add.f32.msk $0xffff, v15  }
0x486: {  	v59 =	vadd.s32 $0x4E20, v40;
	[tilespmem:v54+s25+$0x0] =	vst.idx.add.f32.msk $0xffff, v13;
	v13 =	vmul.f32 v17, v25  }
0x487: {  	v60 =	vadd.s32 $0x4E20, v41;
	v6 =	vld.idx.msk [tilespmem:v6+s13+$0x0], $0xffff  }
0x488: {  	v14 =	vadd.s32 $0x7530, v14;
	[tilespmem:v56+s25+$0x0] =	vst.idx.add.f32.msk $0xffff, v13;
	v10 =	vmul.f32 v10, v5  }
0x489: {  	v4 =	vadd.s32 $0x7530, v4;
	v12 =	vmul.f32 v12, v7;
	v13 =	vld.idx.msk [tilespmem:v8+s13+$0x0], $0xffff  }
0x48a: {  	v3 =	vadd.s32 $0x7530, v3;
	[tilespmem:v58+s25+$0x0] =	vst.idx.add.f32.msk $0xffff, v10;
	v10 =	vmul.f32 v16, v1  }
0x48b: {  	v2 =	vadd.s32 $0x7530, v2;
	[tilespmem:v59+s25+$0x0] =	vst.idx.add.f32.msk $0xffff, v12  }
0x48c: {  	v62 =	vadd.s32 $0x7530, v30;
	[tilespmem:v60+s25+$0x0] =	vst.idx.add.f32.msk $0xffff, v10  }
0x48d: {  	v15 =	vadd.s32 $0x7530, v29;
	v10 =	vld.idx.msk [tilespmem:v14+s13+$0x0], $0xffff  }
0x48e: {  	v61 =	vld.idx.msk [tilespmem:v4+s13+$0x0], $0xffff;
	v14 =	vadd.s32 $0x7530, v28  }
0x48f: {  	v12 =	vadd.s32 $0x7530, v26;
	v6 =	vmul.f32 v6, v9;
	v63 =	vld.idx.msk [tilespmem:v3+s13+$0x0], $0xffff  }
0x490: {  	v8 =	vld.idx.msk [tilespmem:v2+s13+$0x0], $0xffff;
	v4 =	vmul.f32 v13, v25  }
0x491: {  	[tilespmem:v62+s25+$0x0] =	vst.idx.add.f32.msk $0xffff, v6;
	v2 =	vmul.f32 v11, v23  }
0x492: {  	[tilespmem:v15+s25+$0x0] =	vst.idx.add.f32.msk $0xffff, v4;
	v3 =	vmul.f32 v10, v22  }
0x493: {  	v4 =	vadd.s32 $0x7530, v41;
	v13 =	vmul.f32 v61, v5;
	[tilespmem:v14+s25+$0x0] =	vst.idx.add.f32.msk $0xffff, v2  }
0x494: {  	s17 =	simm.s32 $0x14960;
	s16 =	simm.s32 $0x0;
	v6 =	vmul.f32 v63, v7;
	v2 =	vadd.s32 $0x7530, v31;
	[tilespmem:v12+s25+$0x0] =	vst.idx.add.f32.msk $0xffff, v3;
	v3 =	vadd.s32 $0x7530, v40  }
.LBB2_40:
0x495: {  	v28 =	vld [tilespmem:s17+$0xFFFFF090];
	s16 =	sadd.s32 $0x8, s16;
	v5 =	vmul.f32 v8, v1  }
0x496: {  	v1 =	vld [tilespmem:s17+$0xFFFFF030];
	p0 =	slt.u32 s16, $0xF0  }
0x497: {  	v14 =	vld [tilespmem:s17+$0xFFFFF040]  }
0x498: {  	v15 =	vld [tilespmem:s17+$0xFFFFF050]  }
0x499: {  	v17 =	vld [tilespmem:s17+$0xFFFFF060]  }
0x49a: {  	v18 =	vld [tilespmem:s17+$0xFFFFF070]  }
0x49b: {  	v27 =	vadd.s32 $0x2710, v1;
	v16 =	vadd.s32 $0x4E20, v1;
	v7 =	vadd.s32 $0x7530, v1;
	v19 =	vld [tilespmem:s17+$0xFFFFF080]  }
0x49c: {  	v31 =	vadd.s32 $0x2710, v14;
	v21 =	vadd.s32 $0x4E20, v14;
	v8 =	vadd.s32 $0x7530, v14;
	v36 =	vld [tilespmem:s17+$0x30]  }
0x49d: {  	v33 =	vadd.s32 $0x2710, v15;
	v23 =	vadd.s32 $0x4E20, v15;
	v9 =	vadd.s32 $0x7530, v15;
	v20 =	vld.idx.msk [tilespmem:v28+s13+$0x0], $0xffff  }
0x49e: {  	v35 =	vadd.s32 $0x2710, v17;
	v24 =	vadd.s32 $0x4E20, v17;
	v10 =	vadd.s32 $0x7530, v17;
	v37 =	vld [tilespmem:s17+$0xFD0]  }
0x49f: {  	v22 =	vld [tilespmem:s17+$0xFFFFF020];
	v38 =	vadd.s32 $0x2710, v18;
	v25 =	vadd.s32 $0x4E20, v18;
	v11 =	vadd.s32 $0x7530, v18  }
0x4a0: {  	v1 =	vld.idx.msk [tilespmem:v1+s13+$0x0], $0xffff;
	v39 =	vadd.s32 $0x2710, v19;
	v26 =	vadd.s32 $0x4E20, v19;
	v12 =	vadd.s32 $0x7530, v19  }
0x4a1: {  	v30 =	vld.idx.msk [tilespmem:v14+s13+$0x0], $0xffff;
	v14 =	vadd.s32 $0x2710, v28  }
0x4a2: {  	v32 =	vld.idx.msk [tilespmem:v15+s13+$0x0], $0xffff  }
0x4a3: {  	v34 =	vld.idx.msk [tilespmem:v17+s13+$0x0], $0xffff;
	v15 =	vmul.f32 v20, v37  }
0x4a4: {  	v40 =	vadd.s32 $0x2710, v22;
	v29 =	vadd.s32 $0x4E20, v22;
	v20 =	vadd.s32 $0x7530, v22;
	v41 =	vld.idx.msk [tilespmem:v18+s13+$0x0], $0xffff  }
0x4a5: {  	[tilespmem:v36+s25+$0x0] =	vst.idx.add.f32.msk $0xffff, v15  }
0x4a6: {  	v15 =	vld.idx.msk [tilespmem:v14+s13+$0x0], $0xffff  }
0x4a7: {  	v22 =	vld.idx.msk [tilespmem:v22+s13+$0x0], $0xffff  }
0x4a8: {  	v42 =	vld.idx.msk [tilespmem:v19+s13+$0x0], $0xffff  }
0x4a9: {  	v43 =	vadd.s32 $0x2710, v36;
	v18 =	vld [tilespmem:s17+$0xF60]  }
0x4aa: {  	v44 =	vadd.s32 $0x4E20, v28;
	v19 =	vld [tilespmem:s17+$0xF70]  }
0x4ab: {  	v17 =	vld [tilespmem:s17+$0xF80]  }
0x4ac: {  	v45 =	vmul.f32 v15, v37;
	v14 =	vld [tilespmem:s17+$0xF90]  }
0x4ad: {  	v15 =	vld [tilespmem:s17+$0xFA0]  }
0x4ae: {  	v46 =	vmul.f32 v22, v18;
	[tilespmem:v43+s25+$0x0] =	vst.idx.add.f32.msk $0xffff, v45  }
0x4af: {  	v43 =	vmul.f32 v1, v19;
	v44 =	vld.idx.msk [tilespmem:v44+s13+$0x0], $0xffff  }
0x4b0: {  	v45 =	vmul.f32 v30, v17;
	v22 =	vld [tilespmem:s17+$0xFB0]  }
0x4b1: {  	v47 =	vmul.f32 v32, v14;
	v1 =	vld [tilespmem:s17+$0xFC0]  }
0x4b2: {  	v30 =	vadd.s32 $0x4E20, v36;
	v48 =	vld [tilespmem:s17+$0xFFFFFFC0];
	v49 =	vmul.f32 v34, v15  }
0x4b3: {  	v32 =	vadd.s32 $0x7530, v28;
	v50 =	vld [tilespmem:s17+$0xFFFFFFD0]  }
0x4b4: {  	v51 =	vld [tilespmem:s17+$0xFFFFFFE0]  }
0x4b5: {  	v34 =	vmul.f32 v44, v37;
	v52 =	vld [tilespmem:s17+$0xFFFFFFF0];
	v41 =	vmul.f32 v41, v22  }
0x4b6: {  	v44 =	vld [tilespmem:s17+$0x0];
	v42 =	vmul.f32 v42, v1  }
0x4b7: {  	v53 =	vadd.s32 $0x2710, v48;
	v54 =	vadd.s32 $0x4E20, v48;
	v28 =	vadd.s32 $0x7530, v48;
	[tilespmem:v30+s25+$0x0] =	vst.idx.add.f32.msk $0xffff, v34  }
0x4b8: {  	v55 =	vadd.s32 $0x2710, v50;
	v56 =	vadd.s32 $0x4E20, v50;
	v30 =	vadd.s32 $0x7530, v50;
	v57 =	vld.idx.msk [tilespmem:v32+s13+$0x0], $0xffff  }
0x4b9: {  	v58 =	vadd.s32 $0x2710, v51;
	v59 =	vadd.s32 $0x4E20, v51;
	v32 =	vadd.s32 $0x7530, v51;
	v60 =	vld [tilespmem:s17+$0x10]  }
0x4ba: {  	v61 =	vadd.s32 $0x2710, v52;
	v62 =	vadd.s32 $0x4E20, v52;
	v34 =	vadd.s32 $0x7530, v52;
	v63 =	vld [tilespmem:s17+$0x20]  }
0x4bb: {  	v36 =	vadd.s32 $0x7530, v36;
	[tilespmem:v48+s25+$0x0] =	vst.idx.add.f32.msk $0xffff, v46;
	v46 =	vadd.s32 $0x2710, v44;
	v48 =	vadd.s32 $0x4E20, v44  }
0x4bc: {  	[tilespmem:v50+s25+$0x0] =	vst.idx.add.f32.msk $0xffff, v43;
	v43 =	vadd.s32 $0x7530, v44  }
0x4bd: {  	[tilespmem:v51+s25+$0x0] =	vst.idx.add.f32.msk $0xffff, v45  }
0x4be: {  	v37 =	vmul.f32 v57, v37;
	[tilespmem:v52+s25+$0x0] =	vst.idx.add.f32.msk $0xffff, v47;
	v45 =	vadd.s32 $0x2710, v60;
	v47 =	vadd.s32 $0x4E20, v60  }
0x4bf: {  	[tilespmem:v44+s25+$0x0] =	vst.idx.add.f32.msk $0xffff, v49;
	v44 =	vadd.s32 $0x7530, v60;
	v49 =	vadd.s32 $0x2710, v63;
	v50 =	vadd.s32 $0x4E20, v63  }
0x4c0: {  	v51 =	vadd.s32 $0x7530, v63;
	[tilespmem:v36+s25+$0x0] =	vst.idx.add.f32.msk $0xffff, v37  }
0x4c1: {  	[tilespmem:v60+s25+$0x0] =	vst.idx.add.f32.msk $0xffff, v41  }
0x4c2: {  	[tilespmem:v63+s25+$0x0] =	vst.idx.add.f32.msk $0xffff, v42  }
0x4c3: {  	v36 =	vld.idx.msk [tilespmem:v40+s13+$0x0], $0xffff  }
0x4c4: {  	v27 =	vld.idx.msk [tilespmem:v27+s13+$0x0], $0xffff  }
0x4c5: {  	v31 =	vld.idx.msk [tilespmem:v31+s13+$0x0], $0xffff  }
0x4c6: {  	v33 =	vld.idx.msk [tilespmem:v33+s13+$0x0], $0xffff  }
0x4c7: {  	v35 =	vld.idx.msk [tilespmem:v35+s13+$0x0], $0xffff  }
0x4c8: {  	v37 =	vld.idx.msk [tilespmem:v38+s13+$0x0], $0xffff  }
0x4c9: {  	v36 =	vmul.f32 v36, v18;
	v38 =	vld.idx.msk [tilespmem:v39+s13+$0x0], $0xffff  }
0x4ca: {  	v27 =	vmul.f32 v27, v19;
	[tilespmem:v2+s25+$0x0] =	vst.idx.add.f32.msk $0xffff, v13;
	v2 =	vmov v43  }
0x4cb: {  	v13 =	vmul.f32 v31, v17;
	[tilespmem:v53+s25+$0x0] =	vst.idx.add.f32.msk $0xffff, v36  }
0x4cc: {  	[tilespmem:v55+s25+$0x0] =	vst.idx.add.f32.msk $0xffff, v27;
	v27 =	vmul.f32 v33, v14  }
0x4cd: {  	[tilespmem:v58+s25+$0x0] =	vst.idx.add.f32.msk $0xffff, v13;
	v13 =	vmul.f32 v35, v15  }
0x4ce: {  	[tilespmem:v61+s25+$0x0] =	vst.idx.add.f32.msk $0xffff, v27;
	v27 =	vmul.f32 v37, v22  }
0x4cf: {  	[tilespmem:v46+s25+$0x0] =	vst.idx.add.f32.msk $0xffff, v13;
	v13 =	vmul.f32 v38, v1  }
0x4d0: {  	[tilespmem:v45+s25+$0x0] =	vst.idx.add.f32.msk $0xffff, v27  }
0x4d1: {  	[tilespmem:v49+s25+$0x0] =	vst.idx.add.f32.msk $0xffff, v13  }
0x4d2: {  	v13 =	vld.idx.msk [tilespmem:v29+s13+$0x0], $0xffff  }
0x4d3: {  	v16 =	vld.idx.msk [tilespmem:v16+s13+$0x0], $0xffff  }
0x4d4: {  	v21 =	vld.idx.msk [tilespmem:v21+s13+$0x0], $0xffff  }
0x4d5: {  	v23 =	vld.idx.msk [tilespmem:v23+s13+$0x0], $0xffff  }
0x4d6: {  	v24 =	vld.idx.msk [tilespmem:v24+s13+$0x0], $0xffff  }
0x4d7: {  	v25 =	vld.idx.msk [tilespmem:v25+s13+$0x0], $0xffff  }
0x4d8: {  	v13 =	vmul.f32 v13, v18;
	v26 =	vld.idx.msk [tilespmem:v26+s13+$0x0], $0xffff  }
0x4d9: {  	v16 =	vmul.f32 v16, v19;
	[tilespmem:v3+s25+$0x0] =	vst.idx.add.f32.msk $0xffff, v6;
	v3 =	vmov v44  }
0x4da: {  	v6 =	vmul.f32 v21, v17;
	[tilespmem:v54+s25+$0x0] =	vst.idx.add.f32.msk $0xffff, v13  }
0x4db: {  	v13 =	vmul.f32 v23, v14;
	[tilespmem:v56+s25+$0x0] =	vst.idx.add.f32.msk $0xffff, v16  }
0x4dc: {  	[tilespmem:v59+s25+$0x0] =	vst.idx.add.f32.msk $0xffff, v6;
	v6 =	vmul.f32 v24, v15  }
0x4dd: {  	[tilespmem:v62+s25+$0x0] =	vst.idx.add.f32.msk $0xffff, v13;
	v13 =	vmul.f32 v25, v22  }
0x4de: {  	[tilespmem:v48+s25+$0x0] =	vst.idx.add.f32.msk $0xffff, v6;
	v6 =	vmul.f32 v26, v1  }
0x4df: {  	[tilespmem:v47+s25+$0x0] =	vst.idx.add.f32.msk $0xffff, v13  }
0x4e0: {  	[tilespmem:v50+s25+$0x0] =	vst.idx.add.f32.msk $0xffff, v6  }
0x4e1: {  	v6 =	vld.idx.msk [tilespmem:v20+s13+$0x0], $0xffff  }
0x4e2: {  	v7 =	vld.idx.msk [tilespmem:v7+s13+$0x0], $0xffff  }
0x4e3: {  	v13 =	vld.idx.msk [tilespmem:v8+s13+$0x0], $0xffff  }
0x4e4: {  	v9 =	vld.idx.msk [tilespmem:v9+s13+$0x0], $0xffff  }
0x4e5: {  	v10 =	vld.idx.msk [tilespmem:v10+s13+$0x0], $0xffff  }
0x4e6: {  	v11 =	vld.idx.msk [tilespmem:v11+s13+$0x0], $0xffff  }
0x4e7: {  	v6 =	vmul.f32 v6, v18;
	v8 =	vld.idx.msk [tilespmem:v12+s13+$0x0], $0xffff  }
.Ltmp20:
0x4e8: {  	v7 =	vmul.f32 v7, v19;
	[tilespmem:v4+s25+$0x0] =	vst.idx.add.f32.msk $0xffff, v5;
	v4 =	vmov v51;
	(pc) =	sbr.rel @p0 .LBB2_40-.Ltmp20, $4  }
0x4e9: {  	v5 =	vmul.f32 v13, v17;
	[tilespmem:v28+s25+$0x0] =	vst.idx.add.f32.msk $0xffff, v6  }
0x4ea: {  	v6 =	vmul.f32 v9, v14;
	[tilespmem:v30+s25+$0x0] =	vst.idx.add.f32.msk $0xffff, v7  }
0x4eb: {  	v13 =	vmul.f32 v10, v15;
	[tilespmem:v32+s25+$0x0] =	vst.idx.add.f32.msk $0xffff, v5  }
0x4ec: {  	s17 =	sadd.s32 $0x80, s17;
	[tilespmem:v34+s25+$0x0] =	vst.idx.add.f32.msk $0xffff, v6;
	v6 =	vmul.f32 v11, v22  }
0x4ed: {  	_ =	sdelay $0x3  }
0x4ee: {  	v1 =	vmul.f32 v8, v1;
	[tilespmem:v2+s25+$0x0] =	vst.idx.add.f32.msk $0xffff, v13  }
0x4ef: {  	[tilespmem:v3+s25+$0x0] =	vst.idx.add.f32.msk $0xffff, v6  }
0x4f0: {  	[tilespmem:v4+s25+$0x0] =	vst.idx.add.f32.msk $0xffff, v1  }
.LBB2_42:
0x4f1: {  	s16 =	sshra.s32 s13, $0x2  }
0x4f2: {  	v1 =	vld [tilespmem:s16+$0x14880];
	_ =	sdelay $0x5  }
0x4f3: {  	v2 =	vld [tilespmem:s16+$0x15820]  }
0x4f4: {  	v3 =	vld [tilespmem:s16+$0x167C0]  }
0x4f5: {  	v4 =	vld.idx.msk [tilespmem:v1+s3+$0x0], $0xffff;
	_ =	sdelay $0x2  }
0x4f6: {  	v5 =	vadd.s32 $0x2710, v1;
	_ =	sdelay $0x1  }
0x4f7: {  	v4 =	vmul.f32 v4, v3;
	_ =	sdelay $0x1  }
0x4f8: {  	[tilespmem:v2+s25+$0x0] =	vst.idx.add.f32.msk $0xffff, v4  }
0x4f9: {  	v4 =	vld.idx.msk [tilespmem:v5+s3+$0x0], $0xffff;
	_ =	sdelay $0x1  }
0x4fa: {  	v62 =	vadd.s32 $0x2710, v2  }
0x4fb: {  	v6 =	vadd.s32 $0x4E20, v1;
	_ =	sdelay $0x1  }
0x4fc: {  	v4 =	vmul.f32 v4, v3;
	_ =	sdelay $0x1  }
0x4fd: {  	[tilespmem:v62+s25+$0x0] =	vst.idx.add.f32.msk $0xffff, v4  }
0x4fe: {  	v4 =	vld.idx.msk [tilespmem:v6+s3+$0x0], $0xffff;
	_ =	sdelay $0x1  }
0x4ff: {  	v63 =	vadd.s32 $0x4E20, v2  }
0x500: {  	v1 =	vadd.s32 $0x7530, v1;
	_ =	sdelay $0x1  }
0x501: {  	v4 =	vmul.f32 v4, v3;
	_ =	sdelay $0x1  }
0x502: {  	[tilespmem:v63+s25+$0x0] =	vst.idx.add.f32.msk $0xffff, v4  }
0x503: {  	v1 =	vld.idx.msk [tilespmem:v1+s3+$0x0], $0xffff;
	_ =	sdelay $0x1  }
0x504: {  	p0 =	sne.s32 s13, $0x40;
	v2 =	vadd.s32 $0x7530, v2  }
.Ltmp21:
0x505: {  	_ = 	snop;
	(pc) =	sbr.rel @p0 .LBB2_42-.Ltmp21, $3  }
0x506: {  	_ = 	snop  }
0x507: {  	v1 =	vmul.f32 v1, v3;
	_ =	sdelay $0x1  }
0x508: {  	s13 =	sadd.s32 $0x40, s13;
	[tilespmem:v2+s25+$0x0] =	vst.idx.add.f32.msk $0xffff, v1  }
0x509: {  	p0 =	seq.s32 s31, $0x9  }
0x50a: {  	s6 =	sadd.s32 @!p0 s6, s7  }
0x50b: {  	s6 =	smul.u32 @!p0 $0x2EE0, s6;
	_ =	sdelay $0x1  }
0x50c: {  	_ =	swait.ge [sflag:s26], $0x2EE0;
	s17 =	simm.s32 $0x167E0;
	s6 =	sshrl.u32 @!p0 s6, $0x3  }
0x50d: {  	[sflag:s26] =	ssyncset.done $0x0;
	s13 =	simm.s32 @!p0 $0x0;
	s6 =	sadd.s32 @!p0 s1, s6  }
0x50e: {  	s16 =	simm.s32 @!p0 $0x13900;
	[sflag:s26] =	ssyncadd.s32 $0xFFFFD120;
	s6 =	sadd.s32 @!p0 $0x5DC, s6  }
0x50f: {  	[tilespmem:s16], [sflag:$0x1] =	stream.linear.gather @!p0 [hbm4b:s6+s13], $0x2EE0, $0x38;
	[tilespmem:$0x1BE10] =	vst v63  }
0x510: {  	v10 =	vld [tilespmem:s17+$0x70]  }
0x511: {  	v11 =	vld [tilespmem:s17+$0x10]  }
0x512: {  	v8 =	vld [tilespmem:s17+$0x20]  }
0x513: {  	v6 =	vld [tilespmem:s17+$0x30]  }
0x514: {  	v4 =	vld [tilespmem:s17+$0x40]  }
0x515: {  	v3 =	vld [tilespmem:s17+$0x50]  }
0x516: {  	v2 =	vld [tilespmem:s17+$0x60]  }
0x517: {  	v12 =	vld [tilespmem:s17+$0x1010]  }
0x518: {  	v13 =	vld [tilespmem:s17+$0x1FB0]  }
0x519: {  	v14 =	vld [tilespmem:s17+$0x0]  }
0x51a: {  	v22 =	vld [tilespmem:s17+$0x1F40]  }
0x51b: {  	v23 =	vld [tilespmem:s17+$0x1F50]  }
0x51c: {  	v25 =	vld [tilespmem:s17+$0x1F60]  }
0x51d: {  	s6 =	simm.s32 $0x0;
	v9 =	vld [tilespmem:s17+$0x1F70]  }
0x51e: {  	v1 =	vld.idx.msk [tilespmem:v10+s6+$0x0], $0xffff  }
0x51f: {  	v26 =	vld [tilespmem:s17+$0xFA0]  }
0x520: {  	v28 =	vld [tilespmem:s17+$0xFB0]  }
0x521: {  	v29 =	vld [tilespmem:s17+$0xFC0];
	v5 =	vadd.s32 $0x2710, v10  }
0x522: {  	v30 =	vld [tilespmem:s17+$0xFD0]  }
0x523: {  	v31 =	vld [tilespmem:s17+$0xFE0];
	v1 =	vmul.f32 v1, v13  }
0x524: {  	v40 =	vld [tilespmem:s17+$0xFF0]  }
0x525: {  	[tilespmem:v12+s25+$0x0] =	vst.idx.add.f32.msk $0xffff, v1  }
0x526: {  	v1 =	vld.idx.msk [tilespmem:v5+s6+$0x0], $0xffff  }
0x527: {  	v41 =	vld [tilespmem:s17+$0x1000]  }
0x528: {  	v7 =	vadd.s32 $0x2710, v12;
	v15 =	vld.idx.msk [tilespmem:v11+s6+$0x0], $0xffff  }
0x529: {  	v24 =	vadd.s32 $0x4E20, v10;
	v16 =	vld.idx.msk [tilespmem:v8+s6+$0x0], $0xffff  }
0x52a: {  	v20 =	vld.idx.msk [tilespmem:v14+s6+$0x0], $0xffff  }
0x52b: {  	v18 =	vld.idx.msk [tilespmem:v4+s6+$0x0], $0xffff;
	v1 =	vmul.f32 v1, v13  }
0x52c: {  	v5 =	vld [tilespmem:s17+$0x1F80]  }
0x52d: {  	[tilespmem:v7+s25+$0x0] =	vst.idx.add.f32.msk $0xffff, v1  }
0x52e: {  	v24 =	vld.idx.msk [tilespmem:v24+s6+$0x0], $0xffff  }
0x52f: {  	v17 =	vld.idx.msk [tilespmem:v6+s6+$0x0], $0xffff;
	v20 =	vmul.f32 v20, v22  }
0x530: {  	v27 =	vadd.s32 $0x4E20, v12;
	v19 =	vld.idx.msk [tilespmem:v3+s6+$0x0], $0xffff;
	v15 =	vmul.f32 v15, v23  }
0x531: {  	v10 =	vadd.s32 $0x7530, v10;
	v16 =	vmul.f32 v16, v25;
	[tilespmem:v26+s25+$0x0] =	vst.idx.add.f32.msk $0xffff, v20  }
0x532: {  	v42 =	vadd.s32 $0x2710, v14;
	[tilespmem:v28+s25+$0x0] =	vst.idx.add.f32.msk $0xffff, v15;
	v15 =	vmul.f32 v18, v5  }
0x533: {  	[tilespmem:v29+s25+$0x0] =	vst.idx.add.f32.msk $0xffff, v16;
	v24 =	vmul.f32 v24, v13  }
0x534: {  	[tilespmem:v31+s25+$0x0] =	vst.idx.add.f32.msk $0xffff, v15  }
0x535: {  	v15 =	vadd.s32 $0x2710, v8;
	[tilespmem:v27+s25+$0x0] =	vst.idx.add.f32.msk $0xffff, v24  }
0x536: {  	v10 =	vld.idx.msk [tilespmem:v10+s6+$0x0], $0xffff  }
0x537: {  	v16 =	vld.idx.msk [tilespmem:v42+s6+$0x0], $0xffff  }
0x538: {  	v12 =	vadd.s32 $0x7530, v12;
	v7 =	vld [tilespmem:s17+$0x1F90]  }
0x539: {  	v47 =	vadd.s32 $0x2710, v26;
	v21 =	vld.idx.msk [tilespmem:v2+s6+$0x0], $0xffff;
	v17 =	vmul.f32 v17, v9  }
0x53a: {  	v15 =	vld.idx.msk [tilespmem:v15+s6+$0x0], $0xffff  }
0x53b: {  	[tilespmem:v30+s25+$0x0] =	vst.idx.add.f32.msk $0xffff, v17;
	v10 =	vmul.f32 v10, v13;
	v13 =	vadd.s32 $0x2710, v11  }
0x53c: {  	v49 =	vadd.s32 $0x2710, v29;
	v16 =	vmul.f32 v16, v22;
	v1 =	vld [tilespmem:s17+$0x1FA0]  }
0x53d: {  	v43 =	vmul.f32 v19, v7;
	[tilespmem:v12+s25+$0x0] =	vst.idx.add.f32.msk $0xffff, v10;
	v10 =	vadd.s32 $0x2710, v6  }
0x53e: {  	[tilespmem:v47+s25+$0x0] =	vst.idx.add.f32.msk $0xffff, v16;
	v12 =	vadd.s32 $0x2710, v4  }
0x53f: {  	[tilespmem:v40+s25+$0x0] =	vst.idx.add.f32.msk $0xffff, v43;
	v15 =	vmul.f32 v15, v25  }
0x540: {  	v45 =	vadd.s32 $0x2710, v3;
	v13 =	vld.idx.msk [tilespmem:v13+s6+$0x0], $0xffff  }
0x541: {  	v46 =	vadd.s32 $0x2710, v2;
	[tilespmem:v49+s25+$0x0] =	vst.idx.add.f32.msk $0xffff, v15  }
0x542: {  	v48 =	vadd.s32 $0x2710, v28;
	v44 =	vmul.f32 v21, v1;
	v10 =	vld.idx.msk [tilespmem:v10+s6+$0x0], $0xffff  }
0x543: {  	v15 =	vadd.s32 $0x4E20, v11;
	v12 =	vld.idx.msk [tilespmem:v12+s6+$0x0], $0xffff  }
0x544: {  	v32 =	vadd.s32 $0x2710, v30;
	[tilespmem:v41+s25+$0x0] =	vst.idx.add.f32.msk $0xffff, v44  }
0x545: {  	v33 =	vadd.s32 $0x2710, v31;
	v17 =	vld.idx.msk [tilespmem:v45+s6+$0x0], $0xffff;
	v13 =	vmul.f32 v13, v23  }
0x546: {  	v51 =	vadd.s32 $0x4E20, v8;
	v18 =	vld.idx.msk [tilespmem:v46+s6+$0x0], $0xffff  }
0x547: {  	v52 =	vadd.s32 $0x4E20, v6;
	[tilespmem:v48+s25+$0x0] =	vst.idx.add.f32.msk $0xffff, v13;
	v10 =	vmul.f32 v10, v9  }
0x548: {  	v34 =	vadd.s32 $0x2710, v40;
	v12 =	vmul.f32 v12, v5;
	v15 =	vld.idx.msk [tilespmem:v15+s6+$0x0], $0xffff  }
0x549: {  	v50 =	vadd.s32 $0x2710, v41;
	[tilespmem:v32+s25+$0x0] =	vst.idx.add.f32.msk $0xffff, v10  }
0x54a: {  	v13 =	vadd.s32 $0x4E20, v14;
	[tilespmem:v33+s25+$0x0] =	vst.idx.add.f32.msk $0xffff, v12  }
0x54b: {  	v53 =	vadd.s32 $0x4E20, v2;
	v10 =	vmul.f32 v17, v7;
	v17 =	vld.idx.msk [tilespmem:v51+s6+$0x0], $0xffff  }
0x54c: {  	v55 =	vadd.s32 $0x4E20, v28;
	v12 =	vmul.f32 v18, v1;
	v18 =	vld.idx.msk [tilespmem:v52+s6+$0x0], $0xffff  }
0x54d: {  	[tilespmem:v34+s25+$0x0] =	vst.idx.add.f32.msk $0xffff, v10;
	v10 =	vadd.s32 $0x4E20, v4  }
0x54e: {  	[tilespmem:v50+s25+$0x0] =	vst.idx.add.f32.msk $0xffff, v12;
	v12 =	vadd.s32 $0x4E20, v3  }
0x54f: {  	v11 =	vadd.s32 $0x7530, v11;
	v13 =	vld.idx.msk [tilespmem:v13+s6+$0x0], $0xffff;
	v15 =	vmul.f32 v15, v23  }
0x550: {  	v57 =	vadd.s32 $0x4E20, v30;
	v16 =	vld.idx.msk [tilespmem:v53+s6+$0x0], $0xffff  }
0x551: {  	v54 =	vadd.s32 $0x4E20, v26;
	[tilespmem:v55+s25+$0x0] =	vst.idx.add.f32.msk $0xffff, v15  }
0x552: {  	v6 =	vadd.s32 $0x7530, v6;
	v10 =	vld.idx.msk [tilespmem:v10+s6+$0x0], $0xffff  }
0x553: {  	v56 =	vadd.s32 $0x4E20, v29;
	v15 =	vmul.f32 v18, v9;
	v12 =	vld.idx.msk [tilespmem:v12+s6+$0x0], $0xffff  }
0x554: {  	v8 =	vadd.s32 $0x7530, v8;
	v11 =	vld.idx.msk [tilespmem:v11+s6+$0x0], $0xffff;
	v13 =	vmul.f32 v13, v22  }
0x555: {  	v58 =	vadd.s32 $0x4E20, v31;
	[tilespmem:v57+s25+$0x0] =	vst.idx.add.f32.msk $0xffff, v15  }
0x556: {  	v59 =	vadd.s32 $0x4E20, v40;
	[tilespmem:v54+s25+$0x0] =	vst.idx.add.f32.msk $0xffff, v13;
	v13 =	vmul.f32 v17, v25  }
0x557: {  	v60 =	vadd.s32 $0x4E20, v41;
	v6 =	vld.idx.msk [tilespmem:v6+s6+$0x0], $0xffff  }
0x558: {  	v14 =	vadd.s32 $0x7530, v14;
	[tilespmem:v56+s25+$0x0] =	vst.idx.add.f32.msk $0xffff, v13;
	v10 =	vmul.f32 v10, v5  }
0x559: {  	v4 =	vadd.s32 $0x7530, v4;
	v12 =	vmul.f32 v12, v7;
	v13 =	vld.idx.msk [tilespmem:v8+s6+$0x0], $0xffff  }
0x55a: {  	v3 =	vadd.s32 $0x7530, v3;
	[tilespmem:v58+s25+$0x0] =	vst.idx.add.f32.msk $0xffff, v10;
	v10 =	vmul.f32 v16, v1  }
0x55b: {  	v2 =	vadd.s32 $0x7530, v2;
	[tilespmem:v59+s25+$0x0] =	vst.idx.add.f32.msk $0xffff, v12  }
0x55c: {  	v62 =	vadd.s32 $0x7530, v30;
	[tilespmem:v60+s25+$0x0] =	vst.idx.add.f32.msk $0xffff, v10  }
0x55d: {  	v15 =	vadd.s32 $0x7530, v29;
	v10 =	vld.idx.msk [tilespmem:v14+s6+$0x0], $0xffff  }
0x55e: {  	v61 =	vld.idx.msk [tilespmem:v4+s6+$0x0], $0xffff;
	v14 =	vadd.s32 $0x7530, v28  }
0x55f: {  	v12 =	vadd.s32 $0x7530, v26;
	v6 =	vmul.f32 v6, v9;
	v63 =	vld.idx.msk [tilespmem:v3+s6+$0x0], $0xffff  }
0x560: {  	v8 =	vld.idx.msk [tilespmem:v2+s6+$0x0], $0xffff;
	v4 =	vmul.f32 v13, v25  }
0x561: {  	[tilespmem:v62+s25+$0x0] =	vst.idx.add.f32.msk $0xffff, v6;
	v2 =	vmul.f32 v11, v23  }
0x562: {  	[tilespmem:v15+s25+$0x0] =	vst.idx.add.f32.msk $0xffff, v4;
	v3 =	vmul.f32 v10, v22  }
0x563: {  	v4 =	vadd.s32 $0x7530, v41;
	v13 =	vmul.f32 v61, v5;
	[tilespmem:v14+s25+$0x0] =	vst.idx.add.f32.msk $0xffff, v2  }
0x564: {  	s13 =	simm.s32 $0x0;
	s16 =	simm.s32 $0x16860;
	v6 =	vmul.f32 v63, v7;
	v2 =	vadd.s32 $0x7530, v31;
	[tilespmem:v12+s25+$0x0] =	vst.idx.add.f32.msk $0xffff, v3;
	v3 =	vadd.s32 $0x7530, v40  }
.LBB2_44:
0x565: {  	v28 =	vld [tilespmem:s16+$0x70];
	s13 =	sadd.s32 $0x8, s13;
	v5 =	vmul.f32 v8, v1  }
0x566: {  	v1 =	vld [tilespmem:s16+$0x10];
	p0 =	slt.u32 s13, $0xF0  }
0x567: {  	v14 =	vld [tilespmem:s16+$0x20]  }
0x568: {  	v15 =	vld [tilespmem:s16+$0x30]  }
0x569: {  	v17 =	vld [tilespmem:s16+$0x40]  }
0x56a: {  	v18 =	vld [tilespmem:s16+$0x50]  }
0x56b: {  	v27 =	vadd.s32 $0x2710, v1;
	v16 =	vadd.s32 $0x4E20, v1;
	v7 =	vadd.s32 $0x7530, v1;
	v19 =	vld [tilespmem:s16+$0x60]  }
0x56c: {  	v31 =	vadd.s32 $0x2710, v14;
	v21 =	vadd.s32 $0x4E20, v14;
	v8 =	vadd.s32 $0x7530, v14;
	v36 =	vld [tilespmem:s16+$0x1010]  }
0x56d: {  	v33 =	vadd.s32 $0x2710, v15;
	v23 =	vadd.s32 $0x4E20, v15;
	v9 =	vadd.s32 $0x7530, v15;
	v20 =	vld.idx.msk [tilespmem:v28+s6+$0x0], $0xffff  }
0x56e: {  	v35 =	vadd.s32 $0x2710, v17;
	v24 =	vadd.s32 $0x4E20, v17;
	v10 =	vadd.s32 $0x7530, v17;
	v37 =	vld [tilespmem:s16+$0x1FB0]  }
0x56f: {  	v22 =	vld [tilespmem:s16+$0x0];
	v38 =	vadd.s32 $0x2710, v18;
	v25 =	vadd.s32 $0x4E20, v18;
	v11 =	vadd.s32 $0x7530, v18  }
0x570: {  	v1 =	vld.idx.msk [tilespmem:v1+s6+$0x0], $0xffff;
	v39 =	vadd.s32 $0x2710, v19;
	v26 =	vadd.s32 $0x4E20, v19;
	v12 =	vadd.s32 $0x7530, v19  }
0x571: {  	v30 =	vld.idx.msk [tilespmem:v14+s6+$0x0], $0xffff;
	v14 =	vadd.s32 $0x2710, v28  }
0x572: {  	v32 =	vld.idx.msk [tilespmem:v15+s6+$0x0], $0xffff  }
0x573: {  	v34 =	vld.idx.msk [tilespmem:v17+s6+$0x0], $0xffff;
	v15 =	vmul.f32 v20, v37  }
0x574: {  	v40 =	vadd.s32 $0x2710, v22;
	v29 =	vadd.s32 $0x4E20, v22;
	v20 =	vadd.s32 $0x7530, v22;
	v41 =	vld.idx.msk [tilespmem:v18+s6+$0x0], $0xffff  }
0x575: {  	[tilespmem:v36+s25+$0x0] =	vst.idx.add.f32.msk $0xffff, v15  }
0x576: {  	v15 =	vld.idx.msk [tilespmem:v14+s6+$0x0], $0xffff  }
0x577: {  	v22 =	vld.idx.msk [tilespmem:v22+s6+$0x0], $0xffff  }
0x578: {  	v42 =	vld.idx.msk [tilespmem:v19+s6+$0x0], $0xffff  }
0x579: {  	v43 =	vadd.s32 $0x2710, v36;
	v18 =	vld [tilespmem:s16+$0x1F40]  }
0x57a: {  	v44 =	vadd.s32 $0x4E20, v28;
	v19 =	vld [tilespmem:s16+$0x1F50]  }
0x57b: {  	v17 =	vld [tilespmem:s16+$0x1F60]  }
0x57c: {  	v45 =	vmul.f32 v15, v37;
	v14 =	vld [tilespmem:s16+$0x1F70]  }
0x57d: {  	v15 =	vld [tilespmem:s16+$0x1F80]  }
0x57e: {  	v46 =	vmul.f32 v22, v18;
	[tilespmem:v43+s25+$0x0] =	vst.idx.add.f32.msk $0xffff, v45  }
0x57f: {  	v43 =	vmul.f32 v1, v19;
	v44 =	vld.idx.msk [tilespmem:v44+s6+$0x0], $0xffff  }
0x580: {  	v45 =	vmul.f32 v30, v17;
	v22 =	vld [tilespmem:s16+$0x1F90]  }
0x581: {  	v47 =	vmul.f32 v32, v14;
	v1 =	vld [tilespmem:s16+$0x1FA0]  }
0x582: {  	v30 =	vadd.s32 $0x4E20, v36;
	v48 =	vld [tilespmem:s16+$0xFA0];
	v49 =	vmul.f32 v34, v15  }
0x583: {  	v32 =	vadd.s32 $0x7530, v28;
	v50 =	vld [tilespmem:s16+$0xFB0]  }
0x584: {  	v51 =	vld [tilespmem:s16+$0xFC0]  }
0x585: {  	v34 =	vmul.f32 v44, v37;
	v52 =	vld [tilespmem:s16+$0xFD0];
	v41 =	vmul.f32 v41, v22  }
0x586: {  	v44 =	vld [tilespmem:s16+$0xFE0];
	v42 =	vmul.f32 v42, v1  }
0x587: {  	v53 =	vadd.s32 $0x2710, v48;
	v54 =	vadd.s32 $0x4E20, v48;
	v28 =	vadd.s32 $0x7530, v48;
	[tilespmem:v30+s25+$0x0] =	vst.idx.add.f32.msk $0xffff, v34  }
0x588: {  	v55 =	vadd.s32 $0x2710, v50;
	v56 =	vadd.s32 $0x4E20, v50;
	v30 =	vadd.s32 $0x7530, v50;
	v57 =	vld.idx.msk [tilespmem:v32+s6+$0x0], $0xffff  }
0x589: {  	v58 =	vadd.s32 $0x2710, v51;
	v59 =	vadd.s32 $0x4E20, v51;
	v32 =	vadd.s32 $0x7530, v51;
	v60 =	vld [tilespmem:s16+$0xFF0]  }
0x58a: {  	v61 =	vadd.s32 $0x2710, v52;
	v62 =	vadd.s32 $0x4E20, v52;
	v34 =	vadd.s32 $0x7530, v52;
	v63 =	vld [tilespmem:s16+$0x1000]  }
0x58b: {  	v36 =	vadd.s32 $0x7530, v36;
	[tilespmem:v48+s25+$0x0] =	vst.idx.add.f32.msk $0xffff, v46;
	v46 =	vadd.s32 $0x2710, v44;
	v48 =	vadd.s32 $0x4E20, v44  }
0x58c: {  	[tilespmem:v50+s25+$0x0] =	vst.idx.add.f32.msk $0xffff, v43;
	v43 =	vadd.s32 $0x7530, v44  }
0x58d: {  	[tilespmem:v51+s25+$0x0] =	vst.idx.add.f32.msk $0xffff, v45  }
0x58e: {  	v37 =	vmul.f32 v57, v37;
	[tilespmem:v52+s25+$0x0] =	vst.idx.add.f32.msk $0xffff, v47;
	v45 =	vadd.s32 $0x2710, v60;
	v47 =	vadd.s32 $0x4E20, v60  }
0x58f: {  	[tilespmem:v44+s25+$0x0] =	vst.idx.add.f32.msk $0xffff, v49;
	v44 =	vadd.s32 $0x7530, v60;
	v49 =	vadd.s32 $0x2710, v63;
	v50 =	vadd.s32 $0x4E20, v63  }
0x590: {  	v51 =	vadd.s32 $0x7530, v63;
	[tilespmem:v36+s25+$0x0] =	vst.idx.add.f32.msk $0xffff, v37  }
0x591: {  	[tilespmem:v60+s25+$0x0] =	vst.idx.add.f32.msk $0xffff, v41  }
0x592: {  	[tilespmem:v63+s25+$0x0] =	vst.idx.add.f32.msk $0xffff, v42  }
0x593: {  	v36 =	vld.idx.msk [tilespmem:v40+s6+$0x0], $0xffff  }
0x594: {  	v27 =	vld.idx.msk [tilespmem:v27+s6+$0x0], $0xffff  }
0x595: {  	v31 =	vld.idx.msk [tilespmem:v31+s6+$0x0], $0xffff  }
0x596: {  	v33 =	vld.idx.msk [tilespmem:v33+s6+$0x0], $0xffff  }
0x597: {  	v35 =	vld.idx.msk [tilespmem:v35+s6+$0x0], $0xffff  }
0x598: {  	v37 =	vld.idx.msk [tilespmem:v38+s6+$0x0], $0xffff  }
0x599: {  	v36 =	vmul.f32 v36, v18;
	v38 =	vld.idx.msk [tilespmem:v39+s6+$0x0], $0xffff  }
0x59a: {  	v27 =	vmul.f32 v27, v19;
	[tilespmem:v2+s25+$0x0] =	vst.idx.add.f32.msk $0xffff, v13;
	v2 =	vmov v43  }
0x59b: {  	v13 =	vmul.f32 v31, v17;
	[tilespmem:v53+s25+$0x0] =	vst.idx.add.f32.msk $0xffff, v36  }
0x59c: {  	[tilespmem:v55+s25+$0x0] =	vst.idx.add.f32.msk $0xffff, v27;
	v27 =	vmul.f32 v33, v14  }
0x59d: {  	[tilespmem:v58+s25+$0x0] =	vst.idx.add.f32.msk $0xffff, v13;
	v13 =	vmul.f32 v35, v15  }
0x59e: {  	[tilespmem:v61+s25+$0x0] =	vst.idx.add.f32.msk $0xffff, v27;
	v27 =	vmul.f32 v37, v22  }
0x59f: {  	[tilespmem:v46+s25+$0x0] =	vst.idx.add.f32.msk $0xffff, v13;
	v13 =	vmul.f32 v38, v1  }
0x5a0: {  	[tilespmem:v45+s25+$0x0] =	vst.idx.add.f32.msk $0xffff, v27  }
0x5a1: {  	[tilespmem:v49+s25+$0x0] =	vst.idx.add.f32.msk $0xffff, v13  }
0x5a2: {  	v13 =	vld.idx.msk [tilespmem:v29+s6+$0x0], $0xffff  }
0x5a3: {  	v16 =	vld.idx.msk [tilespmem:v16+s6+$0x0], $0xffff  }
0x5a4: {  	v21 =	vld.idx.msk [tilespmem:v21+s6+$0x0], $0xffff  }
0x5a5: {  	v23 =	vld.idx.msk [tilespmem:v23+s6+$0x0], $0xffff  }
0x5a6: {  	v24 =	vld.idx.msk [tilespmem:v24+s6+$0x0], $0xffff  }
0x5a7: {  	v25 =	vld.idx.msk [tilespmem:v25+s6+$0x0], $0xffff  }
0x5a8: {  	v13 =	vmul.f32 v13, v18;
	v26 =	vld.idx.msk [tilespmem:v26+s6+$0x0], $0xffff  }
0x5a9: {  	v16 =	vmul.f32 v16, v19;
	[tilespmem:v3+s25+$0x0] =	vst.idx.add.f32.msk $0xffff, v6;
	v3 =	vmov v44  }
0x5aa: {  	v6 =	vmul.f32 v21, v17;
	[tilespmem:v54+s25+$0x0] =	vst.idx.add.f32.msk $0xffff, v13  }
0x5ab: {  	v13 =	vmul.f32 v23, v14;
	[tilespmem:v56+s25+$0x0] =	vst.idx.add.f32.msk $0xffff, v16  }
0x5ac: {  	[tilespmem:v59+s25+$0x0] =	vst.idx.add.f32.msk $0xffff, v6;
	v6 =	vmul.f32 v24, v15  }
0x5ad: {  	[tilespmem:v62+s25+$0x0] =	vst.idx.add.f32.msk $0xffff, v13;
	v13 =	vmul.f32 v25, v22  }
0x5ae: {  	[tilespmem:v48+s25+$0x0] =	vst.idx.add.f32.msk $0xffff, v6;
	v6 =	vmul.f32 v26, v1  }
0x5af: {  	[tilespmem:v47+s25+$0x0] =	vst.idx.add.f32.msk $0xffff, v13  }
0x5b0: {  	[tilespmem:v50+s25+$0x0] =	vst.idx.add.f32.msk $0xffff, v6  }
0x5b1: {  	v6 =	vld.idx.msk [tilespmem:v20+s6+$0x0], $0xffff  }
0x5b2: {  	v7 =	vld.idx.msk [tilespmem:v7+s6+$0x0], $0xffff  }
0x5b3: {  	v13 =	vld.idx.msk [tilespmem:v8+s6+$0x0], $0xffff  }
0x5b4: {  	v9 =	vld.idx.msk [tilespmem:v9+s6+$0x0], $0xffff  }
0x5b5: {  	v10 =	vld.idx.msk [tilespmem:v10+s6+$0x0], $0xffff  }
0x5b6: {  	v11 =	vld.idx.msk [tilespmem:v11+s6+$0x0], $0xffff  }
0x5b7: {  	v6 =	vmul.f32 v6, v18;
	v8 =	vld.idx.msk [tilespmem:v12+s6+$0x0], $0xffff  }
.Ltmp22:
0x5b8: {  	v7 =	vmul.f32 v7, v19;
	[tilespmem:v4+s25+$0x0] =	vst.idx.add.f32.msk $0xffff, v5;
	v4 =	vmov v51;
	(pc) =	sbr.rel @p0 .LBB2_44-.Ltmp22, $4  }
0x5b9: {  	v5 =	vmul.f32 v13, v17;
	[tilespmem:v28+s25+$0x0] =	vst.idx.add.f32.msk $0xffff, v6  }
0x5ba: {  	v6 =	vmul.f32 v9, v14;
	[tilespmem:v30+s25+$0x0] =	vst.idx.add.f32.msk $0xffff, v7  }
0x5bb: {  	v13 =	vmul.f32 v10, v15;
	[tilespmem:v32+s25+$0x0] =	vst.idx.add.f32.msk $0xffff, v5  }
0x5bc: {  	s16 =	sadd.s32 $0x80, s16;
	[tilespmem:v34+s25+$0x0] =	vst.idx.add.f32.msk $0xffff, v6;
	v6 =	vmul.f32 v11, v22  }
0x5bd: {  	_ =	sdelay $0x3  }
0x5be: {  	v1 =	vmul.f32 v8, v1;
	[tilespmem:v2+s25+$0x0] =	vst.idx.add.f32.msk $0xffff, v13  }
0x5bf: {  	[tilespmem:v3+s25+$0x0] =	vst.idx.add.f32.msk $0xffff, v6  }
0x5c0: {  	[tilespmem:v4+s25+$0x0] =	vst.idx.add.f32.msk $0xffff, v1  }
.LBB2_46:
0x5c1: {  	s13 =	sshra.s32 s6, $0x2  }
0x5c2: {  	v1 =	vld [tilespmem:s13+$0x17760];
	_ =	sdelay $0x5  }
0x5c3: {  	v2 =	vld [tilespmem:s13+$0x18700]  }
0x5c4: {  	v3 =	vld [tilespmem:s13+$0x196A0]  }
0x5c5: {  	v4 =	vld.idx.msk [tilespmem:v1+s3+$0x0], $0xffff;
	_ =	sdelay $0x2  }
0x5c6: {  	v5 =	vadd.s32 $0x2710, v1;
	_ =	sdelay $0x1  }
0x5c7: {  	v4 =	vmul.f32 v4, v3;
	_ =	sdelay $0x1  }
0x5c8: {  	[tilespmem:v2+s25+$0x0] =	vst.idx.add.f32.msk $0xffff, v4  }
0x5c9: {  	v4 =	vld.idx.msk [tilespmem:v5+s3+$0x0], $0xffff;
	_ =	sdelay $0x1  }
0x5ca: {  	v62 =	vadd.s32 $0x2710, v2  }
0x5cb: {  	v6 =	vadd.s32 $0x4E20, v1;
	_ =	sdelay $0x1  }
0x5cc: {  	v4 =	vmul.f32 v4, v3;
	_ =	sdelay $0x1  }
0x5cd: {  	[tilespmem:v62+s25+$0x0] =	vst.idx.add.f32.msk $0xffff, v4  }
0x5ce: {  	v4 =	vld.idx.msk [tilespmem:v6+s3+$0x0], $0xffff;
	_ =	sdelay $0x1  }
0x5cf: {  	v63 =	vadd.s32 $0x4E20, v2  }
0x5d0: {  	v1 =	vadd.s32 $0x7530, v1;
	_ =	sdelay $0x1  }
0x5d1: {  	v4 =	vmul.f32 v4, v3;
	_ =	sdelay $0x1  }
0x5d2: {  	[tilespmem:v63+s25+$0x0] =	vst.idx.add.f32.msk $0xffff, v4  }
0x5d3: {  	v1 =	vld.idx.msk [tilespmem:v1+s3+$0x0], $0xffff;
	_ =	sdelay $0x1  }
0x5d4: {  	p0 =	sne.s32 s6, $0x40;
	v2 =	vadd.s32 $0x7530, v2  }
.Ltmp23:
0x5d5: {  	_ = 	snop;
	(pc) =	sbr.rel @p0 .LBB2_46-.Ltmp23, $3  }
0x5d6: {  	_ = 	snop  }
0x5d7: {  	v1 =	vmul.f32 v1, v3;
	_ =	sdelay $0x1  }
0x5d8: {  	s6 =	sadd.s32 $0x40, s6;
	[tilespmem:v2+s25+$0x0] =	vst.idx.add.f32.msk $0xffff, v1  }
0x5d9: {  	s31 =	sadd.s32 $0x1, s31  }
0x5da: {  	p0 =	sne.s32 s31, $0xA  }
.Ltmp24:
0x5db: {  	_ = 	snop;
	(pc) =	sbr.rel @p0 .LBB2_39-.Ltmp24, $1  }
0x5dc: {  	_ =	sdelay $0x3  }
0x5dd: {  	s6 =	simm.s32 $0x0  }
0x5de: {  	[hbm4b:s8+s6] =	stream.linear.scatter [tilespmem:s25], [sflag:$0x3], $0x9C40, $0x38;
	[tilespmem:$0x1BE10] =	vst v63  }
0x5df: {  	_ =	swait.ge [sflag:s22], $0x9C40  }
0x5e0: {  	[sflag:s22] =	ssyncset.done $0x0  }
0x5e1: {  	[sflag:s22] =	ssyncadd.s32 $0xFFFF63C0  }
0x5e2: {  	[bflag:$0x0] =	sbarrier.arrive $0xFFFF  }
0x5e3: {  	[tilespmem:s6], [sflag:$0x3] =	stream.linear.gather [hbm4b:s9+s6], $0x2710, $0x38;
	[tilespmem:$0x1BE10] =	vst v63  }
0x5e4: {  	_ =	swait.ge [sflag:s22], $0x2710  }
0x5e5: {  	[sflag:s22] =	ssyncset.done $0x0  }
0x5e6: {  	[sflag:s22] =	ssyncadd.s32 $0xFFFFD8F0  }
0x5e7: {  	[tilespmem:s28], [sflag:$0x3] =	stream.linear.gather [hbm4b:s10+s6], $0x2710, $0x38;
	[tilespmem:$0x1BE10] =	vst v63  }
0x5e8: {  	_ =	swait.ge [sflag:s22], $0x2710  }
0x5e9: {  	[sflag:s22] =	ssyncset.done $0x0  }
0x5ea: {  	[sflag:s22] =	ssyncadd.s32 $0xFFFFD8F0  }
0x5eb: {  	[tilespmem:s29], [sflag:$0x3] =	stream.linear.gather [hbm4b:s11+s6], $0x2710, $0x38;
	[tilespmem:$0x1BE10] =	vst v63  }
0x5ec: {  	_ =	swait.ge [sflag:s22], $0x2710  }
0x5ed: {  	[sflag:s22] =	ssyncset.done $0x0  }
0x5ee: {  	[sflag:s22] =	ssyncadd.s32 $0xFFFFD8F0  }
0x5ef: {  	[tilespmem:s30], [sflag:$0x3] =	stream.linear.gather [hbm4b:s12+s6], $0x2710, $0x38;
	[tilespmem:$0x1BE10] =	vst v63  }
0x5f0: {  	_ =	swait.ge [sflag:s22], $0x2710  }
0x5f1: {  	[sflag:s22] =	ssyncset.done $0x0  }
0x5f2: {  	s6 =	simm.s32 $0x0;
	[sflag:s22] =	ssyncadd.s32 $0xFFFFD8F0  }
0x5f3: {  	v2 =	vld [tilespmem:s6+$0x0]  }
0x5f4: {  	v4 =	vld [tilespmem:s6+$0x2710]  }
0x5f5: {  	v5 =	vld [tilespmem:s6+$0x4E20]  }
0x5f6: {  	v6 =	vld [tilespmem:s6+$0x7530];
	_ =	sdelay $0x1  }
0x5f7: {  	s13 =	simm.s32 $0x10  }
0x5f8: {  	v1 =	vld [tilespmem:s13+$0x0]  }
0x5f9: {  	v3 =	vld [tilespmem:s13+$0x2710]  }
0x5fa: {  	v7 =	vadd.f32 v4, v2;
	v5 =	vadd.f32 v6, v5;
	v2 =	vld [tilespmem:s13+$0x4E20]  }
0x5fb: {  	v4 =	vld [tilespmem:s13+$0x7530]  }
0x5fc: {  	s16 =	simm.s32 $0x80;
	v5 =	vadd.f32 v5, v7  }
.LBB2_49:
0x5fd: {  	s17 =	sshra.s32 s16, $0x2;
	v6 =	vmov v1;
	p0 =	sne.s32 s16, $0x9C00  }
.Ltmp25:
0x5fe: {  	v1 =	vld [tilespmem:s17+$0x0];
	[tilespmem:s6+$0x9C80] =	vst v5;
	v5 =	vmov v3;
	s6 =	smov.u32 s13;
	s13 =	smov.u32 s17;
	(pc) =	sbr.rel @p0 .LBB2_49-.Ltmp25, $4  }
0x5ff: {  	v3 =	vld [tilespmem:s13+$0x2710]  }
0x600: {  	s16 =	sadd.s32 $0x40, s16;
	v5 =	vadd.f32 v5, v6;
	v6 =	vadd.f32 v4, v2;
	v2 =	vld [tilespmem:s13+$0x4E20]  }
0x601: {  	v4 =	vld [tilespmem:s13+$0x7530]  }
0x602: {  	v5 =	vadd.f32 v6, v5  }
0x603: {  	_ =	sdelay $0x2  }
0x604: {  	v1 =	vadd.f32 v3, v1;
	v2 =	vadd.f32 v4, v2;
	_ =	sdelay $0x1  }
0x605: {  	v1 =	vadd.f32 v2, v1  }
0x606: {  	[tilespmem:s6+$0x9C80] =	vst v5  }
0x607: {  	[tilespmem:s13+$0x9C80] =	vst v1  }
0x608: {  	[hbm4b:s18+s3] =	stream.linear.scatter [tilespmem:s25], [sflag:$0x3], $0x2710, $0x38;
	[tilespmem:$0x1BE10] =	vst v63  }
0x609: {  	_ =	swait.ge [sflag:s22], $0x2710  }
0x60a: {  	[sflag:s22] =	ssyncset.done $0x0  }
0x60b: {  	[sflag:s22] =	ssyncadd.s32 $0xFFFFD8F0  }
0x60c: {  	[spmem:s14] =	stream.linear.scatter [tilespmem:s25], [sflag:$0x3], $0x2710, $0x38;
	[tilespmem:$0x1BE10] =	vst v63  }
0x60d: {  	_ =	swait.ge [sflag:s22], $0x2710  }
0x60e: {  	[sflag:s22] =	ssyncset.done $0x0  }
0x60f: {  	[sflag:s22] =	ssyncadd.s32 $0xFFFFD8F0  }
0x610: {  	[bflag:$0x0] =	sbarrier.arrive $0xFFFF  }
0x611: {  	[tilespmem:s21], [sflag:$0x1] =	stream.linear.gather [hbm4b:s5+s3], $0x2EE0, $0x38;
	[tilespmem:$0x1BE10] =	vst v63  }
0x612: {  	_ = 	snop  }
0x613: {  	[tilespmem:s3], [sflag:$0x3] =	stream.linear.gather [spmem:s15], $0x9C40, $0x38;
	[tilespmem:$0x1BE10] =	vst v63  }
0x614: {  	_ =	swait.ge [sflag:s22], $0x9C40  }
0x615: {  	[sflag:s22] =	ssyncset.done $0x0  }
0x616: {  	s6 =	simm.s32 $0x9CC0;
	[sflag:s22] =	ssyncadd.s32 $0xFFFF63C0  }
0x617: {  	[tilespmem:s6+$0xFFFFFFC0] =	vst v0  }
0x618: {  	[tilespmem:s6+$0x30] =	vst v0  }
0x619: {  	[tilespmem:s6+$0x20] =	vst v0  }
0x61a: {  	[tilespmem:s6+$0x10] =	vst v0  }
0x61b: {  	[tilespmem:s6+$0x0] =	vst v0  }
0x61c: {  	[tilespmem:s6+$0xFFFFFFF0] =	vst v0  }
0x61d: {  	s13 =	simm.s32 $0x0;
	[tilespmem:s6+$0xFFFFFFE0] =	vst v0  }
.LBB2_51:
0x61e: {  	s13 =	sadd.s32 $0x8, s13;
	[tilespmem:s6+$0xFFFFFFD0] =	vst v0;
	s6 =	sadd.s32 $0x80, s6  }
0x61f: {  	[tilespmem:s6+$0xFFFFFFC0] =	vst v0;
	p0 =	slt.u32 s13, $0x9B8  }
0x620: {  	[tilespmem:s6+$0x30] =	vst v0  }
.Ltmp26:
0x621: {  	[tilespmem:s6+$0x20] =	vst v0;
	(pc) =	sbr.rel @p0 .LBB2_51-.Ltmp26, $4  }
0x622: {  	[tilespmem:s6+$0x10] =	vst v0  }
0x623: {  	[tilespmem:s6+$0x0] =	vst v0  }
0x624: {  	[tilespmem:s6+$0xFFFFFFF0] =	vst v0  }
0x625: {  	[tilespmem:s6+$0xFFFFFFE0] =	vst v0  }
0x626: {  	[tilespmem:s6+$0xFFFFFFD0] =	vst v0;
	s31 =	simm.s32 $0x0;
	s6 =	simm.s32 $0x0  }
.LBB2_53:
0x627: {  	p0 =	sne.s32 s6, $0xC0  }
.Ltmp27:
0x628: {  	_ = 	snop;
	(pc) =	sbr.rel @p0 .LBB2_53-.Ltmp27, $3  }
0x629: {  	_ =	sdelay $0x1  }
0x62a: {  	s13 =	sshra.s32 s6, $0x2  }
0x62b: {  	s6 =	sadd.s32 $0x40, s6;
	[tilespmem:s13+$0x13880] =	vst v0  }
.LBB2_54:
0x62c: {  	s6 =	sshll.u32 s31, $0x1  }
0x62d: {  	s13 =	sadd.s32 s4, s6  }
0x62e: {  	s13 =	smul.u32 $0x2EE0, s13;
	_ =	sdelay $0x1  }
0x62f: {  	_ =	swait.ge [sflag:s23], $0x2EE0;
	s13 =	sshrl.u32 s13, $0x3  }
0x630: {  	[sflag:s23] =	ssyncset.done $0x0;
	s13 =	sadd.s32 s1, s13  }
0x631: {  	s16 =	simm.s32 $0x148E0;
	[sflag:s23] =	ssyncadd.s32 $0xFFFFD120;
	s13 =	sadd.s32 $0x5DC, s13  }
0x632: {  	[tilespmem:s24], [sflag:$0x2] =	stream.linear.gather [hbm4b:s13+s3], $0x2EE0, $0x38;
	[tilespmem:$0x1BE10] =	vst v63  }
0x633: {  	v10 =	vld [tilespmem:s16+$0xFFFFF090]  }
0x634: {  	v11 =	vld [tilespmem:s16+$0xFFFFF030]  }
0x635: {  	v8 =	vld [tilespmem:s16+$0xFFFFF040]  }
0x636: {  	v6 =	vld [tilespmem:s16+$0xFFFFF050]  }
0x637: {  	v4 =	vld [tilespmem:s16+$0xFFFFF060]  }
0x638: {  	v3 =	vld [tilespmem:s16+$0xFFFFF070]  }
0x639: {  	v2 =	vld [tilespmem:s16+$0xFFFFF080]  }
0x63a: {  	v12 =	vld [tilespmem:s16+$0x30]  }
0x63b: {  	v13 =	vld [tilespmem:s16+$0xFD0]  }
0x63c: {  	v14 =	vld [tilespmem:s16+$0xFFFFF020]  }
0x63d: {  	v22 =	vld [tilespmem:s16+$0xF60]  }
0x63e: {  	v23 =	vld [tilespmem:s16+$0xF70]  }
0x63f: {  	v25 =	vld [tilespmem:s16+$0xF80]  }
0x640: {  	s13 =	simm.s32 $0x0;
	v9 =	vld [tilespmem:s16+$0xF90]  }
0x641: {  	v1 =	vld.idx.msk [tilespmem:v10+s13+$0x0], $0xffff  }
0x642: {  	v26 =	vld [tilespmem:s16+$0xFFFFFFC0]  }
0x643: {  	v28 =	vld [tilespmem:s16+$0xFFFFFFD0]  }
0x644: {  	v29 =	vld [tilespmem:s16+$0xFFFFFFE0];
	v5 =	vadd.s32 $0x2710, v10  }
0x645: {  	v30 =	vld [tilespmem:s16+$0xFFFFFFF0]  }
0x646: {  	v31 =	vld [tilespmem:s16+$0x0];
	v1 =	vmul.f32 v1, v13  }
0x647: {  	v40 =	vld [tilespmem:s16+$0x10]  }
0x648: {  	[tilespmem:v12+s25+$0x0] =	vst.idx.add.f32.msk $0xffff, v1  }
0x649: {  	v1 =	vld.idx.msk [tilespmem:v5+s13+$0x0], $0xffff  }
0x64a: {  	v41 =	vld [tilespmem:s16+$0x20]  }
0x64b: {  	v7 =	vadd.s32 $0x2710, v12;
	v15 =	vld.idx.msk [tilespmem:v11+s13+$0x0], $0xffff  }
0x64c: {  	v24 =	vadd.s32 $0x4E20, v10;
	v16 =	vld.idx.msk [tilespmem:v8+s13+$0x0], $0xffff  }
0x64d: {  	v20 =	vld.idx.msk [tilespmem:v14+s13+$0x0], $0xffff  }
0x64e: {  	v18 =	vld.idx.msk [tilespmem:v4+s13+$0x0], $0xffff;
	v1 =	vmul.f32 v1, v13  }
0x64f: {  	v5 =	vld [tilespmem:s16+$0xFA0]  }
0x650: {  	[tilespmem:v7+s25+$0x0] =	vst.idx.add.f32.msk $0xffff, v1  }
0x651: {  	v24 =	vld.idx.msk [tilespmem:v24+s13+$0x0], $0xffff  }
0x652: {  	v17 =	vld.idx.msk [tilespmem:v6+s13+$0x0], $0xffff;
	v20 =	vmul.f32 v20, v22  }
0x653: {  	v27 =	vadd.s32 $0x4E20, v12;
	v19 =	vld.idx.msk [tilespmem:v3+s13+$0x0], $0xffff;
	v15 =	vmul.f32 v15, v23  }
0x654: {  	v10 =	vadd.s32 $0x7530, v10;
	v16 =	vmul.f32 v16, v25;
	[tilespmem:v26+s25+$0x0] =	vst.idx.add.f32.msk $0xffff, v20  }
0x655: {  	v42 =	vadd.s32 $0x2710, v14;
	[tilespmem:v28+s25+$0x0] =	vst.idx.add.f32.msk $0xffff, v15;
	v15 =	vmul.f32 v18, v5  }
0x656: {  	[tilespmem:v29+s25+$0x0] =	vst.idx.add.f32.msk $0xffff, v16;
	v24 =	vmul.f32 v24, v13  }
0x657: {  	[tilespmem:v31+s25+$0x0] =	vst.idx.add.f32.msk $0xffff, v15  }
0x658: {  	v15 =	vadd.s32 $0x2710, v8;
	[tilespmem:v27+s25+$0x0] =	vst.idx.add.f32.msk $0xffff, v24  }
0x659: {  	v10 =	vld.idx.msk [tilespmem:v10+s13+$0x0], $0xffff  }
0x65a: {  	v16 =	vld.idx.msk [tilespmem:v42+s13+$0x0], $0xffff  }
0x65b: {  	v12 =	vadd.s32 $0x7530, v12;
	v7 =	vld [tilespmem:s16+$0xFB0]  }
0x65c: {  	v47 =	vadd.s32 $0x2710, v26;
	v21 =	vld.idx.msk [tilespmem:v2+s13+$0x0], $0xffff;
	v17 =	vmul.f32 v17, v9  }
0x65d: {  	v15 =	vld.idx.msk [tilespmem:v15+s13+$0x0], $0xffff  }
0x65e: {  	[tilespmem:v30+s25+$0x0] =	vst.idx.add.f32.msk $0xffff, v17;
	v10 =	vmul.f32 v10, v13;
	v13 =	vadd.s32 $0x2710, v11  }
0x65f: {  	v49 =	vadd.s32 $0x2710, v29;
	v16 =	vmul.f32 v16, v22;
	v1 =	vld [tilespmem:s16+$0xFC0]  }
0x660: {  	v43 =	vmul.f32 v19, v7;
	[tilespmem:v12+s25+$0x0] =	vst.idx.add.f32.msk $0xffff, v10;
	v10 =	vadd.s32 $0x2710, v6  }
0x661: {  	[tilespmem:v47+s25+$0x0] =	vst.idx.add.f32.msk $0xffff, v16;
	v12 =	vadd.s32 $0x2710, v4  }
0x662: {  	[tilespmem:v40+s25+$0x0] =	vst.idx.add.f32.msk $0xffff, v43;
	v15 =	vmul.f32 v15, v25  }
0x663: {  	v45 =	vadd.s32 $0x2710, v3;
	v13 =	vld.idx.msk [tilespmem:v13+s13+$0x0], $0xffff  }
0x664: {  	v46 =	vadd.s32 $0x2710, v2;
	[tilespmem:v49+s25+$0x0] =	vst.idx.add.f32.msk $0xffff, v15  }
0x665: {  	v48 =	vadd.s32 $0x2710, v28;
	v44 =	vmul.f32 v21, v1;
	v10 =	vld.idx.msk [tilespmem:v10+s13+$0x0], $0xffff  }
0x666: {  	v15 =	vadd.s32 $0x4E20, v11;
	v12 =	vld.idx.msk [tilespmem:v12+s13+$0x0], $0xffff  }
0x667: {  	v32 =	vadd.s32 $0x2710, v30;
	[tilespmem:v41+s25+$0x0] =	vst.idx.add.f32.msk $0xffff, v44  }
0x668: {  	v33 =	vadd.s32 $0x2710, v31;
	v17 =	vld.idx.msk [tilespmem:v45+s13+$0x0], $0xffff;
	v13 =	vmul.f32 v13, v23  }
0x669: {  	v51 =	vadd.s32 $0x4E20, v8;
	v18 =	vld.idx.msk [tilespmem:v46+s13+$0x0], $0xffff  }
0x66a: {  	v52 =	vadd.s32 $0x4E20, v6;
	[tilespmem:v48+s25+$0x0] =	vst.idx.add.f32.msk $0xffff, v13;
	v10 =	vmul.f32 v10, v9  }
0x66b: {  	v34 =	vadd.s32 $0x2710, v40;
	v12 =	vmul.f32 v12, v5;
	v15 =	vld.idx.msk [tilespmem:v15+s13+$0x0], $0xffff  }
0x66c: {  	v50 =	vadd.s32 $0x2710, v41;
	[tilespmem:v32+s25+$0x0] =	vst.idx.add.f32.msk $0xffff, v10  }
0x66d: {  	v13 =	vadd.s32 $0x4E20, v14;
	[tilespmem:v33+s25+$0x0] =	vst.idx.add.f32.msk $0xffff, v12  }
0x66e: {  	v53 =	vadd.s32 $0x4E20, v2;
	v10 =	vmul.f32 v17, v7;
	v17 =	vld.idx.msk [tilespmem:v51+s13+$0x0], $0xffff  }
0x66f: {  	v55 =	vadd.s32 $0x4E20, v28;
	v12 =	vmul.f32 v18, v1;
	v18 =	vld.idx.msk [tilespmem:v52+s13+$0x0], $0xffff  }
0x670: {  	[tilespmem:v34+s25+$0x0] =	vst.idx.add.f32.msk $0xffff, v10;
	v10 =	vadd.s32 $0x4E20, v4  }
0x671: {  	[tilespmem:v50+s25+$0x0] =	vst.idx.add.f32.msk $0xffff, v12;
	v12 =	vadd.s32 $0x4E20, v3  }
0x672: {  	v11 =	vadd.s32 $0x7530, v11;
	v13 =	vld.idx.msk [tilespmem:v13+s13+$0x0], $0xffff;
	v15 =	vmul.f32 v15, v23  }
0x673: {  	v57 =	vadd.s32 $0x4E20, v30;
	v16 =	vld.idx.msk [tilespmem:v53+s13+$0x0], $0xffff  }
0x674: {  	v54 =	vadd.s32 $0x4E20, v26;
	[tilespmem:v55+s25+$0x0] =	vst.idx.add.f32.msk $0xffff, v15  }
0x675: {  	v6 =	vadd.s32 $0x7530, v6;
	v10 =	vld.idx.msk [tilespmem:v10+s13+$0x0], $0xffff  }
0x676: {  	v56 =	vadd.s32 $0x4E20, v29;
	v15 =	vmul.f32 v18, v9;
	v12 =	vld.idx.msk [tilespmem:v12+s13+$0x0], $0xffff  }
0x677: {  	v8 =	vadd.s32 $0x7530, v8;
	v11 =	vld.idx.msk [tilespmem:v11+s13+$0x0], $0xffff;
	v13 =	vmul.f32 v13, v22  }
0x678: {  	v58 =	vadd.s32 $0x4E20, v31;
	[tilespmem:v57+s25+$0x0] =	vst.idx.add.f32.msk $0xffff, v15  }
0x679: {  	v59 =	vadd.s32 $0x4E20, v40;
	[tilespmem:v54+s25+$0x0] =	vst.idx.add.f32.msk $0xffff, v13;
	v13 =	vmul.f32 v17, v25  }
0x67a: {  	v60 =	vadd.s32 $0x4E20, v41;
	v6 =	vld.idx.msk [tilespmem:v6+s13+$0x0], $0xffff  }
0x67b: {  	v14 =	vadd.s32 $0x7530, v14;
	[tilespmem:v56+s25+$0x0] =	vst.idx.add.f32.msk $0xffff, v13;
	v10 =	vmul.f32 v10, v5  }
0x67c: {  	v4 =	vadd.s32 $0x7530, v4;
	v12 =	vmul.f32 v12, v7;
	v13 =	vld.idx.msk [tilespmem:v8+s13+$0x0], $0xffff  }
0x67d: {  	v3 =	vadd.s32 $0x7530, v3;
	[tilespmem:v58+s25+$0x0] =	vst.idx.add.f32.msk $0xffff, v10;
	v10 =	vmul.f32 v16, v1  }
0x67e: {  	v2 =	vadd.s32 $0x7530, v2;
	[tilespmem:v59+s25+$0x0] =	vst.idx.add.f32.msk $0xffff, v12  }
0x67f: {  	v62 =	vadd.s32 $0x7530, v30;
	[tilespmem:v60+s25+$0x0] =	vst.idx.add.f32.msk $0xffff, v10  }
0x680: {  	v15 =	vadd.s32 $0x7530, v29;
	v10 =	vld.idx.msk [tilespmem:v14+s13+$0x0], $0xffff  }
0x681: {  	v61 =	vld.idx.msk [tilespmem:v4+s13+$0x0], $0xffff;
	v14 =	vadd.s32 $0x7530, v28  }
0x682: {  	v12 =	vadd.s32 $0x7530, v26;
	v6 =	vmul.f32 v6, v9;
	v63 =	vld.idx.msk [tilespmem:v3+s13+$0x0], $0xffff  }
0x683: {  	v8 =	vld.idx.msk [tilespmem:v2+s13+$0x0], $0xffff;
	v4 =	vmul.f32 v13, v25  }
0x684: {  	[tilespmem:v62+s25+$0x0] =	vst.idx.add.f32.msk $0xffff, v6;
	v2 =	vmul.f32 v11, v23  }
0x685: {  	[tilespmem:v15+s25+$0x0] =	vst.idx.add.f32.msk $0xffff, v4;
	v3 =	vmul.f32 v10, v22  }
0x686: {  	v4 =	vadd.s32 $0x7530, v41;
	v13 =	vmul.f32 v61, v5;
	[tilespmem:v14+s25+$0x0] =	vst.idx.add.f32.msk $0xffff, v2  }
0x687: {  	s17 =	simm.s32 $0x14960;
	s16 =	simm.s32 $0x0;
	v6 =	vmul.f32 v63, v7;
	v2 =	vadd.s32 $0x7530, v31;
	[tilespmem:v12+s25+$0x0] =	vst.idx.add.f32.msk $0xffff, v3;
	v3 =	vadd.s32 $0x7530, v40  }
.LBB2_55:
0x688: {  	v28 =	vld [tilespmem:s17+$0xFFFFF090];
	s16 =	sadd.s32 $0x8, s16;
	v5 =	vmul.f32 v8, v1  }
0x689: {  	v1 =	vld [tilespmem:s17+$0xFFFFF030];
	p0 =	slt.u32 s16, $0xF0  }
0x68a: {  	v14 =	vld [tilespmem:s17+$0xFFFFF040]  }
0x68b: {  	v15 =	vld [tilespmem:s17+$0xFFFFF050]  }
0x68c: {  	v17 =	vld [tilespmem:s17+$0xFFFFF060]  }
0x68d: {  	v18 =	vld [tilespmem:s17+$0xFFFFF070]  }
0x68e: {  	v27 =	vadd.s32 $0x2710, v1;
	v16 =	vadd.s32 $0x4E20, v1;
	v7 =	vadd.s32 $0x7530, v1;
	v19 =	vld [tilespmem:s17+$0xFFFFF080]  }
0x68f: {  	v31 =	vadd.s32 $0x2710, v14;
	v21 =	vadd.s32 $0x4E20, v14;
	v8 =	vadd.s32 $0x7530, v14;
	v36 =	vld [tilespmem:s17+$0x30]  }
0x690: {  	v33 =	vadd.s32 $0x2710, v15;
	v23 =	vadd.s32 $0x4E20, v15;
	v9 =	vadd.s32 $0x7530, v15;
	v20 =	vld.idx.msk [tilespmem:v28+s13+$0x0], $0xffff  }
0x691: {  	v35 =	vadd.s32 $0x2710, v17;
	v24 =	vadd.s32 $0x4E20, v17;
	v10 =	vadd.s32 $0x7530, v17;
	v37 =	vld [tilespmem:s17+$0xFD0]  }
0x692: {  	v22 =	vld [tilespmem:s17+$0xFFFFF020];
	v38 =	vadd.s32 $0x2710, v18;
	v25 =	vadd.s32 $0x4E20, v18;
	v11 =	vadd.s32 $0x7530, v18  }
0x693: {  	v1 =	vld.idx.msk [tilespmem:v1+s13+$0x0], $0xffff;
	v39 =	vadd.s32 $0x2710, v19;
	v26 =	vadd.s32 $0x4E20, v19;
	v12 =	vadd.s32 $0x7530, v19  }
0x694: {  	v30 =	vld.idx.msk [tilespmem:v14+s13+$0x0], $0xffff;
	v14 =	vadd.s32 $0x2710, v28  }
0x695: {  	v32 =	vld.idx.msk [tilespmem:v15+s13+$0x0], $0xffff  }
0x696: {  	v34 =	vld.idx.msk [tilespmem:v17+s13+$0x0], $0xffff;
	v15 =	vmul.f32 v20, v37  }
0x697: {  	v40 =	vadd.s32 $0x2710, v22;
	v29 =	vadd.s32 $0x4E20, v22;
	v20 =	vadd.s32 $0x7530, v22;
	v41 =	vld.idx.msk [tilespmem:v18+s13+$0x0], $0xffff  }
0x698: {  	[tilespmem:v36+s25+$0x0] =	vst.idx.add.f32.msk $0xffff, v15  }
0x699: {  	v15 =	vld.idx.msk [tilespmem:v14+s13+$0x0], $0xffff  }
0x69a: {  	v22 =	vld.idx.msk [tilespmem:v22+s13+$0x0], $0xffff  }
0x69b: {  	v42 =	vld.idx.msk [tilespmem:v19+s13+$0x0], $0xffff  }
0x69c: {  	v43 =	vadd.s32 $0x2710, v36;
	v18 =	vld [tilespmem:s17+$0xF60]  }
0x69d: {  	v44 =	vadd.s32 $0x4E20, v28;
	v19 =	vld [tilespmem:s17+$0xF70]  }
0x69e: {  	v17 =	vld [tilespmem:s17+$0xF80]  }
0x69f: {  	v45 =	vmul.f32 v15, v37;
	v14 =	vld [tilespmem:s17+$0xF90]  }
0x6a0: {  	v15 =	vld [tilespmem:s17+$0xFA0]  }
0x6a1: {  	v46 =	vmul.f32 v22, v18;
	[tilespmem:v43+s25+$0x0] =	vst.idx.add.f32.msk $0xffff, v45  }
0x6a2: {  	v43 =	vmul.f32 v1, v19;
	v44 =	vld.idx.msk [tilespmem:v44+s13+$0x0], $0xffff  }
0x6a3: {  	v45 =	vmul.f32 v30, v17;
	v22 =	vld [tilespmem:s17+$0xFB0]  }
0x6a4: {  	v47 =	vmul.f32 v32, v14;
	v1 =	vld [tilespmem:s17+$0xFC0]  }
0x6a5: {  	v30 =	vadd.s32 $0x4E20, v36;
	v48 =	vld [tilespmem:s17+$0xFFFFFFC0];
	v49 =	vmul.f32 v34, v15  }
0x6a6: {  	v32 =	vadd.s32 $0x7530, v28;
	v50 =	vld [tilespmem:s17+$0xFFFFFFD0]  }
0x6a7: {  	v51 =	vld [tilespmem:s17+$0xFFFFFFE0]  }
0x6a8: {  	v34 =	vmul.f32 v44, v37;
	v52 =	vld [tilespmem:s17+$0xFFFFFFF0];
	v41 =	vmul.f32 v41, v22  }
0x6a9: {  	v44 =	vld [tilespmem:s17+$0x0];
	v42 =	vmul.f32 v42, v1  }
0x6aa: {  	v53 =	vadd.s32 $0x2710, v48;
	v54 =	vadd.s32 $0x4E20, v48;
	v28 =	vadd.s32 $0x7530, v48;
	[tilespmem:v30+s25+$0x0] =	vst.idx.add.f32.msk $0xffff, v34  }
0x6ab: {  	v55 =	vadd.s32 $0x2710, v50;
	v56 =	vadd.s32 $0x4E20, v50;
	v30 =	vadd.s32 $0x7530, v50;
	v57 =	vld.idx.msk [tilespmem:v32+s13+$0x0], $0xffff  }
0x6ac: {  	v58 =	vadd.s32 $0x2710, v51;
	v59 =	vadd.s32 $0x4E20, v51;
	v32 =	vadd.s32 $0x7530, v51;
	v60 =	vld [tilespmem:s17+$0x10]  }
0x6ad: {  	v61 =	vadd.s32 $0x2710, v52;
	v62 =	vadd.s32 $0x4E20, v52;
	v34 =	vadd.s32 $0x7530, v52;
	v63 =	vld [tilespmem:s17+$0x20]  }
0x6ae: {  	v36 =	vadd.s32 $0x7530, v36;
	[tilespmem:v48+s25+$0x0] =	vst.idx.add.f32.msk $0xffff, v46;
	v46 =	vadd.s32 $0x2710, v44;
	v48 =	vadd.s32 $0x4E20, v44  }
0x6af: {  	[tilespmem:v50+s25+$0x0] =	vst.idx.add.f32.msk $0xffff, v43;
	v43 =	vadd.s32 $0x7530, v44  }
0x6b0: {  	[tilespmem:v51+s25+$0x0] =	vst.idx.add.f32.msk $0xffff, v45  }
0x6b1: {  	v37 =	vmul.f32 v57, v37;
	[tilespmem:v52+s25+$0x0] =	vst.idx.add.f32.msk $0xffff, v47;
	v45 =	vadd.s32 $0x2710, v60;
	v47 =	vadd.s32 $0x4E20, v60  }
0x6b2: {  	[tilespmem:v44+s25+$0x0] =	vst.idx.add.f32.msk $0xffff, v49;
	v44 =	vadd.s32 $0x7530, v60;
	v49 =	vadd.s32 $0x2710, v63;
	v50 =	vadd.s32 $0x4E20, v63  }
0x6b3: {  	v51 =	vadd.s32 $0x7530, v63;
	[tilespmem:v36+s25+$0x0] =	vst.idx.add.f32.msk $0xffff, v37  }
0x6b4: {  	[tilespmem:v60+s25+$0x0] =	vst.idx.add.f32.msk $0xffff, v41  }
0x6b5: {  	[tilespmem:v63+s25+$0x0] =	vst.idx.add.f32.msk $0xffff, v42  }
0x6b6: {  	v36 =	vld.idx.msk [tilespmem:v40+s13+$0x0], $0xffff  }
0x6b7: {  	v27 =	vld.idx.msk [tilespmem:v27+s13+$0x0], $0xffff  }
0x6b8: {  	v31 =	vld.idx.msk [tilespmem:v31+s13+$0x0], $0xffff  }
0x6b9: {  	v33 =	vld.idx.msk [tilespmem:v33+s13+$0x0], $0xffff  }
0x6ba: {  	v35 =	vld.idx.msk [tilespmem:v35+s13+$0x0], $0xffff  }
0x6bb: {  	v37 =	vld.idx.msk [tilespmem:v38+s13+$0x0], $0xffff  }
0x6bc: {  	v36 =	vmul.f32 v36, v18;
	v38 =	vld.idx.msk [tilespmem:v39+s13+$0x0], $0xffff  }
0x6bd: {  	v27 =	vmul.f32 v27, v19;
	[tilespmem:v2+s25+$0x0] =	vst.idx.add.f32.msk $0xffff, v13;
	v2 =	vmov v43  }
0x6be: {  	v13 =	vmul.f32 v31, v17;
	[tilespmem:v53+s25+$0x0] =	vst.idx.add.f32.msk $0xffff, v36  }
0x6bf: {  	[tilespmem:v55+s25+$0x0] =	vst.idx.add.f32.msk $0xffff, v27;
	v27 =	vmul.f32 v33, v14  }
0x6c0: {  	[tilespmem:v58+s25+$0x0] =	vst.idx.add.f32.msk $0xffff, v13;
	v13 =	vmul.f32 v35, v15  }
0x6c1: {  	[tilespmem:v61+s25+$0x0] =	vst.idx.add.f32.msk $0xffff, v27;
	v27 =	vmul.f32 v37, v22  }
0x6c2: {  	[tilespmem:v46+s25+$0x0] =	vst.idx.add.f32.msk $0xffff, v13;
	v13 =	vmul.f32 v38, v1  }
0x6c3: {  	[tilespmem:v45+s25+$0x0] =	vst.idx.add.f32.msk $0xffff, v27  }
0x6c4: {  	[tilespmem:v49+s25+$0x0] =	vst.idx.add.f32.msk $0xffff, v13  }
0x6c5: {  	v13 =	vld.idx.msk [tilespmem:v29+s13+$0x0], $0xffff  }
0x6c6: {  	v16 =	vld.idx.msk [tilespmem:v16+s13+$0x0], $0xffff  }
0x6c7: {  	v21 =	vld.idx.msk [tilespmem:v21+s13+$0x0], $0xffff  }
0x6c8: {  	v23 =	vld.idx.msk [tilespmem:v23+s13+$0x0], $0xffff  }
0x6c9: {  	v24 =	vld.idx.msk [tilespmem:v24+s13+$0x0], $0xffff  }
0x6ca: {  	v25 =	vld.idx.msk [tilespmem:v25+s13+$0x0], $0xffff  }
0x6cb: {  	v13 =	vmul.f32 v13, v18;
	v26 =	vld.idx.msk [tilespmem:v26+s13+$0x0], $0xffff  }
0x6cc: {  	v16 =	vmul.f32 v16, v19;
	[tilespmem:v3+s25+$0x0] =	vst.idx.add.f32.msk $0xffff, v6;
	v3 =	vmov v44  }
0x6cd: {  	v6 =	vmul.f32 v21, v17;
	[tilespmem:v54+s25+$0x0] =	vst.idx.add.f32.msk $0xffff, v13  }
0x6ce: {  	v13 =	vmul.f32 v23, v14;
	[tilespmem:v56+s25+$0x0] =	vst.idx.add.f32.msk $0xffff, v16  }
0x6cf: {  	[tilespmem:v59+s25+$0x0] =	vst.idx.add.f32.msk $0xffff, v6;
	v6 =	vmul.f32 v24, v15  }
0x6d0: {  	[tilespmem:v62+s25+$0x0] =	vst.idx.add.f32.msk $0xffff, v13;
	v13 =	vmul.f32 v25, v22  }
0x6d1: {  	[tilespmem:v48+s25+$0x0] =	vst.idx.add.f32.msk $0xffff, v6;
	v6 =	vmul.f32 v26, v1  }
0x6d2: {  	[tilespmem:v47+s25+$0x0] =	vst.idx.add.f32.msk $0xffff, v13  }
0x6d3: {  	[tilespmem:v50+s25+$0x0] =	vst.idx.add.f32.msk $0xffff, v6  }
0x6d4: {  	v6 =	vld.idx.msk [tilespmem:v20+s13+$0x0], $0xffff  }
0x6d5: {  	v7 =	vld.idx.msk [tilespmem:v7+s13+$0x0], $0xffff  }
0x6d6: {  	v13 =	vld.idx.msk [tilespmem:v8+s13+$0x0], $0xffff  }
0x6d7: {  	v9 =	vld.idx.msk [tilespmem:v9+s13+$0x0], $0xffff  }
0x6d8: {  	v10 =	vld.idx.msk [tilespmem:v10+s13+$0x0], $0xffff  }
0x6d9: {  	v11 =	vld.idx.msk [tilespmem:v11+s13+$0x0], $0xffff  }
0x6da: {  	v6 =	vmul.f32 v6, v18;
	v8 =	vld.idx.msk [tilespmem:v12+s13+$0x0], $0xffff  }
.Ltmp28:
0x6db: {  	v7 =	vmul.f32 v7, v19;
	[tilespmem:v4+s25+$0x0] =	vst.idx.add.f32.msk $0xffff, v5;
	v4 =	vmov v51;
	(pc) =	sbr.rel @p0 .LBB2_55-.Ltmp28, $4  }
0x6dc: {  	v5 =	vmul.f32 v13, v17;
	[tilespmem:v28+s25+$0x0] =	vst.idx.add.f32.msk $0xffff, v6  }
0x6dd: {  	v6 =	vmul.f32 v9, v14;
	[tilespmem:v30+s25+$0x0] =	vst.idx.add.f32.msk $0xffff, v7  }
0x6de: {  	v13 =	vmul.f32 v10, v15;
	[tilespmem:v32+s25+$0x0] =	vst.idx.add.f32.msk $0xffff, v5  }
0x6df: {  	s17 =	sadd.s32 $0x80, s17;
	[tilespmem:v34+s25+$0x0] =	vst.idx.add.f32.msk $0xffff, v6;
	v6 =	vmul.f32 v11, v22  }
0x6e0: {  	_ =	sdelay $0x3  }
0x6e1: {  	v1 =	vmul.f32 v8, v1;
	[tilespmem:v2+s25+$0x0] =	vst.idx.add.f32.msk $0xffff, v13  }
0x6e2: {  	[tilespmem:v3+s25+$0x0] =	vst.idx.add.f32.msk $0xffff, v6  }
0x6e3: {  	[tilespmem:v4+s25+$0x0] =	vst.idx.add.f32.msk $0xffff, v1  }
.LBB2_57:
0x6e4: {  	s16 =	sshra.s32 s13, $0x2  }
0x6e5: {  	v1 =	vld [tilespmem:s16+$0x14880];
	_ =	sdelay $0x5  }
0x6e6: {  	v2 =	vld [tilespmem:s16+$0x15820]  }
0x6e7: {  	v3 =	vld [tilespmem:s16+$0x167C0]  }
0x6e8: {  	v4 =	vld.idx.msk [tilespmem:v1+s3+$0x0], $0xffff;
	_ =	sdelay $0x2  }
0x6e9: {  	v5 =	vadd.s32 $0x2710, v1;
	_ =	sdelay $0x1  }
0x6ea: {  	v4 =	vmul.f32 v4, v3;
	_ =	sdelay $0x1  }
0x6eb: {  	[tilespmem:v2+s25+$0x0] =	vst.idx.add.f32.msk $0xffff, v4  }
0x6ec: {  	v4 =	vld.idx.msk [tilespmem:v5+s3+$0x0], $0xffff;
	_ =	sdelay $0x1  }
0x6ed: {  	v62 =	vadd.s32 $0x2710, v2  }
0x6ee: {  	v6 =	vadd.s32 $0x4E20, v1;
	_ =	sdelay $0x1  }
0x6ef: {  	v4 =	vmul.f32 v4, v3;
	_ =	sdelay $0x1  }
0x6f0: {  	[tilespmem:v62+s25+$0x0] =	vst.idx.add.f32.msk $0xffff, v4  }
0x6f1: {  	v4 =	vld.idx.msk [tilespmem:v6+s3+$0x0], $0xffff;
	_ =	sdelay $0x1  }
0x6f2: {  	v63 =	vadd.s32 $0x4E20, v2  }
0x6f3: {  	v1 =	vadd.s32 $0x7530, v1;
	_ =	sdelay $0x1  }
0x6f4: {  	v4 =	vmul.f32 v4, v3;
	_ =	sdelay $0x1  }
0x6f5: {  	[tilespmem:v63+s25+$0x0] =	vst.idx.add.f32.msk $0xffff, v4  }
0x6f6: {  	v1 =	vld.idx.msk [tilespmem:v1+s3+$0x0], $0xffff;
	_ =	sdelay $0x1  }
0x6f7: {  	p0 =	sne.s32 s13, $0x40;
	v2 =	vadd.s32 $0x7530, v2  }
.Ltmp29:
0x6f8: {  	_ = 	snop;
	(pc) =	sbr.rel @p0 .LBB2_57-.Ltmp29, $3  }
0x6f9: {  	_ = 	snop  }
0x6fa: {  	v1 =	vmul.f32 v1, v3;
	_ =	sdelay $0x1  }
0x6fb: {  	s13 =	sadd.s32 $0x40, s13;
	[tilespmem:v2+s25+$0x0] =	vst.idx.add.f32.msk $0xffff, v1  }
0x6fc: {  	p0 =	seq.s32 s31, $0x9  }
0x6fd: {  	s6 =	sadd.s32 @!p0 s6, s7  }
0x6fe: {  	s6 =	smul.u32 @!p0 $0x2EE0, s6;
	_ =	sdelay $0x1  }
0x6ff: {  	_ =	swait.ge [sflag:s26], $0x2EE0;
	s17 =	simm.s32 $0x167E0;
	s6 =	sshrl.u32 @!p0 s6, $0x3  }
0x700: {  	[sflag:s26] =	ssyncset.done $0x0;
	s13 =	simm.s32 @!p0 $0x0;
	s6 =	sadd.s32 @!p0 s1, s6  }
0x701: {  	s16 =	simm.s32 @!p0 $0x13900;
	[sflag:s26] =	ssyncadd.s32 $0xFFFFD120;
	s6 =	sadd.s32 @!p0 $0x5DC, s6  }
0x702: {  	[tilespmem:s16], [sflag:$0x1] =	stream.linear.gather @!p0 [hbm4b:s6+s13], $0x2EE0, $0x38;
	[tilespmem:$0x1BE10] =	vst v63  }
0x703: {  	v10 =	vld [tilespmem:s17+$0x70]  }
0x704: {  	v11 =	vld [tilespmem:s17+$0x10]  }
0x705: {  	v8 =	vld [tilespmem:s17+$0x20]  }
0x706: {  	v6 =	vld [tilespmem:s17+$0x30]  }
0x707: {  	v4 =	vld [tilespmem:s17+$0x40]  }
0x708: {  	v3 =	vld [tilespmem:s17+$0x50]  }
0x709: {  	v2 =	vld [tilespmem:s17+$0x60]  }
0x70a: {  	v12 =	vld [tilespmem:s17+$0x1010]  }
0x70b: {  	v13 =	vld [tilespmem:s17+$0x1FB0]  }
0x70c: {  	v14 =	vld [tilespmem:s17+$0x0]  }
0x70d: {  	v22 =	vld [tilespmem:s17+$0x1F40]  }
0x70e: {  	v23 =	vld [tilespmem:s17+$0x1F50]  }
0x70f: {  	v25 =	vld [tilespmem:s17+$0x1F60]  }
0x710: {  	s6 =	simm.s32 $0x0;
	v9 =	vld [tilespmem:s17+$0x1F70]  }
0x711: {  	v1 =	vld.idx.msk [tilespmem:v10+s6+$0x0], $0xffff  }
0x712: {  	v26 =	vld [tilespmem:s17+$0xFA0]  }
0x713: {  	v28 =	vld [tilespmem:s17+$0xFB0]  }
0x714: {  	v29 =	vld [tilespmem:s17+$0xFC0];
	v5 =	vadd.s32 $0x2710, v10  }
0x715: {  	v30 =	vld [tilespmem:s17+$0xFD0]  }
0x716: {  	v31 =	vld [tilespmem:s17+$0xFE0];
	v1 =	vmul.f32 v1, v13  }
0x717: {  	v40 =	vld [tilespmem:s17+$0xFF0]  }
0x718: {  	[tilespmem:v12+s25+$0x0] =	vst.idx.add.f32.msk $0xffff, v1  }
0x719: {  	v1 =	vld.idx.msk [tilespmem:v5+s6+$0x0], $0xffff  }
0x71a: {  	v41 =	vld [tilespmem:s17+$0x1000]  }
0x71b: {  	v7 =	vadd.s32 $0x2710, v12;
	v15 =	vld.idx.msk [tilespmem:v11+s6+$0x0], $0xffff  }
0x71c: {  	v24 =	vadd.s32 $0x4E20, v10;
	v16 =	vld.idx.msk [tilespmem:v8+s6+$0x0], $0xffff  }
0x71d: {  	v20 =	vld.idx.msk [tilespmem:v14+s6+$0x0], $0xffff  }
0x71e: {  	v18 =	vld.idx.msk [tilespmem:v4+s6+$0x0], $0xffff;
	v1 =	vmul.f32 v1, v13  }
0x71f: {  	v5 =	vld [tilespmem:s17+$0x1F80]  }
0x720: {  	[tilespmem:v7+s25+$0x0] =	vst.idx.add.f32.msk $0xffff, v1  }
0x721: {  	v24 =	vld.idx.msk [tilespmem:v24+s6+$0x0], $0xffff  }
0x722: {  	v17 =	vld.idx.msk [tilespmem:v6+s6+$0x0], $0xffff;
	v20 =	vmul.f32 v20, v22  }
0x723: {  	v27 =	vadd.s32 $0x4E20, v12;
	v19 =	vld.idx.msk [tilespmem:v3+s6+$0x0], $0xffff;
	v15 =	vmul.f32 v15, v23  }
0x724: {  	v10 =	vadd.s32 $0x7530, v10;
	v16 =	vmul.f32 v16, v25;
	[tilespmem:v26+s25+$0x0] =	vst.idx.add.f32.msk $0xffff, v20  }
0x725: {  	v42 =	vadd.s32 $0x2710, v14;
	[tilespmem:v28+s25+$0x0] =	vst.idx.add.f32.msk $0xffff, v15;
	v15 =	vmul.f32 v18, v5  }
0x726: {  	[tilespmem:v29+s25+$0x0] =	vst.idx.add.f32.msk $0xffff, v16;
	v24 =	vmul.f32 v24, v13  }
0x727: {  	[tilespmem:v31+s25+$0x0] =	vst.idx.add.f32.msk $0xffff, v15  }
0x728: {  	v15 =	vadd.s32 $0x2710, v8;
	[tilespmem:v27+s25+$0x0] =	vst.idx.add.f32.msk $0xffff, v24  }
0x729: {  	v10 =	vld.idx.msk [tilespmem:v10+s6+$0x0], $0xffff  }
0x72a: {  	v16 =	vld.idx.msk [tilespmem:v42+s6+$0x0], $0xffff  }
0x72b: {  	v12 =	vadd.s32 $0x7530, v12;
	v7 =	vld [tilespmem:s17+$0x1F90]  }
0x72c: {  	v47 =	vadd.s32 $0x2710, v26;
	v21 =	vld.idx.msk [tilespmem:v2+s6+$0x0], $0xffff;
	v17 =	vmul.f32 v17, v9  }
0x72d: {  	v15 =	vld.idx.msk [tilespmem:v15+s6+$0x0], $0xffff  }
0x72e: {  	[tilespmem:v30+s25+$0x0] =	vst.idx.add.f32.msk $0xffff, v17;
	v10 =	vmul.f32 v10, v13;
	v13 =	vadd.s32 $0x2710, v11  }
0x72f: {  	v49 =	vadd.s32 $0x2710, v29;
	v16 =	vmul.f32 v16, v22;
	v1 =	vld [tilespmem:s17+$0x1FA0]  }
0x730: {  	v43 =	vmul.f32 v19, v7;
	[tilespmem:v12+s25+$0x0] =	vst.idx.add.f32.msk $0xffff, v10;
	v10 =	vadd.s32 $0x2710, v6  }
0x731: {  	[tilespmem:v47+s25+$0x0] =	vst.idx.add.f32.msk $0xffff, v16;
	v12 =	vadd.s32 $0x2710, v4  }
0x732: {  	[tilespmem:v40+s25+$0x0] =	vst.idx.add.f32.msk $0xffff, v43;
	v15 =	vmul.f32 v15, v25  }
0x733: {  	v45 =	vadd.s32 $0x2710, v3;
	v13 =	vld.idx.msk [tilespmem:v13+s6+$0x0], $0xffff  }
0x734: {  	v46 =	vadd.s32 $0x2710, v2;
	[tilespmem:v49+s25+$0x0] =	vst.idx.add.f32.msk $0xffff, v15  }
0x735: {  	v48 =	vadd.s32 $0x2710, v28;
	v44 =	vmul.f32 v21, v1;
	v10 =	vld.idx.msk [tilespmem:v10+s6+$0x0], $0xffff  }
0x736: {  	v15 =	vadd.s32 $0x4E20, v11;
	v12 =	vld.idx.msk [tilespmem:v12+s6+$0x0], $0xffff  }
0x737: {  	v32 =	vadd.s32 $0x2710, v30;
	[tilespmem:v41+s25+$0x0] =	vst.idx.add.f32.msk $0xffff, v44  }
0x738: {  	v33 =	vadd.s32 $0x2710, v31;
	v17 =	vld.idx.msk [tilespmem:v45+s6+$0x0], $0xffff;
	v13 =	vmul.f32 v13, v23  }
0x739: {  	v51 =	vadd.s32 $0x4E20, v8;
	v18 =	vld.idx.msk [tilespmem:v46+s6+$0x0], $0xffff  }
0x73a: {  	v52 =	vadd.s32 $0x4E20, v6;
	[tilespmem:v48+s25+$0x0] =	vst.idx.add.f32.msk $0xffff, v13;
	v10 =	vmul.f32 v10, v9  }
0x73b: {  	v34 =	vadd.s32 $0x2710, v40;
	v12 =	vmul.f32 v12, v5;
	v15 =	vld.idx.msk [tilespmem:v15+s6+$0x0], $0xffff  }
0x73c: {  	v50 =	vadd.s32 $0x2710, v41;
	[tilespmem:v32+s25+$0x0] =	vst.idx.add.f32.msk $0xffff, v10  }
0x73d: {  	v13 =	vadd.s32 $0x4E20, v14;
	[tilespmem:v33+s25+$0x0] =	vst.idx.add.f32.msk $0xffff, v12  }
0x73e: {  	v53 =	vadd.s32 $0x4E20, v2;
	v10 =	vmul.f32 v17, v7;
	v17 =	vld.idx.msk [tilespmem:v51+s6+$0x0], $0xffff  }
0x73f: {  	v55 =	vadd.s32 $0x4E20, v28;
	v12 =	vmul.f32 v18, v1;
	v18 =	vld.idx.msk [tilespmem:v52+s6+$0x0], $0xffff  }
0x740: {  	[tilespmem:v34+s25+$0x0] =	vst.idx.add.f32.msk $0xffff, v10;
	v10 =	vadd.s32 $0x4E20, v4  }
0x741: {  	[tilespmem:v50+s25+$0x0] =	vst.idx.add.f32.msk $0xffff, v12;
	v12 =	vadd.s32 $0x4E20, v3  }
0x742: {  	v11 =	vadd.s32 $0x7530, v11;
	v13 =	vld.idx.msk [tilespmem:v13+s6+$0x0], $0xffff;
	v15 =	vmul.f32 v15, v23  }
0x743: {  	v57 =	vadd.s32 $0x4E20, v30;
	v16 =	vld.idx.msk [tilespmem:v53+s6+$0x0], $0xffff  }
0x744: {  	v54 =	vadd.s32 $0x4E20, v26;
	[tilespmem:v55+s25+$0x0] =	vst.idx.add.f32.msk $0xffff, v15  }
0x745: {  	v6 =	vadd.s32 $0x7530, v6;
	v10 =	vld.idx.msk [tilespmem:v10+s6+$0x0], $0xffff  }
0x746: {  	v56 =	vadd.s32 $0x4E20, v29;
	v15 =	vmul.f32 v18, v9;
	v12 =	vld.idx.msk [tilespmem:v12+s6+$0x0], $0xffff  }
0x747: {  	v8 =	vadd.s32 $0x7530, v8;
	v11 =	vld.idx.msk [tilespmem:v11+s6+$0x0], $0xffff;
	v13 =	vmul.f32 v13, v22  }
0x748: {  	v58 =	vadd.s32 $0x4E20, v31;
	[tilespmem:v57+s25+$0x0] =	vst.idx.add.f32.msk $0xffff, v15  }
0x749: {  	v59 =	vadd.s32 $0x4E20, v40;
	[tilespmem:v54+s25+$0x0] =	vst.idx.add.f32.msk $0xffff, v13;
	v13 =	vmul.f32 v17, v25  }
0x74a: {  	v60 =	vadd.s32 $0x4E20, v41;
	v6 =	vld.idx.msk [tilespmem:v6+s6+$0x0], $0xffff  }
0x74b: {  	v14 =	vadd.s32 $0x7530, v14;
	[tilespmem:v56+s25+$0x0] =	vst.idx.add.f32.msk $0xffff, v13;
	v10 =	vmul.f32 v10, v5  }
0x74c: {  	v4 =	vadd.s32 $0x7530, v4;
	v12 =	vmul.f32 v12, v7;
	v13 =	vld.idx.msk [tilespmem:v8+s6+$0x0], $0xffff  }
0x74d: {  	v3 =	vadd.s32 $0x7530, v3;
	[tilespmem:v58+s25+$0x0] =	vst.idx.add.f32.msk $0xffff, v10;
	v10 =	vmul.f32 v16, v1  }
0x74e: {  	v2 =	vadd.s32 $0x7530, v2;
	[tilespmem:v59+s25+$0x0] =	vst.idx.add.f32.msk $0xffff, v12  }
0x74f: {  	v62 =	vadd.s32 $0x7530, v30;
	[tilespmem:v60+s25+$0x0] =	vst.idx.add.f32.msk $0xffff, v10  }
0x750: {  	v15 =	vadd.s32 $0x7530, v29;
	v10 =	vld.idx.msk [tilespmem:v14+s6+$0x0], $0xffff  }
0x751: {  	v61 =	vld.idx.msk [tilespmem:v4+s6+$0x0], $0xffff;
	v14 =	vadd.s32 $0x7530, v28  }
0x752: {  	v12 =	vadd.s32 $0x7530, v26;
	v6 =	vmul.f32 v6, v9;
	v63 =	vld.idx.msk [tilespmem:v3+s6+$0x0], $0xffff  }
0x753: {  	v8 =	vld.idx.msk [tilespmem:v2+s6+$0x0], $0xffff;
	v4 =	vmul.f32 v13, v25  }
0x754: {  	[tilespmem:v62+s25+$0x0] =	vst.idx.add.f32.msk $0xffff, v6;
	v2 =	vmul.f32 v11, v23  }
0x755: {  	[tilespmem:v15+s25+$0x0] =	vst.idx.add.f32.msk $0xffff, v4;
	v3 =	vmul.f32 v10, v22  }
0x756: {  	v4 =	vadd.s32 $0x7530, v41;
	v13 =	vmul.f32 v61, v5;
	[tilespmem:v14+s25+$0x0] =	vst.idx.add.f32.msk $0xffff, v2  }
0x757: {  	s13 =	simm.s32 $0x0;
	s16 =	simm.s32 $0x16860;
	v6 =	vmul.f32 v63, v7;
	v2 =	vadd.s32 $0x7530, v31;
	[tilespmem:v12+s25+$0x0] =	vst.idx.add.f32.msk $0xffff, v3;
	v3 =	vadd.s32 $0x7530, v40  }
.LBB2_59:
0x758: {  	v28 =	vld [tilespmem:s16+$0x70];
	s13 =	sadd.s32 $0x8, s13;
	v5 =	vmul.f32 v8, v1  }
0x759: {  	v1 =	vld [tilespmem:s16+$0x10];
	p0 =	slt.u32 s13, $0xF0  }
0x75a: {  	v14 =	vld [tilespmem:s16+$0x20]  }
0x75b: {  	v15 =	vld [tilespmem:s16+$0x30]  }
0x75c: {  	v17 =	vld [tilespmem:s16+$0x40]  }
0x75d: {  	v18 =	vld [tilespmem:s16+$0x50]  }
0x75e: {  	v27 =	vadd.s32 $0x2710, v1;
	v16 =	vadd.s32 $0x4E20, v1;
	v7 =	vadd.s32 $0x7530, v1;
	v19 =	vld [tilespmem:s16+$0x60]  }
0x75f: {  	v31 =	vadd.s32 $0x2710, v14;
	v21 =	vadd.s32 $0x4E20, v14;
	v8 =	vadd.s32 $0x7530, v14;
	v36 =	vld [tilespmem:s16+$0x1010]  }
0x760: {  	v33 =	vadd.s32 $0x2710, v15;
	v23 =	vadd.s32 $0x4E20, v15;
	v9 =	vadd.s32 $0x7530, v15;
	v20 =	vld.idx.msk [tilespmem:v28+s6+$0x0], $0xffff  }
0x761: {  	v35 =	vadd.s32 $0x2710, v17;
	v24 =	vadd.s32 $0x4E20, v17;
	v10 =	vadd.s32 $0x7530, v17;
	v37 =	vld [tilespmem:s16+$0x1FB0]  }
0x762: {  	v22 =	vld [tilespmem:s16+$0x0];
	v38 =	vadd.s32 $0x2710, v18;
	v25 =	vadd.s32 $0x4E20, v18;
	v11 =	vadd.s32 $0x7530, v18  }
0x763: {  	v1 =	vld.idx.msk [tilespmem:v1+s6+$0x0], $0xffff;
	v39 =	vadd.s32 $0x2710, v19;
	v26 =	vadd.s32 $0x4E20, v19;
	v12 =	vadd.s32 $0x7530, v19  }
0x764: {  	v30 =	vld.idx.msk [tilespmem:v14+s6+$0x0], $0xffff;
	v14 =	vadd.s32 $0x2710, v28  }
0x765: {  	v32 =	vld.idx.msk [tilespmem:v15+s6+$0x0], $0xffff  }
0x766: {  	v34 =	vld.idx.msk [tilespmem:v17+s6+$0x0], $0xffff;
	v15 =	vmul.f32 v20, v37  }
0x767: {  	v40 =	vadd.s32 $0x2710, v22;
	v29 =	vadd.s32 $0x4E20, v22;
	v20 =	vadd.s32 $0x7530, v22;
	v41 =	vld.idx.msk [tilespmem:v18+s6+$0x0], $0xffff  }
0x768: {  	[tilespmem:v36+s25+$0x0] =	vst.idx.add.f32.msk $0xffff, v15  }
0x769: {  	v15 =	vld.idx.msk [tilespmem:v14+s6+$0x0], $0xffff  }
0x76a: {  	v22 =	vld.idx.msk [tilespmem:v22+s6+$0x0], $0xffff  }
0x76b: {  	v42 =	vld.idx.msk [tilespmem:v19+s6+$0x0], $0xffff  }
0x76c: {  	v43 =	vadd.s32 $0x2710, v36;
	v18 =	vld [tilespmem:s16+$0x1F40]  }
0x76d: {  	v44 =	vadd.s32 $0x4E20, v28;
	v19 =	vld [tilespmem:s16+$0x1F50]  }
0x76e: {  	v17 =	vld [tilespmem:s16+$0x1F60]  }
0x76f: {  	v45 =	vmul.f32 v15, v37;
	v14 =	vld [tilespmem:s16+$0x1F70]  }
0x770: {  	v15 =	vld [tilespmem:s16+$0x1F80]  }
0x771: {  	v46 =	vmul.f32 v22, v18;
	[tilespmem:v43+s25+$0x0] =	vst.idx.add.f32.msk $0xffff, v45  }
0x772: {  	v43 =	vmul.f32 v1, v19;
	v44 =	vld.idx.msk [tilespmem:v44+s6+$0x0], $0xffff  }
0x773: {  	v45 =	vmul.f32 v30, v17;
	v22 =	vld [tilespmem:s16+$0x1F90]  }
0x774: {  	v47 =	vmul.f32 v32, v14;
	v1 =	vld [tilespmem:s16+$0x1FA0]  }
0x775: {  	v30 =	vadd.s32 $0x4E20, v36;
	v48 =	vld [tilespmem:s16+$0xFA0];
	v49 =	vmul.f32 v34, v15  }
0x776: {  	v32 =	vadd.s32 $0x7530, v28;
	v50 =	vld [tilespmem:s16+$0xFB0]  }
0x777: {  	v51 =	vld [tilespmem:s16+$0xFC0]  }
0x778: {  	v34 =	vmul.f32 v44, v37;
	v52 =	vld [tilespmem:s16+$0xFD0];
	v41 =	vmul.f32 v41, v22  }
0x779: {  	v44 =	vld [tilespmem:s16+$0xFE0];
	v42 =	vmul.f32 v42, v1  }
0x77a: {  	v53 =	vadd.s32 $0x2710, v48;
	v54 =	vadd.s32 $0x4E20, v48;
	v28 =	vadd.s32 $0x7530, v48;
	[tilespmem:v30+s25+$0x0] =	vst.idx.add.f32.msk $0xffff, v34  }
0x77b: {  	v55 =	vadd.s32 $0x2710, v50;
	v56 =	vadd.s32 $0x4E20, v50;
	v30 =	vadd.s32 $0x7530, v50;
	v57 =	vld.idx.msk [tilespmem:v32+s6+$0x0], $0xffff  }
0x77c: {  	v58 =	vadd.s32 $0x2710, v51;
	v59 =	vadd.s32 $0x4E20, v51;
	v32 =	vadd.s32 $0x7530, v51;
	v60 =	vld [tilespmem:s16+$0xFF0]  }
0x77d: {  	v61 =	vadd.s32 $0x2710, v52;
	v62 =	vadd.s32 $0x4E20, v52;
	v34 =	vadd.s32 $0x7530, v52;
	v63 =	vld [tilespmem:s16+$0x1000]  }
0x77e: {  	v36 =	vadd.s32 $0x7530, v36;
	[tilespmem:v48+s25+$0x0] =	vst.idx.add.f32.msk $0xffff, v46;
	v46 =	vadd.s32 $0x2710, v44;
	v48 =	vadd.s32 $0x4E20, v44  }
0x77f: {  	[tilespmem:v50+s25+$0x0] =	vst.idx.add.f32.msk $0xffff, v43;
	v43 =	vadd.s32 $0x7530, v44  }
0x780: {  	[tilespmem:v51+s25+$0x0] =	vst.idx.add.f32.msk $0xffff, v45  }
0x781: {  	v37 =	vmul.f32 v57, v37;
	[tilespmem:v52+s25+$0x0] =	vst.idx.add.f32.msk $0xffff, v47;
	v45 =	vadd.s32 $0x2710, v60;
	v47 =	vadd.s32 $0x4E20, v60  }
0x782: {  	[tilespmem:v44+s25+$0x0] =	vst.idx.add.f32.msk $0xffff, v49;
	v44 =	vadd.s32 $0x7530, v60;
	v49 =	vadd.s32 $0x2710, v63;
	v50 =	vadd.s32 $0x4E20, v63  }
0x783: {  	v51 =	vadd.s32 $0x7530, v63;
	[tilespmem:v36+s25+$0x0] =	vst.idx.add.f32.msk $0xffff, v37  }
0x784: {  	[tilespmem:v60+s25+$0x0] =	vst.idx.add.f32.msk $0xffff, v41  }
0x785: {  	[tilespmem:v63+s25+$0x0] =	vst.idx.add.f32.msk $0xffff, v42  }
0x786: {  	v36 =	vld.idx.msk [tilespmem:v40+s6+$0x0], $0xffff  }
0x787: {  	v27 =	vld.idx.msk [tilespmem:v27+s6+$0x0], $0xffff  }
0x788: {  	v31 =	vld.idx.msk [tilespmem:v31+s6+$0x0], $0xffff  }
0x789: {  	v33 =	vld.idx.msk [tilespmem:v33+s6+$0x0], $0xffff  }
0x78a: {  	v35 =	vld.idx.msk [tilespmem:v35+s6+$0x0], $0xffff  }
0x78b: {  	v37 =	vld.idx.msk [tilespmem:v38+s6+$0x0], $0xffff  }
0x78c: {  	v36 =	vmul.f32 v36, v18;
	v38 =	vld.idx.msk [tilespmem:v39+s6+$0x0], $0xffff  }
0x78d: {  	v27 =	vmul.f32 v27, v19;
	[tilespmem:v2+s25+$0x0] =	vst.idx.add.f32.msk $0xffff, v13;
	v2 =	vmov v43  }
0x78e: {  	v13 =	vmul.f32 v31, v17;
	[tilespmem:v53+s25+$0x0] =	vst.idx.add.f32.msk $0xffff, v36  }
0x78f: {  	[tilespmem:v55+s25+$0x0] =	vst.idx.add.f32.msk $0xffff, v27;
	v27 =	vmul.f32 v33, v14  }
0x790: {  	[tilespmem:v58+s25+$0x0] =	vst.idx.add.f32.msk $0xffff, v13;
	v13 =	vmul.f32 v35, v15  }
0x791: {  	[tilespmem:v61+s25+$0x0] =	vst.idx.add.f32.msk $0xffff, v27;
	v27 =	vmul.f32 v37, v22  }
0x792: {  	[tilespmem:v46+s25+$0x0] =	vst.idx.add.f32.msk $0xffff, v13;
	v13 =	vmul.f32 v38, v1  }
0x793: {  	[tilespmem:v45+s25+$0x0] =	vst.idx.add.f32.msk $0xffff, v27  }
0x794: {  	[tilespmem:v49+s25+$0x0] =	vst.idx.add.f32.msk $0xffff, v13  }
0x795: {  	v13 =	vld.idx.msk [tilespmem:v29+s6+$0x0], $0xffff  }
0x796: {  	v16 =	vld.idx.msk [tilespmem:v16+s6+$0x0], $0xffff  }
0x797: {  	v21 =	vld.idx.msk [tilespmem:v21+s6+$0x0], $0xffff  }
0x798: {  	v23 =	vld.idx.msk [tilespmem:v23+s6+$0x0], $0xffff  }
0x799: {  	v24 =	vld.idx.msk [tilespmem:v24+s6+$0x0], $0xffff  }
0x79a: {  	v25 =	vld.idx.msk [tilespmem:v25+s6+$0x0], $0xffff  }
0x79b: {  	v13 =	vmul.f32 v13, v18;
	v26 =	vld.idx.msk [tilespmem:v26+s6+$0x0], $0xffff  }
0x79c: {  	v16 =	vmul.f32 v16, v19;
	[tilespmem:v3+s25+$0x0] =	vst.idx.add.f32.msk $0xffff, v6;
	v3 =	vmov v44  }
0x79d: {  	v6 =	vmul.f32 v21, v17;
	[tilespmem:v54+s25+$0x0] =	vst.idx.add.f32.msk $0xffff, v13  }
0x79e: {  	v13 =	vmul.f32 v23, v14;
	[tilespmem:v56+s25+$0x0] =	vst.idx.add.f32.msk $0xffff, v16  }
0x79f: {  	[tilespmem:v59+s25+$0x0] =	vst.idx.add.f32.msk $0xffff, v6;
	v6 =	vmul.f32 v24, v15  }
0x7a0: {  	[tilespmem:v62+s25+$0x0] =	vst.idx.add.f32.msk $0xffff, v13;
	v13 =	vmul.f32 v25, v22  }
0x7a1: {  	[tilespmem:v48+s25+$0x0] =	vst.idx.add.f32.msk $0xffff, v6;
	v6 =	vmul.f32 v26, v1  }
0x7a2: {  	[tilespmem:v47+s25+$0x0] =	vst.idx.add.f32.msk $0xffff, v13  }
0x7a3: {  	[tilespmem:v50+s25+$0x0] =	vst.idx.add.f32.msk $0xffff, v6  }
0x7a4: {  	v6 =	vld.idx.msk [tilespmem:v20+s6+$0x0], $0xffff  }
0x7a5: {  	v7 =	vld.idx.msk [tilespmem:v7+s6+$0x0], $0xffff  }
0x7a6: {  	v13 =	vld.idx.msk [tilespmem:v8+s6+$0x0], $0xffff  }
0x7a7: {  	v9 =	vld.idx.msk [tilespmem:v9+s6+$0x0], $0xffff  }
0x7a8: {  	v10 =	vld.idx.msk [tilespmem:v10+s6+$0x0], $0xffff  }
0x7a9: {  	v11 =	vld.idx.msk [tilespmem:v11+s6+$0x0], $0xffff  }
0x7aa: {  	v6 =	vmul.f32 v6, v18;
	v8 =	vld.idx.msk [tilespmem:v12+s6+$0x0], $0xffff  }
.Ltmp30:
0x7ab: {  	v7 =	vmul.f32 v7, v19;
	[tilespmem:v4+s25+$0x0] =	vst.idx.add.f32.msk $0xffff, v5;
	v4 =	vmov v51;
	(pc) =	sbr.rel @p0 .LBB2_59-.Ltmp30, $4  }
0x7ac: {  	v5 =	vmul.f32 v13, v17;
	[tilespmem:v28+s25+$0x0] =	vst.idx.add.f32.msk $0xffff, v6  }
0x7ad: {  	v6 =	vmul.f32 v9, v14;
	[tilespmem:v30+s25+$0x0] =	vst.idx.add.f32.msk $0xffff, v7  }
0x7ae: {  	v13 =	vmul.f32 v10, v15;
	[tilespmem:v32+s25+$0x0] =	vst.idx.add.f32.msk $0xffff, v5  }
0x7af: {  	s16 =	sadd.s32 $0x80, s16;
	[tilespmem:v34+s25+$0x0] =	vst.idx.add.f32.msk $0xffff, v6;
	v6 =	vmul.f32 v11, v22  }
0x7b0: {  	_ =	sdelay $0x3  }
0x7b1: {  	v1 =	vmul.f32 v8, v1;
	[tilespmem:v2+s25+$0x0] =	vst.idx.add.f32.msk $0xffff, v13  }
0x7b2: {  	[tilespmem:v3+s25+$0x0] =	vst.idx.add.f32.msk $0xffff, v6  }
0x7b3: {  	[tilespmem:v4+s25+$0x0] =	vst.idx.add.f32.msk $0xffff, v1  }
.LBB2_61:
0x7b4: {  	s13 =	sshra.s32 s6, $0x2  }
0x7b5: {  	v1 =	vld [tilespmem:s13+$0x17760];
	_ =	sdelay $0x5  }
0x7b6: {  	v2 =	vld [tilespmem:s13+$0x18700]  }
0x7b7: {  	v3 =	vld [tilespmem:s13+$0x196A0]  }
0x7b8: {  	v4 =	vld.idx.msk [tilespmem:v1+s3+$0x0], $0xffff;
	_ =	sdelay $0x2  }
0x7b9: {  	v5 =	vadd.s32 $0x2710, v1;
	_ =	sdelay $0x1  }
0x7ba: {  	v4 =	vmul.f32 v4, v3;
	_ =	sdelay $0x1  }
0x7bb: {  	[tilespmem:v2+s25+$0x0] =	vst.idx.add.f32.msk $0xffff, v4  }
0x7bc: {  	v4 =	vld.idx.msk [tilespmem:v5+s3+$0x0], $0xffff;
	_ =	sdelay $0x1  }
0x7bd: {  	v62 =	vadd.s32 $0x2710, v2  }
0x7be: {  	v6 =	vadd.s32 $0x4E20, v1;
	_ =	sdelay $0x1  }
0x7bf: {  	v4 =	vmul.f32 v4, v3;
	_ =	sdelay $0x1  }
0x7c0: {  	[tilespmem:v62+s25+$0x0] =	vst.idx.add.f32.msk $0xffff, v4  }
0x7c1: {  	v4 =	vld.idx.msk [tilespmem:v6+s3+$0x0], $0xffff;
	_ =	sdelay $0x1  }
0x7c2: {  	v63 =	vadd.s32 $0x4E20, v2  }
0x7c3: {  	v1 =	vadd.s32 $0x7530, v1;
	_ =	sdelay $0x1  }
0x7c4: {  	v4 =	vmul.f32 v4, v3;
	_ =	sdelay $0x1  }
0x7c5: {  	[tilespmem:v63+s25+$0x0] =	vst.idx.add.f32.msk $0xffff, v4  }
0x7c6: {  	v1 =	vld.idx.msk [tilespmem:v1+s3+$0x0], $0xffff;
	_ =	sdelay $0x1  }
0x7c7: {  	p0 =	sne.s32 s6, $0x40;
	v2 =	vadd.s32 $0x7530, v2  }
.Ltmp31:
0x7c8: {  	_ = 	snop;
	(pc) =	sbr.rel @p0 .LBB2_61-.Ltmp31, $3  }
0x7c9: {  	_ = 	snop  }
0x7ca: {  	v1 =	vmul.f32 v1, v3;
	_ =	sdelay $0x1  }
0x7cb: {  	s6 =	sadd.s32 $0x40, s6;
	[tilespmem:v2+s25+$0x0] =	vst.idx.add.f32.msk $0xffff, v1  }
0x7cc: {  	s31 =	sadd.s32 $0x1, s31  }
0x7cd: {  	p0 =	sne.s32 s31, $0xA  }
.Ltmp32:
0x7ce: {  	_ = 	snop;
	(pc) =	sbr.rel @p0 .LBB2_54-.Ltmp32, $1  }
0x7cf: {  	_ =	sdelay $0x3  }
0x7d0: {  	s6 =	simm.s32 $0x0  }
0x7d1: {  	[hbm4b:s8+s6] =	stream.linear.scatter [tilespmem:s25], [sflag:$0x3], $0x9C40, $0x38;
	[tilespmem:$0x1BE10] =	vst v63  }
0x7d2: {  	_ =	swait.ge [sflag:s22], $0x9C40  }
0x7d3: {  	[sflag:s22] =	ssyncset.done $0x0  }
0x7d4: {  	[sflag:s22] =	ssyncadd.s32 $0xFFFF63C0  }
0x7d5: {  	[bflag:$0x0] =	sbarrier.arrive $0xFFFF  }
0x7d6: {  	[tilespmem:s6], [sflag:$0x3] =	stream.linear.gather [hbm4b:s9+s6], $0x2710, $0x38;
	[tilespmem:$0x1BE10] =	vst v63  }
0x7d7: {  	_ =	swait.ge [sflag:s22], $0x2710  }
0x7d8: {  	[sflag:s22] =	ssyncset.done $0x0  }
0x7d9: {  	[sflag:s22] =	ssyncadd.s32 $0xFFFFD8F0  }
0x7da: {  	[tilespmem:s28], [sflag:$0x3] =	stream.linear.gather [hbm4b:s10+s6], $0x2710, $0x38;
	[tilespmem:$0x1BE10] =	vst v63  }
0x7db: {  	_ =	swait.ge [sflag:s22], $0x2710  }
0x7dc: {  	[sflag:s22] =	ssyncset.done $0x0  }
0x7dd: {  	[sflag:s22] =	ssyncadd.s32 $0xFFFFD8F0  }
0x7de: {  	[tilespmem:s29], [sflag:$0x3] =	stream.linear.gather [hbm4b:s11+s6], $0x2710, $0x38;
	[tilespmem:$0x1BE10] =	vst v63  }
0x7df: {  	_ =	swait.ge [sflag:s22], $0x2710  }
0x7e0: {  	[sflag:s22] =	ssyncset.done $0x0  }
0x7e1: {  	[sflag:s22] =	ssyncadd.s32 $0xFFFFD8F0  }
0x7e2: {  	[tilespmem:s30], [sflag:$0x3] =	stream.linear.gather [hbm4b:s12+s6], $0x2710, $0x38;
	[tilespmem:$0x1BE10] =	vst v63  }
0x7e3: {  	_ =	swait.ge [sflag:s22], $0x2710  }
0x7e4: {  	[sflag:s22] =	ssyncset.done $0x0  }
0x7e5: {  	s6 =	simm.s32 $0x0;
	[sflag:s22] =	ssyncadd.s32 $0xFFFFD8F0  }
0x7e6: {  	v2 =	vld [tilespmem:s6+$0x0]  }
0x7e7: {  	v4 =	vld [tilespmem:s6+$0x2710]  }
0x7e8: {  	v5 =	vld [tilespmem:s6+$0x4E20]  }
0x7e9: {  	v6 =	vld [tilespmem:s6+$0x7530];
	_ =	sdelay $0x1  }
0x7ea: {  	s13 =	simm.s32 $0x10  }
0x7eb: {  	v1 =	vld [tilespmem:s13+$0x0]  }
0x7ec: {  	v3 =	vld [tilespmem:s13+$0x2710]  }
0x7ed: {  	v7 =	vadd.f32 v4, v2;
	v5 =	vadd.f32 v6, v5;
	v2 =	vld [tilespmem:s13+$0x4E20]  }
0x7ee: {  	v4 =	vld [tilespmem:s13+$0x7530]  }
0x7ef: {  	s16 =	simm.s32 $0x80;
	v5 =	vadd.f32 v5, v7  }
.LBB2_64:
0x7f0: {  	s17 =	sshra.s32 s16, $0x2;
	v6 =	vmov v1;
	p0 =	sne.s32 s16, $0x9C00  }
.Ltmp33:
0x7f1: {  	v1 =	vld [tilespmem:s17+$0x0];
	[tilespmem:s6+$0x9C80] =	vst v5;
	v5 =	vmov v3;
	s6 =	smov.u32 s13;
	s13 =	smov.u32 s17;
	(pc) =	sbr.rel @p0 .LBB2_64-.Ltmp33, $4  }
0x7f2: {  	v3 =	vld [tilespmem:s13+$0x2710]  }
0x7f3: {  	s16 =	sadd.s32 $0x40, s16;
	v5 =	vadd.f32 v5, v6;
	v6 =	vadd.f32 v4, v2;
	v2 =	vld [tilespmem:s13+$0x4E20]  }
0x7f4: {  	v4 =	vld [tilespmem:s13+$0x7530]  }
0x7f5: {  	v5 =	vadd.f32 v6, v5  }
0x7f6: {  	_ =	sdelay $0x2  }
0x7f7: {  	v1 =	vadd.f32 v3, v1;
	v2 =	vadd.f32 v4, v2;
	_ =	sdelay $0x1  }
0x7f8: {  	s2 =	sadd.s32 $0x1, s2;
	v1 =	vadd.f32 v2, v1  }
0x7f9: {  	[tilespmem:s6+$0x9C80] =	vst v5;
	p0 =	sne.s32 s2, s20  }
.Ltmp34:
0x7fa: {  	[tilespmem:s13+$0x9C80] =	vst v1;
	(pc) =	sbr.rel @p0 .LBB2_1-.Ltmp34, $4  }
0x7fb: {  	[hbm4b:s19+s3] =	stream.linear.scatter [tilespmem:s25], [sflag:$0x3], $0x2710, $0x38;
	[tilespmem:$0x1BE10] =	vst v63  }
0x7fc: {  	_ =	swait.ge [sflag:s22], $0x2710  }
0x7fd: {  	[sflag:s22] =	ssyncset.done $0x0  }
0x7fe: {  	[sflag:s22] =	ssyncadd.s32 $0xFFFFD8F0  }
0x7ff: {  	_ =	sfence.sel $0x180000  }
0x800: {  	[bflag:$0x0] =	sbarrier.arrive $0xFFFF  }
0x801: {  	_ =	strace $0x90000047  }
0x802: {  	s0 =	stileid.u32;
	[bflag:$0x2] =	sbarrier.arrive $0xFFFF  }
0x803: {  	p0 =	sne.s32 s0, $0x0;
	s0 =	rddreg [dreg:$0x4]  }
0x804: {  	s0 =	sadd.s32 @!p0 $0x100000, s0  }
0x805: {  	[sflag:s0] =	ssyncadd.tile.s32 @!p0 $0x1;
	_ =	shalt  }
.Lfunc_end2:
_tile_overlayer_lowered:
.L_overlay_start_2:
0x806: {  	(tag) =	ssettag $0x2  }
0x807: {  	s0 =	rddreg [dreg:$0x0];
	s2 =	stileid.u32  }
0x808: {  	s1 =	rddreg [dreg:$0x1];
	p0 =	sne.s32 s2, $0x0  }
0x809: {  	s3 =	rddreg [dreg:$0x2];
	[bflag:$0x3] =	sbarrier.arrive $0xFFFF;
	s2 =	simm.s32 @!p0 $0x1C03  }
0x80a: {  	[timem:s3], [sflag:s2] =	dma.local @!p0 [hbm:s0], s1  }
0x80b: {  	s0 =	simm.s32 @!p0 $0x3  }
0x80c: {  	_ =	swait.ge @!p0 [sflag:s0], s1  }
0x80d: {  	s1 =	ssub.s32 @!p0 $0x0, s1;
	[sflag:s0] =	ssyncset.done @!p0 $0x0  }
0x80e: {  	[sflag:s0] =	ssyncadd.s32 @!p0 s1  }
0x80f: {  	[bflag:$0x3] =	sbarrier.arrive $0xFFFF  }
0x810: {  	_ =	shalt  }

</sc_bundles>
